<compile_context>
chip_gen: v7x
topology: tpu7x:2x2x1
jax: 0.10.2.dev20260603
libtpu: 0.0.44.dev20260713+nightly
codegen_flags: <defaults>
</compile_context>

<pallas_src>
import functools

import jax
import jax.numpy as jnp
from jax import lax
from jax.experimental import pallas as pl
from jax.experimental.pallas import tpu as pltpu
from jax.experimental.pallas import tpu_sc as plsc

N = 10000
E = 320000
D_IN = 128
H1 = 128
H2 = 64
NC_OUT = 10

NCORES = 2
NSUB = 16
NWORK = NCORES * NSUB
CHUNK = 128
NCHUNKS = E // CHUNK
CPW = NCHUNKS // NWORK
NEXTRA = NCHUNKS - CPW * NWORK
EPW = CPW * CHUNK
IB = CPW // 3
CPWP = 80
NPAD = 10240
ROWS_PT = NPAD // NSUB
RB_CHUNKS = ROWS_PT // CHUNK

_mesh = plsc.VectorSubcoreMesh(core_axis_name="c", subcore_axis_name="s")

@functools.partial(
    pl.kernel,
    out_type=[
        jax.ShapeDtypeStruct((NCORES, NPAD), jnp.float32),
        jax.ShapeDtypeStruct((NWORK, CPWP, CHUNK), jnp.int32),
    ],
    mesh=_mesh,
    scratch_types=[
        pltpu.VMEM_SHARED((NPAD,), jnp.float32),
        pltpu.VMEM((EPW + CHUNK,), jnp.int32),
        pltpu.VMEM((CPWP, CHUNK), jnp.int32),
        pltpu.VMEM((CHUNK,), jnp.float32),
        pltpu.VMEM((ROWS_PT,), jnp.float32),
    ],
)
def _deg_kernel(edge_hbm, deg_out, dl_out, acc, d1_v, dst_v, ones_v, buf_v):
    cc = lax.axis_index("c")
    ss = lax.axis_index("s")
    w = cc * NSUB + ss

    pltpu.sync_copy(edge_hbm.at[1, pl.ds(EPW * w, EPW)], d1_v.at[pl.ds(0, EPW)])

    @pl.when(w < NEXTRA)
    def _():
        pltpu.sync_copy(edge_hbm.at[1, pl.ds(NWORK * EPW + CHUNK * w, CHUNK)],
                        d1_v.at[pl.ds(EPW, CHUNK)])

    @pl.loop(0, CPW)
    def _(r):
        for i in range(CHUNK // 16):
            dst_v[r, pl.ds(16 * i, 16)] = d1_v[pl.ds(CHUNK * r + 16 * i, 16)]

    @pl.when(w < NEXTRA)
    def _():
        for i in range(CHUNK // 16):
            dst_v[CPW, pl.ds(16 * i, 16)] = d1_v[pl.ds(EPW + 16 * i, 16)]

    for i in range(ROWS_PT // 16):
        buf_v[pl.ds(i * 16, 16)] = jnp.zeros((16,), jnp.float32)
    for i in range(CHUNK // 16):
        ones_v[pl.ds(i * 16, 16)] = jnp.ones((16,), jnp.float32)
    pltpu.sync_copy(buf_v, acc.at[pl.ds(ROWS_PT * ss, ROWS_PT)])
    plsc.subcore_barrier()

    @pl.loop(0, CPW)
    def _(i):
        pltpu.sync_copy(ones_v, acc.at[dst_v.at[i]], add=True)

    @pl.when(w < NEXTRA)
    def _():
        pltpu.sync_copy(ones_v, acc.at[dst_v.at[CPW]], add=True)

    plsc.subcore_barrier()
    pltpu.sync_copy(acc.at[pl.ds(ROWS_PT * ss, ROWS_PT)], buf_v)
    pltpu.sync_copy(buf_v, deg_out.at[cc, pl.ds(ROWS_PT * ss, ROWS_PT)])
    pltpu.sync_copy(dst_v, dl_out.at[w])


def _make_agg_kernel(width):
    @functools.partial(
        pl.kernel,
        out_type=jax.ShapeDtypeStruct((NCORES, NPAD, width), jnp.float32),
        mesh=_mesh,
        scratch_types=[
            pltpu.VMEM_SHARED((NPAD, width), jnp.float32),
            pltpu.VMEM((IB * CHUNK,), jnp.int32),
            pltpu.VMEM((CPWP, CHUNK), jnp.int32),
            pltpu.VMEM((CHUNK, width), jnp.float32),
            pltpu.VMEM((CHUNK, width), jnp.float32),
            pltpu.SemaphoreType.DMA,
            pltpu.SemaphoreType.DMA,
        ],
    )
    def _agg(g_hbm, edge_hbm, dl_hbm, out, acc,
             src_v, dst_v, rows0, rows1, sem0, sem1):
        cc = lax.axis_index("c")
        ss = lax.axis_index("s")
        w = cc * NSUB + ss

        @pl.loop(0, CHUNK)
        def _(r):
            for i in range(width // 16):
                rows0[r, pl.ds(16 * i, 16)] = jnp.zeros((16,), jnp.float32)

        for k in range(RB_CHUNKS):
            pltpu.sync_copy(rows0, acc.at[pl.ds(ROWS_PT * ss + CHUNK * k, CHUNK)])
        pltpu.sync_copy(dl_hbm.at[w], dst_v)
        plsc.subcore_barrier()

        for blk in range(CPW // IB):
            pltpu.sync_copy(edge_hbm.at[0, pl.ds(EPW * w + IB * CHUNK * blk,
                                                 IB * CHUNK)], src_v)
            sref = lambda j: src_v.at[pl.ds(CHUNK * j, CHUNK)]
            pltpu.async_copy(g_hbm.at[sref(0)], rows0, sem0)
            pltpu.async_copy(g_hbm.at[sref(1)], rows1, sem1)

            @pl.loop(0, IB // 2)
            def _(gi):
                j0 = 2 * gi
                j1 = 2 * gi + 1
                pltpu.make_async_copy(g_hbm.at[sref(j0)], rows0, sem0).wait()
                pltpu.sync_copy(rows0, acc.at[dst_v.at[IB * blk + j0]], add=True)

                @pl.when(j0 + 2 < IB)
                def _():
                    pltpu.async_copy(g_hbm.at[sref(j0 + 2)], rows0, sem0)

                pltpu.make_async_copy(g_hbm.at[sref(j1)], rows1, sem1).wait()
                pltpu.sync_copy(rows1, acc.at[dst_v.at[IB * blk + j1]], add=True)

                @pl.when(j1 + 2 < IB)
                def _():
                    pltpu.async_copy(g_hbm.at[sref(j1 + 2)], rows1, sem1)

        @pl.when(w < NEXTRA)
        def _():
            pltpu.sync_copy(edge_hbm.at[0, pl.ds(NWORK * EPW + CHUNK * w, CHUNK)],
                            src_v.at[pl.ds(0, CHUNK)])
            pltpu.async_copy(g_hbm.at[src_v.at[pl.ds(0, CHUNK)]], rows0, sem0)
            pltpu.make_async_copy(g_hbm.at[src_v.at[pl.ds(0, CHUNK)]],
                                  rows0, sem0).wait()
            pltpu.sync_copy(rows0, acc.at[dst_v.at[CPW]], add=True)

        plsc.subcore_barrier()
        for k in range(RB_CHUNKS):
            base = ROWS_PT * ss + CHUNK * k
            pltpu.async_copy(acc.at[pl.ds(base, CHUNK)],
                             out.at[cc, pl.ds(base, CHUNK)], sem0)
        for k in range(RB_CHUNKS):
            base = ROWS_PT * ss + CHUNK * k
            pltpu.make_async_copy(acc.at[pl.ds(base, CHUNK)],
                                  out.at[cc, pl.ds(base, CHUNK)], sem0).wait()

    return _agg


_agg128 = _make_agg_kernel(H1)
H2P = 128


_BLK = 1000
_GRID = N // _BLK


def _tc0_body(x, w1, h1_out):
    h1_out[...] = jnp.dot(x[...], w1[...], preferred_element_type=jnp.float32)


def _tc1_body(p0, p1, h, g1_out, dinv_out):
    deg = p0[...] + p1[...] + 1.0
    dinv = lax.rsqrt(deg)
    g1_out[...] = h[...] * dinv
    dinv_out[...] = dinv


def _tc2_body(p, g1, dinv, b1, w2, g2_out):
    pv = p[...]
    s = (pv[0] + pv[1] + g1[...]) * dinv[...]
    h1 = jnp.maximum(s + b1[...], 0.0)
    h2 = jnp.dot(h1, w2[...], preferred_element_type=jnp.float32)
    g2_out[...] = h2 * dinv[...]


def _tc3_body(q, g2, dinv, b2, wc, bc, out):
    qv = q[...]
    s = (qv[0] + qv[1] + g2[...]) * dinv[...]
    h2 = jnp.maximum(s + b2[...], 0.0)
    out[...] = jnp.dot(h2, wc[...], preferred_element_type=jnp.float32) + bc[...]


def _row_spec(width):
    return pl.BlockSpec((_BLK, width), lambda i: (i, 0))


def _pair_spec(width):
    return pl.BlockSpec((NCORES, _BLK, width), lambda i: (0, i, 0))


def _full_spec(a, b):
    return pl.BlockSpec((a, b), lambda i: (0, 0))


_tc0 = pl.pallas_call(
    _tc0_body,
    grid=(_GRID,),
    in_specs=[_row_spec(D_IN), _full_spec(D_IN, H1)],
    out_specs=[_row_spec(H1)],
    out_shape=[jax.ShapeDtypeStruct((N, H1), jnp.float32)],
)

_tc1 = pl.pallas_call(
    _tc1_body,
    grid=(_GRID,),
    in_specs=[_row_spec(1), _row_spec(1), _row_spec(H1)],
    out_specs=[_row_spec(H1), _row_spec(1)],
    out_shape=[
        jax.ShapeDtypeStruct((N, H1), jnp.float32),
        jax.ShapeDtypeStruct((N, 1), jnp.float32),
    ],
)

_tc2 = pl.pallas_call(
    _tc2_body,
    grid=(_GRID,),
    in_specs=[_pair_spec(H1), _row_spec(H1), _row_spec(1),
              _full_spec(1, H1), _full_spec(H1, H2P)],
    out_specs=[_row_spec(H2P)],
    out_shape=[jax.ShapeDtypeStruct((N, H2P), jnp.float32)],
)

_tc3 = pl.pallas_call(
    _tc3_body,
    grid=(_GRID,),
    in_specs=[_pair_spec(H2P), _row_spec(H2P), _row_spec(1),
              _full_spec(1, H2P), _full_spec(H2P, NC_OUT), _full_spec(1, NC_OUT)],
    out_specs=[_row_spec(NC_OUT)],
    out_shape=[jax.ShapeDtypeStruct((N, NC_OUT), jnp.float32)],
)


def kernel(x, edge_index, W1, b1, W2, b2, Wc, bc):
    degp, dst_lin = _deg_kernel(edge_index)
    p0 = degp[0, :N].reshape(N, 1)
    p1 = degp[1, :N].reshape(N, 1)

    W2p = jnp.pad(W2, ((0, 0), (0, H2P - H2)))
    b2p = jnp.pad(b2, (0, H2P - H2)).reshape(1, H2P)
    Wcp = jnp.pad(Wc, ((0, H2P - H2), (0, 0)))

    (h1,) = _tc0(x, W1)
    g1, dinv = _tc1(p0, p1, h1)
    part1 = _agg128(g1, edge_index, dst_lin)
    (g2,) = _tc2(part1, g1, dinv, b1.reshape(1, H1), W2p)
    part2 = _agg128(g2, edge_index, dst_lin)
    (out,) = _tc3(part2, g2, dinv, b2p, Wcp, bc.reshape(1, NC_OUT))
    return out

# --- scband reference (transcript-rebuilt; emitter-appended) ---
"""Pipeline reference for scband-gcnnet-32908039422339 (READ-ONLY COPY).

The authoritative reference and input builder live on the scoring server;
editing this copy changes nothing except your own understanding.
"""

import jax, jax.numpy as jnp
import numpy as np

N = 10000
E = 320000
D_IN = 128
H1 = 128
H2 = 64
NC = 10


def setup_inputs(seed: int = 0):
    key = jax.random.key(seed)
    ks = jax.random.split(key, 9)
    x = jax.random.normal(ks[0], (N, D_IN), dtype=jnp.float32)
    edge_index = jax.random.randint(ks[1], (2, E), 0, N, dtype=jnp.int32)
    W1 = jax.random.normal(ks[2], (D_IN, H1), dtype=jnp.float32) * (1.0 / np.sqrt(D_IN))
    b1 = jnp.zeros((H1,), dtype=jnp.float32)
    W2 = jax.random.normal(ks[3], (H1, H2), dtype=jnp.float32) * (1.0 / np.sqrt(H1))
    b2 = jnp.zeros((H2,), dtype=jnp.float32)
    Wc = jax.random.normal(ks[4], (H2, NC), dtype=jnp.float32) * (1.0 / np.sqrt(H2))
    bc = jnp.zeros((NC,), dtype=jnp.float32)
    return {"x": x, "edge_index": edge_index, "W1": W1, "b1": b1, "W2": W2, "b2": b2, "Wc": Wc, "bc": bc}


def gcn_norm(edge_index, num_nodes):
    # add self loops, then symmetric normalization (PyG gcn_norm semantics)
    loop = jnp.arange(num_nodes, dtype=edge_index.dtype)
    src = jnp.concatenate([edge_index[0], loop])
    dst = jnp.concatenate([edge_index[1], loop])
    ew = jnp.ones(src.shape[0], dtype=jnp.float32)
    deg = jax.ops.segment_sum(ew, dst, num_segments=num_nodes)
    deg_inv_sqrt = jnp.where(deg > 0, 1.0 / jnp.sqrt(deg), 0.0)
    norm = deg_inv_sqrt[src] * ew * deg_inv_sqrt[dst]
    return src, dst, norm


def gcn_conv(x, src, dst, norm, W, b):
    h = x @ W
    msg = h[src] * norm[:, None]
    out = jax.ops.segment_sum(msg, dst, num_segments=x.shape[0])
    return out + b


def reference(x, edge_index, W1, b1, W2, b2, Wc, bc):
    src, dst, norm = gcn_norm(edge_index, x.shape[0])
    h = jax.nn.relu(gcn_conv(x, src, dst, norm, W1, b1))
    # dropout is identity in eval mode
    h = jax.nn.relu(gcn_conv(h, src, dst, norm, W2, b2))
    out = h @ Wc + bc
    return out

if __name__ == "__main__":
    import jax
    _d = setup_inputs()
    print(jax.jit(kernel)(*tuple(_d.values())))

</pallas_src>

<mosaic_0001>
#map = affine_map<(d0, d1) -> (0, 0)>
#map1 = affine_map<(d0, d1) -> (0, 0, 0)>
module attributes {stable_mosaic.version = 14 : i64} {
  func.func @_agg(%arg0: i32, %arg1: i32, %arg2: memref<10000x128xf32, #tpu.memory_space<hbm>>, %arg3: memref<2x320000xi32, #tpu.memory_space<hbm>>, %arg4: memref<32x80x128xi32, #tpu.memory_space<hbm>>, %arg5: memref<2x10240x128xf32, #tpu.memory_space<hbm>>, %arg6: memref<10240x128xf32, #tpu.memory_space<vmem_shared>>, %arg7: memref<3328xi32, #tpu.memory_space<vmem>>, %arg8: memref<80x128xi32, #tpu.memory_space<vmem>>, %arg9: memref<128x128xf32, #tpu.memory_space<vmem>>, %arg10: memref<128x128xf32, #tpu.memory_space<vmem>>, %arg11: memref<!tpu.dma_semaphore, #tpu.memory_space<semaphore_mem>>, %arg12: memref<!tpu.dma_semaphore, #tpu.memory_space<semaphore_mem>>) attributes {dimension_semantics = [#tpu.dimension_semantics<core_parallel>, #tpu.dimension_semantics<subcore_parallel>], iteration_bounds = array<i64: 2, 16>, scalar_prefetch = 0 : i64, scratch_operands = 7 : i64, tpu.core_type = #tpu.core_type<sc_vector_subcore>, window_params = [{transform_indices = #map}, {transform_indices = #map}, {transform_indices = #map1}, {transform_indices = #map1}]} {
    %mul3A = arith.constant 16 : i32
    %mul3A_0 = arith.muli %arg0, %mul3A : i32
    %add3A = arith.addi %mul3A_0, %arg1 : i32
    %scan3A = arith.constant 0 : i32
    %scan3A_1 = arith.constant 128 : i32
    %scan3A_2 = arith.addi %scan3A, %scan3A_1 : i32
    %scan3A_3 = arith.constant 1 : i32
    scf.for %scan3A_175 = %scan3A to %scan3A_2 step %scan3A_3  : i32 {
      %mul3A_176 = arith.constant 1 : i32
      %mul3A_177 = arith.muli %scan3A_175, %mul3A_176 : i32
      %add3A_178 = arith.constant 0 : i32
      %add3A_179 = arith.addi %add3A_178, %mul3A_177 : i32
      %broadcast_in_dim3A = arith.constant 0.000000e+00 : f32
      %broadcast_in_dim3A_180 = vector.broadcast %broadcast_in_dim3A : f32 to vector<16xf32>
      %swap3A = arith.index_cast %add3A_179 : i32 to index
      %swap3A_181 = arith.constant 0 : index
      %swap3A_182 = tpu.vector_load %arg9[%swap3A, %swap3A_181] {strides = array<i32>} : memref<128x128xf32, #tpu.memory_space<vmem>>, vector<1x16xf32>,
      %swap3A_183 = vector.shape_cast %swap3A_182 : vector<1x16xf32> to vector<16xf32>
      %swap3A_184 = vector.shape_cast %broadcast_in_dim3A_180 : vector<16xf32> to vector<1x16xf32>
      tpu.vector_store %arg9[%swap3A, %swap3A_181], %swap3A_184 {strides = array<i32>} : memref<128x128xf32, #tpu.memory_space<vmem>>, vector<1x16xf32>,
      %broadcast_in_dim3A_185 = arith.constant 0.000000e+00 : f32
      %broadcast_in_dim3A_186 = vector.broadcast %broadcast_in_dim3A_185 : f32 to vector<16xf32>
      %swap3A_187 = arith.index_cast %add3A_179 : i32 to index
      %swap3A_188 = arith.constant 16 : index
      %swap3A_189 = tpu.vector_load %arg9[%swap3A_187, %swap3A_188] {strides = array<i32>} : memref<128x128xf32, #tpu.memory_space<vmem>>, vector<1x16xf32>,
      %swap3A_190 = vector.shape_cast %swap3A_189 : vector<1x16xf32> to vector<16xf32>
      %swap3A_191 = vector.shape_cast %broadcast_in_dim3A_186 : vector<16xf32> to vector<1x16xf32>
      tpu.vector_store %arg9[%swap3A_187, %swap3A_188], %swap3A_191 {strides = array<i32>} : memref<128x128xf32, #tpu.memory_space<vmem>>, vector<1x16xf32>,
      %broadcast_in_dim3A_192 = arith.constant 0.000000e+00 : f32
      %broadcast_in_dim3A_193 = vector.broadcast %broadcast_in_dim3A_192 : f32 to vector<16xf32>
      %swap3A_194 = arith.index_cast %add3A_179 : i32 to index
      %swap3A_195 = arith.constant 32 : index
      %swap3A_196 = tpu.vector_load %arg9[%swap3A_194, %swap3A_195] {strides = array<i32>} : memref<128x128xf32, #tpu.memory_space<vmem>>, vector<1x16xf32>,
      %swap3A_197 = vector.shape_cast %swap3A_196 : vector<1x16xf32> to vector<16xf32>
      %swap3A_198 = vector.shape_cast %broadcast_in_dim3A_193 : vector<16xf32> to vector<1x16xf32>
      tpu.vector_store %arg9[%swap3A_194, %swap3A_195], %swap3A_198 {strides = array<i32>} : memref<128x128xf32, #tpu.memory_space<vmem>>, vector<1x16xf32>,
      %broadcast_in_dim3A_199 = arith.constant 0.000000e+00 : f32
      %broadcast_in_dim3A_200 = vector.broadcast %broadcast_in_dim3A_199 : f32 to vector<16xf32>
      %swap3A_201 = arith.index_cast %add3A_179 : i32 to index
      %swap3A_202 = arith.constant 48 : index
      %swap3A_203 = tpu.vector_load %arg9[%swap3A_201, %swap3A_202] {strides = array<i32>} : memref<128x128xf32, #tpu.memory_space<vmem>>, vector<1x16xf32>,
      %swap3A_204 = vector.shape_cast %swap3A_203 : vector<1x16xf32> to vector<16xf32>
      %swap3A_205 = vector.shape_cast %broadcast_in_dim3A_200 : vector<16xf32> to vector<1x16xf32>
      tpu.vector_store %arg9[%swap3A_201, %swap3A_202], %swap3A_205 {strides = array<i32>} : memref<128x128xf32, #tpu.memory_space<vmem>>, vector<1x16xf32>,
      %broadcast_in_dim3A_206 = arith.constant 0.000000e+00 : f32
      %broadcast_in_dim3A_207 = vector.broadcast %broadcast_in_dim3A_206 : f32 to vector<16xf32>
      %swap3A_208 = arith.index_cast %add3A_179 : i32 to index
      %swap3A_209 = arith.constant 64 : index
      %swap3A_210 = tpu.vector_load %arg9[%swap3A_208, %swap3A_209] {strides = array<i32>} : memref<128x128xf32, #tpu.memory_space<vmem>>, vector<1x16xf32>,
      %swap3A_211 = vector.shape_cast %swap3A_210 : vector<1x16xf32> to vector<16xf32>
      %swap3A_212 = vector.shape_cast %broadcast_in_dim3A_207 : vector<16xf32> to vector<1x16xf32>
      tpu.vector_store %arg9[%swap3A_208, %swap3A_209], %swap3A_212 {strides = array<i32>} : memref<128x128xf32, #tpu.memory_space<vmem>>, vector<1x16xf32>,
      %broadcast_in_dim3A_213 = arith.constant 0.000000e+00 : f32
      %broadcast_in_dim3A_214 = vector.broadcast %broadcast_in_dim3A_213 : f32 to vector<16xf32>
      %swap3A_215 = arith.index_cast %add3A_179 : i32 to index
      %swap3A_216 = arith.constant 80 : index
      %swap3A_217 = tpu.vector_load %arg9[%swap3A_215, %swap3A_216] {strides = array<i32>} : memref<128x128xf32, #tpu.memory_space<vmem>>, vector<1x16xf32>,
      %swap3A_218 = vector.shape_cast %swap3A_217 : vector<1x16xf32> to vector<16xf32>
      %swap3A_219 = vector.shape_cast %broadcast_in_dim3A_214 : vector<16xf32> to vector<1x16xf32>
      tpu.vector_store %arg9[%swap3A_215, %swap3A_216], %swap3A_219 {strides = array<i32>} : memref<128x128xf32, #tpu.memory_space<vmem>>, vector<1x16xf32>,
      %broadcast_in_dim3A_220 = arith.constant 0.000000e+00 : f32
      %broadcast_in_dim3A_221 = vector.broadcast %broadcast_in_dim3A_220 : f32 to vector<16xf32>
      %swap3A_222 = arith.index_cast %add3A_179 : i32 to index
      %swap3A_223 = arith.constant 96 : index
      %swap3A_224 = tpu.vector_load %arg9[%swap3A_222, %swap3A_223] {strides = array<i32>} : memref<128x128xf32, #tpu.memory_space<vmem>>, vector<1x16xf32>,
      %swap3A_225 = vector.shape_cast %swap3A_224 : vector<1x16xf32> to vector<16xf32>
      %swap3A_226 = vector.shape_cast %broadcast_in_dim3A_221 : vector<16xf32> to vector<1x16xf32>
      tpu.vector_store %arg9[%swap3A_222, %swap3A_223], %swap3A_226 {strides = array<i32>} : memref<128x128xf32, #tpu.memory_space<vmem>>, vector<1x16xf32>,
      %broadcast_in_dim3A_227 = arith.constant 0.000000e+00 : f32
      %broadcast_in_dim3A_228 = vector.broadcast %broadcast_in_dim3A_227 : f32 to vector<16xf32>
      %swap3A_229 = arith.index_cast %add3A_179 : i32 to index
      %swap3A_230 = arith.constant 112 : index
      %swap3A_231 = tpu.vector_load %arg9[%swap3A_229, %swap3A_230] {strides = array<i32>} : memref<128x128xf32, #tpu.memory_space<vmem>>, vector<1x16xf32>,
      %swap3A_232 = vector.shape_cast %swap3A_231 : vector<1x16xf32> to vector<16xf32>
      %swap3A_233 = vector.shape_cast %broadcast_in_dim3A_228 : vector<16xf32> to vector<1x16xf32>
      tpu.vector_store %arg9[%swap3A_229, %swap3A_230], %swap3A_233 {strides = array<i32>} : memref<128x128xf32, #tpu.memory_space<vmem>>, vector<1x16xf32>,
    }
    %scan3A_4 = arith.constant 128 : i32
    %mul3A_5 = arith.constant 640 : i32
    %mul3A_6 = arith.muli %mul3A_5, %arg1 : i32
    %add3A_7 = arith.constant 0 : i32
    %add3A_8 = arith.addi %mul3A_6, %add3A_7 : i32
    "tpu.region"() ({
      %run_scoped3A_175 = tpu.sem_alloc : memref<!tpu.dma_semaphore, #tpu.memory_space<semaphore_mem>>
      %dma_start3A_176 = arith.constant 0 : i32
      %dma_start3A_177 = tpu.memref_slice %arg6[%add3A_8, %dma_start3A_176] : memref<10240x128xf32, #tpu.memory_space<vmem_shared>> -> memref<128x128xf32, #tpu.memory_space<vmem_shared>>
      %dma_start3A_178 = arith.constant 0 : i32
      %dma_start3A_179 = tpu.memref_slice %arg6[%add3A_8, %dma_start3A_178] : memref<10240x128xf32, #tpu.memory_space<vmem_shared>> -> memref<128x128xf32, #tpu.memory_space<vmem_shared>>
      tpu.enqueue_dma source(%arg9 : memref<128x128xf32, #tpu.memory_space<vmem>>) target(%dma_start3A_179 : memref<128x128xf32, #tpu.memory_space<vmem_shared>>) target_semaphore(%run_scoped3A_175 : memref<!tpu.dma_semaphore, #tpu.memory_space<semaphore_mem>>)
      %dma_wait3A_180 = arith.constant 0 : i32
      %dma_wait3A_181 = tpu.memref_slice %arg6[%add3A_8, %dma_wait3A_180] : memref<10240x128xf32, #tpu.memory_space<vmem_shared>> -> memref<128x128xf32, #tpu.memory_space<vmem_shared>>
      %dma_wait3A_182 = arith.constant 0 : i32
      %dma_wait3A_183 = tpu.memref_slice %arg6[%add3A_8, %dma_wait3A_182] : memref<10240x128xf32, #tpu.memory_space<vmem_shared>> -> memref<128x128xf32, #tpu.memory_space<vmem_shared>>
      tpu.wait_dma2 semaphore(%run_scoped3A_175 : memref<!tpu.dma_semaphore, #tpu.memory_space<semaphore_mem>>) src(%arg9 : memref<128x128xf32, #tpu.memory_space<vmem>>) dst(%dma_wait3A_183 : memref<128x128xf32, #tpu.memory_space<vmem_shared>>)
      tpu.yield
    }) : () -> ()
    %mul3A_9 = arith.constant 640 : i32
    %mul3A_10 = arith.muli %mul3A_9, %arg1 : i32
    %add3A_11 = arith.constant 128 : i32
    %add3A_12 = arith.addi %mul3A_10, %add3A_11 : i32
    "tpu.region"() ({
      %run_scoped3A_175 = tpu.sem_alloc : memref<!tpu.dma_semaphore, #tpu.memory_space<semaphore_mem>>
      %dma_start3A_176 = arith.constant 0 : i32
      %dma_start3A_177 = tpu.memref_slice %arg6[%add3A_12, %dma_start3A_176] : memref<10240x128xf32, #tpu.memory_space<vmem_shared>> -> memref<128x128xf32, #tpu.memory_space<vmem_shared>>
      %dma_start3A_178 = arith.constant 0 : i32
      %dma_start3A_179 = tpu.memref_slice %arg6[%add3A_12, %dma_start3A_178] : memref<10240x128xf32, #tpu.memory_space<vmem_shared>> -> memref<128x128xf32, #tpu.memory_space<vmem_shared>>
      tpu.enqueue_dma source(%arg9 : memref<128x128xf32, #tpu.memory_space<vmem>>) target(%dma_start3A_179 : memref<128x128xf32, #tpu.memory_space<vmem_shared>>) target_semaphore(%run_scoped3A_175 : memref<!tpu.dma_semaphore, #tpu.memory_space<semaphore_mem>>)
      %dma_wait3A_180 = arith.constant 0 : i32
      %dma_wait3A_181 = tpu.memref_slice %arg6[%add3A_12, %dma_wait3A_180] : memref<10240x128xf32, #tpu.memory_space<vmem_shared>> -> memref<128x128xf32, #tpu.memory_space<vmem_shared>>
      %dma_wait3A_182 = arith.constant 0 : i32
      %dma_wait3A_183 = tpu.memref_slice %arg6[%add3A_12, %dma_wait3A_182] : memref<10240x128xf32, #tpu.memory_space<vmem_shared>> -> memref<128x128xf32, #tpu.memory_space<vmem_shared>>
      tpu.wait_dma2 semaphore(%run_scoped3A_175 : memref<!tpu.dma_semaphore, #tpu.memory_space<semaphore_mem>>) src(%arg9 : memref<128x128xf32, #tpu.memory_space<vmem>>) dst(%dma_wait3A_183 : memref<128x128xf32, #tpu.memory_space<vmem_shared>>)
      tpu.yield
    }) : () -> ()
    %mul3A_13 = arith.constant 640 : i32
    %mul3A_14 = arith.muli %mul3A_13, %arg1 : i32
    %add3A_15 = arith.constant 256 : i32
    %add3A_16 = arith.addi %mul3A_14, %add3A_15 : i32
    "tpu.region"() ({
      %run_scoped3A_175 = tpu.sem_alloc : memref<!tpu.dma_semaphore, #tpu.memory_space<semaphore_mem>>
      %dma_start3A_176 = arith.constant 0 : i32
      %dma_start3A_177 = tpu.memref_slice %arg6[%add3A_16, %dma_start3A_176] : memref<10240x128xf32, #tpu.memory_space<vmem_shared>> -> memref<128x128xf32, #tpu.memory_space<vmem_shared>>
      %dma_start3A_178 = arith.constant 0 : i32
      %dma_start3A_179 = tpu.memref_slice %arg6[%add3A_16, %dma_start3A_178] : memref<10240x128xf32, #tpu.memory_space<vmem_shared>> -> memref<128x128xf32, #tpu.memory_space<vmem_shared>>
      tpu.enqueue_dma source(%arg9 : memref<128x128xf32, #tpu.memory_space<vmem>>) target(%dma_start3A_179 : memref<128x128xf32, #tpu.memory_space<vmem_shared>>) target_semaphore(%run_scoped3A_175 : memref<!tpu.dma_semaphore, #tpu.memory_space<semaphore_mem>>)
      %dma_wait3A_180 = arith.constant 0 : i32
      %dma_wait3A_181 = tpu.memref_slice %arg6[%add3A_16, %dma_wait3A_180] : memref<10240x128xf32, #tpu.memory_space<vmem_shared>> -> memref<128x128xf32, #tpu.memory_space<vmem_shared>>
      %dma_wait3A_182 = arith.constant 0 : i32
      %dma_wait3A_183 = tpu.memref_slice %arg6[%add3A_16, %dma_wait3A_182] : memref<10240x128xf32, #tpu.memory_space<vmem_shared>> -> memref<128x128xf32, #tpu.memory_space<vmem_shared>>
      tpu.wait_dma2 semaphore(%run_scoped3A_175 : memref<!tpu.dma_semaphore, #tpu.memory_space<semaphore_mem>>) src(%arg9 : memref<128x128xf32, #tpu.memory_space<vmem>>) dst(%dma_wait3A_183 : memref<128x128xf32, #tpu.memory_space<vmem_shared>>)
      tpu.yield
    }) : () -> ()
    %mul3A_17 = arith.constant 640 : i32
    %mul3A_18 = arith.muli %mul3A_17, %arg1 : i32
    %add3A_19 = arith.constant 384 : i32
    %add3A_20 = arith.addi %mul3A_18, %add3A_19 : i32
    "tpu.region"() ({
      %run_scoped3A_175 = tpu.sem_alloc : memref<!tpu.dma_semaphore, #tpu.memory_space<semaphore_mem>>
      %dma_start3A_176 = arith.constant 0 : i32
      %dma_start3A_177 = tpu.memref_slice %arg6[%add3A_20, %dma_start3A_176] : memref<10240x128xf32, #tpu.memory_space<vmem_shared>> -> memref<128x128xf32, #tpu.memory_space<vmem_shared>>
      %dma_start3A_178 = arith.constant 0 : i32
      %dma_start3A_179 = tpu.memref_slice %arg6[%add3A_20, %dma_start3A_178] : memref<10240x128xf32, #tpu.memory_space<vmem_shared>> -> memref<128x128xf32, #tpu.memory_space<vmem_shared>>
      tpu.enqueue_dma source(%arg9 : memref<128x128xf32, #tpu.memory_space<vmem>>) target(%dma_start3A_179 : memref<128x128xf32, #tpu.memory_space<vmem_shared>>) target_semaphore(%run_scoped3A_175 : memref<!tpu.dma_semaphore, #tpu.memory_space<semaphore_mem>>)
      %dma_wait3A_180 = arith.constant 0 : i32
      %dma_wait3A_181 = tpu.memref_slice %arg6[%add3A_20, %dma_wait3A_180] : memref<10240x128xf32, #tpu.memory_space<vmem_shared>> -> memref<128x128xf32, #tpu.memory_space<vmem_shared>>
      %dma_wait3A_182 = arith.constant 0 : i32
      %dma_wait3A_183 = tpu.memref_slice %arg6[%add3A_20, %dma_wait3A_182] : memref<10240x128xf32, #tpu.memory_space<vmem_shared>> -> memref<128x128xf32, #tpu.memory_space<vmem_shared>>
      tpu.wait_dma2 semaphore(%run_scoped3A_175 : memref<!tpu.dma_semaphore, #tpu.memory_space<semaphore_mem>>) src(%arg9 : memref<128x128xf32, #tpu.memory_space<vmem>>) dst(%dma_wait3A_183 : memref<128x128xf32, #tpu.memory_space<vmem_shared>>)
      tpu.yield
    }) : () -> ()
    %mul3A_21 = arith.constant 640 : i32
    %mul3A_22 = arith.muli %mul3A_21, %arg1 : i32
    %add3A_23 = arith.constant 512 : i32
    %add3A_24 = arith.addi %mul3A_22, %add3A_23 : i32
    "tpu.region"() ({
      %run_scoped3A_175 = tpu.sem_alloc : memref<!tpu.dma_semaphore, #tpu.memory_space<semaphore_mem>>
      %dma_start3A_176 = arith.constant 0 : i32
      %dma_start3A_177 = tpu.memref_slice %arg6[%add3A_24, %dma_start3A_176] : memref<10240x128xf32, #tpu.memory_space<vmem_shared>> -> memref<128x128xf32, #tpu.memory_space<vmem_shared>>
      %dma_start3A_178 = arith.constant 0 : i32
      %dma_start3A_179 = tpu.memref_slice %arg6[%add3A_24, %dma_start3A_178] : memref<10240x128xf32, #tpu.memory_space<vmem_shared>> -> memref<128x128xf32, #tpu.memory_space<vmem_shared>>
      tpu.enqueue_dma source(%arg9 : memref<128x128xf32, #tpu.memory_space<vmem>>) target(%dma_start3A_179 : memref<128x128xf32, #tpu.memory_space<vmem_shared>>) target_semaphore(%run_scoped3A_175 : memref<!tpu.dma_semaphore, #tpu.memory_space<semaphore_mem>>)
      %dma_wait3A_180 = arith.constant 0 : i32
      %dma_wait3A_181 = tpu.memref_slice %arg6[%add3A_24, %dma_wait3A_180] : memref<10240x128xf32, #tpu.memory_space<vmem_shared>> -> memref<128x128xf32, #tpu.memory_space<vmem_shared>>
      %dma_wait3A_182 = arith.constant 0 : i32
      %dma_wait3A_183 = tpu.memref_slice %arg6[%add3A_24, %dma_wait3A_182] : memref<10240x128xf32, #tpu.memory_space<vmem_shared>> -> memref<128x128xf32, #tpu.memory_space<vmem_shared>>
      tpu.wait_dma2 semaphore(%run_scoped3A_175 : memref<!tpu.dma_semaphore, #tpu.memory_space<semaphore_mem>>) src(%arg9 : memref<128x128xf32, #tpu.memory_space<vmem>>) dst(%dma_wait3A_183 : memref<128x128xf32, #tpu.memory_space<vmem_shared>>)
      tpu.yield
    }) : () -> ()
    "tpu.region"() ({
      %run_scoped3A_175 = tpu.sem_alloc : memref<!tpu.dma_semaphore, #tpu.memory_space<semaphore_mem>>
      %dma_start3A_176 = arith.constant 0 : i32
      %dma_start3A_177 = arith.constant 0 : i32
      %dma_start3A_178 = tpu.memref_slice %arg4[%add3A, %dma_start3A_176, %dma_start3A_177] : memref<32x80x128xi32, #tpu.memory_space<hbm>> -> memref<1x80x128xi32, #tpu.memory_space<hbm>>
      %dma_start3A_179 = tpu.memref_squeeze %dma_start3A_178 : memref<1x80x128xi32, #tpu.memory_space<hbm>> -> memref<80x128xi32, #tpu.memory_space<hbm>>
      %dma_start3A_180 = arith.constant 0 : i32
      %dma_start3A_181 = arith.constant 0 : i32
      %dma_start3A_182 = tpu.memref_slice %arg4[%add3A, %dma_start3A_180, %dma_start3A_181] : memref<32x80x128xi32, #tpu.memory_space<hbm>> -> memref<1x80x128xi32, #tpu.memory_space<hbm>>
      %dma_start3A_183 = tpu.memref_squeeze %dma_start3A_182 : memref<1x80x128xi32, #tpu.memory_space<hbm>> -> memref<80x128xi32, #tpu.memory_space<hbm>>
      tpu.enqueue_dma source(%dma_start3A_183 : memref<80x128xi32, #tpu.memory_space<hbm>>) target(%arg8 : memref<80x128xi32, #tpu.memory_space<vmem>>) target_semaphore(%run_scoped3A_175 : memref<!tpu.dma_semaphore, #tpu.memory_space<semaphore_mem>>)
      %dma_wait3A_184 = arith.constant 0 : i32
      %dma_wait3A_185 = arith.constant 0 : i32
      %dma_wait3A_186 = tpu.memref_slice %arg4[%add3A, %dma_wait3A_184, %dma_wait3A_185] : memref<32x80x128xi32, #tpu.memory_space<hbm>> -> memref<1x80x128xi32, #tpu.memory_space<hbm>>
      %dma_wait3A_187 = tpu.memref_squeeze %dma_wait3A_186 : memref<1x80x128xi32, #tpu.memory_space<hbm>> -> memref<80x128xi32, #tpu.memory_space<hbm>>
      %dma_wait3A_188 = arith.constant 0 : i32
      %dma_wait3A_189 = arith.constant 0 : i32
      %dma_wait3A_190 = tpu.memref_slice %arg4[%add3A, %dma_wait3A_188, %dma_wait3A_189] : memref<32x80x128xi32, #tpu.memory_space<hbm>> -> memref<1x80x128xi32, #tpu.memory_space<hbm>>
      %dma_wait3A_191 = tpu.memref_squeeze %dma_wait3A_190 : memref<1x80x128xi32, #tpu.memory_space<hbm>> -> memref<80x128xi32, #tpu.memory_space<hbm>>
      tpu.wait_dma2 semaphore(%run_scoped3A_175 : memref<!tpu.dma_semaphore, #tpu.memory_space<semaphore_mem>>) src(%dma_wait3A_191 : memref<80x128xi32, #tpu.memory_space<hbm>>) dst(%arg8 : memref<80x128xi32, #tpu.memory_space<vmem>>)
      tpu.yield
    }) : () -> ()
    %barrier3A = arith.constant 0 : index
    tpu.barrier barrier_id(%barrier3A)
    %mul3A_25 = arith.constant 9984 : i32
    %mul3A_26 = arith.muli %mul3A_25, %add3A : i32
    %add3A_27 = arith.constant 0 : i32
    %add3A_28 = arith.addi %mul3A_26, %add3A_27 : i32
    %run_scoped3A = arith.constant 0 : i32
    "tpu.region"() ({
      %run_scoped3A_175 = tpu.sem_alloc : memref<!tpu.dma_semaphore, #tpu.memory_space<semaphore_mem>>
      %dma_start3A_176 = tpu.memref_slice %arg3[%run_scoped3A, %add3A_28] : memref<2x320000xi32, #tpu.memory_space<hbm>> -> memref<1x3328xi32, #tpu.memory_space<hbm>>
      %dma_start3A_177 = tpu.memref_squeeze %dma_start3A_176 : memref<1x3328xi32, #tpu.memory_space<hbm>> -> memref<3328xi32, #tpu.memory_space<hbm>>
      %dma_start3A_178 = tpu.memref_slice %arg3[%run_scoped3A, %add3A_28] : memref<2x320000xi32, #tpu.memory_space<hbm>> -> memref<1x3328xi32, #tpu.memory_space<hbm>>
      %dma_start3A_179 = tpu.memref_squeeze %dma_start3A_178 : memref<1x3328xi32, #tpu.memory_space<hbm>> -> memref<3328xi32, #tpu.memory_space<hbm>>
      tpu.enqueue_dma source(%dma_start3A_179 : memref<3328xi32, #tpu.memory_space<hbm>>) target(%arg7 : memref<3328xi32, #tpu.memory_space<vmem>>) target_semaphore(%run_scoped3A_175 : memref<!tpu.dma_semaphore, #tpu.memory_space<semaphore_mem>>)
      %dma_wait3A_180 = tpu.memref_slice %arg3[%run_scoped3A, %add3A_28] : memref<2x320000xi32, #tpu.memory_space<hbm>> -> memref<1x3328xi32, #tpu.memory_space<hbm>>
      %dma_wait3A_181 = tpu.memref_squeeze %dma_wait3A_180 : memref<1x3328xi32, #tpu.memory_space<hbm>> -> memref<3328xi32, #tpu.memory_space<hbm>>
      %dma_wait3A_182 = tpu.memref_slice %arg3[%run_scoped3A, %add3A_28] : memref<2x320000xi32, #tpu.memory_space<hbm>> -> memref<1x3328xi32, #tpu.memory_space<hbm>>
      %dma_wait3A_183 = tpu.memref_squeeze %dma_wait3A_182 : memref<1x3328xi32, #tpu.memory_space<hbm>> -> memref<3328xi32, #tpu.memory_space<hbm>>
      tpu.wait_dma2 semaphore(%run_scoped3A_175 : memref<!tpu.dma_semaphore, #tpu.memory_space<semaphore_mem>>) src(%dma_wait3A_183 : memref<3328xi32, #tpu.memory_space<hbm>>) dst(%arg7 : memref<3328xi32, #tpu.memory_space<vmem>>)
      tpu.yield
    }) : () -> ()
    %dma_start3A = arith.constant 0 : i32
    %dma_start3A_29 = tpu.memref_slice %arg7[%dma_start3A] : memref<3328xi32, #tpu.memory_space<vmem>> -> memref<128xi32, #tpu.memory_space<vmem>>
    %dma_start3A_30 = arith.constant 0 : i32
    %dma_start3A_31 = arith.constant 0 : i32
    %dma_start3A_32 = tpu.memref_slice %arg2[%dma_start3A_30, %dma_start3A_31] : memref<10000x128xf32, #tpu.memory_space<hbm>> -> memref<10000x128xf32, #tpu.memory_space<hbm>>
    tpu.enqueue_indirect_dma source(%dma_start3A_32 : memref<10000x128xf32, #tpu.memory_space<hbm>>) target(%arg9 : memref<128x128xf32, #tpu.memory_space<vmem>>) offsets(%dma_start3A_29 : memref<128xi32, #tpu.memory_space<vmem>>) semaphore(%arg11 : memref<!tpu.dma_semaphore, #tpu.memory_space<semaphore_mem>>)
    %dma_start3A_33 = arith.constant 128 : i32
    %dma_start3A_34 = tpu.memref_slice %arg7[%dma_start3A_33] : memref<3328xi32, #tpu.memory_space<vmem>> -> memref<128xi32, #tpu.memory_space<vmem>>
    %dma_start3A_35 = arith.constant 0 : i32
    %dma_start3A_36 = arith.constant 0 : i32
    %dma_start3A_37 = tpu.memref_slice %arg2[%dma_start3A_35, %dma_start3A_36] : memref<10000x128xf32, #tpu.memory_space<hbm>> -> memref<10000x128xf32, #tpu.memory_space<hbm>>
    tpu.enqueue_indirect_dma source(%dma_start3A_37 : memref<10000x128xf32, #tpu.memory_space<hbm>>) target(%arg10 : memref<128x128xf32, #tpu.memory_space<vmem>>) offsets(%dma_start3A_34 : memref<128xi32, #tpu.memory_space<vmem>>) semaphore(%arg12 : memref<!tpu.dma_semaphore, #tpu.memory_space<semaphore_mem>>)
    %scan3A_38 = arith.constant 0 : i32
    %scan3A_39 = arith.constant 13 : i32
    %scan3A_40 = arith.addi %scan3A_38, %scan3A_39 : i32
    %scan3A_41 = arith.constant 1 : i32
    scf.for %scan3A_175 = %scan3A_38 to %scan3A_40 step %scan3A_41  : i32 {
      %mul3A_176 = arith.constant 1 : i32
      %mul3A_177 = arith.muli %scan3A_175, %mul3A_176 : i32
      %add3A_178 = arith.constant 0 : i32
      %add3A_179 = arith.addi %add3A_178, %mul3A_177 : i32
      %mul3A_180 = arith.constant 2 : i32
      %mul3A_181 = arith.muli %mul3A_180, %add3A_179 : i32
      %mul3A_182 = arith.constant 2 : i32
      %mul3A_183 = arith.muli %mul3A_182, %add3A_179 : i32
      %add3A_184 = arith.constant 1 : i32
      %add3A_185 = arith.addi %mul3A_183, %add3A_184 : i32
      %mul3A_186 = arith.constant 128 : i32
      %mul3A_187 = arith.muli %mul3A_186, %mul3A_181 : i32
      %dma_wait3A_188 = tpu.memref_slice %arg7[%mul3A_187] : memref<3328xi32, #tpu.memory_space<vmem>> -> memref<128xi32, #tpu.memory_space<vmem>>
      %dma_wait3A_189 = arith.constant 0 : i32
      %dma_wait3A_190 = arith.constant 0 : i32
      %dma_wait3A_191 = tpu.memref_slice %arg2[%dma_wait3A_189, %dma_wait3A_190] : memref<10000x128xf32, #tpu.memory_space<hbm>> -> memref<10000x128xf32, #tpu.memory_space<hbm>>
      tpu.wait_indirect_dma semaphore(%arg11 : memref<!tpu.dma_semaphore, #tpu.memory_space<semaphore_mem>>) src(%dma_wait3A_191 : memref<10000x128xf32, #tpu.memory_space<hbm>>) dst(%arg9 : memref<128x128xf32, #tpu.memory_space<vmem>>)
      %add3A_192 = arith.constant 0 : i32
      %add3A_193 = arith.addi %add3A_192, %mul3A_181 : i32
      "tpu.region"() ({
        %run_scoped3A_216 = tpu.sem_alloc : memref<!tpu.dma_semaphore, #tpu.memory_space<semaphore_mem>>
        %dma_start3A_217 = arith.constant 0 : i32
        %dma_start3A_218 = tpu.memref_slice %arg8[%add3A_193, %dma_start3A_217] : memref<80x128xi32, #tpu.memory_space<vmem>> -> memref<1x128xi32, #tpu.memory_space<vmem>>
        %dma_start3A_219 = tpu.memref_squeeze %dma_start3A_218 : memref<1x128xi32, #tpu.memory_space<vmem>> -> memref<128xi32, #tpu.memory_space<vmem>>
        %dma_start3A_220 = arith.constant 0 : i32
        %dma_start3A_221 = arith.constant 0 : i32
        %dma_start3A_222 = tpu.memref_slice %arg6[%dma_start3A_220, %dma_start3A_221] : memref<10240x128xf32, #tpu.memory_space<vmem_shared>> -> memref<10240x128xf32, #tpu.memory_space<vmem_shared>>
        tpu.enqueue_indirect_dma source(%arg9 : memref<128x128xf32, #tpu.memory_space<vmem>>) target(%dma_start3A_222 : memref<10240x128xf32, #tpu.memory_space<vmem_shared>>) offsets(%dma_start3A_219 : memref<128xi32, #tpu.memory_space<vmem>>) semaphore(%run_scoped3A_216 : memref<!tpu.dma_semaphore, #tpu.memory_space<semaphore_mem>>) {add = true}
        %dma_wait3A_223 = arith.constant 0 : i32
        %dma_wait3A_224 = tpu.memref_slice %arg8[%add3A_193, %dma_wait3A_223] : memref<80x128xi32, #tpu.memory_space<vmem>> -> memref<1x128xi32, #tpu.memory_space<vmem>>
        %dma_wait3A_225 = tpu.memref_squeeze %dma_wait3A_224 : memref<1x128xi32, #tpu.memory_space<vmem>> -> memref<128xi32, #tpu.memory_space<vmem>>
        %dma_wait3A_226 = arith.constant 0 : i32
        %dma_wait3A_227 = arith.constant 0 : i32
        %dma_wait3A_228 = tpu.memref_slice %arg6[%dma_wait3A_226, %dma_wait3A_227] : memref<10240x128xf32, #tpu.memory_space<vmem_shared>> -> memref<10240x128xf32, #tpu.memory_space<vmem_shared>>
        tpu.wait_indirect_dma semaphore(%run_scoped3A_216 : memref<!tpu.dma_semaphore, #tpu.memory_space<semaphore_mem>>) src(%arg9 : memref<128x128xf32, #tpu.memory_space<vmem>>) dst(%dma_wait3A_228 : memref<10240x128xf32, #tpu.memory_space<vmem_shared>>)
        tpu.yield
      }) : () -> ()
      %add3A_194 = arith.constant 2 : i32
      %add3A_195 = arith.addi %mul3A_181, %add3A_194 : i32
      %lt3A_196 = arith.constant 26 : i32
      %lt3A_197 = arith.cmpi slt, %add3A_195, %lt3A_196 : i32
      %convert_element_type3A_198 = arith.extui %lt3A_197 : i1 to i32
      %cond3A_199 = arith.constant 0 : i32
      %cond3A_200 = arith.cmpi ne, %convert_element_type3A_198, %cond3A_199 : i32
      scf.if %cond3A_200 {
        %add3A_216 = arith.constant 2 : i32
        %add3A_217 = arith.addi %mul3A_181, %add3A_216 : i32
        %mul3A_218 = arith.constant 128 : i32
        %mul3A_219 = arith.muli %mul3A_218, %add3A_217 : i32
        %dma_start3A_220 = tpu.memref_slice %arg7[%mul3A_219] : memref<3328xi32, #tpu.memory_space<vmem>> -> memref<128xi32, #tpu.memory_space<vmem>>
        %dma_start3A_221 = arith.constant 0 : i32
        %dma_start3A_222 = arith.constant 0 : i32
        %dma_start3A_223 = tpu.memref_slice %arg2[%dma_start3A_221, %dma_start3A_222] : memref<10000x128xf32, #tpu.memory_space<hbm>> -> memref<10000x128xf32, #tpu.memory_space<hbm>>
        tpu.enqueue_indirect_dma source(%dma_start3A_223 : memref<10000x128xf32, #tpu.memory_space<hbm>>) target(%arg9 : memref<128x128xf32, #tpu.memory_space<vmem>>) offsets(%dma_start3A_220 : memref<128xi32, #tpu.memory_space<vmem>>) semaphore(%arg11 : memref<!tpu.dma_semaphore, #tpu.memory_space<semaphore_mem>>)
      } else {
      }
      %mul3A_201 = arith.constant 128 : i32
      %mul3A_202 = arith.muli %mul3A_201, %add3A_185 : i32
      %dma_wait3A_203 = tpu.memref_slice %arg7[%mul3A_202] : memref<3328xi32, #tpu.memory_space<vmem>> -> memref<128xi32, #tpu.memory_space<vmem>>
      %dma_wait3A_204 = arith.constant 0 : i32
      %dma_wait3A_205 = arith.constant 0 : i32
      %dma_wait3A_206 = tpu.memref_slice %arg2[%dma_wait3A_204, %dma_wait3A_205] : memref<10000x128xf32, #tpu.memory_space<hbm>> -> memref<10000x128xf32, #tpu.memory_space<hbm>>
      tpu.wait_indirect_dma semaphore(%arg12 : memref<!tpu.dma_semaphore, #tpu.memory_space<semaphore_mem>>) src(%dma_wait3A_206 : memref<10000x128xf32, #tpu.memory_space<hbm>>) dst(%arg10 : memref<128x128xf32, #tpu.memory_space<vmem>>)
      %add3A_207 = arith.constant 0 : i32
      %add3A_208 = arith.addi %add3A_207, %add3A_185 : i32
      "tpu.region"() ({
        %run_scoped3A_216 = tpu.sem_alloc : memref<!tpu.dma_semaphore, #tpu.memory_space<semaphore_mem>>
        %dma_start3A_217 = arith.constant 0 : i32
        %dma_start3A_218 = tpu.memref_slice %arg8[%add3A_208, %dma_start3A_217] : memref<80x128xi32, #tpu.memory_space<vmem>> -> memref<1x128xi32, #tpu.memory_space<vmem>>
        %dma_start3A_219 = tpu.memref_squeeze %dma_start3A_218 : memref<1x128xi32, #tpu.memory_space<vmem>> -> memref<128xi32, #tpu.memory_space<vmem>>
        %dma_start3A_220 = arith.constant 0 : i32
        %dma_start3A_221 = arith.constant 0 : i32
        %dma_start3A_222 = tpu.memref_slice %arg6[%dma_start3A_220, %dma_start3A_221] : memref<10240x128xf32, #tpu.memory_space<vmem_shared>> -> memref<10240x128xf32, #tpu.memory_space<vmem_shared>>
        tpu.enqueue_indirect_dma source(%arg10 : memref<128x128xf32, #tpu.memory_space<vmem>>) target(%dma_start3A_222 : memref<10240x128xf32, #tpu.memory_space<vmem_shared>>) offsets(%dma_start3A_219 : memref<128xi32, #tpu.memory_space<vmem>>) semaphore(%run_scoped3A_216 : memref<!tpu.dma_semaphore, #tpu.memory_space<semaphore_mem>>) {add = true}
        %dma_wait3A_223 = arith.constant 0 : i32
        %dma_wait3A_224 = tpu.memref_slice %arg8[%add3A_208, %dma_wait3A_223] : memref<80x128xi32, #tpu.memory_space<vmem>> -> memref<1x128xi32, #tpu.memory_space<vmem>>
        %dma_wait3A_225 = tpu.memref_squeeze %dma_wait3A_224 : memref<1x128xi32, #tpu.memory_space<vmem>> -> memref<128xi32, #tpu.memory_space<vmem>>
        %dma_wait3A_226 = arith.constant 0 : i32
        %dma_wait3A_227 = arith.constant 0 : i32
        %dma_wait3A_228 = tpu.memref_slice %arg6[%dma_wait3A_226, %dma_wait3A_227] : memref<10240x128xf32, #tpu.memory_space<vmem_shared>> -> memref<10240x128xf32, #tpu.memory_space<vmem_shared>>
        tpu.wait_indirect_dma semaphore(%run_scoped3A_216 : memref<!tpu.dma_semaphore, #tpu.memory_space<semaphore_mem>>) src(%arg10 : memref<128x128xf32, #tpu.memory_space<vmem>>) dst(%dma_wait3A_228 : memref<10240x128xf32, #tpu.memory_space<vmem_shared>>)
        tpu.yield
      }) : () -> ()
      %add3A_209 = arith.constant 2 : i32
      %add3A_210 = arith.addi %add3A_185, %add3A_209 : i32
      %lt3A_211 = arith.constant 26 : i32
      %lt3A_212 = arith.cmpi slt, %add3A_210, %lt3A_211 : i32
      %convert_element_type3A_213 = arith.extui %lt3A_212 : i1 to i32
      %cond3A_214 = arith.constant 0 : i32
      %cond3A_215 = arith.cmpi ne, %convert_element_type3A_213, %cond3A_214 : i32
      scf.if %cond3A_215 {
        %add3A_216 = arith.constant 2 : i32
        %add3A_217 = arith.addi %add3A_185, %add3A_216 : i32
        %mul3A_218 = arith.constant 128 : i32
        %mul3A_219 = arith.muli %mul3A_218, %add3A_217 : i32
        %dma_start3A_220 = tpu.memref_slice %arg7[%mul3A_219] : memref<3328xi32, #tpu.memory_space<vmem>> -> memref<128xi32, #tpu.memory_space<vmem>>
        %dma_start3A_221 = arith.constant 0 : i32
        %dma_start3A_222 = arith.constant 0 : i32
        %dma_start3A_223 = tpu.memref_slice %arg2[%dma_start3A_221, %dma_start3A_222] : memref<10000x128xf32, #tpu.memory_space<hbm>> -> memref<10000x128xf32, #tpu.memory_space<hbm>>
        tpu.enqueue_indirect_dma source(%dma_start3A_223 : memref<10000x128xf32, #tpu.memory_space<hbm>>) target(%arg10 : memref<128x128xf32, #tpu.memory_space<vmem>>) offsets(%dma_start3A_220 : memref<128xi32, #tpu.memory_space<vmem>>) semaphore(%arg12 : memref<!tpu.dma_semaphore, #tpu.memory_space<semaphore_mem>>)
      } else {
      }
    }
    %scan3A_42 = arith.constant 13 : i32
    %mul3A_43 = arith.constant 9984 : i32
    %mul3A_44 = arith.muli %mul3A_43, %add3A : i32
    %add3A_45 = arith.constant 3328 : i32
    %add3A_46 = arith.addi %mul3A_44, %add3A_45 : i32
    %run_scoped3A_47 = arith.constant 0 : i32
    "tpu.region"() ({
      %run_scoped3A_175 = tpu.sem_alloc : memref<!tpu.dma_semaphore, #tpu.memory_space<semaphore_mem>>
      %dma_start3A_176 = tpu.memref_slice %arg3[%run_scoped3A_47, %add3A_46] : memref<2x320000xi32, #tpu.memory_space<hbm>> -> memref<1x3328xi32, #tpu.memory_space<hbm>>
      %dma_start3A_177 = tpu.memref_squeeze %dma_start3A_176 : memref<1x3328xi32, #tpu.memory_space<hbm>> -> memref<3328xi32, #tpu.memory_space<hbm>>
      %dma_start3A_178 = tpu.memref_slice %arg3[%run_scoped3A_47, %add3A_46] : memref<2x320000xi32, #tpu.memory_space<hbm>> -> memref<1x3328xi32, #tpu.memory_space<hbm>>
      %dma_start3A_179 = tpu.memref_squeeze %dma_start3A_178 : memref<1x3328xi32, #tpu.memory_space<hbm>> -> memref<3328xi32, #tpu.memory_space<hbm>>
      tpu.enqueue_dma source(%dma_start3A_179 : memref<3328xi32, #tpu.memory_space<hbm>>) target(%arg7 : memref<3328xi32, #tpu.memory_space<vmem>>) target_semaphore(%run_scoped3A_175 : memref<!tpu.dma_semaphore, #tpu.memory_space<semaphore_mem>>)
      %dma_wait3A_180 = tpu.memref_slice %arg3[%run_scoped3A_47, %add3A_46] : memref<2x320000xi32, #tpu.memory_space<hbm>> -> memref<1x3328xi32, #tpu.memory_space<hbm>>
      %dma_wait3A_181 = tpu.memref_squeeze %dma_wait3A_180 : memref<1x3328xi32, #tpu.memory_space<hbm>> -> memref<3328xi32, #tpu.memory_space<hbm>>
      %dma_wait3A_182 = tpu.memref_slice %arg3[%run_scoped3A_47, %add3A_46] : memref<2x320000xi32, #tpu.memory_space<hbm>> -> memref<1x3328xi32, #tpu.memory_space<hbm>>
      %dma_wait3A_183 = tpu.memref_squeeze %dma_wait3A_182 : memref<1x3328xi32, #tpu.memory_space<hbm>> -> memref<3328xi32, #tpu.memory_space<hbm>>
      tpu.wait_dma2 semaphore(%run_scoped3A_175 : memref<!tpu.dma_semaphore, #tpu.memory_space<semaphore_mem>>) src(%dma_wait3A_183 : memref<3328xi32, #tpu.memory_space<hbm>>) dst(%arg7 : memref<3328xi32, #tpu.memory_space<vmem>>)
      tpu.yield
    }) : () -> ()
    %dma_start3A_48 = arith.constant 0 : i32
    %dma_start3A_49 = tpu.memref_slice %arg7[%dma_start3A_48] : memref<3328xi32, #tpu.memory_space<vmem>> -> memref<128xi32, #tpu.memory_space<vmem>>
    %dma_start3A_50 = arith.constant 0 : i32
    %dma_start3A_51 = arith.constant 0 : i32
    %dma_start3A_52 = tpu.memref_slice %arg2[%dma_start3A_50, %dma_start3A_51] : memref<10000x128xf32, #tpu.memory_space<hbm>> -> memref<10000x128xf32, #tpu.memory_space<hbm>>
    tpu.enqueue_indirect_dma source(%dma_start3A_52 : memref<10000x128xf32, #tpu.memory_space<hbm>>) target(%arg9 : memref<128x128xf32, #tpu.memory_space<vmem>>) offsets(%dma_start3A_49 : memref<128xi32, #tpu.memory_space<vmem>>) semaphore(%arg11 : memref<!tpu.dma_semaphore, #tpu.memory_space<semaphore_mem>>)
    %dma_start3A_53 = arith.constant 128 : i32
    %dma_start3A_54 = tpu.memref_slice %arg7[%dma_start3A_53] : memref<3328xi32, #tpu.memory_space<vmem>> -> memref<128xi32, #tpu.memory_space<vmem>>
    %dma_start3A_55 = arith.constant 0 : i32
    %dma_start3A_56 = arith.constant 0 : i32
    %dma_start3A_57 = tpu.memref_slice %arg2[%dma_start3A_55, %dma_start3A_56] : memref<10000x128xf32, #tpu.memory_space<hbm>> -> memref<10000x128xf32, #tpu.memory_space<hbm>>
    tpu.enqueue_indirect_dma source(%dma_start3A_57 : memref<10000x128xf32, #tpu.memory_space<hbm>>) target(%arg10 : memref<128x128xf32, #tpu.memory_space<vmem>>) offsets(%dma_start3A_54 : memref<128xi32, #tpu.memory_space<vmem>>) semaphore(%arg12 : memref<!tpu.dma_semaphore, #tpu.memory_space<semaphore_mem>>)
    %scan3A_58 = arith.constant 0 : i32
    %scan3A_59 = arith.constant 13 : i32
    %scan3A_60 = arith.addi %scan3A_58, %scan3A_59 : i32
    %scan3A_61 = arith.constant 1 : i32
    scf.for %scan3A_175 = %scan3A_58 to %scan3A_60 step %scan3A_61  : i32 {
      %mul3A_176 = arith.constant 1 : i32
      %mul3A_177 = arith.muli %scan3A_175, %mul3A_176 : i32
      %add3A_178 = arith.constant 0 : i32
      %add3A_179 = arith.addi %add3A_178, %mul3A_177 : i32
      %mul3A_180 = arith.constant 2 : i32
      %mul3A_181 = arith.muli %mul3A_180, %add3A_179 : i32
      %mul3A_182 = arith.constant 2 : i32
      %mul3A_183 = arith.muli %mul3A_182, %add3A_179 : i32
      %add3A_184 = arith.constant 1 : i32
      %add3A_185 = arith.addi %mul3A_183, %add3A_184 : i32
      %mul3A_186 = arith.constant 128 : i32
      %mul3A_187 = arith.muli %mul3A_186, %mul3A_181 : i32
      %dma_wait3A_188 = tpu.memref_slice %arg7[%mul3A_187] : memref<3328xi32, #tpu.memory_space<vmem>> -> memref<128xi32, #tpu.memory_space<vmem>>
      %dma_wait3A_189 = arith.constant 0 : i32
      %dma_wait3A_190 = arith.constant 0 : i32
      %dma_wait3A_191 = tpu.memref_slice %arg2[%dma_wait3A_189, %dma_wait3A_190] : memref<10000x128xf32, #tpu.memory_space<hbm>> -> memref<10000x128xf32, #tpu.memory_space<hbm>>
      tpu.wait_indirect_dma semaphore(%arg11 : memref<!tpu.dma_semaphore, #tpu.memory_space<semaphore_mem>>) src(%dma_wait3A_191 : memref<10000x128xf32, #tpu.memory_space<hbm>>) dst(%arg9 : memref<128x128xf32, #tpu.memory_space<vmem>>)
      %add3A_192 = arith.constant 26 : i32
      %add3A_193 = arith.addi %add3A_192, %mul3A_181 : i32
      "tpu.region"() ({
        %run_scoped3A_216 = tpu.sem_alloc : memref<!tpu.dma_semaphore, #tpu.memory_space<semaphore_mem>>
        %dma_start3A_217 = arith.constant 0 : i32
        %dma_start3A_218 = tpu.memref_slice %arg8[%add3A_193, %dma_start3A_217] : memref<80x128xi32, #tpu.memory_space<vmem>> -> memref<1x128xi32, #tpu.memory_space<vmem>>
        %dma_start3A_219 = tpu.memref_squeeze %dma_start3A_218 : memref<1x128xi32, #tpu.memory_space<vmem>> -> memref<128xi32, #tpu.memory_space<vmem>>
        %dma_start3A_220 = arith.constant 0 : i32
        %dma_start3A_221 = arith.constant 0 : i32
        %dma_start3A_222 = tpu.memref_slice %arg6[%dma_start3A_220, %dma_start3A_221] : memref<10240x128xf32, #tpu.memory_space<vmem_shared>> -> memref<10240x128xf32, #tpu.memory_space<vmem_shared>>
        tpu.enqueue_indirect_dma source(%arg9 : memref<128x128xf32, #tpu.memory_space<vmem>>) target(%dma_start3A_222 : memref<10240x128xf32, #tpu.memory_space<vmem_shared>>) offsets(%dma_start3A_219 : memref<128xi32, #tpu.memory_space<vmem>>) semaphore(%run_scoped3A_216 : memref<!tpu.dma_semaphore, #tpu.memory_space<semaphore_mem>>) {add = true}
        %dma_wait3A_223 = arith.constant 0 : i32
        %dma_wait3A_224 = tpu.memref_slice %arg8[%add3A_193, %dma_wait3A_223] : memref<80x128xi32, #tpu.memory_space<vmem>> -> memref<1x128xi32, #tpu.memory_space<vmem>>
        %dma_wait3A_225 = tpu.memref_squeeze %dma_wait3A_224 : memref<1x128xi32, #tpu.memory_space<vmem>> -> memref<128xi32, #tpu.memory_space<vmem>>
        %dma_wait3A_226 = arith.constant 0 : i32
        %dma_wait3A_227 = arith.constant 0 : i32
        %dma_wait3A_228 = tpu.memref_slice %arg6[%dma_wait3A_226, %dma_wait3A_227] : memref<10240x128xf32, #tpu.memory_space<vmem_shared>> -> memref<10240x128xf32, #tpu.memory_space<vmem_shared>>
        tpu.wait_indirect_dma semaphore(%run_scoped3A_216 : memref<!tpu.dma_semaphore, #tpu.memory_space<semaphore_mem>>) src(%arg9 : memref<128x128xf32, #tpu.memory_space<vmem>>) dst(%dma_wait3A_228 : memref<10240x128xf32, #tpu.memory_space<vmem_shared>>)
        tpu.yield
      }) : () -> ()
      %add3A_194 = arith.constant 2 : i32
      %add3A_195 = arith.addi %mul3A_181, %add3A_194 : i32
      %lt3A_196 = arith.constant 26 : i32
      %lt3A_197 = arith.cmpi slt, %add3A_195, %lt3A_196 : i32
      %convert_element_type3A_198 = arith.extui %lt3A_197 : i1 to i32
      %cond3A_199 = arith.constant 0 : i32
      %cond3A_200 = arith.cmpi ne, %convert_element_type3A_198, %cond3A_199 : i32
      scf.if %cond3A_200 {
        %add3A_216 = arith.constant 2 : i32
        %add3A_217 = arith.addi %mul3A_181, %add3A_216 : i32
        %mul3A_218 = arith.constant 128 : i32
        %mul3A_219 = arith.muli %mul3A_218, %add3A_217 : i32
        %dma_start3A_220 = tpu.memref_slice %arg7[%mul3A_219] : memref<3328xi32, #tpu.memory_space<vmem>> -> memref<128xi32, #tpu.memory_space<vmem>>
        %dma_start3A_221 = arith.constant 0 : i32
        %dma_start3A_222 = arith.constant 0 : i32
        %dma_start3A_223 = tpu.memref_slice %arg2[%dma_start3A_221, %dma_start3A_222] : memref<10000x128xf32, #tpu.memory_space<hbm>> -> memref<10000x128xf32, #tpu.memory_space<hbm>>
        tpu.enqueue_indirect_dma source(%dma_start3A_223 : memref<10000x128xf32, #tpu.memory_space<hbm>>) target(%arg9 : memref<128x128xf32, #tpu.memory_space<vmem>>) offsets(%dma_start3A_220 : memref<128xi32, #tpu.memory_space<vmem>>) semaphore(%arg11 : memref<!tpu.dma_semaphore, #tpu.memory_space<semaphore_mem>>)
      } else {
      }
      %mul3A_201 = arith.constant 128 : i32
      %mul3A_202 = arith.muli %mul3A_201, %add3A_185 : i32
      %dma_wait3A_203 = tpu.memref_slice %arg7[%mul3A_202] : memref<3328xi32, #tpu.memory_space<vmem>> -> memref<128xi32, #tpu.memory_space<vmem>>
      %dma_wait3A_204 = arith.constant 0 : i32
      %dma_wait3A_205 = arith.constant 0 : i32
      %dma_wait3A_206 = tpu.memref_slice %arg2[%dma_wait3A_204, %dma_wait3A_205] : memref<10000x128xf32, #tpu.memory_space<hbm>> -> memref<10000x128xf32, #tpu.memory_space<hbm>>
      tpu.wait_indirect_dma semaphore(%arg12 : memref<!tpu.dma_semaphore, #tpu.memory_space<semaphore_mem>>) src(%dma_wait3A_206 : memref<10000x128xf32, #tpu.memory_space<hbm>>) dst(%arg10 : memref<128x128xf32, #tpu.memory_space<vmem>>)
      %add3A_207 = arith.constant 26 : i32
      %add3A_208 = arith.addi %add3A_207, %add3A_185 : i32
      "tpu.region"() ({
        %run_scoped3A_216 = tpu.sem_alloc : memref<!tpu.dma_semaphore, #tpu.memory_space<semaphore_mem>>
        %dma_start3A_217 = arith.constant 0 : i32
        %dma_start3A_218 = tpu.memref_slice %arg8[%add3A_208, %dma_start3A_217] : memref<80x128xi32, #tpu.memory_space<vmem>> -> memref<1x128xi32, #tpu.memory_space<vmem>>
        %dma_start3A_219 = tpu.memref_squeeze %dma_start3A_218 : memref<1x128xi32, #tpu.memory_space<vmem>> -> memref<128xi32, #tpu.memory_space<vmem>>
        %dma_start3A_220 = arith.constant 0 : i32
        %dma_start3A_221 = arith.constant 0 : i32
        %dma_start3A_222 = tpu.memref_slice %arg6[%dma_start3A_220, %dma_start3A_221] : memref<10240x128xf32, #tpu.memory_space<vmem_shared>> -> memref<10240x128xf32, #tpu.memory_space<vmem_shared>>
        tpu.enqueue_indirect_dma source(%arg10 : memref<128x128xf32, #tpu.memory_space<vmem>>) target(%dma_start3A_222 : memref<10240x128xf32, #tpu.memory_space<vmem_shared>>) offsets(%dma_start3A_219 : memref<128xi32, #tpu.memory_space<vmem>>) semaphore(%run_scoped3A_216 : memref<!tpu.dma_semaphore, #tpu.memory_space<semaphore_mem>>) {add = true}
        %dma_wait3A_223 = arith.constant 0 : i32
        %dma_wait3A_224 = tpu.memref_slice %arg8[%add3A_208, %dma_wait3A_223] : memref<80x128xi32, #tpu.memory_space<vmem>> -> memref<1x128xi32, #tpu.memory_space<vmem>>
        %dma_wait3A_225 = tpu.memref_squeeze %dma_wait3A_224 : memref<1x128xi32, #tpu.memory_space<vmem>> -> memref<128xi32, #tpu.memory_space<vmem>>
        %dma_wait3A_226 = arith.constant 0 : i32
        %dma_wait3A_227 = arith.constant 0 : i32
        %dma_wait3A_228 = tpu.memref_slice %arg6[%dma_wait3A_226, %dma_wait3A_227] : memref<10240x128xf32, #tpu.memory_space<vmem_shared>> -> memref<10240x128xf32, #tpu.memory_space<vmem_shared>>
        tpu.wait_indirect_dma semaphore(%run_scoped3A_216 : memref<!tpu.dma_semaphore, #tpu.memory_space<semaphore_mem>>) src(%arg10 : memref<128x128xf32, #tpu.memory_space<vmem>>) dst(%dma_wait3A_228 : memref<10240x128xf32, #tpu.memory_space<vmem_shared>>)
        tpu.yield
      }) : () -> ()
      %add3A_209 = arith.constant 2 : i32
      %add3A_210 = arith.addi %add3A_185, %add3A_209 : i32
      %lt3A_211 = arith.constant 26 : i32
      %lt3A_212 = arith.cmpi slt, %add3A_210, %lt3A_211 : i32
      %convert_element_type3A_213 = arith.extui %lt3A_212 : i1 to i32
      %cond3A_214 = arith.constant 0 : i32
      %cond3A_215 = arith.cmpi ne, %convert_element_type3A_213, %cond3A_214 : i32
      scf.if %cond3A_215 {
        %add3A_216 = arith.constant 2 : i32
        %add3A_217 = arith.addi %add3A_185, %add3A_216 : i32
        %mul3A_218 = arith.constant 128 : i32
        %mul3A_219 = arith.muli %mul3A_218, %add3A_217 : i32
        %dma_start3A_220 = tpu.memref_slice %arg7[%mul3A_219] : memref<3328xi32, #tpu.memory_space<vmem>> -> memref<128xi32, #tpu.memory_space<vmem>>
        %dma_start3A_221 = arith.constant 0 : i32
        %dma_start3A_222 = arith.constant 0 : i32
        %dma_start3A_223 = tpu.memref_slice %arg2[%dma_start3A_221, %dma_start3A_222] : memref<10000x128xf32, #tpu.memory_space<hbm>> -> memref<10000x128xf32, #tpu.memory_space<hbm>>
        tpu.enqueue_indirect_dma source(%dma_start3A_223 : memref<10000x128xf32, #tpu.memory_space<hbm>>) target(%arg10 : memref<128x128xf32, #tpu.memory_space<vmem>>) offsets(%dma_start3A_220 : memref<128xi32, #tpu.memory_space<vmem>>) semaphore(%arg12 : memref<!tpu.dma_semaphore, #tpu.memory_space<semaphore_mem>>)
      } else {
      }
    }
    %scan3A_62 = arith.constant 13 : i32
    %mul3A_63 = arith.constant 9984 : i32
    %mul3A_64 = arith.muli %mul3A_63, %add3A : i32
    %add3A_65 = arith.constant 6656 : i32
    %add3A_66 = arith.addi %mul3A_64, %add3A_65 : i32
    %run_scoped3A_67 = arith.constant 0 : i32
    "tpu.region"() ({
      %run_scoped3A_175 = tpu.sem_alloc : memref<!tpu.dma_semaphore, #tpu.memory_space<semaphore_mem>>
      %dma_start3A_176 = tpu.memref_slice %arg3[%run_scoped3A_67, %add3A_66] : memref<2x320000xi32, #tpu.memory_space<hbm>> -> memref<1x3328xi32, #tpu.memory_space<hbm>>
      %dma_start3A_177 = tpu.memref_squeeze %dma_start3A_176 : memref<1x3328xi32, #tpu.memory_space<hbm>> -> memref<3328xi32, #tpu.memory_space<hbm>>
      %dma_start3A_178 = tpu.memref_slice %arg3[%run_scoped3A_67, %add3A_66] : memref<2x320000xi32, #tpu.memory_space<hbm>> -> memref<1x3328xi32, #tpu.memory_space<hbm>>
      %dma_start3A_179 = tpu.memref_squeeze %dma_start3A_178 : memref<1x3328xi32, #tpu.memory_space<hbm>> -> memref<3328xi32, #tpu.memory_space<hbm>>
      tpu.enqueue_dma source(%dma_start3A_179 : memref<3328xi32, #tpu.memory_space<hbm>>) target(%arg7 : memref<3328xi32, #tpu.memory_space<vmem>>) target_semaphore(%run_scoped3A_175 : memref<!tpu.dma_semaphore, #tpu.memory_space<semaphore_mem>>)
      %dma_wait3A_180 = tpu.memref_slice %arg3[%run_scoped3A_67, %add3A_66] : memref<2x320000xi32, #tpu.memory_space<hbm>> -> memref<1x3328xi32, #tpu.memory_space<hbm>>
      %dma_wait3A_181 = tpu.memref_squeeze %dma_wait3A_180 : memref<1x3328xi32, #tpu.memory_space<hbm>> -> memref<3328xi32, #tpu.memory_space<hbm>>
      %dma_wait3A_182 = tpu.memref_slice %arg3[%run_scoped3A_67, %add3A_66] : memref<2x320000xi32, #tpu.memory_space<hbm>> -> memref<1x3328xi32, #tpu.memory_space<hbm>>
      %dma_wait3A_183 = tpu.memref_squeeze %dma_wait3A_182 : memref<1x3328xi32, #tpu.memory_space<hbm>> -> memref<3328xi32, #tpu.memory_space<hbm>>
      tpu.wait_dma2 semaphore(%run_scoped3A_175 : memref<!tpu.dma_semaphore, #tpu.memory_space<semaphore_mem>>) src(%dma_wait3A_183 : memref<3328xi32, #tpu.memory_space<hbm>>) dst(%arg7 : memref<3328xi32, #tpu.memory_space<vmem>>)
      tpu.yield
    }) : () -> ()
    %dma_start3A_68 = arith.constant 0 : i32
    %dma_start3A_69 = tpu.memref_slice %arg7[%dma_start3A_68] : memref<3328xi32, #tpu.memory_space<vmem>> -> memref<128xi32, #tpu.memory_space<vmem>>
    %dma_start3A_70 = arith.constant 0 : i32
    %dma_start3A_71 = arith.constant 0 : i32
    %dma_start3A_72 = tpu.memref_slice %arg2[%dma_start3A_70, %dma_start3A_71] : memref<10000x128xf32, #tpu.memory_space<hbm>> -> memref<10000x128xf32, #tpu.memory_space<hbm>>
    tpu.enqueue_indirect_dma source(%dma_start3A_72 : memref<10000x128xf32, #tpu.memory_space<hbm>>) target(%arg9 : memref<128x128xf32, #tpu.memory_space<vmem>>) offsets(%dma_start3A_69 : memref<128xi32, #tpu.memory_space<vmem>>) semaphore(%arg11 : memref<!tpu.dma_semaphore, #tpu.memory_space<semaphore_mem>>)
    %dma_start3A_73 = arith.constant 128 : i32
    %dma_start3A_74 = tpu.memref_slice %arg7[%dma_start3A_73] : memref<3328xi32, #tpu.memory_space<vmem>> -> memref<128xi32, #tpu.memory_space<vmem>>
    %dma_start3A_75 = arith.constant 0 : i32
    %dma_start3A_76 = arith.constant 0 : i32
    %dma_start3A_77 = tpu.memref_slice %arg2[%dma_start3A_75, %dma_start3A_76] : memref<10000x128xf32, #tpu.memory_space<hbm>> -> memref<10000x128xf32, #tpu.memory_space<hbm>>
    tpu.enqueue_indirect_dma source(%dma_start3A_77 : memref<10000x128xf32, #tpu.memory_space<hbm>>) target(%arg10 : memref<128x128xf32, #tpu.memory_space<vmem>>) offsets(%dma_start3A_74 : memref<128xi32, #tpu.memory_space<vmem>>) semaphore(%arg12 : memref<!tpu.dma_semaphore, #tpu.memory_space<semaphore_mem>>)
    %scan3A_78 = arith.constant 0 : i32
    %scan3A_79 = arith.constant 13 : i32
    %scan3A_80 = arith.addi %scan3A_78, %scan3A_79 : i32
    %scan3A_81 = arith.constant 1 : i32
    scf.for %scan3A_175 = %scan3A_78 to %scan3A_80 step %scan3A_81  : i32 {
      %mul3A_176 = arith.constant 1 : i32
      %mul3A_177 = arith.muli %scan3A_175, %mul3A_176 : i32
      %add3A_178 = arith.constant 0 : i32
      %add3A_179 = arith.addi %add3A_178, %mul3A_177 : i32
      %mul3A_180 = arith.constant 2 : i32
      %mul3A_181 = arith.muli %mul3A_180, %add3A_179 : i32
      %mul3A_182 = arith.constant 2 : i32
      %mul3A_183 = arith.muli %mul3A_182, %add3A_179 : i32
      %add3A_184 = arith.constant 1 : i32
      %add3A_185 = arith.addi %mul3A_183, %add3A_184 : i32
      %mul3A_186 = arith.constant 128 : i32
      %mul3A_187 = arith.muli %mul3A_186, %mul3A_181 : i32
      %dma_wait3A_188 = tpu.memref_slice %arg7[%mul3A_187] : memref<3328xi32, #tpu.memory_space<vmem>> -> memref<128xi32, #tpu.memory_space<vmem>>
      %dma_wait3A_189 = arith.constant 0 : i32
      %dma_wait3A_190 = arith.constant 0 : i32
      %dma_wait3A_191 = tpu.memref_slice %arg2[%dma_wait3A_189, %dma_wait3A_190] : memref<10000x128xf32, #tpu.memory_space<hbm>> -> memref<10000x128xf32, #tpu.memory_space<hbm>>
      tpu.wait_indirect_dma semaphore(%arg11 : memref<!tpu.dma_semaphore, #tpu.memory_space<semaphore_mem>>) src(%dma_wait3A_191 : memref<10000x128xf32, #tpu.memory_space<hbm>>) dst(%arg9 : memref<128x128xf32, #tpu.memory_space<vmem>>)
      %add3A_192 = arith.constant 52 : i32
      %add3A_193 = arith.addi %add3A_192, %mul3A_181 : i32
      "tpu.region"() ({
        %run_scoped3A_216 = tpu.sem_alloc : memref<!tpu.dma_semaphore, #tpu.memory_space<semaphore_mem>>
        %dma_start3A_217 = arith.constant 0 : i32
        %dma_start3A_218 = tpu.memref_slice %arg8[%add3A_193, %dma_start3A_217] : memref<80x128xi32, #tpu.memory_space<vmem>> -> memref<1x128xi32, #tpu.memory_space<vmem>>
        %dma_start3A_219 = tpu.memref_squeeze %dma_start3A_218 : memref<1x128xi32, #tpu.memory_space<vmem>> -> memref<128xi32, #tpu.memory_space<vmem>>
        %dma_start3A_220 = arith.constant 0 : i32
        %dma_start3A_221 = arith.constant 0 : i32
        %dma_start3A_222 = tpu.memref_slice %arg6[%dma_start3A_220, %dma_start3A_221] : memref<10240x128xf32, #tpu.memory_space<vmem_shared>> -> memref<10240x128xf32, #tpu.memory_space<vmem_shared>>
        tpu.enqueue_indirect_dma source(%arg9 : memref<128x128xf32, #tpu.memory_space<vmem>>) target(%dma_start3A_222 : memref<10240x128xf32, #tpu.memory_space<vmem_shared>>) offsets(%dma_start3A_219 : memref<128xi32, #tpu.memory_space<vmem>>) semaphore(%run_scoped3A_216 : memref<!tpu.dma_semaphore, #tpu.memory_space<semaphore_mem>>) {add = true}
        %dma_wait3A_223 = arith.constant 0 : i32
        %dma_wait3A_224 = tpu.memref_slice %arg8[%add3A_193, %dma_wait3A_223] : memref<80x128xi32, #tpu.memory_space<vmem>> -> memref<1x128xi32, #tpu.memory_space<vmem>>
        %dma_wait3A_225 = tpu.memref_squeeze %dma_wait3A_224 : memref<1x128xi32, #tpu.memory_space<vmem>> -> memref<128xi32, #tpu.memory_space<vmem>>
        %dma_wait3A_226 = arith.constant 0 : i32
        %dma_wait3A_227 = arith.constant 0 : i32
        %dma_wait3A_228 = tpu.memref_slice %arg6[%dma_wait3A_226, %dma_wait3A_227] : memref<10240x128xf32, #tpu.memory_space<vmem_shared>> -> memref<10240x128xf32, #tpu.memory_space<vmem_shared>>
        tpu.wait_indirect_dma semaphore(%run_scoped3A_216 : memref<!tpu.dma_semaphore, #tpu.memory_space<semaphore_mem>>) src(%arg9 : memref<128x128xf32, #tpu.memory_space<vmem>>) dst(%dma_wait3A_228 : memref<10240x128xf32, #tpu.memory_space<vmem_shared>>)
        tpu.yield
      }) : () -> ()
      %add3A_194 = arith.constant 2 : i32
      %add3A_195 = arith.addi %mul3A_181, %add3A_194 : i32
      %lt3A_196 = arith.constant 26 : i32
      %lt3A_197 = arith.cmpi slt, %add3A_195, %lt3A_196 : i32
      %convert_element_type3A_198 = arith.extui %lt3A_197 : i1 to i32
      %cond3A_199 = arith.constant 0 : i32
      %cond3A_200 = arith.cmpi ne, %convert_element_type3A_198, %cond3A_199 : i32
      scf.if %cond3A_200 {
        %add3A_216 = arith.constant 2 : i32
        %add3A_217 = arith.addi %mul3A_181, %add3A_216 : i32
        %mul3A_218 = arith.constant 128 : i32
        %mul3A_219 = arith.muli %mul3A_218, %add3A_217 : i32
        %dma_start3A_220 = tpu.memref_slice %arg7[%mul3A_219] : memref<3328xi32, #tpu.memory_space<vmem>> -> memref<128xi32, #tpu.memory_space<vmem>>
        %dma_start3A_221 = arith.constant 0 : i32
        %dma_start3A_222 = arith.constant 0 : i32
        %dma_start3A_223 = tpu.memref_slice %arg2[%dma_start3A_221, %dma_start3A_222] : memref<10000x128xf32, #tpu.memory_space<hbm>> -> memref<10000x128xf32, #tpu.memory_space<hbm>>
        tpu.enqueue_indirect_dma source(%dma_start3A_223 : memref<10000x128xf32, #tpu.memory_space<hbm>>) target(%arg9 : memref<128x128xf32, #tpu.memory_space<vmem>>) offsets(%dma_start3A_220 : memref<128xi32, #tpu.memory_space<vmem>>) semaphore(%arg11 : memref<!tpu.dma_semaphore, #tpu.memory_space<semaphore_mem>>)
      } else {
      }
      %mul3A_201 = arith.constant 128 : i32
      %mul3A_202 = arith.muli %mul3A_201, %add3A_185 : i32
      %dma_wait3A_203 = tpu.memref_slice %arg7[%mul3A_202] : memref<3328xi32, #tpu.memory_space<vmem>> -> memref<128xi32, #tpu.memory_space<vmem>>
      %dma_wait3A_204 = arith.constant 0 : i32
      %dma_wait3A_205 = arith.constant 0 : i32
      %dma_wait3A_206 = tpu.memref_slice %arg2[%dma_wait3A_204, %dma_wait3A_205] : memref<10000x128xf32, #tpu.memory_space<hbm>> -> memref<10000x128xf32, #tpu.memory_space<hbm>>
      tpu.wait_indirect_dma semaphore(%arg12 : memref<!tpu.dma_semaphore, #tpu.memory_space<semaphore_mem>>) src(%dma_wait3A_206 : memref<10000x128xf32, #tpu.memory_space<hbm>>) dst(%arg10 : memref<128x128xf32, #tpu.memory_space<vmem>>)
      %add3A_207 = arith.constant 52 : i32
      %add3A_208 = arith.addi %add3A_207, %add3A_185 : i32
      "tpu.region"() ({
        %run_scoped3A_216 = tpu.sem_alloc : memref<!tpu.dma_semaphore, #tpu.memory_space<semaphore_mem>>
        %dma_start3A_217 = arith.constant 0 : i32
        %dma_start3A_218 = tpu.memref_slice %arg8[%add3A_208, %dma_start3A_217] : memref<80x128xi32, #tpu.memory_space<vmem>> -> memref<1x128xi32, #tpu.memory_space<vmem>>
        %dma_start3A_219 = tpu.memref_squeeze %dma_start3A_218 : memref<1x128xi32, #tpu.memory_space<vmem>> -> memref<128xi32, #tpu.memory_space<vmem>>
        %dma_start3A_220 = arith.constant 0 : i32
        %dma_start3A_221 = arith.constant 0 : i32
        %dma_start3A_222 = tpu.memref_slice %arg6[%dma_start3A_220, %dma_start3A_221] : memref<10240x128xf32, #tpu.memory_space<vmem_shared>> -> memref<10240x128xf32, #tpu.memory_space<vmem_shared>>
        tpu.enqueue_indirect_dma source(%arg10 : memref<128x128xf32, #tpu.memory_space<vmem>>) target(%dma_start3A_222 : memref<10240x128xf32, #tpu.memory_space<vmem_shared>>) offsets(%dma_start3A_219 : memref<128xi32, #tpu.memory_space<vmem>>) semaphore(%run_scoped3A_216 : memref<!tpu.dma_semaphore, #tpu.memory_space<semaphore_mem>>) {add = true}
        %dma_wait3A_223 = arith.constant 0 : i32
        %dma_wait3A_224 = tpu.memref_slice %arg8[%add3A_208, %dma_wait3A_223] : memref<80x128xi32, #tpu.memory_space<vmem>> -> memref<1x128xi32, #tpu.memory_space<vmem>>
        %dma_wait3A_225 = tpu.memref_squeeze %dma_wait3A_224 : memref<1x128xi32, #tpu.memory_space<vmem>> -> memref<128xi32, #tpu.memory_space<vmem>>
        %dma_wait3A_226 = arith.constant 0 : i32
        %dma_wait3A_227 = arith.constant 0 : i32
        %dma_wait3A_228 = tpu.memref_slice %arg6[%dma_wait3A_226, %dma_wait3A_227] : memref<10240x128xf32, #tpu.memory_space<vmem_shared>> -> memref<10240x128xf32, #tpu.memory_space<vmem_shared>>
        tpu.wait_indirect_dma semaphore(%run_scoped3A_216 : memref<!tpu.dma_semaphore, #tpu.memory_space<semaphore_mem>>) src(%arg10 : memref<128x128xf32, #tpu.memory_space<vmem>>) dst(%dma_wait3A_228 : memref<10240x128xf32, #tpu.memory_space<vmem_shared>>)
        tpu.yield
      }) : () -> ()
      %add3A_209 = arith.constant 2 : i32
      %add3A_210 = arith.addi %add3A_185, %add3A_209 : i32
      %lt3A_211 = arith.constant 26 : i32
      %lt3A_212 = arith.cmpi slt, %add3A_210, %lt3A_211 : i32
      %convert_element_type3A_213 = arith.extui %lt3A_212 : i1 to i32
      %cond3A_214 = arith.constant 0 : i32
      %cond3A_215 = arith.cmpi ne, %convert_element_type3A_213, %cond3A_214 : i32
      scf.if %cond3A_215 {
        %add3A_216 = arith.constant 2 : i32
        %add3A_217 = arith.addi %add3A_185, %add3A_216 : i32
        %mul3A_218 = arith.constant 128 : i32
        %mul3A_219 = arith.muli %mul3A_218, %add3A_217 : i32
        %dma_start3A_220 = tpu.memref_slice %arg7[%mul3A_219] : memref<3328xi32, #tpu.memory_space<vmem>> -> memref<128xi32, #tpu.memory_space<vmem>>
        %dma_start3A_221 = arith.constant 0 : i32
        %dma_start3A_222 = arith.constant 0 : i32
        %dma_start3A_223 = tpu.memref_slice %arg2[%dma_start3A_221, %dma_start3A_222] : memref<10000x128xf32, #tpu.memory_space<hbm>> -> memref<10000x128xf32, #tpu.memory_space<hbm>>
        tpu.enqueue_indirect_dma source(%dma_start3A_223 : memref<10000x128xf32, #tpu.memory_space<hbm>>) target(%arg10 : memref<128x128xf32, #tpu.memory_space<vmem>>) offsets(%dma_start3A_220 : memref<128xi32, #tpu.memory_space<vmem>>) semaphore(%arg12 : memref<!tpu.dma_semaphore, #tpu.memory_space<semaphore_mem>>)
      } else {
      }
    }
    %scan3A_82 = arith.constant 13 : i32
    %lt3A = arith.constant 4 : i32
    %lt3A_83 = arith.cmpi slt, %add3A, %lt3A : i32
    %convert_element_type3A = arith.extui %lt3A_83 : i1 to i32
    %cond3A = arith.constant 0 : i32
    %cond3A_84 = arith.cmpi ne, %convert_element_type3A, %cond3A : i32
    scf.if %cond3A_84 {
      %mul3A_175 = arith.constant 128 : i32
      %mul3A_176 = arith.muli %mul3A_175, %add3A : i32
      %add3A_177 = arith.constant 319488 : i32
      %add3A_178 = arith.addi %add3A_177, %mul3A_176 : i32
      %run_scoped3A_179 = arith.constant 0 : i32
      "tpu.region"() ({
        %run_scoped3A_191 = tpu.sem_alloc : memref<!tpu.dma_semaphore, #tpu.memory_space<semaphore_mem>>
        %dma_start3A_192 = arith.constant 0 : i32
        %dma_start3A_193 = tpu.memref_slice %arg7[%dma_start3A_192] : memref<3328xi32, #tpu.memory_space<vmem>> -> memref<128xi32, #tpu.memory_space<vmem>>
        %dma_start3A_194 = tpu.memref_slice %arg3[%run_scoped3A_179, %add3A_178] : memref<2x320000xi32, #tpu.memory_space<hbm>> -> memref<1x128xi32, #tpu.memory_space<hbm>>
        %dma_start3A_195 = tpu.memref_squeeze %dma_start3A_194 : memref<1x128xi32, #tpu.memory_space<hbm>> -> memref<128xi32, #tpu.memory_space<hbm>>
        %dma_start3A_196 = arith.constant 0 : i32
        %dma_start3A_197 = tpu.memref_slice %arg7[%dma_start3A_196] : memref<3328xi32, #tpu.memory_space<vmem>> -> memref<128xi32, #tpu.memory_space<vmem>>
        %dma_start3A_198 = tpu.memref_slice %arg3[%run_scoped3A_179, %add3A_178] : memref<2x320000xi32, #tpu.memory_space<hbm>> -> memref<1x128xi32, #tpu.memory_space<hbm>>
        %dma_start3A_199 = tpu.memref_squeeze %dma_start3A_198 : memref<1x128xi32, #tpu.memory_space<hbm>> -> memref<128xi32, #tpu.memory_space<hbm>>
        tpu.enqueue_dma source(%dma_start3A_199 : memref<128xi32, #tpu.memory_space<hbm>>) target(%dma_start3A_197 : memref<128xi32, #tpu.memory_space<vmem>>) target_semaphore(%run_scoped3A_191 : memref<!tpu.dma_semaphore, #tpu.memory_space<semaphore_mem>>)
        %dma_wait3A_200 = arith.constant 0 : i32
        %dma_wait3A_201 = tpu.memref_slice %arg7[%dma_wait3A_200] : memref<3328xi32, #tpu.memory_space<vmem>> -> memref<128xi32, #tpu.memory_space<vmem>>
        %dma_wait3A_202 = tpu.memref_slice %arg3[%run_scoped3A_179, %add3A_178] : memref<2x320000xi32, #tpu.memory_space<hbm>> -> memref<1x128xi32, #tpu.memory_space<hbm>>
        %dma_wait3A_203 = tpu.memref_squeeze %dma_wait3A_202 : memref<1x128xi32, #tpu.memory_space<hbm>> -> memref<128xi32, #tpu.memory_space<hbm>>
        %dma_wait3A_204 = arith.constant 0 : i32
        %dma_wait3A_205 = tpu.memref_slice %arg7[%dma_wait3A_204] : memref<3328xi32, #tpu.memory_space<vmem>> -> memref<128xi32, #tpu.memory_space<vmem>>
        %dma_wait3A_206 = tpu.memref_slice %arg3[%run_scoped3A_179, %add3A_178] : memref<2x320000xi32, #tpu.memory_space<hbm>> -> memref<1x128xi32, #tpu.memory_space<hbm>>
        %dma_wait3A_207 = tpu.memref_squeeze %dma_wait3A_206 : memref<1x128xi32, #tpu.memory_space<hbm>> -> memref<128xi32, #tpu.memory_space<hbm>>
        tpu.wait_dma2 semaphore(%run_scoped3A_191 : memref<!tpu.dma_semaphore, #tpu.memory_space<semaphore_mem>>) src(%dma_wait3A_207 : memref<128xi32, #tpu.memory_space<hbm>>) dst(%dma_wait3A_205 : memref<128xi32, #tpu.memory_space<vmem>>)
        tpu.yield
      }) : () -> ()
      %dma_start3A_180 = arith.constant 0 : i32
      %dma_start3A_181 = tpu.memref_slice %arg7[%dma_start3A_180] : memref<3328xi32, #tpu.memory_space<vmem>> -> memref<128xi32, #tpu.memory_space<vmem>>
      %dma_start3A_182 = arith.constant 0 : i32
      %dma_start3A_183 = arith.constant 0 : i32
      %dma_start3A_184 = tpu.memref_slice %arg2[%dma_start3A_182, %dma_start3A_183] : memref<10000x128xf32, #tpu.memory_space<hbm>> -> memref<10000x128xf32, #tpu.memory_space<hbm>>
      tpu.enqueue_indirect_dma source(%dma_start3A_184 : memref<10000x128xf32, #tpu.memory_space<hbm>>) target(%arg9 : memref<128x128xf32, #tpu.memory_space<vmem>>) offsets(%dma_start3A_181 : memref<128xi32, #tpu.memory_space<vmem>>) semaphore(%arg11 : memref<!tpu.dma_semaphore, #tpu.memory_space<semaphore_mem>>)
      %dma_wait3A_185 = arith.constant 0 : i32
      %dma_wait3A_186 = tpu.memref_slice %arg7[%dma_wait3A_185] : memref<3328xi32, #tpu.memory_space<vmem>> -> memref<128xi32, #tpu.memory_space<vmem>>
      %dma_wait3A_187 = arith.constant 0 : i32
      %dma_wait3A_188 = arith.constant 0 : i32
      %dma_wait3A_189 = tpu.memref_slice %arg2[%dma_wait3A_187, %dma_wait3A_188] : memref<10000x128xf32, #tpu.memory_space<hbm>> -> memref<10000x128xf32, #tpu.memory_space<hbm>>
      tpu.wait_indirect_dma semaphore(%arg11 : memref<!tpu.dma_semaphore, #tpu.memory_space<semaphore_mem>>) src(%dma_wait3A_189 : memref<10000x128xf32, #tpu.memory_space<hbm>>) dst(%arg9 : memref<128x128xf32, #tpu.memory_space<vmem>>)
      %run_scoped3A_190 = arith.constant 78 : i32
      "tpu.region"() ({
        %run_scoped3A_191 = tpu.sem_alloc : memref<!tpu.dma_semaphore, #tpu.memory_space<semaphore_mem>>
        %dma_start3A_192 = arith.constant 0 : i32
        %dma_start3A_193 = tpu.memref_slice %arg8[%run_scoped3A_190, %dma_start3A_192] : memref<80x128xi32, #tpu.memory_space<vmem>> -> memref<1x128xi32, #tpu.memory_space<vmem>>
        %dma_start3A_194 = tpu.memref_squeeze %dma_start3A_193 : memref<1x128xi32, #tpu.memory_space<vmem>> -> memref<128xi32, #tpu.memory_space<vmem>>
        %dma_start3A_195 = arith.constant 0 : i32
        %dma_start3A_196 = arith.constant 0 : i32
        %dma_start3A_197 = tpu.memref_slice %arg6[%dma_start3A_195, %dma_start3A_196] : memref<10240x128xf32, #tpu.memory_space<vmem_shared>> -> memref<10240x128xf32, #tpu.memory_space<vmem_shared>>
        tpu.enqueue_indirect_dma source(%arg9 : memref<128x128xf32, #tpu.memory_space<vmem>>) target(%dma_start3A_197 : memref<10240x128xf32, #tpu.memory_space<vmem_shared>>) offsets(%dma_start3A_194 : memref<128xi32, #tpu.memory_space<vmem>>) semaphore(%run_scoped3A_191 : memref<!tpu.dma_semaphore, #tpu.memory_space<semaphore_mem>>) {add = true}
        %dma_wait3A_198 = arith.constant 0 : i32
        %dma_wait3A_199 = tpu.memref_slice %arg8[%run_scoped3A_190, %dma_wait3A_198] : memref<80x128xi32, #tpu.memory_space<vmem>> -> memref<1x128xi32, #tpu.memory_space<vmem>>
        %dma_wait3A_200 = tpu.memref_squeeze %dma_wait3A_199 : memref<1x128xi32, #tpu.memory_space<vmem>> -> memref<128xi32, #tpu.memory_space<vmem>>
        %dma_wait3A_201 = arith.constant 0 : i32
        %dma_wait3A_202 = arith.constant 0 : i32
        %dma_wait3A_203 = tpu.memref_slice %arg6[%dma_wait3A_201, %dma_wait3A_202] : memref<10240x128xf32, #tpu.memory_space<vmem_shared>> -> memref<10240x128xf32, #tpu.memory_space<vmem_shared>>
        tpu.wait_indirect_dma semaphore(%run_scoped3A_191 : memref<!tpu.dma_semaphore, #tpu.memory_space<semaphore_mem>>) src(%arg9 : memref<128x128xf32, #tpu.memory_space<vmem>>) dst(%dma_wait3A_203 : memref<10240x128xf32, #tpu.memory_space<vmem_shared>>)
        tpu.yield
      }) : () -> ()
    } else {
    }
    %barrier3A_85 = arith.constant 0 : index
    tpu.barrier barrier_id(%barrier3A_85)
    %mul3A_86 = arith.constant 640 : i32
    %mul3A_87 = arith.muli %mul3A_86, %arg1 : i32
    %add3A_88 = arith.constant 0 : i32
    %add3A_89 = arith.addi %mul3A_87, %add3A_88 : i32
    %dma_start3A_90 = arith.constant 0 : i32
    %dma_start3A_91 = tpu.memref_slice %arg5[%arg0, %add3A_89, %dma_start3A_90] : memref<2x10240x128xf32, #tpu.memory_space<hbm>> -> memref<1x128x128xf32, #tpu.memory_space<hbm>>
    %dma_start3A_92 = tpu.memref_squeeze %dma_start3A_91 : memref<1x128x128xf32, #tpu.memory_space<hbm>> -> memref<128x128xf32, #tpu.memory_space<hbm>>
    %dma_start3A_93 = arith.constant 0 : i32
    %dma_start3A_94 = tpu.memref_slice %arg6[%add3A_89, %dma_start3A_93] : memref<10240x128xf32, #tpu.memory_space<vmem_shared>> -> memref<128x128xf32, #tpu.memory_space<vmem_shared>>
    tpu.enqueue_dma source(%dma_start3A_94 : memref<128x128xf32, #tpu.memory_space<vmem_shared>>) target(%dma_start3A_92 : memref<128x128xf32, #tpu.memory_space<hbm>>) target_semaphore(%arg11 : memref<!tpu.dma_semaphore, #tpu.memory_space<semaphore_mem>>)
    %mul3A_95 = arith.constant 640 : i32
    %mul3A_96 = arith.muli %mul3A_95, %arg1 : i32
    %add3A_97 = arith.constant 128 : i32
    %add3A_98 = arith.addi %mul3A_96, %add3A_97 : i32
    %dma_start3A_99 = arith.constant 0 : i32
    %dma_start3A_100 = tpu.memref_slice %arg5[%arg0, %add3A_98, %dma_start3A_99] : memref<2x10240x128xf32, #tpu.memory_space<hbm>> -> memref<1x128x128xf32, #tpu.memory_space<hbm>>
    %dma_start3A_101 = tpu.memref_squeeze %dma_start3A_100 : memref<1x128x128xf32, #tpu.memory_space<hbm>> -> memref<128x128xf32, #tpu.memory_space<hbm>>
    %dma_start3A_102 = arith.constant 0 : i32
    %dma_start3A_103 = tpu.memref_slice %arg6[%add3A_98, %dma_start3A_102] : memref<10240x128xf32, #tpu.memory_space<vmem_shared>> -> memref<128x128xf32, #tpu.memory_space<vmem_shared>>
    tpu.enqueue_dma source(%dma_start3A_103 : memref<128x128xf32, #tpu.memory_space<vmem_shared>>) target(%dma_start3A_101 : memref<128x128xf32, #tpu.memory_space<hbm>>) target_semaphore(%arg11 : memref<!tpu.dma_semaphore, #tpu.memory_space<semaphore_mem>>)
    %mul3A_104 = arith.constant 640 : i32
    %mul3A_105 = arith.muli %mul3A_104, %arg1 : i32
    %add3A_106 = arith.constant 256 : i32
    %add3A_107 = arith.addi %mul3A_105, %add3A_106 : i32
    %dma_start3A_108 = arith.constant 0 : i32
    %dma_start3A_109 = tpu.memref_slice %arg5[%arg0, %add3A_107, %dma_start3A_108] : memref<2x10240x128xf32, #tpu.memory_space<hbm>> -> memref<1x128x128xf32, #tpu.memory_space<hbm>>
    %dma_start3A_110 = tpu.memref_squeeze %dma_start3A_109 : memref<1x128x128xf32, #tpu.memory_space<hbm>> -> memref<128x128xf32, #tpu.memory_space<hbm>>
    %dma_start3A_111 = arith.constant 0 : i32
    %dma_start3A_112 = tpu.memref_slice %arg6[%add3A_107, %dma_start3A_111] : memref<10240x128xf32, #tpu.memory_space<vmem_shared>> -> memref<128x128xf32, #tpu.memory_space<vmem_shared>>
    tpu.enqueue_dma source(%dma_start3A_112 : memref<128x128xf32, #tpu.memory_space<vmem_shared>>) target(%dma_start3A_110 : memref<128x128xf32, #tpu.memory_space<hbm>>) target_semaphore(%arg11 : memref<!tpu.dma_semaphore, #tpu.memory_space<semaphore_mem>>)
    %mul3A_113 = arith.constant 640 : i32
    %mul3A_114 = arith.muli %mul3A_113, %arg1 : i32
    %add3A_115 = arith.constant 384 : i32
    %add3A_116 = arith.addi %mul3A_114, %add3A_115 : i32
    %dma_start3A_117 = arith.constant 0 : i32
    %dma_start3A_118 = tpu.memref_slice %arg5[%arg0, %add3A_116, %dma_start3A_117] : memref<2x10240x128xf32, #tpu.memory_space<hbm>> -> memref<1x128x128xf32, #tpu.memory_space<hbm>>
    %dma_start3A_119 = tpu.memref_squeeze %dma_start3A_118 : memref<1x128x128xf32, #tpu.memory_space<hbm>> -> memref<128x128xf32, #tpu.memory_space<hbm>>
    %dma_start3A_120 = arith.constant 0 : i32
    %dma_start3A_121 = tpu.memref_slice %arg6[%add3A_116, %dma_start3A_120] : memref<10240x128xf32, #tpu.memory_space<vmem_shared>> -> memref<128x128xf32, #tpu.memory_space<vmem_shared>>
    tpu.enqueue_dma source(%dma_start3A_121 : memref<128x128xf32, #tpu.memory_space<vmem_shared>>) target(%dma_start3A_119 : memref<128x128xf32, #tpu.memory_space<hbm>>) target_semaphore(%arg11 : memref<!tpu.dma_semaphore, #tpu.memory_space<semaphore_mem>>)
    %mul3A_122 = arith.constant 640 : i32
    %mul3A_123 = arith.muli %mul3A_122, %arg1 : i32
    %add3A_124 = arith.constant 512 : i32
    %add3A_125 = arith.addi %mul3A_123, %add3A_124 : i32
    %dma_start3A_126 = arith.constant 0 : i32
    %dma_start3A_127 = tpu.memref_slice %arg5[%arg0, %add3A_125, %dma_start3A_126] : memref<2x10240x128xf32, #tpu.memory_space<hbm>> -> memref<1x128x128xf32, #tpu.memory_space<hbm>>
    %dma_start3A_128 = tpu.memref_squeeze %dma_start3A_127 : memref<1x128x128xf32, #tpu.memory_space<hbm>> -> memref<128x128xf32, #tpu.memory_space<hbm>>
    %dma_start3A_129 = arith.constant 0 : i32
    %dma_start3A_130 = tpu.memref_slice %arg6[%add3A_125, %dma_start3A_129] : memref<10240x128xf32, #tpu.memory_space<vmem_shared>> -> memref<128x128xf32, #tpu.memory_space<vmem_shared>>
    tpu.enqueue_dma source(%dma_start3A_130 : memref<128x128xf32, #tpu.memory_space<vmem_shared>>) target(%dma_start3A_128 : memref<128x128xf32, #tpu.memory_space<hbm>>) target_semaphore(%arg11 : memref<!tpu.dma_semaphore, #tpu.memory_space<semaphore_mem>>)
    %mul3A_131 = arith.constant 640 : i32
    %mul3A_132 = arith.muli %mul3A_131, %arg1 : i32
    %add3A_133 = arith.constant 0 : i32
    %add3A_134 = arith.addi %mul3A_132, %add3A_133 : i32
    %dma_wait3A = arith.constant 0 : i32
    %dma_wait3A_135 = tpu.memref_slice %arg5[%arg0, %add3A_134, %dma_wait3A] : memref<2x10240x128xf32, #tpu.memory_space<hbm>> -> memref<1x128x128xf32, #tpu.memory_space<hbm>>
    %dma_wait3A_136 = tpu.memref_squeeze %dma_wait3A_135 : memref<1x128x128xf32, #tpu.memory_space<hbm>> -> memref<128x128xf32, #tpu.memory_space<hbm>>
    %dma_wait3A_137 = arith.constant 0 : i32
    %dma_wait3A_138 = tpu.memref_slice %arg6[%add3A_134, %dma_wait3A_137] : memref<10240x128xf32, #tpu.memory_space<vmem_shared>> -> memref<128x128xf32, #tpu.memory_space<vmem_shared>>
    tpu.wait_dma2 semaphore(%arg11 : memref<!tpu.dma_semaphore, #tpu.memory_space<semaphore_mem>>) src(%dma_wait3A_138 : memref<128x128xf32, #tpu.memory_space<vmem_shared>>) dst(%dma_wait3A_136 : memref<128x128xf32, #tpu.memory_space<hbm>>)
    %mul3A_139 = arith.constant 640 : i32
    %mul3A_140 = arith.muli %mul3A_139, %arg1 : i32
    %add3A_141 = arith.constant 128 : i32
    %add3A_142 = arith.addi %mul3A_140, %add3A_141 : i32
    %dma_wait3A_143 = arith.constant 0 : i32
    %dma_wait3A_144 = tpu.memref_slice %arg5[%arg0, %add3A_142, %dma_wait3A_143] : memref<2x10240x128xf32, #tpu.memory_space<hbm>> -> memref<1x128x128xf32, #tpu.memory_space<hbm>>
    %dma_wait3A_145 = tpu.memref_squeeze %dma_wait3A_144 : memref<1x128x128xf32, #tpu.memory_space<hbm>> -> memref<128x128xf32, #tpu.memory_space<hbm>>
    %dma_wait3A_146 = arith.constant 0 : i32
    %dma_wait3A_147 = tpu.memref_slice %arg6[%add3A_142, %dma_wait3A_146] : memref<10240x128xf32, #tpu.memory_space<vmem_shared>> -> memref<128x128xf32, #tpu.memory_space<vmem_shared>>
    tpu.wait_dma2 semaphore(%arg11 : memref<!tpu.dma_semaphore, #tpu.memory_space<semaphore_mem>>) src(%dma_wait3A_147 : memref<128x128xf32, #tpu.memory_space<vmem_shared>>) dst(%dma_wait3A_145 : memref<128x128xf32, #tpu.memory_space<hbm>>)
    %mul3A_148 = arith.constant 640 : i32
    %mul3A_149 = arith.muli %mul3A_148, %arg1 : i32
    %add3A_150 = arith.constant 256 : i32
    %add3A_151 = arith.addi %mul3A_149, %add3A_150 : i32
    %dma_wait3A_152 = arith.constant 0 : i32
    %dma_wait3A_153 = tpu.memref_slice %arg5[%arg0, %add3A_151, %dma_wait3A_152] : memref<2x10240x128xf32, #tpu.memory_space<hbm>> -> memref<1x128x128xf32, #tpu.memory_space<hbm>>
    %dma_wait3A_154 = tpu.memref_squeeze %dma_wait3A_153 : memref<1x128x128xf32, #tpu.memory_space<hbm>> -> memref<128x128xf32, #tpu.memory_space<hbm>>
    %dma_wait3A_155 = arith.constant 0 : i32
    %dma_wait3A_156 = tpu.memref_slice %arg6[%add3A_151, %dma_wait3A_155] : memref<10240x128xf32, #tpu.memory_space<vmem_shared>> -> memref<128x128xf32, #tpu.memory_space<vmem_shared>>
    tpu.wait_dma2 semaphore(%arg11 : memref<!tpu.dma_semaphore, #tpu.memory_space<semaphore_mem>>) src(%dma_wait3A_156 : memref<128x128xf32, #tpu.memory_space<vmem_shared>>) dst(%dma_wait3A_154 : memref<128x128xf32, #tpu.memory_space<hbm>>)
    %mul3A_157 = arith.constant 640 : i32
    %mul3A_158 = arith.muli %mul3A_157, %arg1 : i32
    %add3A_159 = arith.constant 384 : i32
    %add3A_160 = arith.addi %mul3A_158, %add3A_159 : i32
    %dma_wait3A_161 = arith.constant 0 : i32
    %dma_wait3A_162 = tpu.memref_slice %arg5[%arg0, %add3A_160, %dma_wait3A_161] : memref<2x10240x128xf32, #tpu.memory_space<hbm>> -> memref<1x128x128xf32, #tpu.memory_space<hbm>>
    %dma_wait3A_163 = tpu.memref_squeeze %dma_wait3A_162 : memref<1x128x128xf32, #tpu.memory_space<hbm>> -> memref<128x128xf32, #tpu.memory_space<hbm>>
    %dma_wait3A_164 = arith.constant 0 : i32
    %dma_wait3A_165 = tpu.memref_slice %arg6[%add3A_160, %dma_wait3A_164] : memref<10240x128xf32, #tpu.memory_space<vmem_shared>> -> memref<128x128xf32, #tpu.memory_space<vmem_shared>>
    tpu.wait_dma2 semaphore(%arg11 : memref<!tpu.dma_semaphore, #tpu.memory_space<semaphore_mem>>) src(%dma_wait3A_165 : memref<128x128xf32, #tpu.memory_space<vmem_shared>>) dst(%dma_wait3A_163 : memref<128x128xf32, #tpu.memory_space<hbm>>)
    %mul3A_166 = arith.constant 640 : i32
    %mul3A_167 = arith.muli %mul3A_166, %arg1 : i32
    %add3A_168 = arith.constant 512 : i32
    %add3A_169 = arith.addi %mul3A_167, %add3A_168 : i32
    %dma_wait3A_170 = arith.constant 0 : i32
    %dma_wait3A_171 = tpu.memref_slice %arg5[%arg0, %add3A_169, %dma_wait3A_170] : memref<2x10240x128xf32, #tpu.memory_space<hbm>> -> memref<1x128x128xf32, #tpu.memory_space<hbm>>
    %dma_wait3A_172 = tpu.memref_squeeze %dma_wait3A_171 : memref<1x128x128xf32, #tpu.memory_space<hbm>> -> memref<128x128xf32, #tpu.memory_space<hbm>>
    %dma_wait3A_173 = arith.constant 0 : i32
    %dma_wait3A_174 = tpu.memref_slice %arg6[%add3A_169, %dma_wait3A_173] : memref<10240x128xf32, #tpu.memory_space<vmem_shared>> -> memref<128x128xf32, #tpu.memory_space<vmem_shared>>
    tpu.wait_dma2 semaphore(%arg11 : memref<!tpu.dma_semaphore, #tpu.memory_space<semaphore_mem>>) src(%dma_wait3A_174 : memref<128x128xf32, #tpu.memory_space<vmem_shared>>) dst(%dma_wait3A_172 : memref<128x128xf32, #tpu.memory_space<hbm>>)
    return
  }
}

#map = affine_map<(d0, d1) -> (0, 0)>
#map1 = affine_map<(d0, d1) -> (0, 0, 0)>
module attributes {stable_mosaic.version = 14 : i64} {
  func.func @_agg(%arg0: i32, %arg1: i32, %arg2: memref<10000x128xf32, #tpu.memory_space<hbm>>, %arg3: memref<2x320000xi32, #tpu.memory_space<hbm>>, %arg4: memref<32x80x128xi32, #tpu.memory_space<hbm>>, %arg5: memref<2x10240x128xf32, #tpu.memory_space<hbm>>, %arg6: memref<10240x128xf32, #tpu.memory_space<vmem_shared>>, %arg7: memref<3328xi32, #tpu.memory_space<vmem>>, %arg8: memref<80x128xi32, #tpu.memory_space<vmem>>, %arg9: memref<128x128xf32, #tpu.memory_space<vmem>>, %arg10: memref<128x128xf32, #tpu.memory_space<vmem>>, %arg11: memref<!tpu.dma_semaphore, #tpu.memory_space<semaphore_mem>>, %arg12: memref<!tpu.dma_semaphore, #tpu.memory_space<semaphore_mem>>) attributes {dimension_semantics = [#tpu.dimension_semantics<core_parallel>, #tpu.dimension_semantics<subcore_parallel>], iteration_bounds = array<i64: 2, 16>, scalar_prefetch = 0 : i64, scratch_operands = 7 : i64, tpu.core_type = #tpu.core_type<sc_vector_subcore>, window_params = [{transform_indices = #map}, {transform_indices = #map}, {transform_indices = #map1}, {transform_indices = #map1}]} {
    %mul3A = arith.constant 16 : i32
    %mul3A_0 = arith.muli %arg0, %mul3A : i32
    %add3A = arith.addi %mul3A_0, %arg1 : i32
    %scan3A = arith.constant 0 : i32
    %scan3A_1 = arith.constant 128 : i32
    %scan3A_2 = arith.addi %scan3A, %scan3A_1 : i32
    %scan3A_3 = arith.constant 1 : i32
    scf.for %scan3A_175 = %scan3A to %scan3A_2 step %scan3A_3  : i32 {
      %mul3A_176 = arith.constant 1 : i32
      %mul3A_177 = arith.muli %scan3A_175, %mul3A_176 : i32
      %add3A_178 = arith.constant 0 : i32
      %add3A_179 = arith.addi %add3A_178, %mul3A_177 : i32
      %broadcast_in_dim3A = arith.constant 0.000000e+00 : f32
      %broadcast_in_dim3A_180 = vector.broadcast %broadcast_in_dim3A : f32 to vector<16xf32>
      %swap3A = arith.index_cast %add3A_179 : i32 to index
      %swap3A_181 = arith.constant 0 : index
      %swap3A_182 = tpu.vector_load %arg9[%swap3A, %swap3A_181] {strides = array<i32>} : memref<128x128xf32, #tpu.memory_space<vmem>>, vector<1x16xf32>,
      %swap3A_183 = vector.shape_cast %swap3A_182 : vector<1x16xf32> to vector<16xf32>
      %swap3A_184 = vector.shape_cast %broadcast_in_dim3A_180 : vector<16xf32> to vector<1x16xf32>
      tpu.vector_store %arg9[%swap3A, %swap3A_181], %swap3A_184 {strides = array<i32>} : memref<128x128xf32, #tpu.memory_space<vmem>>, vector<1x16xf32>,
      %broadcast_in_dim3A_185 = arith.constant 0.000000e+00 : f32
      %broadcast_in_dim3A_186 = vector.broadcast %broadcast_in_dim3A_185 : f32 to vector<16xf32>
      %swap3A_187 = arith.index_cast %add3A_179 : i32 to index
      %swap3A_188 = arith.constant 16 : index
      %swap3A_189 = tpu.vector_load %arg9[%swap3A_187, %swap3A_188] {strides = array<i32>} : memref<128x128xf32, #tpu.memory_space<vmem>>, vector<1x16xf32>,
      %swap3A_190 = vector.shape_cast %swap3A_189 : vector<1x16xf32> to vector<16xf32>
      %swap3A_191 = vector.shape_cast %broadcast_in_dim3A_186 : vector<16xf32> to vector<1x16xf32>
      tpu.vector_store %arg9[%swap3A_187, %swap3A_188], %swap3A_191 {strides = array<i32>} : memref<128x128xf32, #tpu.memory_space<vmem>>, vector<1x16xf32>,
      %broadcast_in_dim3A_192 = arith.constant 0.000000e+00 : f32
      %broadcast_in_dim3A_193 = vector.broadcast %broadcast_in_dim3A_192 : f32 to vector<16xf32>
      %swap3A_194 = arith.index_cast %add3A_179 : i32 to index
      %swap3A_195 = arith.constant 32 : index
      %swap3A_196 = tpu.vector_load %arg9[%swap3A_194, %swap3A_195] {strides = array<i32>} : memref<128x128xf32, #tpu.memory_space<vmem>>, vector<1x16xf32>,
      %swap3A_197 = vector.shape_cast %swap3A_196 : vector<1x16xf32> to vector<16xf32>
      %swap3A_198 = vector.shape_cast %broadcast_in_dim3A_193 : vector<16xf32> to vector<1x16xf32>
      tpu.vector_store %arg9[%swap3A_194, %swap3A_195], %swap3A_198 {strides = array<i32>} : memref<128x128xf32, #tpu.memory_space<vmem>>, vector<1x16xf32>,
      %broadcast_in_dim3A_199 = arith.constant 0.000000e+00 : f32
      %broadcast_in_dim3A_200 = vector.broadcast %broadcast_in_dim3A_199 : f32 to vector<16xf32>
      %swap3A_201 = arith.index_cast %add3A_179 : i32 to index
      %swap3A_202 = arith.constant 48 : index
      %swap3A_203 = tpu.vector_load %arg9[%swap3A_201, %swap3A_202] {strides = array<i32>} : memref<128x128xf32, #tpu.memory_space<vmem>>, vector<1x16xf32>,
      %swap3A_204 = vector.shape_cast %swap3A_203 : vector<1x16xf32> to vector<16xf32>
      %swap3A_205 = vector.shape_cast %broadcast_in_dim3A_200 : vector<16xf32> to vector<1x16xf32>
      tpu.vector_store %arg9[%swap3A_201, %swap3A_202], %swap3A_205 {strides = array<i32>} : memref<128x128xf32, #tpu.memory_space<vmem>>, vector<1x16xf32>,
      %broadcast_in_dim3A_206 = arith.constant 0.000000e+00 : f32
      %broadcast_in_dim3A_207 = vector.broadcast %broadcast_in_dim3A_206 : f32 to vector<16xf32>
      %swap3A_208 = arith.index_cast %add3A_179 : i32 to index
      %swap3A_209 = arith.constant 64 : index
      %swap3A_210 = tpu.vector_load %arg9[%swap3A_208, %swap3A_209] {strides = array<i32>} : memref<128x128xf32, #tpu.memory_space<vmem>>, vector<1x16xf32>,
      %swap3A_211 = vector.shape_cast %swap3A_210 : vector<1x16xf32> to vector<16xf32>
      %swap3A_212 = vector.shape_cast %broadcast_in_dim3A_207 : vector<16xf32> to vector<1x16xf32>
      tpu.vector_store %arg9[%swap3A_208, %swap3A_209], %swap3A_212 {strides = array<i32>} : memref<128x128xf32, #tpu.memory_space<vmem>>, vector<1x16xf32>,
      %broadcast_in_dim3A_213 = arith.constant 0.000000e+00 : f32
      %broadcast_in_dim3A_214 = vector.broadcast %broadcast_in_dim3A_213 : f32 to vector<16xf32>
      %swap3A_215 = arith.index_cast %add3A_179 : i32 to index
      %swap3A_216 = arith.constant 80 : index
      %swap3A_217 = tpu.vector_load %arg9[%swap3A_215, %swap3A_216] {strides = array<i32>} : memref<128x128xf32, #tpu.memory_space<vmem>>, vector<1x16xf32>,
      %swap3A_218 = vector.shape_cast %swap3A_217 : vector<1x16xf32> to vector<16xf32>
      %swap3A_219 = vector.shape_cast %broadcast_in_dim3A_214 : vector<16xf32> to vector<1x16xf32>
      tpu.vector_store %arg9[%swap3A_215, %swap3A_216], %swap3A_219 {strides = array<i32>} : memref<128x128xf32, #tpu.memory_space<vmem>>, vector<1x16xf32>,
      %broadcast_in_dim3A_220 = arith.constant 0.000000e+00 : f32
      %broadcast_in_dim3A_221 = vector.broadcast %broadcast_in_dim3A_220 : f32 to vector<16xf32>
      %swap3A_222 = arith.index_cast %add3A_179 : i32 to index
      %swap3A_223 = arith.constant 96 : index
      %swap3A_224 = tpu.vector_load %arg9[%swap3A_222, %swap3A_223] {strides = array<i32>} : memref<128x128xf32, #tpu.memory_space<vmem>>, vector<1x16xf32>,
      %swap3A_225 = vector.shape_cast %swap3A_224 : vector<1x16xf32> to vector<16xf32>
      %swap3A_226 = vector.shape_cast %broadcast_in_dim3A_221 : vector<16xf32> to vector<1x16xf32>
      tpu.vector_store %arg9[%swap3A_222, %swap3A_223], %swap3A_226 {strides = array<i32>} : memref<128x128xf32, #tpu.memory_space<vmem>>, vector<1x16xf32>,
      %broadcast_in_dim3A_227 = arith.constant 0.000000e+00 : f32
      %broadcast_in_dim3A_228 = vector.broadcast %broadcast_in_dim3A_227 : f32 to vector<16xf32>
      %swap3A_229 = arith.index_cast %add3A_179 : i32 to index
      %swap3A_230 = arith.constant 112 : index
      %swap3A_231 = tpu.vector_load %arg9[%swap3A_229, %swap3A_230] {strides = array<i32>} : memref<128x128xf32, #tpu.memory_space<vmem>>, vector<1x16xf32>,
      %swap3A_232 = vector.shape_cast %swap3A_231 : vector<1x16xf32> to vector<16xf32>
      %swap3A_233 = vector.shape_cast %broadcast_in_dim3A_228 : vector<16xf32> to vector<1x16xf32>
      tpu.vector_store %arg9[%swap3A_229, %swap3A_230], %swap3A_233 {strides = array<i32>} : memref<128x128xf32, #tpu.memory_space<vmem>>, vector<1x16xf32>,
    }
    %scan3A_4 = arith.constant 128 : i32
    %mul3A_5 = arith.constant 640 : i32
    %mul3A_6 = arith.muli %mul3A_5, %arg1 : i32
    %add3A_7 = arith.constant 0 : i32
    %add3A_8 = arith.addi %mul3A_6, %add3A_7 : i32
    "tpu.region"() ({
      %run_scoped3A_175 = tpu.sem_alloc : memref<!tpu.dma_semaphore, #tpu.memory_space<semaphore_mem>>
      %dma_start3A_176 = arith.constant 0 : i32
      %dma_start3A_177 = tpu.memref_slice %arg6[%add3A_8, %dma_start3A_176] : memref<10240x128xf32, #tpu.memory_space<vmem_shared>> -> memref<128x128xf32, #tpu.memory_space<vmem_shared>>
      %dma_start3A_178 = arith.constant 0 : i32
      %dma_start3A_179 = tpu.memref_slice %arg6[%add3A_8, %dma_start3A_178] : memref<10240x128xf32, #tpu.memory_space<vmem_shared>> -> memref<128x128xf32, #tpu.memory_space<vmem_shared>>
      tpu.enqueue_dma source(%arg9 : memref<128x128xf32, #tpu.memory_space<vmem>>) target(%dma_start3A_179 : memref<128x128xf32, #tpu.memory_space<vmem_shared>>) target_semaphore(%run_scoped3A_175 : memref<!tpu.dma_semaphore, #tpu.memory_space<semaphore_mem>>)
      %dma_wait3A_180 = arith.constant 0 : i32
      %dma_wait3A_181 = tpu.memref_slice %arg6[%add3A_8, %dma_wait3A_180] : memref<10240x128xf32, #tpu.memory_space<vmem_shared>> -> memref<128x128xf32, #tpu.memory_space<vmem_shared>>
      %dma_wait3A_182 = arith.constant 0 : i32
      %dma_wait3A_183 = tpu.memref_slice %arg6[%add3A_8, %dma_wait3A_182] : memref<10240x128xf32, #tpu.memory_space<vmem_shared>> -> memref<128x128xf32, #tpu.memory_space<vmem_shared>>
      tpu.wait_dma2 semaphore(%run_scoped3A_175 : memref<!tpu.dma_semaphore, #tpu.memory_space<semaphore_mem>>) src(%arg9 : memref<128x128xf32, #tpu.memory_space<vmem>>) dst(%dma_wait3A_183 : memref<128x128xf32, #tpu.memory_space<vmem_shared>>)
      tpu.yield
    }) : () -> ()
    %mul3A_9 = arith.constant 640 : i32
    %mul3A_10 = arith.muli %mul3A_9, %arg1 : i32
    %add3A_11 = arith.constant 128 : i32
    %add3A_12 = arith.addi %mul3A_10, %add3A_11 : i32
    "tpu.region"() ({
      %run_scoped3A_175 = tpu.sem_alloc : memref<!tpu.dma_semaphore, #tpu.memory_space<semaphore_mem>>
      %dma_start3A_176 = arith.constant 0 : i32
      %dma_start3A_177 = tpu.memref_slice %arg6[%add3A_12, %dma_start3A_176] : memref<10240x128xf32, #tpu.memory_space<vmem_shared>> -> memref<128x128xf32, #tpu.memory_space<vmem_shared>>
      %dma_start3A_178 = arith.constant 0 : i32
      %dma_start3A_179 = tpu.memref_slice %arg6[%add3A_12, %dma_start3A_178] : memref<10240x128xf32, #tpu.memory_space<vmem_shared>> -> memref<128x128xf32, #tpu.memory_space<vmem_shared>>
      tpu.enqueue_dma source(%arg9 : memref<128x128xf32, #tpu.memory_space<vmem>>) target(%dma_start3A_179 : memref<128x128xf32, #tpu.memory_space<vmem_shared>>) target_semaphore(%run_scoped3A_175 : memref<!tpu.dma_semaphore, #tpu.memory_space<semaphore_mem>>)
      %dma_wait3A_180 = arith.constant 0 : i32
      %dma_wait3A_181 = tpu.memref_slice %arg6[%add3A_12, %dma_wait3A_180] : memref<10240x128xf32, #tpu.memory_space<vmem_shared>> -> memref<128x128xf32, #tpu.memory_space<vmem_shared>>
      %dma_wait3A_182 = arith.constant 0 : i32
      %dma_wait3A_183 = tpu.memref_slice %arg6[%add3A_12, %dma_wait3A_182] : memref<10240x128xf32, #tpu.memory_space<vmem_shared>> -> memref<128x128xf32, #tpu.memory_space<vmem_shared>>
      tpu.wait_dma2 semaphore(%run_scoped3A_175 : memref<!tpu.dma_semaphore, #tpu.memory_space<semaphore_mem>>) src(%arg9 : memref<128x128xf32, #tpu.memory_space<vmem>>) dst(%dma_wait3A_183 : memref<128x128xf32, #tpu.memory_space<vmem_shared>>)
      tpu.yield
    }) : () -> ()
    %mul3A_13 = arith.constant 640 : i32
    %mul3A_14 = arith.muli %mul3A_13, %arg1 : i32
    %add3A_15 = arith.constant 256 : i32
    %add3A_16 = arith.addi %mul3A_14, %add3A_15 : i32
    "tpu.region"() ({
      %run_scoped3A_175 = tpu.sem_alloc : memref<!tpu.dma_semaphore, #tpu.memory_space<semaphore_mem>>
      %dma_start3A_176 = arith.constant 0 : i32
      %dma_start3A_177 = tpu.memref_slice %arg6[%add3A_16, %dma_start3A_176] : memref<10240x128xf32, #tpu.memory_space<vmem_shared>> -> memref<128x128xf32, #tpu.memory_space<vmem_shared>>
      %dma_start3A_178 = arith.constant 0 : i32
      %dma_start3A_179 = tpu.memref_slice %arg6[%add3A_16, %dma_start3A_178] : memref<10240x128xf32, #tpu.memory_space<vmem_shared>> -> memref<128x128xf32, #tpu.memory_space<vmem_shared>>
      tpu.enqueue_dma source(%arg9 : memref<128x128xf32, #tpu.memory_space<vmem>>) target(%dma_start3A_179 : memref<128x128xf32, #tpu.memory_space<vmem_shared>>) target_semaphore(%run_scoped3A_175 : memref<!tpu.dma_semaphore, #tpu.memory_space<semaphore_mem>>)
      %dma_wait3A_180 = arith.constant 0 : i32
      %dma_wait3A_181 = tpu.memref_slice %arg6[%add3A_16, %dma_wait3A_180] : memref<10240x128xf32, #tpu.memory_space<vmem_shared>> -> memref<128x128xf32, #tpu.memory_space<vmem_shared>>
      %dma_wait3A_182 = arith.constant 0 : i32
      %dma_wait3A_183 = tpu.memref_slice %arg6[%add3A_16, %dma_wait3A_182] : memref<10240x128xf32, #tpu.memory_space<vmem_shared>> -> memref<128x128xf32, #tpu.memory_space<vmem_shared>>
      tpu.wait_dma2 semaphore(%run_scoped3A_175 : memref<!tpu.dma_semaphore, #tpu.memory_space<semaphore_mem>>) src(%arg9 : memref<128x128xf32, #tpu.memory_space<vmem>>) dst(%dma_wait3A_183 : memref<128x128xf32, #tpu.memory_space<vmem_shared>>)
      tpu.yield
    }) : () -> ()
    %mul3A_17 = arith.constant 640 : i32
    %mul3A_18 = arith.muli %mul3A_17, %arg1 : i32
    %add3A_19 = arith.constant 384 : i32
    %add3A_20 = arith.addi %mul3A_18, %add3A_19 : i32
    "tpu.region"() ({
      %run_scoped3A_175 = tpu.sem_alloc : memref<!tpu.dma_semaphore, #tpu.memory_space<semaphore_mem>>
      %dma_start3A_176 = arith.constant 0 : i32
      %dma_start3A_177 = tpu.memref_slice %arg6[%add3A_20, %dma_start3A_176] : memref<10240x128xf32, #tpu.memory_space<vmem_shared>> -> memref<128x128xf32, #tpu.memory_space<vmem_shared>>
      %dma_start3A_178 = arith.constant 0 : i32
      %dma_start3A_179 = tpu.memref_slice %arg6[%add3A_20, %dma_start3A_178] : memref<10240x128xf32, #tpu.memory_space<vmem_shared>> -> memref<128x128xf32, #tpu.memory_space<vmem_shared>>
      tpu.enqueue_dma source(%arg9 : memref<128x128xf32, #tpu.memory_space<vmem>>) target(%dma_start3A_179 : memref<128x128xf32, #tpu.memory_space<vmem_shared>>) target_semaphore(%run_scoped3A_175 : memref<!tpu.dma_semaphore, #tpu.memory_space<semaphore_mem>>)
      %dma_wait3A_180 = arith.constant 0 : i32
      %dma_wait3A_181 = tpu.memref_slice %arg6[%add3A_20, %dma_wait3A_180] : memref<10240x128xf32, #tpu.memory_space<vmem_shared>> -> memref<128x128xf32, #tpu.memory_space<vmem_shared>>
      %dma_wait3A_182 = arith.constant 0 : i32
      %dma_wait3A_183 = tpu.memref_slice %arg6[%add3A_20, %dma_wait3A_182] : memref<10240x128xf32, #tpu.memory_space<vmem_shared>> -> memref<128x128xf32, #tpu.memory_space<vmem_shared>>
      tpu.wait_dma2 semaphore(%run_scoped3A_175 : memref<!tpu.dma_semaphore, #tpu.memory_space<semaphore_mem>>) src(%arg9 : memref<128x128xf32, #tpu.memory_space<vmem>>) dst(%dma_wait3A_183 : memref<128x128xf32, #tpu.memory_space<vmem_shared>>)
      tpu.yield
    }) : () -> ()
    %mul3A_21 = arith.constant 640 : i32
    %mul3A_22 = arith.muli %mul3A_21, %arg1 : i32
    %add3A_23 = arith.constant 512 : i32
    %add3A_24 = arith.addi %mul3A_22, %add3A_23 : i32
    "tpu.region"() ({
      %run_scoped3A_175 = tpu.sem_alloc : memref<!tpu.dma_semaphore, #tpu.memory_space<semaphore_mem>>
      %dma_start3A_176 = arith.constant 0 : i32
      %dma_start3A_177 = tpu.memref_slice %arg6[%add3A_24, %dma_start3A_176] : memref<10240x128xf32, #tpu.memory_space<vmem_shared>> -> memref<128x128xf32, #tpu.memory_space<vmem_shared>>
      %dma_start3A_178 = arith.constant 0 : i32
      %dma_start3A_179 = tpu.memref_slice %arg6[%add3A_24, %dma_start3A_178] : memref<10240x128xf32, #tpu.memory_space<vmem_shared>> -> memref<128x128xf32, #tpu.memory_space<vmem_shared>>
      tpu.enqueue_dma source(%arg9 : memref<128x128xf32, #tpu.memory_space<vmem>>) target(%dma_start3A_179 : memref<128x128xf32, #tpu.memory_space<vmem_shared>>) target_semaphore(%run_scoped3A_175 : memref<!tpu.dma_semaphore, #tpu.memory_space<semaphore_mem>>)
      %dma_wait3A_180 = arith.constant 0 : i32
      %dma_wait3A_181 = tpu.memref_slice %arg6[%add3A_24, %dma_wait3A_180] : memref<10240x128xf32, #tpu.memory_space<vmem_shared>> -> memref<128x128xf32, #tpu.memory_space<vmem_shared>>
      %dma_wait3A_182 = arith.constant 0 : i32
      %dma_wait3A_183 = tpu.memref_slice %arg6[%add3A_24, %dma_wait3A_182] : memref<10240x128xf32, #tpu.memory_space<vmem_shared>> -> memref<128x128xf32, #tpu.memory_space<vmem_shared>>
      tpu.wait_dma2 semaphore(%run_scoped3A_175 : memref<!tpu.dma_semaphore, #tpu.memory_space<semaphore_mem>>) src(%arg9 : memref<128x128xf32, #tpu.memory_space<vmem>>) dst(%dma_wait3A_183 : memref<128x128xf32, #tpu.memory_space<vmem_shared>>)
      tpu.yield
    }) : () -> ()
    "tpu.region"() ({
      %run_scoped3A_175 = tpu.sem_alloc : memref<!tpu.dma_semaphore, #tpu.memory_space<semaphore_mem>>
      %dma_start3A_176 = arith.constant 0 : i32
      %dma_start3A_177 = arith.constant 0 : i32
      %dma_start3A_178 = tpu.memref_slice %arg4[%add3A, %dma_start3A_176, %dma_start3A_177] : memref<32x80x128xi32, #tpu.memory_space<hbm>> -> memref<1x80x128xi32, #tpu.memory_space<hbm>>
      %dma_start3A_179 = tpu.memref_squeeze %dma_start3A_178 : memref<1x80x128xi32, #tpu.memory_space<hbm>> -> memref<80x128xi32, #tpu.memory_space<hbm>>
      %dma_start3A_180 = arith.constant 0 : i32
      %dma_start3A_181 = arith.constant 0 : i32
      %dma_start3A_182 = tpu.memref_slice %arg4[%add3A, %dma_start3A_180, %dma_start3A_181] : memref<32x80x128xi32, #tpu.memory_space<hbm>> -> memref<1x80x128xi32, #tpu.memory_space<hbm>>
      %dma_start3A_183 = tpu.memref_squeeze %dma_start3A_182 : memref<1x80x128xi32, #tpu.memory_space<hbm>> -> memref<80x128xi32, #tpu.memory_space<hbm>>
      tpu.enqueue_dma source(%dma_start3A_183 : memref<80x128xi32, #tpu.memory_space<hbm>>) target(%arg8 : memref<80x128xi32, #tpu.memory_space<vmem>>) target_semaphore(%run_scoped3A_175 : memref<!tpu.dma_semaphore, #tpu.memory_space<semaphore_mem>>)
      %dma_wait3A_184 = arith.constant 0 : i32
      %dma_wait3A_185 = arith.constant 0 : i32
      %dma_wait3A_186 = tpu.memref_slice %arg4[%add3A, %dma_wait3A_184, %dma_wait3A_185] : memref<32x80x128xi32, #tpu.memory_space<hbm>> -> memref<1x80x128xi32, #tpu.memory_space<hbm>>
      %dma_wait3A_187 = tpu.memref_squeeze %dma_wait3A_186 : memref<1x80x128xi32, #tpu.memory_space<hbm>> -> memref<80x128xi32, #tpu.memory_space<hbm>>
      %dma_wait3A_188 = arith.constant 0 : i32
      %dma_wait3A_189 = arith.constant 0 : i32
      %dma_wait3A_190 = tpu.memref_slice %arg4[%add3A, %dma_wait3A_188, %dma_wait3A_189] : memref<32x80x128xi32, #tpu.memory_space<hbm>> -> memref<1x80x128xi32, #tpu.memory_space<hbm>>
      %dma_wait3A_191 = tpu.memref_squeeze %dma_wait3A_190 : memref<1x80x128xi32, #tpu.memory_space<hbm>> -> memref<80x128xi32, #tpu.memory_space<hbm>>
      tpu.wait_dma2 semaphore(%run_scoped3A_175 : memref<!tpu.dma_semaphore, #tpu.memory_space<semaphore_mem>>) src(%dma_wait3A_191 : memref<80x128xi32, #tpu.memory_space<hbm>>) dst(%arg8 : memref<80x128xi32, #tpu.memory_space<vmem>>)
      tpu.yield
    }) : () -> ()
    %barrier3A = arith.constant 0 : index
    tpu.barrier barrier_id(%barrier3A)
    %mul3A_25 = arith.constant 9984 : i32
    %mul3A_26 = arith.muli %mul3A_25, %add3A : i32
    %add3A_27 = arith.constant 0 : i32
    %add3A_28 = arith.addi %mul3A_26, %add3A_27 : i32
    %run_scoped3A = arith.constant 0 : i32
    "tpu.region"() ({
      %run_scoped3A_175 = tpu.sem_alloc : memref<!tpu.dma_semaphore, #tpu.memory_space<semaphore_mem>>
      %dma_start3A_176 = tpu.memref_slice %arg3[%run_scoped3A, %add3A_28] : memref<2x320000xi32, #tpu.memory_space<hbm>> -> memref<1x3328xi32, #tpu.memory_space<hbm>>
      %dma_start3A_177 = tpu.memref_squeeze %dma_start3A_176 : memref<1x3328xi32, #tpu.memory_space<hbm>> -> memref<3328xi32, #tpu.memory_space<hbm>>
      %dma_start3A_178 = tpu.memref_slice %arg3[%run_scoped3A, %add3A_28] : memref<2x320000xi32, #tpu.memory_space<hbm>> -> memref<1x3328xi32, #tpu.memory_space<hbm>>
      %dma_start3A_179 = tpu.memref_squeeze %dma_start3A_178 : memref<1x3328xi32, #tpu.memory_space<hbm>> -> memref<3328xi32, #tpu.memory_space<hbm>>
      tpu.enqueue_dma source(%dma_start3A_179 : memref<3328xi32, #tpu.memory_space<hbm>>) target(%arg7 : memref<3328xi32, #tpu.memory_space<vmem>>) target_semaphore(%run_scoped3A_175 : memref<!tpu.dma_semaphore, #tpu.memory_space<semaphore_mem>>)
      %dma_wait3A_180 = tpu.memref_slice %arg3[%run_scoped3A, %add3A_28] : memref<2x320000xi32, #tpu.memory_space<hbm>> -> memref<1x3328xi32, #tpu.memory_space<hbm>>
      %dma_wait3A_181 = tpu.memref_squeeze %dma_wait3A_180 : memref<1x3328xi32, #tpu.memory_space<hbm>> -> memref<3328xi32, #tpu.memory_space<hbm>>
      %dma_wait3A_182 = tpu.memref_slice %arg3[%run_scoped3A, %add3A_28] : memref<2x320000xi32, #tpu.memory_space<hbm>> -> memref<1x3328xi32, #tpu.memory_space<hbm>>
      %dma_wait3A_183 = tpu.memref_squeeze %dma_wait3A_182 : memref<1x3328xi32, #tpu.memory_space<hbm>> -> memref<3328xi32, #tpu.memory_space<hbm>>
      tpu.wait_dma2 semaphore(%run_scoped3A_175 : memref<!tpu.dma_semaphore, #tpu.memory_space<semaphore_mem>>) src(%dma_wait3A_183 : memref<3328xi32, #tpu.memory_space<hbm>>) dst(%arg7 : memref<3328xi32, #tpu.memory_space<vmem>>)
      tpu.yield
    }) : () -> ()
    %dma_start3A = arith.constant 0 : i32
    %dma_start3A_29 = tpu.memref_slice %arg7[%dma_start3A] : memref<3328xi32, #tpu.memory_space<vmem>> -> memref<128xi32, #tpu.memory_space<vmem>>
    %dma_start3A_30 = arith.constant 0 : i32
    %dma_start3A_31 = arith.constant 0 : i32
    %dma_start3A_32 = tpu.memref_slice %arg2[%dma_start3A_30, %dma_start3A_31] : memref<10000x128xf32, #tpu.memory_space<hbm>> -> memref<10000x128xf32, #tpu.memory_space<hbm>>
    tpu.enqueue_indirect_dma source(%dma_start3A_32 : memref<10000x128xf32, #tpu.memory_space<hbm>>) target(%arg9 : memref<128x128xf32, #tpu.memory_space<vmem>>) offsets(%dma_start3A_29 : memref<128xi32, #tpu.memory_space<vmem>>) semaphore(%arg11 : memref<!tpu.dma_semaphore, #tpu.memory_space<semaphore_mem>>)
    %dma_start3A_33 = arith.constant 128 : i32
    %dma_start3A_34 = tpu.memref_slice %arg7[%dma_start3A_33] : memref<3328xi32, #tpu.memory_space<vmem>> -> memref<128xi32, #tpu.memory_space<vmem>>
    %dma_start3A_35 = arith.constant 0 : i32
    %dma_start3A_36 = arith.constant 0 : i32
    %dma_start3A_37 = tpu.memref_slice %arg2[%dma_start3A_35, %dma_start3A_36] : memref<10000x128xf32, #tpu.memory_space<hbm>> -> memref<10000x128xf32, #tpu.memory_space<hbm>>
    tpu.enqueue_indirect_dma source(%dma_start3A_37 : memref<10000x128xf32, #tpu.memory_space<hbm>>) target(%arg10 : memref<128x128xf32, #tpu.memory_space<vmem>>) offsets(%dma_start3A_34 : memref<128xi32, #tpu.memory_space<vmem>>) semaphore(%arg12 : memref<!tpu.dma_semaphore, #tpu.memory_space<semaphore_mem>>)
    %scan3A_38 = arith.constant 0 : i32
    %scan3A_39 = arith.constant 13 : i32
    %scan3A_40 = arith.addi %scan3A_38, %scan3A_39 : i32
    %scan3A_41 = arith.constant 1 : i32
    scf.for %scan3A_175 = %scan3A_38 to %scan3A_40 step %scan3A_41  : i32 {
      %mul3A_176 = arith.constant 1 : i32
      %mul3A_177 = arith.muli %scan3A_175, %mul3A_176 : i32
      %add3A_178 = arith.constant 0 : i32
      %add3A_179 = arith.addi %add3A_178, %mul3A_177 : i32
      %mul3A_180 = arith.constant 2 : i32
      %mul3A_181 = arith.muli %mul3A_180, %add3A_179 : i32
      %mul3A_182 = arith.constant 2 : i32
      %mul3A_183 = arith.muli %mul3A_182, %add3A_179 : i32
      %add3A_184 = arith.constant 1 : i32
      %add3A_185 = arith.addi %mul3A_183, %add3A_184 : i32
      %mul3A_186 = arith.constant 128 : i32
      %mul3A_187 = arith.muli %mul3A_186, %mul3A_181 : i32
      %dma_wait3A_188 = tpu.memref_slice %arg7[%mul3A_187] : memref<3328xi32, #tpu.memory_space<vmem>> -> memref<128xi32, #tpu.memory_space<vmem>>
      %dma_wait3A_189 = arith.constant 0 : i32
      %dma_wait3A_190 = arith.constant 0 : i32
      %dma_wait3A_191 = tpu.memref_slice %arg2[%dma_wait3A_189, %dma_wait3A_190] : memref<10000x128xf32, #tpu.memory_space<hbm>> -> memref<10000x128xf32, #tpu.memory_space<hbm>>
      tpu.wait_indirect_dma semaphore(%arg11 : memref<!tpu.dma_semaphore, #tpu.memory_space<semaphore_mem>>) src(%dma_wait3A_191 : memref<10000x128xf32, #tpu.memory_space<hbm>>) dst(%arg9 : memref<128x128xf32, #tpu.memory_space<vmem>>)
      %add3A_192 = arith.constant 0 : i32
      %add3A_193 = arith.addi %add3A_192, %mul3A_181 : i32
      "tpu.region"() ({
        %run_scoped3A_216 = tpu.sem_alloc : memref<!tpu.dma_semaphore, #tpu.memory_space<semaphore_mem>>
        %dma_start3A_217 = arith.constant 0 : i32
        %dma_start3A_218 = tpu.memref_slice %arg8[%add3A_193, %dma_start3A_217] : memref<80x128xi32, #tpu.memory_space<vmem>> -> memref<1x128xi32, #tpu.memory_space<vmem>>
        %dma_start3A_219 = tpu.memref_squeeze %dma_start3A_218 : memref<1x128xi32, #tpu.memory_space<vmem>> -> memref<128xi32, #tpu.memory_space<vmem>>
        %dma_start3A_220 = arith.constant 0 : i32
        %dma_start3A_221 = arith.constant 0 : i32
        %dma_start3A_222 = tpu.memref_slice %arg6[%dma_start3A_220, %dma_start3A_221] : memref<10240x128xf32, #tpu.memory_space<vmem_shared>> -> memref<10240x128xf32, #tpu.memory_space<vmem_shared>>
        tpu.enqueue_indirect_dma source(%arg9 : memref<128x128xf32, #tpu.memory_space<vmem>>) target(%dma_start3A_222 : memref<10240x128xf32, #tpu.memory_space<vmem_shared>>) offsets(%dma_start3A_219 : memref<128xi32, #tpu.memory_space<vmem>>) semaphore(%run_scoped3A_216 : memref<!tpu.dma_semaphore, #tpu.memory_space<semaphore_mem>>) {add = true}
        %dma_wait3A_223 = arith.constant 0 : i32
        %dma_wait3A_224 = tpu.memref_slice %arg8[%add3A_193, %dma_wait3A_223] : memref<80x128xi32, #tpu.memory_space<vmem>> -> memref<1x128xi32, #tpu.memory_space<vmem>>
        %dma_wait3A_225 = tpu.memref_squeeze %dma_wait3A_224 : memref<1x128xi32, #tpu.memory_space<vmem>> -> memref<128xi32, #tpu.memory_space<vmem>>
        %dma_wait3A_226 = arith.constant 0 : i32
        %dma_wait3A_227 = arith.constant 0 : i32
        %dma_wait3A_228 = tpu.memref_slice %arg6[%dma_wait3A_226, %dma_wait3A_227] : memref<10240x128xf32, #tpu.memory_space<vmem_shared>> -> memref<10240x128xf32, #tpu.memory_space<vmem_shared>>
        tpu.wait_indirect_dma semaphore(%run_scoped3A_216 : memref<!tpu.dma_semaphore, #tpu.memory_space<semaphore_mem>>) src(%arg9 : memref<128x128xf32, #tpu.memory_space<vmem>>) dst(%dma_wait3A_228 : memref<10240x128xf32, #tpu.memory_space<vmem_shared>>)
        tpu.yield
      }) : () -> ()
      %add3A_194 = arith.constant 2 : i32
      %add3A_195 = arith.addi %mul3A_181, %add3A_194 : i32
      %lt3A_196 = arith.constant 26 : i32
      %lt3A_197 = arith.cmpi slt, %add3A_195, %lt3A_196 : i32
      %convert_element_type3A_198 = arith.extui %lt3A_197 : i1 to i32
      %cond3A_199 = arith.constant 0 : i32
      %cond3A_200 = arith.cmpi ne, %convert_element_type3A_198, %cond3A_199 : i32
      scf.if %cond3A_200 {
        %add3A_216 = arith.constant 2 : i32
        %add3A_217 = arith.addi %mul3A_181, %add3A_216 : i32
        %mul3A_218 = arith.constant 128 : i32
        %mul3A_219 = arith.muli %mul3A_218, %add3A_217 : i32
        %dma_start3A_220 = tpu.memref_slice %arg7[%mul3A_219] : memref<3328xi32, #tpu.memory_space<vmem>> -> memref<128xi32, #tpu.memory_space<vmem>>
        %dma_start3A_221 = arith.constant 0 : i32
        %dma_start3A_222 = arith.constant 0 : i32
        %dma_start3A_223 = tpu.memref_slice %arg2[%dma_start3A_221, %dma_start3A_222] : memref<10000x128xf32, #tpu.memory_space<hbm>> -> memref<10000x128xf32, #tpu.memory_space<hbm>>
        tpu.enqueue_indirect_dma source(%dma_start3A_223 : memref<10000x128xf32, #tpu.memory_space<hbm>>) target(%arg9 : memref<128x128xf32, #tpu.memory_space<vmem>>) offsets(%dma_start3A_220 : memref<128xi32, #tpu.memory_space<vmem>>) semaphore(%arg11 : memref<!tpu.dma_semaphore, #tpu.memory_space<semaphore_mem>>)
      } else {
      }
      %mul3A_201 = arith.constant 128 : i32
      %mul3A_202 = arith.muli %mul3A_201, %add3A_185 : i32
      %dma_wait3A_203 = tpu.memref_slice %arg7[%mul3A_202] : memref<3328xi32, #tpu.memory_space<vmem>> -> memref<128xi32, #tpu.memory_space<vmem>>
      %dma_wait3A_204 = arith.constant 0 : i32
      %dma_wait3A_205 = arith.constant 0 : i32
      %dma_wait3A_206 = tpu.memref_slice %arg2[%dma_wait3A_204, %dma_wait3A_205] : memref<10000x128xf32, #tpu.memory_space<hbm>> -> memref<10000x128xf32, #tpu.memory_space<hbm>>
      tpu.wait_indirect_dma semaphore(%arg12 : memref<!tpu.dma_semaphore, #tpu.memory_space<semaphore_mem>>) src(%dma_wait3A_206 : memref<10000x128xf32, #tpu.memory_space<hbm>>) dst(%arg10 : memref<128x128xf32, #tpu.memory_space<vmem>>)
      %add3A_207 = arith.constant 0 : i32
      %add3A_208 = arith.addi %add3A_207, %add3A_185 : i32
      "tpu.region"() ({
        %run_scoped3A_216 = tpu.sem_alloc : memref<!tpu.dma_semaphore, #tpu.memory_space<semaphore_mem>>
        %dma_start3A_217 = arith.constant 0 : i32
        %dma_start3A_218 = tpu.memref_slice %arg8[%add3A_208, %dma_start3A_217] : memref<80x128xi32, #tpu.memory_space<vmem>> -> memref<1x128xi32, #tpu.memory_space<vmem>>
        %dma_start3A_219 = tpu.memref_squeeze %dma_start3A_218 : memref<1x128xi32, #tpu.memory_space<vmem>> -> memref<128xi32, #tpu.memory_space<vmem>>
        %dma_start3A_220 = arith.constant 0 : i32
        %dma_start3A_221 = arith.constant 0 : i32
        %dma_start3A_222 = tpu.memref_slice %arg6[%dma_start3A_220, %dma_start3A_221] : memref<10240x128xf32, #tpu.memory_space<vmem_shared>> -> memref<10240x128xf32, #tpu.memory_space<vmem_shared>>
        tpu.enqueue_indirect_dma source(%arg10 : memref<128x128xf32, #tpu.memory_space<vmem>>) target(%dma_start3A_222 : memref<10240x128xf32, #tpu.memory_space<vmem_shared>>) offsets(%dma_start3A_219 : memref<128xi32, #tpu.memory_space<vmem>>) semaphore(%run_scoped3A_216 : memref<!tpu.dma_semaphore, #tpu.memory_space<semaphore_mem>>) {add = true}
        %dma_wait3A_223 = arith.constant 0 : i32
        %dma_wait3A_224 = tpu.memref_slice %arg8[%add3A_208, %dma_wait3A_223] : memref<80x128xi32, #tpu.memory_space<vmem>> -> memref<1x128xi32, #tpu.memory_space<vmem>>
        %dma_wait3A_225 = tpu.memref_squeeze %dma_wait3A_224 : memref<1x128xi32, #tpu.memory_space<vmem>> -> memref<128xi32, #tpu.memory_space<vmem>>
        %dma_wait3A_226 = arith.constant 0 : i32
        %dma_wait3A_227 = arith.constant 0 : i32
        %dma_wait3A_228 = tpu.memref_slice %arg6[%dma_wait3A_226, %dma_wait3A_227] : memref<10240x128xf32, #tpu.memory_space<vmem_shared>> -> memref<10240x128xf32, #tpu.memory_space<vmem_shared>>
        tpu.wait_indirect_dma semaphore(%run_scoped3A_216 : memref<!tpu.dma_semaphore, #tpu.memory_space<semaphore_mem>>) src(%arg10 : memref<128x128xf32, #tpu.memory_space<vmem>>) dst(%dma_wait3A_228 : memref<10240x128xf32, #tpu.memory_space<vmem_shared>>)
        tpu.yield
      }) : () -> ()
      %add3A_209 = arith.constant 2 : i32
      %add3A_210 = arith.addi %add3A_185, %add3A_209 : i32
      %lt3A_211 = arith.constant 26 : i32
      %lt3A_212 = arith.cmpi slt, %add3A_210, %lt3A_211 : i32
      %convert_element_type3A_213 = arith.extui %lt3A_212 : i1 to i32
      %cond3A_214 = arith.constant 0 : i32
      %cond3A_215 = arith.cmpi ne, %convert_element_type3A_213, %cond3A_214 : i32
      scf.if %cond3A_215 {
        %add3A_216 = arith.constant 2 : i32
        %add3A_217 = arith.addi %add3A_185, %add3A_216 : i32
        %mul3A_218 = arith.constant 128 : i32
        %mul3A_219 = arith.muli %mul3A_218, %add3A_217 : i32
        %dma_start3A_220 = tpu.memref_slice %arg7[%mul3A_219] : memref<3328xi32, #tpu.memory_space<vmem>> -> memref<128xi32, #tpu.memory_space<vmem>>
        %dma_start3A_221 = arith.constant 0 : i32
        %dma_start3A_222 = arith.constant 0 : i32
        %dma_start3A_223 = tpu.memref_slice %arg2[%dma_start3A_221, %dma_start3A_222] : memref<10000x128xf32, #tpu.memory_space<hbm>> -> memref<10000x128xf32, #tpu.memory_space<hbm>>
        tpu.enqueue_indirect_dma source(%dma_start3A_223 : memref<10000x128xf32, #tpu.memory_space<hbm>>) target(%arg10 : memref<128x128xf32, #tpu.memory_space<vmem>>) offsets(%dma_start3A_220 : memref<128xi32, #tpu.memory_space<vmem>>) semaphore(%arg12 : memref<!tpu.dma_semaphore, #tpu.memory_space<semaphore_mem>>)
      } else {
      }
    }
    %scan3A_42 = arith.constant 13 : i32
    %mul3A_43 = arith.constant 9984 : i32
    %mul3A_44 = arith.muli %mul3A_43, %add3A : i32
    %add3A_45 = arith.constant 3328 : i32
    %add3A_46 = arith.addi %mul3A_44, %add3A_45 : i32
    %run_scoped3A_47 = arith.constant 0 : i32
    "tpu.region"() ({
      %run_scoped3A_175 = tpu.sem_alloc : memref<!tpu.dma_semaphore, #tpu.memory_space<semaphore_mem>>
      %dma_start3A_176 = tpu.memref_slice %arg3[%run_scoped3A_47, %add3A_46] : memref<2x320000xi32, #tpu.memory_space<hbm>> -> memref<1x3328xi32, #tpu.memory_space<hbm>>
      %dma_start3A_177 = tpu.memref_squeeze %dma_start3A_176 : memref<1x3328xi32, #tpu.memory_space<hbm>> -> memref<3328xi32, #tpu.memory_space<hbm>>
      %dma_start3A_178 = tpu.memref_slice %arg3[%run_scoped3A_47, %add3A_46] : memref<2x320000xi32, #tpu.memory_space<hbm>> -> memref<1x3328xi32, #tpu.memory_space<hbm>>
      %dma_start3A_179 = tpu.memref_squeeze %dma_start3A_178 : memref<1x3328xi32, #tpu.memory_space<hbm>> -> memref<3328xi32, #tpu.memory_space<hbm>>
      tpu.enqueue_dma source(%dma_start3A_179 : memref<3328xi32, #tpu.memory_space<hbm>>) target(%arg7 : memref<3328xi32, #tpu.memory_space<vmem>>) target_semaphore(%run_scoped3A_175 : memref<!tpu.dma_semaphore, #tpu.memory_space<semaphore_mem>>)
      %dma_wait3A_180 = tpu.memref_slice %arg3[%run_scoped3A_47, %add3A_46] : memref<2x320000xi32, #tpu.memory_space<hbm>> -> memref<1x3328xi32, #tpu.memory_space<hbm>>
      %dma_wait3A_181 = tpu.memref_squeeze %dma_wait3A_180 : memref<1x3328xi32, #tpu.memory_space<hbm>> -> memref<3328xi32, #tpu.memory_space<hbm>>
      %dma_wait3A_182 = tpu.memref_slice %arg3[%run_scoped3A_47, %add3A_46] : memref<2x320000xi32, #tpu.memory_space<hbm>> -> memref<1x3328xi32, #tpu.memory_space<hbm>>
      %dma_wait3A_183 = tpu.memref_squeeze %dma_wait3A_182 : memref<1x3328xi32, #tpu.memory_space<hbm>> -> memref<3328xi32, #tpu.memory_space<hbm>>
      tpu.wait_dma2 semaphore(%run_scoped3A_175 : memref<!tpu.dma_semaphore, #tpu.memory_space<semaphore_mem>>) src(%dma_wait3A_183 : memref<3328xi32, #tpu.memory_space<hbm>>) dst(%arg7 : memref<3328xi32, #tpu.memory_space<vmem>>)
      tpu.yield
    }) : () -> ()
    %dma_start3A_48 = arith.constant 0 : i32
    %dma_start3A_49 = tpu.memref_slice %arg7[%dma_start3A_48] : memref<3328xi32, #tpu.memory_space<vmem>> -> memref<128xi32, #tpu.memory_space<vmem>>
    %dma_start3A_50 = arith.constant 0 : i32
    %dma_start3A_51 = arith.constant 0 : i32
    %dma_start3A_52 = tpu.memref_slice %arg2[%dma_start3A_50, %dma_start3A_51] : memref<10000x128xf32, #tpu.memory_space<hbm>> -> memref<10000x128xf32, #tpu.memory_space<hbm>>
    tpu.enqueue_indirect_dma source(%dma_start3A_52 : memref<10000x128xf32, #tpu.memory_space<hbm>>) target(%arg9 : memref<128x128xf32, #tpu.memory_space<vmem>>) offsets(%dma_start3A_49 : memref<128xi32, #tpu.memory_space<vmem>>) semaphore(%arg11 : memref<!tpu.dma_semaphore, #tpu.memory_space<semaphore_mem>>)
    %dma_start3A_53 = arith.constant 128 : i32
    %dma_start3A_54 = tpu.memref_slice %arg7[%dma_start3A_53] : memref<3328xi32, #tpu.memory_space<vmem>> -> memref<128xi32, #tpu.memory_space<vmem>>
    %dma_start3A_55 = arith.constant 0 : i32
    %dma_start3A_56 = arith.constant 0 : i32
    %dma_start3A_57 = tpu.memref_slice %arg2[%dma_start3A_55, %dma_start3A_56] : memref<10000x128xf32, #tpu.memory_space<hbm>> -> memref<10000x128xf32, #tpu.memory_space<hbm>>
    tpu.enqueue_indirect_dma source(%dma_start3A_57 : memref<10000x128xf32, #tpu.memory_space<hbm>>) target(%arg10 : memref<128x128xf32, #tpu.memory_space<vmem>>) offsets(%dma_start3A_54 : memref<128xi32, #tpu.memory_space<vmem>>) semaphore(%arg12 : memref<!tpu.dma_semaphore, #tpu.memory_space<semaphore_mem>>)
    %scan3A_58 = arith.constant 0 : i32
    %scan3A_59 = arith.constant 13 : i32
    %scan3A_60 = arith.addi %scan3A_58, %scan3A_59 : i32
    %scan3A_61 = arith.constant 1 : i32
    scf.for %scan3A_175 = %scan3A_58 to %scan3A_60 step %scan3A_61  : i32 {
      %mul3A_176 = arith.constant 1 : i32
      %mul3A_177 = arith.muli %scan3A_175, %mul3A_176 : i32
      %add3A_178 = arith.constant 0 : i32
      %add3A_179 = arith.addi %add3A_178, %mul3A_177 : i32
      %mul3A_180 = arith.constant 2 : i32
      %mul3A_181 = arith.muli %mul3A_180, %add3A_179 : i32
      %mul3A_182 = arith.constant 2 : i32
      %mul3A_183 = arith.muli %mul3A_182, %add3A_179 : i32
      %add3A_184 = arith.constant 1 : i32
      %add3A_185 = arith.addi %mul3A_183, %add3A_184 : i32
      %mul3A_186 = arith.constant 128 : i32
      %mul3A_187 = arith.muli %mul3A_186, %mul3A_181 : i32
      %dma_wait3A_188 = tpu.memref_slice %arg7[%mul3A_187] : memref<3328xi32, #tpu.memory_space<vmem>> -> memref<128xi32, #tpu.memory_space<vmem>>
      %dma_wait3A_189 = arith.constant 0 : i32
      %dma_wait3A_190 = arith.constant 0 : i32
      %dma_wait3A_191 = tpu.memref_slice %arg2[%dma_wait3A_189, %dma_wait3A_190] : memref<10000x128xf32, #tpu.memory_space<hbm>> -> memref<10000x128xf32, #tpu.memory_space<hbm>>
      tpu.wait_indirect_dma semaphore(%arg11 : memref<!tpu.dma_semaphore, #tpu.memory_space<semaphore_mem>>) src(%dma_wait3A_191 : memref<10000x128xf32, #tpu.memory_space<hbm>>) dst(%arg9 : memref<128x128xf32, #tpu.memory_space<vmem>>)
      %add3A_192 = arith.constant 26 : i32
      %add3A_193 = arith.addi %add3A_192, %mul3A_181 : i32
      "tpu.region"() ({
        %run_scoped3A_216 = tpu.sem_alloc : memref<!tpu.dma_semaphore, #tpu.memory_space<semaphore_mem>>
        %dma_start3A_217 = arith.constant 0 : i32
        %dma_start3A_218 = tpu.memref_slice %arg8[%add3A_193, %dma_start3A_217] : memref<80x128xi32, #tpu.memory_space<vmem>> -> memref<1x128xi32, #tpu.memory_space<vmem>>
        %dma_start3A_219 = tpu.memref_squeeze %dma_start3A_218 : memref<1x128xi32, #tpu.memory_space<vmem>> -> memref<128xi32, #tpu.memory_space<vmem>>
        %dma_start3A_220 = arith.constant 0 : i32
        %dma_start3A_221 = arith.constant 0 : i32
        %dma_start3A_222 = tpu.memref_slice %arg6[%dma_start3A_220, %dma_start3A_221] : memref<10240x128xf32, #tpu.memory_space<vmem_shared>> -> memref<10240x128xf32, #tpu.memory_space<vmem_shared>>
        tpu.enqueue_indirect_dma source(%arg9 : memref<128x128xf32, #tpu.memory_space<vmem>>) target(%dma_start3A_222 : memref<10240x128xf32, #tpu.memory_space<vmem_shared>>) offsets(%dma_start3A_219 : memref<128xi32, #tpu.memory_space<vmem>>) semaphore(%run_scoped3A_216 : memref<!tpu.dma_semaphore, #tpu.memory_space<semaphore_mem>>) {add = true}
        %dma_wait3A_223 = arith.constant 0 : i32
        %dma_wait3A_224 = tpu.memref_slice %arg8[%add3A_193, %dma_wait3A_223] : memref<80x128xi32, #tpu.memory_space<vmem>> -> memref<1x128xi32, #tpu.memory_space<vmem>>
        %dma_wait3A_225 = tpu.memref_squeeze %dma_wait3A_224 : memref<1x128xi32, #tpu.memory_space<vmem>> -> memref<128xi32, #tpu.memory_space<vmem>>
        %dma_wait3A_226 = arith.constant 0 : i32
        %dma_wait3A_227 = arith.constant 0 : i32
        %dma_wait3A_228 = tpu.memref_slice %arg6[%dma_wait3A_226, %dma_wait3A_227] : memref<10240x128xf32, #tpu.memory_space<vmem_shared>> -> memref<10240x128xf32, #tpu.memory_space<vmem_shared>>
        tpu.wait_indirect_dma semaphore(%run_scoped3A_216 : memref<!tpu.dma_semaphore, #tpu.memory_space<semaphore_mem>>) src(%arg9 : memref<128x128xf32, #tpu.memory_space<vmem>>) dst(%dma_wait3A_228 : memref<10240x128xf32, #tpu.memory_space<vmem_shared>>)
        tpu.yield
      }) : () -> ()
      %add3A_194 = arith.constant 2 : i32
      %add3A_195 = arith.addi %mul3A_181, %add3A_194 : i32
      %lt3A_196 = arith.constant 26 : i32
      %lt3A_197 = arith.cmpi slt, %add3A_195, %lt3A_196 : i32
      %convert_element_type3A_198 = arith.extui %lt3A_197 : i1 to i32
      %cond3A_199 = arith.constant 0 : i32
      %cond3A_200 = arith.cmpi ne, %convert_element_type3A_198, %cond3A_199 : i32
      scf.if %cond3A_200 {
        %add3A_216 = arith.constant 2 : i32
        %add3A_217 = arith.addi %mul3A_181, %add3A_216 : i32
        %mul3A_218 = arith.constant 128 : i32
        %mul3A_219 = arith.muli %mul3A_218, %add3A_217 : i32
        %dma_start3A_220 = tpu.memref_slice %arg7[%mul3A_219] : memref<3328xi32, #tpu.memory_space<vmem>> -> memref<128xi32, #tpu.memory_space<vmem>>
        %dma_start3A_221 = arith.constant 0 : i32
        %dma_start3A_222 = arith.constant 0 : i32
        %dma_start3A_223 = tpu.memref_slice %arg2[%dma_start3A_221, %dma_start3A_222] : memref<10000x128xf32, #tpu.memory_space<hbm>> -> memref<10000x128xf32, #tpu.memory_space<hbm>>
        tpu.enqueue_indirect_dma source(%dma_start3A_223 : memref<10000x128xf32, #tpu.memory_space<hbm>>) target(%arg9 : memref<128x128xf32, #tpu.memory_space<vmem>>) offsets(%dma_start3A_220 : memref<128xi32, #tpu.memory_space<vmem>>) semaphore(%arg11 : memref<!tpu.dma_semaphore, #tpu.memory_space<semaphore_mem>>)
      } else {
      }
      %mul3A_201 = arith.constant 128 : i32
      %mul3A_202 = arith.muli %mul3A_201, %add3A_185 : i32
      %dma_wait3A_203 = tpu.memref_slice %arg7[%mul3A_202] : memref<3328xi32, #tpu.memory_space<vmem>> -> memref<128xi32, #tpu.memory_space<vmem>>
      %dma_wait3A_204 = arith.constant 0 : i32
      %dma_wait3A_205 = arith.constant 0 : i32
      %dma_wait3A_206 = tpu.memref_slice %arg2[%dma_wait3A_204, %dma_wait3A_205] : memref<10000x128xf32, #tpu.memory_space<hbm>> -> memref<10000x128xf32, #tpu.memory_space<hbm>>
      tpu.wait_indirect_dma semaphore(%arg12 : memref<!tpu.dma_semaphore, #tpu.memory_space<semaphore_mem>>) src(%dma_wait3A_206 : memref<10000x128xf32, #tpu.memory_space<hbm>>) dst(%arg10 : memref<128x128xf32, #tpu.memory_space<vmem>>)
      %add3A_207 = arith.constant 26 : i32
      %add3A_208 = arith.addi %add3A_207, %add3A_185 : i32
      "tpu.region"() ({
        %run_scoped3A_216 = tpu.sem_alloc : memref<!tpu.dma_semaphore, #tpu.memory_space<semaphore_mem>>
        %dma_start3A_217 = arith.constant 0 : i32
        %dma_start3A_218 = tpu.memref_slice %arg8[%add3A_208, %dma_start3A_217] : memref<80x128xi32, #tpu.memory_space<vmem>> -> memref<1x128xi32, #tpu.memory_space<vmem>>
        %dma_start3A_219 = tpu.memref_squeeze %dma_start3A_218 : memref<1x128xi32, #tpu.memory_space<vmem>> -> memref<128xi32, #tpu.memory_space<vmem>>
        %dma_start3A_220 = arith.constant 0 : i32
        %dma_start3A_221 = arith.constant 0 : i32
        %dma_start3A_222 = tpu.memref_slice %arg6[%dma_start3A_220, %dma_start3A_221] : memref<10240x128xf32, #tpu.memory_space<vmem_shared>> -> memref<10240x128xf32, #tpu.memory_space<vmem_shared>>
        tpu.enqueue_indirect_dma source(%arg10 : memref<128x128xf32, #tpu.memory_space<vmem>>) target(%dma_start3A_222 : memref<10240x128xf32, #tpu.memory_space<vmem_shared>>) offsets(%dma_start3A_219 : memref<128xi32, #tpu.memory_space<vmem>>) semaphore(%run_scoped3A_216 : memref<!tpu.dma_semaphore, #tpu.memory_space<semaphore_mem>>) {add = true}
        %dma_wait3A_223 = arith.constant 0 : i32
        %dma_wait3A_224 = tpu.memref_slice %arg8[%add3A_208, %dma_wait3A_223] : memref<80x128xi32, #tpu.memory_space<vmem>> -> memref<1x128xi32, #tpu.memory_space<vmem>>
        %dma_wait3A_225 = tpu.memref_squeeze %dma_wait3A_224 : memref<1x128xi32, #tpu.memory_space<vmem>> -> memref<128xi32, #tpu.memory_space<vmem>>
        %dma_wait3A_226 = arith.constant 0 : i32
        %dma_wait3A_227 = arith.constant 0 : i32
        %dma_wait3A_228 = tpu.memref_slice %arg6[%dma_wait3A_226, %dma_wait3A_227] : memref<10240x128xf32, #tpu.memory_space<vmem_shared>> -> memref<10240x128xf32, #tpu.memory_space<vmem_shared>>
        tpu.wait_indirect_dma semaphore(%run_scoped3A_216 : memref<!tpu.dma_semaphore, #tpu.memory_space<semaphore_mem>>) src(%arg10 : memref<128x128xf32, #tpu.memory_space<vmem>>) dst(%dma_wait3A_228 : memref<10240x128xf32, #tpu.memory_space<vmem_shared>>)
        tpu.yield
      }) : () -> ()
      %add3A_209 = arith.constant 2 : i32
      %add3A_210 = arith.addi %add3A_185, %add3A_209 : i32
      %lt3A_211 = arith.constant 26 : i32
      %lt3A_212 = arith.cmpi slt, %add3A_210, %lt3A_211 : i32
      %convert_element_type3A_213 = arith.extui %lt3A_212 : i1 to i32
      %cond3A_214 = arith.constant 0 : i32
      %cond3A_215 = arith.cmpi ne, %convert_element_type3A_213, %cond3A_214 : i32
      scf.if %cond3A_215 {
        %add3A_216 = arith.constant 2 : i32
        %add3A_217 = arith.addi %add3A_185, %add3A_216 : i32
        %mul3A_218 = arith.constant 128 : i32
        %mul3A_219 = arith.muli %mul3A_218, %add3A_217 : i32
        %dma_start3A_220 = tpu.memref_slice %arg7[%mul3A_219] : memref<3328xi32, #tpu.memory_space<vmem>> -> memref<128xi32, #tpu.memory_space<vmem>>
        %dma_start3A_221 = arith.constant 0 : i32
        %dma_start3A_222 = arith.constant 0 : i32
        %dma_start3A_223 = tpu.memref_slice %arg2[%dma_start3A_221, %dma_start3A_222] : memref<10000x128xf32, #tpu.memory_space<hbm>> -> memref<10000x128xf32, #tpu.memory_space<hbm>>
        tpu.enqueue_indirect_dma source(%dma_start3A_223 : memref<10000x128xf32, #tpu.memory_space<hbm>>) target(%arg10 : memref<128x128xf32, #tpu.memory_space<vmem>>) offsets(%dma_start3A_220 : memref<128xi32, #tpu.memory_space<vmem>>) semaphore(%arg12 : memref<!tpu.dma_semaphore, #tpu.memory_space<semaphore_mem>>)
      } else {
      }
    }
    %scan3A_62 = arith.constant 13 : i32
    %mul3A_63 = arith.constant 9984 : i32
    %mul3A_64 = arith.muli %mul3A_63, %add3A : i32
    %add3A_65 = arith.constant 6656 : i32
    %add3A_66 = arith.addi %mul3A_64, %add3A_65 : i32
    %run_scoped3A_67 = arith.constant 0 : i32
    "tpu.region"() ({
      %run_scoped3A_175 = tpu.sem_alloc : memref<!tpu.dma_semaphore, #tpu.memory_space<semaphore_mem>>
      %dma_start3A_176 = tpu.memref_slice %arg3[%run_scoped3A_67, %add3A_66] : memref<2x320000xi32, #tpu.memory_space<hbm>> -> memref<1x3328xi32, #tpu.memory_space<hbm>>
      %dma_start3A_177 = tpu.memref_squeeze %dma_start3A_176 : memref<1x3328xi32, #tpu.memory_space<hbm>> -> memref<3328xi32, #tpu.memory_space<hbm>>
      %dma_start3A_178 = tpu.memref_slice %arg3[%run_scoped3A_67, %add3A_66] : memref<2x320000xi32, #tpu.memory_space<hbm>> -> memref<1x3328xi32, #tpu.memory_space<hbm>>
      %dma_start3A_179 = tpu.memref_squeeze %dma_start3A_178 : memref<1x3328xi32, #tpu.memory_space<hbm>> -> memref<3328xi32, #tpu.memory_space<hbm>>
      tpu.enqueue_dma source(%dma_start3A_179 : memref<3328xi32, #tpu.memory_space<hbm>>) target(%arg7 : memref<3328xi32, #tpu.memory_space<vmem>>) target_semaphore(%run_scoped3A_175 : memref<!tpu.dma_semaphore, #tpu.memory_space<semaphore_mem>>)
      %dma_wait3A_180 = tpu.memref_slice %arg3[%run_scoped3A_67, %add3A_66] : memref<2x320000xi32, #tpu.memory_space<hbm>> -> memref<1x3328xi32, #tpu.memory_space<hbm>>
      %dma_wait3A_181 = tpu.memref_squeeze %dma_wait3A_180 : memref<1x3328xi32, #tpu.memory_space<hbm>> -> memref<3328xi32, #tpu.memory_space<hbm>>
      %dma_wait3A_182 = tpu.memref_slice %arg3[%run_scoped3A_67, %add3A_66] : memref<2x320000xi32, #tpu.memory_space<hbm>> -> memref<1x3328xi32, #tpu.memory_space<hbm>>
      %dma_wait3A_183 = tpu.memref_squeeze %dma_wait3A_182 : memref<1x3328xi32, #tpu.memory_space<hbm>> -> memref<3328xi32, #tpu.memory_space<hbm>>
      tpu.wait_dma2 semaphore(%run_scoped3A_175 : memref<!tpu.dma_semaphore, #tpu.memory_space<semaphore_mem>>) src(%dma_wait3A_183 : memref<3328xi32, #tpu.memory_space<hbm>>) dst(%arg7 : memref<3328xi32, #tpu.memory_space<vmem>>)
      tpu.yield
    }) : () -> ()
    %dma_start3A_68 = arith.constant 0 : i32
    %dma_start3A_69 = tpu.memref_slice %arg7[%dma_start3A_68] : memref<3328xi32, #tpu.memory_space<vmem>> -> memref<128xi32, #tpu.memory_space<vmem>>
    %dma_start3A_70 = arith.constant 0 : i32
    %dma_start3A_71 = arith.constant 0 : i32
    %dma_start3A_72 = tpu.memref_slice %arg2[%dma_start3A_70, %dma_start3A_71] : memref<10000x128xf32, #tpu.memory_space<hbm>> -> memref<10000x128xf32, #tpu.memory_space<hbm>>
    tpu.enqueue_indirect_dma source(%dma_start3A_72 : memref<10000x128xf32, #tpu.memory_space<hbm>>) target(%arg9 : memref<128x128xf32, #tpu.memory_space<vmem>>) offsets(%dma_start3A_69 : memref<128xi32, #tpu.memory_space<vmem>>) semaphore(%arg11 : memref<!tpu.dma_semaphore, #tpu.memory_space<semaphore_mem>>)
    %dma_start3A_73 = arith.constant 128 : i32
    %dma_start3A_74 = tpu.memref_slice %arg7[%dma_start3A_73] : memref<3328xi32, #tpu.memory_space<vmem>> -> memref<128xi32, #tpu.memory_space<vmem>>
    %dma_start3A_75 = arith.constant 0 : i32
    %dma_start3A_76 = arith.constant 0 : i32
    %dma_start3A_77 = tpu.memref_slice %arg2[%dma_start3A_75, %dma_start3A_76] : memref<10000x128xf32, #tpu.memory_space<hbm>> -> memref<10000x128xf32, #tpu.memory_space<hbm>>
    tpu.enqueue_indirect_dma source(%dma_start3A_77 : memref<10000x128xf32, #tpu.memory_space<hbm>>) target(%arg10 : memref<128x128xf32, #tpu.memory_space<vmem>>) offsets(%dma_start3A_74 : memref<128xi32, #tpu.memory_space<vmem>>) semaphore(%arg12 : memref<!tpu.dma_semaphore, #tpu.memory_space<semaphore_mem>>)
    %scan3A_78 = arith.constant 0 : i32
    %scan3A_79 = arith.constant 13 : i32
    %scan3A_80 = arith.addi %scan3A_78, %scan3A_79 : i32
    %scan3A_81 = arith.constant 1 : i32
    scf.for %scan3A_175 = %scan3A_78 to %scan3A_80 step %scan3A_81  : i32 {
      %mul3A_176 = arith.constant 1 : i32
      %mul3A_177 = arith.muli %scan3A_175, %mul3A_176 : i32
      %add3A_178 = arith.constant 0 : i32
      %add3A_179 = arith.addi %add3A_178, %mul3A_177 : i32
      %mul3A_180 = arith.constant 2 : i32
      %mul3A_181 = arith.muli %mul3A_180, %add3A_179 : i32
      %mul3A_182 = arith.constant 2 : i32
      %mul3A_183 = arith.muli %mul3A_182, %add3A_179 : i32
      %add3A_184 = arith.constant 1 : i32
      %add3A_185 = arith.addi %mul3A_183, %add3A_184 : i32
      %mul3A_186 = arith.constant 128 : i32
      %mul3A_187 = arith.muli %mul3A_186, %mul3A_181 : i32
      %dma_wait3A_188 = tpu.memref_slice %arg7[%mul3A_187] : memref<3328xi32, #tpu.memory_space<vmem>> -> memref<128xi32, #tpu.memory_space<vmem>>
      %dma_wait3A_189 = arith.constant 0 : i32
      %dma_wait3A_190 = arith.constant 0 : i32
      %dma_wait3A_191 = tpu.memref_slice %arg2[%dma_wait3A_189, %dma_wait3A_190] : memref<10000x128xf32, #tpu.memory_space<hbm>> -> memref<10000x128xf32, #tpu.memory_space<hbm>>
      tpu.wait_indirect_dma semaphore(%arg11 : memref<!tpu.dma_semaphore, #tpu.memory_space<semaphore_mem>>) src(%dma_wait3A_191 : memref<10000x128xf32, #tpu.memory_space<hbm>>) dst(%arg9 : memref<128x128xf32, #tpu.memory_space<vmem>>)
      %add3A_192 = arith.constant 52 : i32
      %add3A_193 = arith.addi %add3A_192, %mul3A_181 : i32
      "tpu.region"() ({
        %run_scoped3A_216 = tpu.sem_alloc : memref<!tpu.dma_semaphore, #tpu.memory_space<semaphore_mem>>
        %dma_start3A_217 = arith.constant 0 : i32
        %dma_start3A_218 = tpu.memref_slice %arg8[%add3A_193, %dma_start3A_217] : memref<80x128xi32, #tpu.memory_space<vmem>> -> memref<1x128xi32, #tpu.memory_space<vmem>>
        %dma_start3A_219 = tpu.memref_squeeze %dma_start3A_218 : memref<1x128xi32, #tpu.memory_space<vmem>> -> memref<128xi32, #tpu.memory_space<vmem>>
        %dma_start3A_220 = arith.constant 0 : i32
        %dma_start3A_221 = arith.constant 0 : i32
        %dma_start3A_222 = tpu.memref_slice %arg6[%dma_start3A_220, %dma_start3A_221] : memref<10240x128xf32, #tpu.memory_space<vmem_shared>> -> memref<10240x128xf32, #tpu.memory_space<vmem_shared>>
        tpu.enqueue_indirect_dma source(%arg9 : memref<128x128xf32, #tpu.memory_space<vmem>>) target(%dma_start3A_222 : memref<10240x128xf32, #tpu.memory_space<vmem_shared>>) offsets(%dma_start3A_219 : memref<128xi32, #tpu.memory_space<vmem>>) semaphore(%run_scoped3A_216 : memref<!tpu.dma_semaphore, #tpu.memory_space<semaphore_mem>>) {add = true}
        %dma_wait3A_223 = arith.constant 0 : i32
        %dma_wait3A_224 = tpu.memref_slice %arg8[%add3A_193, %dma_wait3A_223] : memref<80x128xi32, #tpu.memory_space<vmem>> -> memref<1x128xi32, #tpu.memory_space<vmem>>
        %dma_wait3A_225 = tpu.memref_squeeze %dma_wait3A_224 : memref<1x128xi32, #tpu.memory_space<vmem>> -> memref<128xi32, #tpu.memory_space<vmem>>
        %dma_wait3A_226 = arith.constant 0 : i32
        %dma_wait3A_227 = arith.constant 0 : i32
        %dma_wait3A_228 = tpu.memref_slice %arg6[%dma_wait3A_226, %dma_wait3A_227] : memref<10240x128xf32, #tpu.memory_space<vmem_shared>> -> memref<10240x128xf32, #tpu.memory_space<vmem_shared>>
        tpu.wait_indirect_dma semaphore(%run_scoped3A_216 : memref<!tpu.dma_semaphore, #tpu.memory_space<semaphore_mem>>) src(%arg9 : memref<128x128xf32, #tpu.memory_space<vmem>>) dst(%dma_wait3A_228 : memref<10240x128xf32, #tpu.memory_space<vmem_shared>>)
        tpu.yield
      }) : () -> ()
      %add3A_194 = arith.constant 2 : i32
      %add3A_195 = arith.addi %mul3A_181, %add3A_194 : i32
      %lt3A_196 = arith.constant 26 : i32
      %lt3A_197 = arith.cmpi slt, %add3A_195, %lt3A_196 : i32
      %convert_element_type3A_198 = arith.extui %lt3A_197 : i1 to i32
      %cond3A_199 = arith.constant 0 : i32
      %cond3A_200 = arith.cmpi ne, %convert_element_type3A_198, %cond3A_199 : i32
      scf.if %cond3A_200 {
        %add3A_216 = arith.constant 2 : i32
        %add3A_217 = arith.addi %mul3A_181, %add3A_216 : i32
        %mul3A_218 = arith.constant 128 : i32
        %mul3A_219 = arith.muli %mul3A_218, %add3A_217 : i32
        %dma_start3A_220 = tpu.memref_slice %arg7[%mul3A_219] : memref<3328xi32, #tpu.memory_space<vmem>> -> memref<128xi32, #tpu.memory_space<vmem>>
        %dma_start3A_221 = arith.constant 0 : i32
        %dma_start3A_222 = arith.constant 0 : i32
        %dma_start3A_223 = tpu.memref_slice %arg2[%dma_start3A_221, %dma_start3A_222] : memref<10000x128xf32, #tpu.memory_space<hbm>> -> memref<10000x128xf32, #tpu.memory_space<hbm>>
        tpu.enqueue_indirect_dma source(%dma_start3A_223 : memref<10000x128xf32, #tpu.memory_space<hbm>>) target(%arg9 : memref<128x128xf32, #tpu.memory_space<vmem>>) offsets(%dma_start3A_220 : memref<128xi32, #tpu.memory_space<vmem>>) semaphore(%arg11 : memref<!tpu.dma_semaphore, #tpu.memory_space<semaphore_mem>>)
      } else {
      }
      %mul3A_201 = arith.constant 128 : i32
      %mul3A_202 = arith.muli %mul3A_201, %add3A_185 : i32
      %dma_wait3A_203 = tpu.memref_slice %arg7[%mul3A_202] : memref<3328xi32, #tpu.memory_space<vmem>> -> memref<128xi32, #tpu.memory_space<vmem>>
      %dma_wait3A_204 = arith.constant 0 : i32
      %dma_wait3A_205 = arith.constant 0 : i32
      %dma_wait3A_206 = tpu.memref_slice %arg2[%dma_wait3A_204, %dma_wait3A_205] : memref<10000x128xf32, #tpu.memory_space<hbm>> -> memref<10000x128xf32, #tpu.memory_space<hbm>>
      tpu.wait_indirect_dma semaphore(%arg12 : memref<!tpu.dma_semaphore, #tpu.memory_space<semaphore_mem>>) src(%dma_wait3A_206 : memref<10000x128xf32, #tpu.memory_space<hbm>>) dst(%arg10 : memref<128x128xf32, #tpu.memory_space<vmem>>)
      %add3A_207 = arith.constant 52 : i32
      %add3A_208 = arith.addi %add3A_207, %add3A_185 : i32
      "tpu.region"() ({
        %run_scoped3A_216 = tpu.sem_alloc : memref<!tpu.dma_semaphore, #tpu.memory_space<semaphore_mem>>
        %dma_start3A_217 = arith.constant 0 : i32
        %dma_start3A_218 = tpu.memref_slice %arg8[%add3A_208, %dma_start3A_217] : memref<80x128xi32, #tpu.memory_space<vmem>> -> memref<1x128xi32, #tpu.memory_space<vmem>>
        %dma_start3A_219 = tpu.memref_squeeze %dma_start3A_218 : memref<1x128xi32, #tpu.memory_space<vmem>> -> memref<128xi32, #tpu.memory_space<vmem>>
        %dma_start3A_220 = arith.constant 0 : i32
        %dma_start3A_221 = arith.constant 0 : i32
        %dma_start3A_222 = tpu.memref_slice %arg6[%dma_start3A_220, %dma_start3A_221] : memref<10240x128xf32, #tpu.memory_space<vmem_shared>> -> memref<10240x128xf32, #tpu.memory_space<vmem_shared>>
        tpu.enqueue_indirect_dma source(%arg10 : memref<128x128xf32, #tpu.memory_space<vmem>>) target(%dma_start3A_222 : memref<10240x128xf32, #tpu.memory_space<vmem_shared>>) offsets(%dma_start3A_219 : memref<128xi32, #tpu.memory_space<vmem>>) semaphore(%run_scoped3A_216 : memref<!tpu.dma_semaphore, #tpu.memory_space<semaphore_mem>>) {add = true}
        %dma_wait3A_223 = arith.constant 0 : i32
        %dma_wait3A_224 = tpu.memref_slice %arg8[%add3A_208, %dma_wait3A_223] : memref<80x128xi32, #tpu.memory_space<vmem>> -> memref<1x128xi32, #tpu.memory_space<vmem>>
        %dma_wait3A_225 = tpu.memref_squeeze %dma_wait3A_224 : memref<1x128xi32, #tpu.memory_space<vmem>> -> memref<128xi32, #tpu.memory_space<vmem>>
        %dma_wait3A_226 = arith.constant 0 : i32
        %dma_wait3A_227 = arith.constant 0 : i32
        %dma_wait3A_228 = tpu.memref_slice %arg6[%dma_wait3A_226, %dma_wait3A_227] : memref<10240x128xf32, #tpu.memory_space<vmem_shared>> -> memref<10240x128xf32, #tpu.memory_space<vmem_shared>>
        tpu.wait_indirect_dma semaphore(%run_scoped3A_216 : memref<!tpu.dma_semaphore, #tpu.memory_space<semaphore_mem>>) src(%arg10 : memref<128x128xf32, #tpu.memory_space<vmem>>) dst(%dma_wait3A_228 : memref<10240x128xf32, #tpu.memory_space<vmem_shared>>)
        tpu.yield
      }) : () -> ()
      %add3A_209 = arith.constant 2 : i32
      %add3A_210 = arith.addi %add3A_185, %add3A_209 : i32
      %lt3A_211 = arith.constant 26 : i32
      %lt3A_212 = arith.cmpi slt, %add3A_210, %lt3A_211 : i32
      %convert_element_type3A_213 = arith.extui %lt3A_212 : i1 to i32
      %cond3A_214 = arith.constant 0 : i32
      %cond3A_215 = arith.cmpi ne, %convert_element_type3A_213, %cond3A_214 : i32
      scf.if %cond3A_215 {
        %add3A_216 = arith.constant 2 : i32
        %add3A_217 = arith.addi %add3A_185, %add3A_216 : i32
        %mul3A_218 = arith.constant 128 : i32
        %mul3A_219 = arith.muli %mul3A_218, %add3A_217 : i32
        %dma_start3A_220 = tpu.memref_slice %arg7[%mul3A_219] : memref<3328xi32, #tpu.memory_space<vmem>> -> memref<128xi32, #tpu.memory_space<vmem>>
        %dma_start3A_221 = arith.constant 0 : i32
        %dma_start3A_222 = arith.constant 0 : i32
        %dma_start3A_223 = tpu.memref_slice %arg2[%dma_start3A_221, %dma_start3A_222] : memref<10000x128xf32, #tpu.memory_space<hbm>> -> memref<10000x128xf32, #tpu.memory_space<hbm>>
        tpu.enqueue_indirect_dma source(%dma_start3A_223 : memref<10000x128xf32, #tpu.memory_space<hbm>>) target(%arg10 : memref<128x128xf32, #tpu.memory_space<vmem>>) offsets(%dma_start3A_220 : memref<128xi32, #tpu.memory_space<vmem>>) semaphore(%arg12 : memref<!tpu.dma_semaphore, #tpu.memory_space<semaphore_mem>>)
      } else {
      }
    }
    %scan3A_82 = arith.constant 13 : i32
    %lt3A = arith.constant 4 : i32
    %lt3A_83 = arith.cmpi slt, %add3A, %lt3A : i32
    %convert_element_type3A = arith.extui %lt3A_83 : i1 to i32
    %cond3A = arith.constant 0 : i32
    %cond3A_84 = arith.cmpi ne, %convert_element_type3A, %cond3A : i32
    scf.if %cond3A_84 {
      %mul3A_175 = arith.constant 128 : i32
      %mul3A_176 = arith.muli %mul3A_175, %add3A : i32
      %add3A_177 = arith.constant 319488 : i32
      %add3A_178 = arith.addi %add3A_177, %mul3A_176 : i32
      %run_scoped3A_179 = arith.constant 0 : i32
      "tpu.region"() ({
        %run_scoped3A_191 = tpu.sem_alloc : memref<!tpu.dma_semaphore, #tpu.memory_space<semaphore_mem>>
        %dma_start3A_192 = arith.constant 0 : i32
        %dma_start3A_193 = tpu.memref_slice %arg7[%dma_start3A_192] : memref<3328xi32, #tpu.memory_space<vmem>> -> memref<128xi32, #tpu.memory_space<vmem>>
        %dma_start3A_194 = tpu.memref_slice %arg3[%run_scoped3A_179, %add3A_178] : memref<2x320000xi32, #tpu.memory_space<hbm>> -> memref<1x128xi32, #tpu.memory_space<hbm>>
        %dma_start3A_195 = tpu.memref_squeeze %dma_start3A_194 : memref<1x128xi32, #tpu.memory_space<hbm>> -> memref<128xi32, #tpu.memory_space<hbm>>
        %dma_start3A_196 = arith.constant 0 : i32
        %dma_start3A_197 = tpu.memref_slice %arg7[%dma_start3A_196] : memref<3328xi32, #tpu.memory_space<vmem>> -> memref<128xi32, #tpu.memory_space<vmem>>
        %dma_start3A_198 = tpu.memref_slice %arg3[%run_scoped3A_179, %add3A_178] : memref<2x320000xi32, #tpu.memory_space<hbm>> -> memref<1x128xi32, #tpu.memory_space<hbm>>
        %dma_start3A_199 = tpu.memref_squeeze %dma_start3A_198 : memref<1x128xi32, #tpu.memory_space<hbm>> -> memref<128xi32, #tpu.memory_space<hbm>>
        tpu.enqueue_dma source(%dma_start3A_199 : memref<128xi32, #tpu.memory_space<hbm>>) target(%dma_start3A_197 : memref<128xi32, #tpu.memory_space<vmem>>) target_semaphore(%run_scoped3A_191 : memref<!tpu.dma_semaphore, #tpu.memory_space<semaphore_mem>>)
        %dma_wait3A_200 = arith.constant 0 : i32
        %dma_wait3A_201 = tpu.memref_slice %arg7[%dma_wait3A_200] : memref<3328xi32, #tpu.memory_space<vmem>> -> memref<128xi32, #tpu.memory_space<vmem>>
        %dma_wait3A_202 = tpu.memref_slice %arg3[%run_scoped3A_179, %add3A_178] : memref<2x320000xi32, #tpu.memory_space<hbm>> -> memref<1x128xi32, #tpu.memory_space<hbm>>
        %dma_wait3A_203 = tpu.memref_squeeze %dma_wait3A_202 : memref<1x128xi32, #tpu.memory_space<hbm>> -> memref<128xi32, #tpu.memory_space<hbm>>
        %dma_wait3A_204 = arith.constant 0 : i32
        %dma_wait3A_205 = tpu.memref_slice %arg7[%dma_wait3A_204] : memref<3328xi32, #tpu.memory_space<vmem>> -> memref<128xi32, #tpu.memory_space<vmem>>
        %dma_wait3A_206 = tpu.memref_slice %arg3[%run_scoped3A_179, %add3A_178] : memref<2x320000xi32, #tpu.memory_space<hbm>> -> memref<1x128xi32, #tpu.memory_space<hbm>>
        %dma_wait3A_207 = tpu.memref_squeeze %dma_wait3A_206 : memref<1x128xi32, #tpu.memory_space<hbm>> -> memref<128xi32, #tpu.memory_space<hbm>>
        tpu.wait_dma2 semaphore(%run_scoped3A_191 : memref<!tpu.dma_semaphore, #tpu.memory_space<semaphore_mem>>) src(%dma_wait3A_207 : memref<128xi32, #tpu.memory_space<hbm>>) dst(%dma_wait3A_205 : memref<128xi32, #tpu.memory_space<vmem>>)
        tpu.yield
      }) : () -> ()
      %dma_start3A_180 = arith.constant 0 : i32
      %dma_start3A_181 = tpu.memref_slice %arg7[%dma_start3A_180] : memref<3328xi32, #tpu.memory_space<vmem>> -> memref<128xi32, #tpu.memory_space<vmem>>
      %dma_start3A_182 = arith.constant 0 : i32
      %dma_start3A_183 = arith.constant 0 : i32
      %dma_start3A_184 = tpu.memref_slice %arg2[%dma_start3A_182, %dma_start3A_183] : memref<10000x128xf32, #tpu.memory_space<hbm>> -> memref<10000x128xf32, #tpu.memory_space<hbm>>
      tpu.enqueue_indirect_dma source(%dma_start3A_184 : memref<10000x128xf32, #tpu.memory_space<hbm>>) target(%arg9 : memref<128x128xf32, #tpu.memory_space<vmem>>) offsets(%dma_start3A_181 : memref<128xi32, #tpu.memory_space<vmem>>) semaphore(%arg11 : memref<!tpu.dma_semaphore, #tpu.memory_space<semaphore_mem>>)
      %dma_wait3A_185 = arith.constant 0 : i32
      %dma_wait3A_186 = tpu.memref_slice %arg7[%dma_wait3A_185] : memref<3328xi32, #tpu.memory_space<vmem>> -> memref<128xi32, #tpu.memory_space<vmem>>
      %dma_wait3A_187 = arith.constant 0 : i32
      %dma_wait3A_188 = arith.constant 0 : i32
      %dma_wait3A_189 = tpu.memref_slice %arg2[%dma_wait3A_187, %dma_wait3A_188] : memref<10000x128xf32, #tpu.memory_space<hbm>> -> memref<10000x128xf32, #tpu.memory_space<hbm>>
      tpu.wait_indirect_dma semaphore(%arg11 : memref<!tpu.dma_semaphore, #tpu.memory_space<semaphore_mem>>) src(%dma_wait3A_189 : memref<10000x128xf32, #tpu.memory_space<hbm>>) dst(%arg9 : memref<128x128xf32, #tpu.memory_space<vmem>>)
      %run_scoped3A_190 = arith.constant 78 : i32
      "tpu.region"() ({
        %run_scoped3A_191 = tpu.sem_alloc : memref<!tpu.dma_semaphore, #tpu.memory_space<semaphore_mem>>
        %dma_start3A_192 = arith.constant 0 : i32
        %dma_start3A_193 = tpu.memref_slice %arg8[%run_scoped3A_190, %dma_start3A_192] : memref<80x128xi32, #tpu.memory_space<vmem>> -> memref<1x128xi32, #tpu.memory_space<vmem>>
        %dma_start3A_194 = tpu.memref_squeeze %dma_start3A_193 : memref<1x128xi32, #tpu.memory_space<vmem>> -> memref<128xi32, #tpu.memory_space<vmem>>
        %dma_start3A_195 = arith.constant 0 : i32
        %dma_start3A_196 = arith.constant 0 : i32
        %dma_start3A_197 = tpu.memref_slice %arg6[%dma_start3A_195, %dma_start3A_196] : memref<10240x128xf32, #tpu.memory_space<vmem_shared>> -> memref<10240x128xf32, #tpu.memory_space<vmem_shared>>
        tpu.enqueue_indirect_dma source(%arg9 : memref<128x128xf32, #tpu.memory_space<vmem>>) target(%dma_start3A_197 : memref<10240x128xf32, #tpu.memory_space<vmem_shared>>) offsets(%dma_start3A_194 : memref<128xi32, #tpu.memory_space<vmem>>) semaphore(%run_scoped3A_191 : memref<!tpu.dma_semaphore, #tpu.memory_space<semaphore_mem>>) {add = true}
        %dma_wait3A_198 = arith.constant 0 : i32
        %dma_wait3A_199 = tpu.memref_slice %arg8[%run_scoped3A_190, %dma_wait3A_198] : memref<80x128xi32, #tpu.memory_space<vmem>> -> memref<1x128xi32, #tpu.memory_space<vmem>>
        %dma_wait3A_200 = tpu.memref_squeeze %dma_wait3A_199 : memref<1x128xi32, #tpu.memory_space<vmem>> -> memref<128xi32, #tpu.memory_space<vmem>>
        %dma_wait3A_201 = arith.constant 0 : i32
        %dma_wait3A_202 = arith.constant 0 : i32
        %dma_wait3A_203 = tpu.memref_slice %arg6[%dma_wait3A_201, %dma_wait3A_202] : memref<10240x128xf32, #tpu.memory_space<vmem_shared>> -> memref<10240x128xf32, #tpu.memory_space<vmem_shared>>
        tpu.wait_indirect_dma semaphore(%run_scoped3A_191 : memref<!tpu.dma_semaphore, #tpu.memory_space<semaphore_mem>>) src(%arg9 : memref<128x128xf32, #tpu.memory_space<vmem>>) dst(%dma_wait3A_203 : memref<10240x128xf32, #tpu.memory_space<vmem_shared>>)
        tpu.yield
      }) : () -> ()
    } else {
    }
    %barrier3A_85 = arith.constant 0 : index
    tpu.barrier barrier_id(%barrier3A_85)
    %mul3A_86 = arith.constant 640 : i32
    %mul3A_87 = arith.muli %mul3A_86, %arg1 : i32
    %add3A_88 = arith.constant 0 : i32
    %add3A_89 = arith.addi %mul3A_87, %add3A_88 : i32
    %dma_start3A_90 = arith.constant 0 : i32
    %dma_start3A_91 = tpu.memref_slice %arg5[%arg0, %add3A_89, %dma_start3A_90] : memref<2x10240x128xf32, #tpu.memory_space<hbm>> -> memref<1x128x128xf32, #tpu.memory_space<hbm>>
    %dma_start3A_92 = tpu.memref_squeeze %dma_start3A_91 : memref<1x128x128xf32, #tpu.memory_space<hbm>> -> memref<128x128xf32, #tpu.memory_space<hbm>>
    %dma_start3A_93 = arith.constant 0 : i32
    %dma_start3A_94 = tpu.memref_slice %arg6[%add3A_89, %dma_start3A_93] : memref<10240x128xf32, #tpu.memory_space<vmem_shared>> -> memref<128x128xf32, #tpu.memory_space<vmem_shared>>
    tpu.enqueue_dma source(%dma_start3A_94 : memref<128x128xf32, #tpu.memory_space<vmem_shared>>) target(%dma_start3A_92 : memref<128x128xf32, #tpu.memory_space<hbm>>) target_semaphore(%arg11 : memref<!tpu.dma_semaphore, #tpu.memory_space<semaphore_mem>>)
    %mul3A_95 = arith.constant 640 : i32
    %mul3A_96 = arith.muli %mul3A_95, %arg1 : i32
    %add3A_97 = arith.constant 128 : i32
    %add3A_98 = arith.addi %mul3A_96, %add3A_97 : i32
    %dma_start3A_99 = arith.constant 0 : i32
    %dma_start3A_100 = tpu.memref_slice %arg5[%arg0, %add3A_98, %dma_start3A_99] : memref<2x10240x128xf32, #tpu.memory_space<hbm>> -> memref<1x128x128xf32, #tpu.memory_space<hbm>>
    %dma_start3A_101 = tpu.memref_squeeze %dma_start3A_100 : memref<1x128x128xf32, #tpu.memory_space<hbm>> -> memref<128x128xf32, #tpu.memory_space<hbm>>
    %dma_start3A_102 = arith.constant 0 : i32
    %dma_start3A_103 = tpu.memref_slice %arg6[%add3A_98, %dma_start3A_102] : memref<10240x128xf32, #tpu.memory_space<vmem_shared>> -> memref<128x128xf32, #tpu.memory_space<vmem_shared>>
    tpu.enqueue_dma source(%dma_start3A_103 : memref<128x128xf32, #tpu.memory_space<vmem_shared>>) target(%dma_start3A_101 : memref<128x128xf32, #tpu.memory_space<hbm>>) target_semaphore(%arg11 : memref<!tpu.dma_semaphore, #tpu.memory_space<semaphore_mem>>)
    %mul3A_104 = arith.constant 640 : i32
    %mul3A_105 = arith.muli %mul3A_104, %arg1 : i32
    %add3A_106 = arith.constant 256 : i32
    %add3A_107 = arith.addi %mul3A_105, %add3A_106 : i32
    %dma_start3A_108 = arith.constant 0 : i32
    %dma_start3A_109 = tpu.memref_slice %arg5[%arg0, %add3A_107, %dma_start3A_108] : memref<2x10240x128xf32, #tpu.memory_space<hbm>> -> memref<1x128x128xf32, #tpu.memory_space<hbm>>
    %dma_start3A_110 = tpu.memref_squeeze %dma_start3A_109 : memref<1x128x128xf32, #tpu.memory_space<hbm>> -> memref<128x128xf32, #tpu.memory_space<hbm>>
    %dma_start3A_111 = arith.constant 0 : i32
    %dma_start3A_112 = tpu.memref_slice %arg6[%add3A_107, %dma_start3A_111] : memref<10240x128xf32, #tpu.memory_space<vmem_shared>> -> memref<128x128xf32, #tpu.memory_space<vmem_shared>>
    tpu.enqueue_dma source(%dma_start3A_112 : memref<128x128xf32, #tpu.memory_space<vmem_shared>>) target(%dma_start3A_110 : memref<128x128xf32, #tpu.memory_space<hbm>>) target_semaphore(%arg11 : memref<!tpu.dma_semaphore, #tpu.memory_space<semaphore_mem>>)
    %mul3A_113 = arith.constant 640 : i32
    %mul3A_114 = arith.muli %mul3A_113, %arg1 : i32
    %add3A_115 = arith.constant 384 : i32
    %add3A_116 = arith.addi %mul3A_114, %add3A_115 : i32
    %dma_start3A_117 = arith.constant 0 : i32
    %dma_start3A_118 = tpu.memref_slice %arg5[%arg0, %add3A_116, %dma_start3A_117] : memref<2x10240x128xf32, #tpu.memory_space<hbm>> -> memref<1x128x128xf32, #tpu.memory_space<hbm>>
    %dma_start3A_119 = tpu.memref_squeeze %dma_start3A_118 : memref<1x128x128xf32, #tpu.memory_space<hbm>> -> memref<128x128xf32, #tpu.memory_space<hbm>>
    %dma_start3A_120 = arith.constant 0 : i32
    %dma_start3A_121 = tpu.memref_slice %arg6[%add3A_116, %dma_start3A_120] : memref<10240x128xf32, #tpu.memory_space<vmem_shared>> -> memref<128x128xf32, #tpu.memory_space<vmem_shared>>
    tpu.enqueue_dma source(%dma_start3A_121 : memref<128x128xf32, #tpu.memory_space<vmem_shared>>) target(%dma_start3A_119 : memref<128x128xf32, #tpu.memory_space<hbm>>) target_semaphore(%arg11 : memref<!tpu.dma_semaphore, #tpu.memory_space<semaphore_mem>>)
    %mul3A_122 = arith.constant 640 : i32
    %mul3A_123 = arith.muli %mul3A_122, %arg1 : i32
    %add3A_124 = arith.constant 512 : i32
    %add3A_125 = arith.addi %mul3A_123, %add3A_124 : i32
    %dma_start3A_126 = arith.constant 0 : i32
    %dma_start3A_127 = tpu.memref_slice %arg5[%arg0, %add3A_125, %dma_start3A_126] : memref<2x10240x128xf32, #tpu.memory_space<hbm>> -> memref<1x128x128xf32, #tpu.memory_space<hbm>>
    %dma_start3A_128 = tpu.memref_squeeze %dma_start3A_127 : memref<1x128x128xf32, #tpu.memory_space<hbm>> -> memref<128x128xf32, #tpu.memory_space<hbm>>
    %dma_start3A_129 = arith.constant 0 : i32
    %dma_start3A_130 = tpu.memref_slice %arg6[%add3A_125, %dma_start3A_129] : memref<10240x128xf32, #tpu.memory_space<vmem_shared>> -> memref<128x128xf32, #tpu.memory_space<vmem_shared>>
    tpu.enqueue_dma source(%dma_start3A_130 : memref<128x128xf32, #tpu.memory_space<vmem_shared>>) target(%dma_start3A_128 : memref<128x128xf32, #tpu.memory_space<hbm>>) target_semaphore(%arg11 : memref<!tpu.dma_semaphore, #tpu.memory_space<semaphore_mem>>)
    %mul3A_131 = arith.constant 640 : i32
    %mul3A_132 = arith.muli %mul3A_131, %arg1 : i32
    %add3A_133 = arith.constant 0 : i32
    %add3A_134 = arith.addi %mul3A_132, %add3A_133 : i32
    %dma_wait3A = arith.constant 0 : i32
    %dma_wait3A_135 = tpu.memref_slice %arg5[%arg0, %add3A_134, %dma_wait3A] : memref<2x10240x128xf32, #tpu.memory_space<hbm>> -> memref<1x128x128xf32, #tpu.memory_space<hbm>>
    %dma_wait3A_136 = tpu.memref_squeeze %dma_wait3A_135 : memref<1x128x128xf32, #tpu.memory_space<hbm>> -> memref<128x128xf32, #tpu.memory_space<hbm>>
    %dma_wait3A_137 = arith.constant 0 : i32
    %dma_wait3A_138 = tpu.memref_slice %arg6[%add3A_134, %dma_wait3A_137] : memref<10240x128xf32, #tpu.memory_space<vmem_shared>> -> memref<128x128xf32, #tpu.memory_space<vmem_shared>>
    tpu.wait_dma2 semaphore(%arg11 : memref<!tpu.dma_semaphore, #tpu.memory_space<semaphore_mem>>) src(%dma_wait3A_138 : memref<128x128xf32, #tpu.memory_space<vmem_shared>>) dst(%dma_wait3A_136 : memref<128x128xf32, #tpu.memory_space<hbm>>)
    %mul3A_139 = arith.constant 640 : i32
    %mul3A_140 = arith.muli %mul3A_139, %arg1 : i32
    %add3A_141 = arith.constant 128 : i32
    %add3A_142 = arith.addi %mul3A_140, %add3A_141 : i32
    %dma_wait3A_143 = arith.constant 0 : i32
    %dma_wait3A_144 = tpu.memref_slice %arg5[%arg0, %add3A_142, %dma_wait3A_143] : memref<2x10240x128xf32, #tpu.memory_space<hbm>> -> memref<1x128x128xf32, #tpu.memory_space<hbm>>
    %dma_wait3A_145 = tpu.memref_squeeze %dma_wait3A_144 : memref<1x128x128xf32, #tpu.memory_space<hbm>> -> memref<128x128xf32, #tpu.memory_space<hbm>>
    %dma_wait3A_146 = arith.constant 0 : i32
    %dma_wait3A_147 = tpu.memref_slice %arg6[%add3A_142, %dma_wait3A_146] : memref<10240x128xf32, #tpu.memory_space<vmem_shared>> -> memref<128x128xf32, #tpu.memory_space<vmem_shared>>
    tpu.wait_dma2 semaphore(%arg11 : memref<!tpu.dma_semaphore, #tpu.memory_space<semaphore_mem>>) src(%dma_wait3A_147 : memref<128x128xf32, #tpu.memory_space<vmem_shared>>) dst(%dma_wait3A_145 : memref<128x128xf32, #tpu.memory_space<hbm>>)
    %mul3A_148 = arith.constant 640 : i32
    %mul3A_149 = arith.muli %mul3A_148, %arg1 : i32
    %add3A_150 = arith.constant 256 : i32
    %add3A_151 = arith.addi %mul3A_149, %add3A_150 : i32
    %dma_wait3A_152 = arith.constant 0 : i32
    %dma_wait3A_153 = tpu.memref_slice %arg5[%arg0, %add3A_151, %dma_wait3A_152] : memref<2x10240x128xf32, #tpu.memory_space<hbm>> -> memref<1x128x128xf32, #tpu.memory_space<hbm>>
    %dma_wait3A_154 = tpu.memref_squeeze %dma_wait3A_153 : memref<1x128x128xf32, #tpu.memory_space<hbm>> -> memref<128x128xf32, #tpu.memory_space<hbm>>
    %dma_wait3A_155 = arith.constant 0 : i32
    %dma_wait3A_156 = tpu.memref_slice %arg6[%add3A_151, %dma_wait3A_155] : memref<10240x128xf32, #tpu.memory_space<vmem_shared>> -> memref<128x128xf32, #tpu.memory_space<vmem_shared>>
    tpu.wait_dma2 semaphore(%arg11 : memref<!tpu.dma_semaphore, #tpu.memory_space<semaphore_mem>>) src(%dma_wait3A_156 : memref<128x128xf32, #tpu.memory_space<vmem_shared>>) dst(%dma_wait3A_154 : memref<128x128xf32, #tpu.memory_space<hbm>>)
    %mul3A_157 = arith.constant 640 : i32
    %mul3A_158 = arith.muli %mul3A_157, %arg1 : i32
    %add3A_159 = arith.constant 384 : i32
    %add3A_160 = arith.addi %mul3A_158, %add3A_159 : i32
    %dma_wait3A_161 = arith.constant 0 : i32
    %dma_wait3A_162 = tpu.memref_slice %arg5[%arg0, %add3A_160, %dma_wait3A_161] : memref<2x10240x128xf32, #tpu.memory_space<hbm>> -> memref<1x128x128xf32, #tpu.memory_space<hbm>>
    %dma_wait3A_163 = tpu.memref_squeeze %dma_wait3A_162 : memref<1x128x128xf32, #tpu.memory_space<hbm>> -> memref<128x128xf32, #tpu.memory_space<hbm>>
    %dma_wait3A_164 = arith.constant 0 : i32
    %dma_wait3A_165 = tpu.memref_slice %arg6[%add3A_160, %dma_wait3A_164] : memref<10240x128xf32, #tpu.memory_space<vmem_shared>> -> memref<128x128xf32, #tpu.memory_space<vmem_shared>>
    tpu.wait_dma2 semaphore(%arg11 : memref<!tpu.dma_semaphore, #tpu.memory_space<semaphore_mem>>) src(%dma_wait3A_165 : memref<128x128xf32, #tpu.memory_space<vmem_shared>>) dst(%dma_wait3A_163 : memref<128x128xf32, #tpu.memory_space<hbm>>)
    %mul3A_166 = arith.constant 640 : i32
    %mul3A_167 = arith.muli %mul3A_166, %arg1 : i32
    %add3A_168 = arith.constant 512 : i32
    %add3A_169 = arith.addi %mul3A_167, %add3A_168 : i32
    %dma_wait3A_170 = arith.constant 0 : i32
    %dma_wait3A_171 = tpu.memref_slice %arg5[%arg0, %add3A_169, %dma_wait3A_170] : memref<2x10240x128xf32, #tpu.memory_space<hbm>> -> memref<1x128x128xf32, #tpu.memory_space<hbm>>
    %dma_wait3A_172 = tpu.memref_squeeze %dma_wait3A_171 : memref<1x128x128xf32, #tpu.memory_space<hbm>> -> memref<128x128xf32, #tpu.memory_space<hbm>>
    %dma_wait3A_173 = arith.constant 0 : i32
    %dma_wait3A_174 = tpu.memref_slice %arg6[%add3A_169, %dma_wait3A_173] : memref<10240x128xf32, #tpu.memory_space<vmem_shared>> -> memref<128x128xf32, #tpu.memory_space<vmem_shared>>
    tpu.wait_dma2 semaphore(%arg11 : memref<!tpu.dma_semaphore, #tpu.memory_space<semaphore_mem>>) src(%dma_wait3A_174 : memref<128x128xf32, #tpu.memory_space<vmem_shared>>) dst(%dma_wait3A_172 : memref<128x128xf32, #tpu.memory_space<hbm>>)
    return
  }
}

#map = affine_map<(d0, d1) -> (0, 0)>
#map1 = affine_map<(d0, d1) -> (0, 0, 0)>
module attributes {stable_mosaic.version = 14 : i64} {
  func.func @_deg_kernel(%arg0: i32, %arg1: i32, %arg2: memref<2x320000xi32, #tpu.memory_space<hbm>>, %arg3: memref<2x10240xf32, #tpu.memory_space<hbm>>, %arg4: memref<32x80x128xi32, #tpu.memory_space<hbm>>, %arg5: memref<10240xf32, #tpu.memory_space<vmem_shared>>, %arg6: memref<10112xi32, #tpu.memory_space<vmem>>, %arg7: memref<80x128xi32, #tpu.memory_space<vmem>>, %arg8: memref<128xf32, #tpu.memory_space<vmem>>, %arg9: memref<640xf32, #tpu.memory_space<vmem>>) attributes {dimension_semantics = [#tpu.dimension_semantics<core_parallel>, #tpu.dimension_semantics<subcore_parallel>], iteration_bounds = array<i64: 2, 16>, scalar_prefetch = 0 : i64, scratch_operands = 5 : i64, tpu.core_type = #tpu.core_type<sc_vector_subcore>, window_params = [{transform_indices = #map}, {transform_indices = #map}, {transform_indices = #map1}]} {
    %mul3A = arith.constant 16 : i32
    %mul3A_0 = arith.muli %arg0, %mul3A : i32
    %add3A = arith.addi %mul3A_0, %arg1 : i32
    %mul3A_1 = arith.constant 9984 : i32
    %mul3A_2 = arith.muli %mul3A_1, %add3A : i32
    %run_scoped3A = arith.constant 1 : i32
    "tpu.region"() ({
      %run_scoped3A_317 = tpu.sem_alloc : memref<!tpu.dma_semaphore, #tpu.memory_space<semaphore_mem>>
      %dma_start3A = arith.constant 0 : i32
      %dma_start3A_318 = tpu.memref_slice %arg6[%dma_start3A] : memref<10112xi32, #tpu.memory_space<vmem>> -> memref<9984xi32, #tpu.memory_space<vmem>>
      %dma_start3A_319 = tpu.memref_slice %arg2[%run_scoped3A, %mul3A_2] : memref<2x320000xi32, #tpu.memory_space<hbm>> -> memref<1x9984xi32, #tpu.memory_space<hbm>>
      %dma_start3A_320 = tpu.memref_squeeze %dma_start3A_319 : memref<1x9984xi32, #tpu.memory_space<hbm>> -> memref<9984xi32, #tpu.memory_space<hbm>>
      %dma_start3A_321 = arith.constant 0 : i32
      %dma_start3A_322 = tpu.memref_slice %arg6[%dma_start3A_321] : memref<10112xi32, #tpu.memory_space<vmem>> -> memref<9984xi32, #tpu.memory_space<vmem>>
      %dma_start3A_323 = tpu.memref_slice %arg2[%run_scoped3A, %mul3A_2] : memref<2x320000xi32, #tpu.memory_space<hbm>> -> memref<1x9984xi32, #tpu.memory_space<hbm>>
      %dma_start3A_324 = tpu.memref_squeeze %dma_start3A_323 : memref<1x9984xi32, #tpu.memory_space<hbm>> -> memref<9984xi32, #tpu.memory_space<hbm>>
      tpu.enqueue_dma source(%dma_start3A_324 : memref<9984xi32, #tpu.memory_space<hbm>>) target(%dma_start3A_322 : memref<9984xi32, #tpu.memory_space<vmem>>) target_semaphore(%run_scoped3A_317 : memref<!tpu.dma_semaphore, #tpu.memory_space<semaphore_mem>>)
      %dma_wait3A = arith.constant 0 : i32
      %dma_wait3A_325 = tpu.memref_slice %arg6[%dma_wait3A] : memref<10112xi32, #tpu.memory_space<vmem>> -> memref<9984xi32, #tpu.memory_space<vmem>>
      %dma_wait3A_326 = tpu.memref_slice %arg2[%run_scoped3A, %mul3A_2] : memref<2x320000xi32, #tpu.memory_space<hbm>> -> memref<1x9984xi32, #tpu.memory_space<hbm>>
      %dma_wait3A_327 = tpu.memref_squeeze %dma_wait3A_326 : memref<1x9984xi32, #tpu.memory_space<hbm>> -> memref<9984xi32, #tpu.memory_space<hbm>>
      %dma_wait3A_328 = arith.constant 0 : i32
      %dma_wait3A_329 = tpu.memref_slice %arg6[%dma_wait3A_328] : memref<10112xi32, #tpu.memory_space<vmem>> -> memref<9984xi32, #tpu.memory_space<vmem>>
      %dma_wait3A_330 = tpu.memref_slice %arg2[%run_scoped3A, %mul3A_2] : memref<2x320000xi32, #tpu.memory_space<hbm>> -> memref<1x9984xi32, #tpu.memory_space<hbm>>
      %dma_wait3A_331 = tpu.memref_squeeze %dma_wait3A_330 : memref<1x9984xi32, #tpu.memory_space<hbm>> -> memref<9984xi32, #tpu.memory_space<hbm>>
      tpu.wait_dma2 semaphore(%run_scoped3A_317 : memref<!tpu.dma_semaphore, #tpu.memory_space<semaphore_mem>>) src(%dma_wait3A_331 : memref<9984xi32, #tpu.memory_space<hbm>>) dst(%dma_wait3A_329 : memref<9984xi32, #tpu.memory_space<vmem>>)
      tpu.yield
    }) : () -> ()
    %lt3A = arith.constant 4 : i32
    %lt3A_3 = arith.cmpi slt, %add3A, %lt3A : i32
    %convert_element_type3A = arith.extui %lt3A_3 : i1 to i32
    %cond3A = arith.constant 0 : i32
    %cond3A_4 = arith.cmpi ne, %convert_element_type3A, %cond3A : i32
    scf.if %cond3A_4 {
      %mul3A_317 = arith.constant 128 : i32
      %mul3A_318 = arith.muli %mul3A_317, %add3A : i32
      %add3A_319 = arith.constant 319488 : i32
      %add3A_320 = arith.addi %add3A_319, %mul3A_318 : i32
      %run_scoped3A_321 = arith.constant 1 : i32
      "tpu.region"() ({
        %run_scoped3A_322 = tpu.sem_alloc : memref<!tpu.dma_semaphore, #tpu.memory_space<semaphore_mem>>
        %dma_start3A = arith.constant 9984 : i32
        %dma_start3A_323 = tpu.memref_slice %arg6[%dma_start3A] : memref<10112xi32, #tpu.memory_space<vmem>> -> memref<128xi32, #tpu.memory_space<vmem>>
        %dma_start3A_324 = tpu.memref_slice %arg2[%run_scoped3A_321, %add3A_320] : memref<2x320000xi32, #tpu.memory_space<hbm>> -> memref<1x128xi32, #tpu.memory_space<hbm>>
        %dma_start3A_325 = tpu.memref_squeeze %dma_start3A_324 : memref<1x128xi32, #tpu.memory_space<hbm>> -> memref<128xi32, #tpu.memory_space<hbm>>
        %dma_start3A_326 = arith.constant 9984 : i32
        %dma_start3A_327 = tpu.memref_slice %arg6[%dma_start3A_326] : memref<10112xi32, #tpu.memory_space<vmem>> -> memref<128xi32, #tpu.memory_space<vmem>>
        %dma_start3A_328 = tpu.memref_slice %arg2[%run_scoped3A_321, %add3A_320] : memref<2x320000xi32, #tpu.memory_space<hbm>> -> memref<1x128xi32, #tpu.memory_space<hbm>>
        %dma_start3A_329 = tpu.memref_squeeze %dma_start3A_328 : memref<1x128xi32, #tpu.memory_space<hbm>> -> memref<128xi32, #tpu.memory_space<hbm>>
        tpu.enqueue_dma source(%dma_start3A_329 : memref<128xi32, #tpu.memory_space<hbm>>) target(%dma_start3A_327 : memref<128xi32, #tpu.memory_space<vmem>>) target_semaphore(%run_scoped3A_322 : memref<!tpu.dma_semaphore, #tpu.memory_space<semaphore_mem>>)
        %dma_wait3A = arith.constant 9984 : i32
        %dma_wait3A_330 = tpu.memref_slice %arg6[%dma_wait3A] : memref<10112xi32, #tpu.memory_space<vmem>> -> memref<128xi32, #tpu.memory_space<vmem>>
        %dma_wait3A_331 = tpu.memref_slice %arg2[%run_scoped3A_321, %add3A_320] : memref<2x320000xi32, #tpu.memory_space<hbm>> -> memref<1x128xi32, #tpu.memory_space<hbm>>
        %dma_wait3A_332 = tpu.memref_squeeze %dma_wait3A_331 : memref<1x128xi32, #tpu.memory_space<hbm>> -> memref<128xi32, #tpu.memory_space<hbm>>
        %dma_wait3A_333 = arith.constant 9984 : i32
        %dma_wait3A_334 = tpu.memref_slice %arg6[%dma_wait3A_333] : memref<10112xi32, #tpu.memory_space<vmem>> -> memref<128xi32, #tpu.memory_space<vmem>>
        %dma_wait3A_335 = tpu.memref_slice %arg2[%run_scoped3A_321, %add3A_320] : memref<2x320000xi32, #tpu.memory_space<hbm>> -> memref<1x128xi32, #tpu.memory_space<hbm>>
        %dma_wait3A_336 = tpu.memref_squeeze %dma_wait3A_335 : memref<1x128xi32, #tpu.memory_space<hbm>> -> memref<128xi32, #tpu.memory_space<hbm>>
        tpu.wait_dma2 semaphore(%run_scoped3A_322 : memref<!tpu.dma_semaphore, #tpu.memory_space<semaphore_mem>>) src(%dma_wait3A_336 : memref<128xi32, #tpu.memory_space<hbm>>) dst(%dma_wait3A_334 : memref<128xi32, #tpu.memory_space<vmem>>)
        tpu.yield
      }) : () -> ()
    } else {
    }
    %scan3A = arith.constant 0 : i32
    %scan3A_5 = arith.constant 78 : i32
    %scan3A_6 = arith.addi %scan3A, %scan3A_5 : i32
    %scan3A_7 = arith.constant 1 : i32
    scf.for %scan3A_317 = %scan3A to %scan3A_6 step %scan3A_7  : i32 {
      %mul3A_318 = arith.constant 1 : i32
      %mul3A_319 = arith.muli %scan3A_317, %mul3A_318 : i32
      %add3A_320 = arith.constant 0 : i32
      %add3A_321 = arith.addi %add3A_320, %mul3A_319 : i32
      %mul3A_322 = arith.constant 128 : i32
      %mul3A_323 = arith.muli %mul3A_322, %add3A_321 : i32
      %add3A_324 = arith.constant 0 : i32
      %add3A_325 = arith.addi %mul3A_323, %add3A_324 : i32
      %get3A = arith.index_cast %add3A_325 : i32 to index
      %get3A_326 = tpu.vector_load %arg6[%get3A] {strides = array<i32>} : memref<10112xi32, #tpu.memory_space<vmem>>, vector<16xi32>,
      %get3A_327 = vector.shape_cast %get3A_326 : vector<16xi32> to vector<16xi32>
      %swap3A_328 = arith.index_cast %add3A_321 : i32 to index
      %swap3A_329 = arith.constant 0 : index
      %swap3A_330 = tpu.vector_load %arg7[%swap3A_328, %swap3A_329] {strides = array<i32>} : memref<80x128xi32, #tpu.memory_space<vmem>>, vector<1x16xi32>,
      %swap3A_331 = vector.shape_cast %swap3A_330 : vector<1x16xi32> to vector<16xi32>
      %swap3A_332 = vector.shape_cast %get3A_327 : vector<16xi32> to vector<1x16xi32>
      tpu.vector_store %arg7[%swap3A_328, %swap3A_329], %swap3A_332 {strides = array<i32>} : memref<80x128xi32, #tpu.memory_space<vmem>>, vector<1x16xi32>,
      %mul3A_333 = arith.constant 128 : i32
      %mul3A_334 = arith.muli %mul3A_333, %add3A_321 : i32
      %add3A_335 = arith.constant 16 : i32
      %add3A_336 = arith.addi %mul3A_334, %add3A_335 : i32
      %get3A_337 = arith.index_cast %add3A_336 : i32 to index
      %get3A_338 = tpu.vector_load %arg6[%get3A_337] {strides = array<i32>} : memref<10112xi32, #tpu.memory_space<vmem>>, vector<16xi32>,
      %get3A_339 = vector.shape_cast %get3A_338 : vector<16xi32> to vector<16xi32>
      %swap3A_340 = arith.index_cast %add3A_321 : i32 to index
      %swap3A_341 = arith.constant 16 : index
      %swap3A_342 = tpu.vector_load %arg7[%swap3A_340, %swap3A_341] {strides = array<i32>} : memref<80x128xi32, #tpu.memory_space<vmem>>, vector<1x16xi32>,
      %swap3A_343 = vector.shape_cast %swap3A_342 : vector<1x16xi32> to vector<16xi32>
      %swap3A_344 = vector.shape_cast %get3A_339 : vector<16xi32> to vector<1x16xi32>
      tpu.vector_store %arg7[%swap3A_340, %swap3A_341], %swap3A_344 {strides = array<i32>} : memref<80x128xi32, #tpu.memory_space<vmem>>, vector<1x16xi32>,
      %mul3A_345 = arith.constant 128 : i32
      %mul3A_346 = arith.muli %mul3A_345, %add3A_321 : i32
      %add3A_347 = arith.constant 32 : i32
      %add3A_348 = arith.addi %mul3A_346, %add3A_347 : i32
      %get3A_349 = arith.index_cast %add3A_348 : i32 to index
      %get3A_350 = tpu.vector_load %arg6[%get3A_349] {strides = array<i32>} : memref<10112xi32, #tpu.memory_space<vmem>>, vector<16xi32>,
      %get3A_351 = vector.shape_cast %get3A_350 : vector<16xi32> to vector<16xi32>
      %swap3A_352 = arith.index_cast %add3A_321 : i32 to index
      %swap3A_353 = arith.constant 32 : index
      %swap3A_354 = tpu.vector_load %arg7[%swap3A_352, %swap3A_353] {strides = array<i32>} : memref<80x128xi32, #tpu.memory_space<vmem>>, vector<1x16xi32>,
      %swap3A_355 = vector.shape_cast %swap3A_354 : vector<1x16xi32> to vector<16xi32>
      %swap3A_356 = vector.shape_cast %get3A_351 : vector<16xi32> to vector<1x16xi32>
      tpu.vector_store %arg7[%swap3A_352, %swap3A_353], %swap3A_356 {strides = array<i32>} : memref<80x128xi32, #tpu.memory_space<vmem>>, vector<1x16xi32>,
      %mul3A_357 = arith.constant 128 : i32
      %mul3A_358 = arith.muli %mul3A_357, %add3A_321 : i32
      %add3A_359 = arith.constant 48 : i32
      %add3A_360 = arith.addi %mul3A_358, %add3A_359 : i32
      %get3A_361 = arith.index_cast %add3A_360 : i32 to index
      %get3A_362 = tpu.vector_load %arg6[%get3A_361] {strides = array<i32>} : memref<10112xi32, #tpu.memory_space<vmem>>, vector<16xi32>,
      %get3A_363 = vector.shape_cast %get3A_362 : vector<16xi32> to vector<16xi32>
      %swap3A_364 = arith.index_cast %add3A_321 : i32 to index
      %swap3A_365 = arith.constant 48 : index
      %swap3A_366 = tpu.vector_load %arg7[%swap3A_364, %swap3A_365] {strides = array<i32>} : memref<80x128xi32, #tpu.memory_space<vmem>>, vector<1x16xi32>,
      %swap3A_367 = vector.shape_cast %swap3A_366 : vector<1x16xi32> to vector<16xi32>
      %swap3A_368 = vector.shape_cast %get3A_363 : vector<16xi32> to vector<1x16xi32>
      tpu.vector_store %arg7[%swap3A_364, %swap3A_365], %swap3A_368 {strides = array<i32>} : memref<80x128xi32, #tpu.memory_space<vmem>>, vector<1x16xi32>,
      %mul3A_369 = arith.constant 128 : i32
      %mul3A_370 = arith.muli %mul3A_369, %add3A_321 : i32
      %add3A_371 = arith.constant 64 : i32
      %add3A_372 = arith.addi %mul3A_370, %add3A_371 : i32
      %get3A_373 = arith.index_cast %add3A_372 : i32 to index
      %get3A_374 = tpu.vector_load %arg6[%get3A_373] {strides = array<i32>} : memref<10112xi32, #tpu.memory_space<vmem>>, vector<16xi32>,
      %get3A_375 = vector.shape_cast %get3A_374 : vector<16xi32> to vector<16xi32>
      %swap3A_376 = arith.index_cast %add3A_321 : i32 to index
      %swap3A_377 = arith.constant 64 : index
      %swap3A_378 = tpu.vector_load %arg7[%swap3A_376, %swap3A_377] {strides = array<i32>} : memref<80x128xi32, #tpu.memory_space<vmem>>, vector<1x16xi32>,
      %swap3A_379 = vector.shape_cast %swap3A_378 : vector<1x16xi32> to vector<16xi32>
      %swap3A_380 = vector.shape_cast %get3A_375 : vector<16xi32> to vector<1x16xi32>
      tpu.vector_store %arg7[%swap3A_376, %swap3A_377], %swap3A_380 {strides = array<i32>} : memref<80x128xi32, #tpu.memory_space<vmem>>, vector<1x16xi32>,
      %mul3A_381 = arith.constant 128 : i32
      %mul3A_382 = arith.muli %mul3A_381, %add3A_321 : i32
      %add3A_383 = arith.constant 80 : i32
      %add3A_384 = arith.addi %mul3A_382, %add3A_383 : i32
      %get3A_385 = arith.index_cast %add3A_384 : i32 to index
      %get3A_386 = tpu.vector_load %arg6[%get3A_385] {strides = array<i32>} : memref<10112xi32, #tpu.memory_space<vmem>>, vector<16xi32>,
      %get3A_387 = vector.shape_cast %get3A_386 : vector<16xi32> to vector<16xi32>
      %swap3A_388 = arith.index_cast %add3A_321 : i32 to index
      %swap3A_389 = arith.constant 80 : index
      %swap3A_390 = tpu.vector_load %arg7[%swap3A_388, %swap3A_389] {strides = array<i32>} : memref<80x128xi32, #tpu.memory_space<vmem>>, vector<1x16xi32>,
      %swap3A_391 = vector.shape_cast %swap3A_390 : vector<1x16xi32> to vector<16xi32>
      %swap3A_392 = vector.shape_cast %get3A_387 : vector<16xi32> to vector<1x16xi32>
      tpu.vector_store %arg7[%swap3A_388, %swap3A_389], %swap3A_392 {strides = array<i32>} : memref<80x128xi32, #tpu.memory_space<vmem>>, vector<1x16xi32>,
      %mul3A_393 = arith.constant 128 : i32
      %mul3A_394 = arith.muli %mul3A_393, %add3A_321 : i32
      %add3A_395 = arith.constant 96 : i32
      %add3A_396 = arith.addi %mul3A_394, %add3A_395 : i32
      %get3A_397 = arith.index_cast %add3A_396 : i32 to index
      %get3A_398 = tpu.vector_load %arg6[%get3A_397] {strides = array<i32>} : memref<10112xi32, #tpu.memory_space<vmem>>, vector<16xi32>,
      %get3A_399 = vector.shape_cast %get3A_398 : vector<16xi32> to vector<16xi32>
      %swap3A_400 = arith.index_cast %add3A_321 : i32 to index
      %swap3A_401 = arith.constant 96 : index
      %swap3A_402 = tpu.vector_load %arg7[%swap3A_400, %swap3A_401] {strides = array<i32>} : memref<80x128xi32, #tpu.memory_space<vmem>>, vector<1x16xi32>,
      %swap3A_403 = vector.shape_cast %swap3A_402 : vector<1x16xi32> to vector<16xi32>
      %swap3A_404 = vector.shape_cast %get3A_399 : vector<16xi32> to vector<1x16xi32>
      tpu.vector_store %arg7[%swap3A_400, %swap3A_401], %swap3A_404 {strides = array<i32>} : memref<80x128xi32, #tpu.memory_space<vmem>>, vector<1x16xi32>,
      %mul3A_405 = arith.constant 128 : i32
      %mul3A_406 = arith.muli %mul3A_405, %add3A_321 : i32
      %add3A_407 = arith.constant 112 : i32
      %add3A_408 = arith.addi %mul3A_406, %add3A_407 : i32
      %get3A_409 = arith.index_cast %add3A_408 : i32 to index
      %get3A_410 = tpu.vector_load %arg6[%get3A_409] {strides = array<i32>} : memref<10112xi32, #tpu.memory_space<vmem>>, vector<16xi32>,
      %get3A_411 = vector.shape_cast %get3A_410 : vector<16xi32> to vector<16xi32>
      %swap3A_412 = arith.index_cast %add3A_321 : i32 to index
      %swap3A_413 = arith.constant 112 : index
      %swap3A_414 = tpu.vector_load %arg7[%swap3A_412, %swap3A_413] {strides = array<i32>} : memref<80x128xi32, #tpu.memory_space<vmem>>, vector<1x16xi32>,
      %swap3A_415 = vector.shape_cast %swap3A_414 : vector<1x16xi32> to vector<16xi32>
      %swap3A_416 = vector.shape_cast %get3A_411 : vector<16xi32> to vector<1x16xi32>
      tpu.vector_store %arg7[%swap3A_412, %swap3A_413], %swap3A_416 {strides = array<i32>} : memref<80x128xi32, #tpu.memory_space<vmem>>, vector<1x16xi32>,
    }
    %scan3A_8 = arith.constant 78 : i32
    %lt3A_9 = arith.constant 4 : i32
    %lt3A_10 = arith.cmpi slt, %add3A, %lt3A_9 : i32
    %convert_element_type3A_11 = arith.extui %lt3A_10 : i1 to i32
    %cond3A_12 = arith.constant 0 : i32
    %cond3A_13 = arith.cmpi ne, %convert_element_type3A_11, %cond3A_12 : i32
    scf.if %cond3A_13 {
      %get3A = arith.constant 9984 : index
      %get3A_317 = tpu.vector_load %arg6[%get3A] {strides = array<i32>} : memref<10112xi32, #tpu.memory_space<vmem>>, vector<16xi32>,
      %get3A_318 = vector.shape_cast %get3A_317 : vector<16xi32> to vector<16xi32>
      %swap3A_319 = arith.constant 78 : i32
      %swap3A_320 = arith.index_cast %swap3A_319 : i32 to index
      %swap3A_321 = arith.constant 0 : index
      %swap3A_322 = tpu.vector_load %arg7[%swap3A_320, %swap3A_321] {strides = array<i32>} : memref<80x128xi32, #tpu.memory_space<vmem>>, vector<1x16xi32>,
      %swap3A_323 = vector.shape_cast %swap3A_322 : vector<1x16xi32> to vector<16xi32>
      %swap3A_324 = vector.shape_cast %get3A_318 : vector<16xi32> to vector<1x16xi32>
      tpu.vector_store %arg7[%swap3A_320, %swap3A_321], %swap3A_324 {strides = array<i32>} : memref<80x128xi32, #tpu.memory_space<vmem>>, vector<1x16xi32>,
      %get3A_325 = arith.constant 10000 : index
      %get3A_326 = tpu.vector_load %arg6[%get3A_325] {strides = array<i32>} : memref<10112xi32, #tpu.memory_space<vmem>>, vector<16xi32>,
      %get3A_327 = vector.shape_cast %get3A_326 : vector<16xi32> to vector<16xi32>
      %swap3A_328 = arith.constant 78 : i32
      %swap3A_329 = arith.index_cast %swap3A_328 : i32 to index
      %swap3A_330 = arith.constant 16 : index
      %swap3A_331 = tpu.vector_load %arg7[%swap3A_329, %swap3A_330] {strides = array<i32>} : memref<80x128xi32, #tpu.memory_space<vmem>>, vector<1x16xi32>,
      %swap3A_332 = vector.shape_cast %swap3A_331 : vector<1x16xi32> to vector<16xi32>
      %swap3A_333 = vector.shape_cast %get3A_327 : vector<16xi32> to vector<1x16xi32>
      tpu.vector_store %arg7[%swap3A_329, %swap3A_330], %swap3A_333 {strides = array<i32>} : memref<80x128xi32, #tpu.memory_space<vmem>>, vector<1x16xi32>,
      %get3A_334 = arith.constant 10016 : index
      %get3A_335 = tpu.vector_load %arg6[%get3A_334] {strides = array<i32>} : memref<10112xi32, #tpu.memory_space<vmem>>, vector<16xi32>,
      %get3A_336 = vector.shape_cast %get3A_335 : vector<16xi32> to vector<16xi32>
      %swap3A_337 = arith.constant 78 : i32
      %swap3A_338 = arith.index_cast %swap3A_337 : i32 to index
      %swap3A_339 = arith.constant 32 : index
      %swap3A_340 = tpu.vector_load %arg7[%swap3A_338, %swap3A_339] {strides = array<i32>} : memref<80x128xi32, #tpu.memory_space<vmem>>, vector<1x16xi32>,
      %swap3A_341 = vector.shape_cast %swap3A_340 : vector<1x16xi32> to vector<16xi32>
      %swap3A_342 = vector.shape_cast %get3A_336 : vector<16xi32> to vector<1x16xi32>
      tpu.vector_store %arg7[%swap3A_338, %swap3A_339], %swap3A_342 {strides = array<i32>} : memref<80x128xi32, #tpu.memory_space<vmem>>, vector<1x16xi32>,
      %get3A_343 = arith.constant 10032 : index
      %get3A_344 = tpu.vector_load %arg6[%get3A_343] {strides = array<i32>} : memref<10112xi32, #tpu.memory_space<vmem>>, vector<16xi32>,
      %get3A_345 = vector.shape_cast %get3A_344 : vector<16xi32> to vector<16xi32>
      %swap3A_346 = arith.constant 78 : i32
      %swap3A_347 = arith.index_cast %swap3A_346 : i32 to index
      %swap3A_348 = arith.constant 48 : index
      %swap3A_349 = tpu.vector_load %arg7[%swap3A_347, %swap3A_348] {strides = array<i32>} : memref<80x128xi32, #tpu.memory_space<vmem>>, vector<1x16xi32>,
      %swap3A_350 = vector.shape_cast %swap3A_349 : vector<1x16xi32> to vector<16xi32>
      %swap3A_351 = vector.shape_cast %get3A_345 : vector<16xi32> to vector<1x16xi32>
      tpu.vector_store %arg7[%swap3A_347, %swap3A_348], %swap3A_351 {strides = array<i32>} : memref<80x128xi32, #tpu.memory_space<vmem>>, vector<1x16xi32>,
      %get3A_352 = arith.constant 10048 : index
      %get3A_353 = tpu.vector_load %arg6[%get3A_352] {strides = array<i32>} : memref<10112xi32, #tpu.memory_space<vmem>>, vector<16xi32>,
      %get3A_354 = vector.shape_cast %get3A_353 : vector<16xi32> to vector<16xi32>
      %swap3A_355 = arith.constant 78 : i32
      %swap3A_356 = arith.index_cast %swap3A_355 : i32 to index
      %swap3A_357 = arith.constant 64 : index
      %swap3A_358 = tpu.vector_load %arg7[%swap3A_356, %swap3A_357] {strides = array<i32>} : memref<80x128xi32, #tpu.memory_space<vmem>>, vector<1x16xi32>,
      %swap3A_359 = vector.shape_cast %swap3A_358 : vector<1x16xi32> to vector<16xi32>
      %swap3A_360 = vector.shape_cast %get3A_354 : vector<16xi32> to vector<1x16xi32>
      tpu.vector_store %arg7[%swap3A_356, %swap3A_357], %swap3A_360 {strides = array<i32>} : memref<80x128xi32, #tpu.memory_space<vmem>>, vector<1x16xi32>,
      %get3A_361 = arith.constant 10064 : index
      %get3A_362 = tpu.vector_load %arg6[%get3A_361] {strides = array<i32>} : memref<10112xi32, #tpu.memory_space<vmem>>, vector<16xi32>,
      %get3A_363 = vector.shape_cast %get3A_362 : vector<16xi32> to vector<16xi32>
      %swap3A_364 = arith.constant 78 : i32
      %swap3A_365 = arith.index_cast %swap3A_364 : i32 to index
      %swap3A_366 = arith.constant 80 : index
      %swap3A_367 = tpu.vector_load %arg7[%swap3A_365, %swap3A_366] {strides = array<i32>} : memref<80x128xi32, #tpu.memory_space<vmem>>, vector<1x16xi32>,
      %swap3A_368 = vector.shape_cast %swap3A_367 : vector<1x16xi32> to vector<16xi32>
      %swap3A_369 = vector.shape_cast %get3A_363 : vector<16xi32> to vector<1x16xi32>
      tpu.vector_store %arg7[%swap3A_365, %swap3A_366], %swap3A_369 {strides = array<i32>} : memref<80x128xi32, #tpu.memory_space<vmem>>, vector<1x16xi32>,
      %get3A_370 = arith.constant 10080 : index
      %get3A_371 = tpu.vector_load %arg6[%get3A_370] {strides = array<i32>} : memref<10112xi32, #tpu.memory_space<vmem>>, vector<16xi32>,
      %get3A_372 = vector.shape_cast %get3A_371 : vector<16xi32> to vector<16xi32>
      %swap3A_373 = arith.constant 78 : i32
      %swap3A_374 = arith.index_cast %swap3A_373 : i32 to index
      %swap3A_375 = arith.constant 96 : index
      %swap3A_376 = tpu.vector_load %arg7[%swap3A_374, %swap3A_375] {strides = array<i32>} : memref<80x128xi32, #tpu.memory_space<vmem>>, vector<1x16xi32>,
      %swap3A_377 = vector.shape_cast %swap3A_376 : vector<1x16xi32> to vector<16xi32>
      %swap3A_378 = vector.shape_cast %get3A_372 : vector<16xi32> to vector<1x16xi32>
      tpu.vector_store %arg7[%swap3A_374, %swap3A_375], %swap3A_378 {strides = array<i32>} : memref<80x128xi32, #tpu.memory_space<vmem>>, vector<1x16xi32>,
      %get3A_379 = arith.constant 10096 : index
      %get3A_380 = tpu.vector_load %arg6[%get3A_379] {strides = array<i32>} : memref<10112xi32, #tpu.memory_space<vmem>>, vector<16xi32>,
      %get3A_381 = vector.shape_cast %get3A_380 : vector<16xi32> to vector<16xi32>
      %swap3A_382 = arith.constant 78 : i32
      %swap3A_383 = arith.index_cast %swap3A_382 : i32 to index
      %swap3A_384 = arith.constant 112 : index
      %swap3A_385 = tpu.vector_load %arg7[%swap3A_383, %swap3A_384] {strides = array<i32>} : memref<80x128xi32, #tpu.memory_space<vmem>>, vector<1x16xi32>,
      %swap3A_386 = vector.shape_cast %swap3A_385 : vector<1x16xi32> to vector<16xi32>
      %swap3A_387 = vector.shape_cast %get3A_381 : vector<16xi32> to vector<1x16xi32>
      tpu.vector_store %arg7[%swap3A_383, %swap3A_384], %swap3A_387 {strides = array<i32>} : memref<80x128xi32, #tpu.memory_space<vmem>>, vector<1x16xi32>,
    } else {
    }
    %broadcast_in_dim3A = arith.constant 0.000000e+00 : f32
    %broadcast_in_dim3A_14 = vector.broadcast %broadcast_in_dim3A : f32 to vector<16xf32>
    %swap3A = arith.constant 0 : index
    %swap3A_15 = tpu.vector_load %arg9[%swap3A] {strides = array<i32>} : memref<640xf32, #tpu.memory_space<vmem>>, vector<16xf32>,
    %swap3A_16 = vector.shape_cast %swap3A_15 : vector<16xf32> to vector<16xf32>
    %swap3A_17 = vector.shape_cast %broadcast_in_dim3A_14 : vector<16xf32> to vector<16xf32>
    tpu.vector_store %arg9[%swap3A], %swap3A_17 {strides = array<i32>} : memref<640xf32, #tpu.memory_space<vmem>>, vector<16xf32>,
    %broadcast_in_dim3A_18 = arith.constant 0.000000e+00 : f32
    %broadcast_in_dim3A_19 = vector.broadcast %broadcast_in_dim3A_18 : f32 to vector<16xf32>
    %swap3A_20 = arith.constant 16 : index
    %swap3A_21 = tpu.vector_load %arg9[%swap3A_20] {strides = array<i32>} : memref<640xf32, #tpu.memory_space<vmem>>, vector<16xf32>,
    %swap3A_22 = vector.shape_cast %swap3A_21 : vector<16xf32> to vector<16xf32>
    %swap3A_23 = vector.shape_cast %broadcast_in_dim3A_19 : vector<16xf32> to vector<16xf32>
    tpu.vector_store %arg9[%swap3A_20], %swap3A_23 {strides = array<i32>} : memref<640xf32, #tpu.memory_space<vmem>>, vector<16xf32>,
    %broadcast_in_dim3A_24 = arith.constant 0.000000e+00 : f32
    %broadcast_in_dim3A_25 = vector.broadcast %broadcast_in_dim3A_24 : f32 to vector<16xf32>
    %swap3A_26 = arith.constant 32 : index
    %swap3A_27 = tpu.vector_load %arg9[%swap3A_26] {strides = array<i32>} : memref<640xf32, #tpu.memory_space<vmem>>, vector<16xf32>,
    %swap3A_28 = vector.shape_cast %swap3A_27 : vector<16xf32> to vector<16xf32>
    %swap3A_29 = vector.shape_cast %broadcast_in_dim3A_25 : vector<16xf32> to vector<16xf32>
    tpu.vector_store %arg9[%swap3A_26], %swap3A_29 {strides = array<i32>} : memref<640xf32, #tpu.memory_space<vmem>>, vector<16xf32>,
    %broadcast_in_dim3A_30 = arith.constant 0.000000e+00 : f32
    %broadcast_in_dim3A_31 = vector.broadcast %broadcast_in_dim3A_30 : f32 to vector<16xf32>
    %swap3A_32 = arith.constant 48 : index
    %swap3A_33 = tpu.vector_load %arg9[%swap3A_32] {strides = array<i32>} : memref<640xf32, #tpu.memory_space<vmem>>, vector<16xf32>,
    %swap3A_34 = vector.shape_cast %swap3A_33 : vector<16xf32> to vector<16xf32>
    %swap3A_35 = vector.shape_cast %broadcast_in_dim3A_31 : vector<16xf32> to vector<16xf32>
    tpu.vector_store %arg9[%swap3A_32], %swap3A_35 {strides = array<i32>} : memref<640xf32, #tpu.memory_space<vmem>>, vector<16xf32>,
    %broadcast_in_dim3A_36 = arith.constant 0.000000e+00 : f32
    %broadcast_in_dim3A_37 = vector.broadcast %broadcast_in_dim3A_36 : f32 to vector<16xf32>
    %swap3A_38 = arith.constant 64 : index
    %swap3A_39 = tpu.vector_load %arg9[%swap3A_38] {strides = array<i32>} : memref<640xf32, #tpu.memory_space<vmem>>, vector<16xf32>,
    %swap3A_40 = vector.shape_cast %swap3A_39 : vector<16xf32> to vector<16xf32>
    %swap3A_41 = vector.shape_cast %broadcast_in_dim3A_37 : vector<16xf32> to vector<16xf32>
    tpu.vector_store %arg9[%swap3A_38], %swap3A_41 {strides = array<i32>} : memref<640xf32, #tpu.memory_space<vmem>>, vector<16xf32>,
    %broadcast_in_dim3A_42 = arith.constant 0.000000e+00 : f32
    %broadcast_in_dim3A_43 = vector.broadcast %broadcast_in_dim3A_42 : f32 to vector<16xf32>
    %swap3A_44 = arith.constant 80 : index
    %swap3A_45 = tpu.vector_load %arg9[%swap3A_44] {strides = array<i32>} : memref<640xf32, #tpu.memory_space<vmem>>, vector<16xf32>,
    %swap3A_46 = vector.shape_cast %swap3A_45 : vector<16xf32> to vector<16xf32>
    %swap3A_47 = vector.shape_cast %broadcast_in_dim3A_43 : vector<16xf32> to vector<16xf32>
    tpu.vector_store %arg9[%swap3A_44], %swap3A_47 {strides = array<i32>} : memref<640xf32, #tpu.memory_space<vmem>>, vector<16xf32>,
    %broadcast_in_dim3A_48 = arith.constant 0.000000e+00 : f32
    %broadcast_in_dim3A_49 = vector.broadcast %broadcast_in_dim3A_48 : f32 to vector<16xf32>
    %swap3A_50 = arith.constant 96 : index
    %swap3A_51 = tpu.vector_load %arg9[%swap3A_50] {strides = array<i32>} : memref<640xf32, #tpu.memory_space<vmem>>, vector<16xf32>,
    %swap3A_52 = vector.shape_cast %swap3A_51 : vector<16xf32> to vector<16xf32>
    %swap3A_53 = vector.shape_cast %broadcast_in_dim3A_49 : vector<16xf32> to vector<16xf32>
    tpu.vector_store %arg9[%swap3A_50], %swap3A_53 {strides = array<i32>} : memref<640xf32, #tpu.memory_space<vmem>>, vector<16xf32>,
    %broadcast_in_dim3A_54 = arith.constant 0.000000e+00 : f32
    %broadcast_in_dim3A_55 = vector.broadcast %broadcast_in_dim3A_54 : f32 to vector<16xf32>
    %swap3A_56 = arith.constant 112 : index
    %swap3A_57 = tpu.vector_load %arg9[%swap3A_56] {strides = array<i32>} : memref<640xf32, #tpu.memory_space<vmem>>, vector<16xf32>,
    %swap3A_58 = vector.shape_cast %swap3A_57 : vector<16xf32> to vector<16xf32>
    %swap3A_59 = vector.shape_cast %broadcast_in_dim3A_55 : vector<16xf32> to vector<16xf32>
    tpu.vector_store %arg9[%swap3A_56], %swap3A_59 {strides = array<i32>} : memref<640xf32, #tpu.memory_space<vmem>>, vector<16xf32>,
    %broadcast_in_dim3A_60 = arith.constant 0.000000e+00 : f32
    %broadcast_in_dim3A_61 = vector.broadcast %broadcast_in_dim3A_60 : f32 to vector<16xf32>
    %swap3A_62 = arith.constant 128 : index
    %swap3A_63 = tpu.vector_load %arg9[%swap3A_62] {strides = array<i32>} : memref<640xf32, #tpu.memory_space<vmem>>, vector<16xf32>,
    %swap3A_64 = vector.shape_cast %swap3A_63 : vector<16xf32> to vector<16xf32>
    %swap3A_65 = vector.shape_cast %broadcast_in_dim3A_61 : vector<16xf32> to vector<16xf32>
    tpu.vector_store %arg9[%swap3A_62], %swap3A_65 {strides = array<i32>} : memref<640xf32, #tpu.memory_space<vmem>>, vector<16xf32>,
    %broadcast_in_dim3A_66 = arith.constant 0.000000e+00 : f32
    %broadcast_in_dim3A_67 = vector.broadcast %broadcast_in_dim3A_66 : f32 to vector<16xf32>
    %swap3A_68 = arith.constant 144 : index
    %swap3A_69 = tpu.vector_load %arg9[%swap3A_68] {strides = array<i32>} : memref<640xf32, #tpu.memory_space<vmem>>, vector<16xf32>,
    %swap3A_70 = vector.shape_cast %swap3A_69 : vector<16xf32> to vector<16xf32>
    %swap3A_71 = vector.shape_cast %broadcast_in_dim3A_67 : vector<16xf32> to vector<16xf32>
    tpu.vector_store %arg9[%swap3A_68], %swap3A_71 {strides = array<i32>} : memref<640xf32, #tpu.memory_space<vmem>>, vector<16xf32>,
    %broadcast_in_dim3A_72 = arith.constant 0.000000e+00 : f32
    %broadcast_in_dim3A_73 = vector.broadcast %broadcast_in_dim3A_72 : f32 to vector<16xf32>
    %swap3A_74 = arith.constant 160 : index
    %swap3A_75 = tpu.vector_load %arg9[%swap3A_74] {strides = array<i32>} : memref<640xf32, #tpu.memory_space<vmem>>, vector<16xf32>,
    %swap3A_76 = vector.shape_cast %swap3A_75 : vector<16xf32> to vector<16xf32>
    %swap3A_77 = vector.shape_cast %broadcast_in_dim3A_73 : vector<16xf32> to vector<16xf32>
    tpu.vector_store %arg9[%swap3A_74], %swap3A_77 {strides = array<i32>} : memref<640xf32, #tpu.memory_space<vmem>>, vector<16xf32>,
    %broadcast_in_dim3A_78 = arith.constant 0.000000e+00 : f32
    %broadcast_in_dim3A_79 = vector.broadcast %broadcast_in_dim3A_78 : f32 to vector<16xf32>
    %swap3A_80 = arith.constant 176 : index
    %swap3A_81 = tpu.vector_load %arg9[%swap3A_80] {strides = array<i32>} : memref<640xf32, #tpu.memory_space<vmem>>, vector<16xf32>,
    %swap3A_82 = vector.shape_cast %swap3A_81 : vector<16xf32> to vector<16xf32>
    %swap3A_83 = vector.shape_cast %broadcast_in_dim3A_79 : vector<16xf32> to vector<16xf32>
    tpu.vector_store %arg9[%swap3A_80], %swap3A_83 {strides = array<i32>} : memref<640xf32, #tpu.memory_space<vmem>>, vector<16xf32>,
    %broadcast_in_dim3A_84 = arith.constant 0.000000e+00 : f32
    %broadcast_in_dim3A_85 = vector.broadcast %broadcast_in_dim3A_84 : f32 to vector<16xf32>
    %swap3A_86 = arith.constant 192 : index
    %swap3A_87 = tpu.vector_load %arg9[%swap3A_86] {strides = array<i32>} : memref<640xf32, #tpu.memory_space<vmem>>, vector<16xf32>,
    %swap3A_88 = vector.shape_cast %swap3A_87 : vector<16xf32> to vector<16xf32>
    %swap3A_89 = vector.shape_cast %broadcast_in_dim3A_85 : vector<16xf32> to vector<16xf32>
    tpu.vector_store %arg9[%swap3A_86], %swap3A_89 {strides = array<i32>} : memref<640xf32, #tpu.memory_space<vmem>>, vector<16xf32>,
    %broadcast_in_dim3A_90 = arith.constant 0.000000e+00 : f32
    %broadcast_in_dim3A_91 = vector.broadcast %broadcast_in_dim3A_90 : f32 to vector<16xf32>
    %swap3A_92 = arith.constant 208 : index
    %swap3A_93 = tpu.vector_load %arg9[%swap3A_92] {strides = array<i32>} : memref<640xf32, #tpu.memory_space<vmem>>, vector<16xf32>,
    %swap3A_94 = vector.shape_cast %swap3A_93 : vector<16xf32> to vector<16xf32>
    %swap3A_95 = vector.shape_cast %broadcast_in_dim3A_91 : vector<16xf32> to vector<16xf32>
    tpu.vector_store %arg9[%swap3A_92], %swap3A_95 {strides = array<i32>} : memref<640xf32, #tpu.memory_space<vmem>>, vector<16xf32>,
    %broadcast_in_dim3A_96 = arith.constant 0.000000e+00 : f32
    %broadcast_in_dim3A_97 = vector.broadcast %broadcast_in_dim3A_96 : f32 to vector<16xf32>
    %swap3A_98 = arith.constant 224 : index
    %swap3A_99 = tpu.vector_load %arg9[%swap3A_98] {strides = array<i32>} : memref<640xf32, #tpu.memory_space<vmem>>, vector<16xf32>,
    %swap3A_100 = vector.shape_cast %swap3A_99 : vector<16xf32> to vector<16xf32>
    %swap3A_101 = vector.shape_cast %broadcast_in_dim3A_97 : vector<16xf32> to vector<16xf32>
    tpu.vector_store %arg9[%swap3A_98], %swap3A_101 {strides = array<i32>} : memref<640xf32, #tpu.memory_space<vmem>>, vector<16xf32>,
    %broadcast_in_dim3A_102 = arith.constant 0.000000e+00 : f32
    %broadcast_in_dim3A_103 = vector.broadcast %broadcast_in_dim3A_102 : f32 to vector<16xf32>
    %swap3A_104 = arith.constant 240 : index
    %swap3A_105 = tpu.vector_load %arg9[%swap3A_104] {strides = array<i32>} : memref<640xf32, #tpu.memory_space<vmem>>, vector<16xf32>,
    %swap3A_106 = vector.shape_cast %swap3A_105 : vector<16xf32> to vector<16xf32>
    %swap3A_107 = vector.shape_cast %broadcast_in_dim3A_103 : vector<16xf32> to vector<16xf32>
    tpu.vector_store %arg9[%swap3A_104], %swap3A_107 {strides = array<i32>} : memref<640xf32, #tpu.memory_space<vmem>>, vector<16xf32>,
    %broadcast_in_dim3A_108 = arith.constant 0.000000e+00 : f32
    %broadcast_in_dim3A_109 = vector.broadcast %broadcast_in_dim3A_108 : f32 to vector<16xf32>
    %swap3A_110 = arith.constant 256 : index
    %swap3A_111 = tpu.vector_load %arg9[%swap3A_110] {strides = array<i32>} : memref<640xf32, #tpu.memory_space<vmem>>, vector<16xf32>,
    %swap3A_112 = vector.shape_cast %swap3A_111 : vector<16xf32> to vector<16xf32>
    %swap3A_113 = vector.shape_cast %broadcast_in_dim3A_109 : vector<16xf32> to vector<16xf32>
    tpu.vector_store %arg9[%swap3A_110], %swap3A_113 {strides = array<i32>} : memref<640xf32, #tpu.memory_space<vmem>>, vector<16xf32>,
    %broadcast_in_dim3A_114 = arith.constant 0.000000e+00 : f32
    %broadcast_in_dim3A_115 = vector.broadcast %broadcast_in_dim3A_114 : f32 to vector<16xf32>
    %swap3A_116 = arith.constant 272 : index
    %swap3A_117 = tpu.vector_load %arg9[%swap3A_116] {strides = array<i32>} : memref<640xf32, #tpu.memory_space<vmem>>, vector<16xf32>,
    %swap3A_118 = vector.shape_cast %swap3A_117 : vector<16xf32> to vector<16xf32>
    %swap3A_119 = vector.shape_cast %broadcast_in_dim3A_115 : vector<16xf32> to vector<16xf32>
    tpu.vector_store %arg9[%swap3A_116], %swap3A_119 {strides = array<i32>} : memref<640xf32, #tpu.memory_space<vmem>>, vector<16xf32>,
    %broadcast_in_dim3A_120 = arith.constant 0.000000e+00 : f32
    %broadcast_in_dim3A_121 = vector.broadcast %broadcast_in_dim3A_120 : f32 to vector<16xf32>
    %swap3A_122 = arith.constant 288 : index
    %swap3A_123 = tpu.vector_load %arg9[%swap3A_122] {strides = array<i32>} : memref<640xf32, #tpu.memory_space<vmem>>, vector<16xf32>,
    %swap3A_124 = vector.shape_cast %swap3A_123 : vector<16xf32> to vector<16xf32>
    %swap3A_125 = vector.shape_cast %broadcast_in_dim3A_121 : vector<16xf32> to vector<16xf32>
    tpu.vector_store %arg9[%swap3A_122], %swap3A_125 {strides = array<i32>} : memref<640xf32, #tpu.memory_space<vmem>>, vector<16xf32>,
    %broadcast_in_dim3A_126 = arith.constant 0.000000e+00 : f32
    %broadcast_in_dim3A_127 = vector.broadcast %broadcast_in_dim3A_126 : f32 to vector<16xf32>
    %swap3A_128 = arith.constant 304 : index
    %swap3A_129 = tpu.vector_load %arg9[%swap3A_128] {strides = array<i32>} : memref<640xf32, #tpu.memory_space<vmem>>, vector<16xf32>,
    %swap3A_130 = vector.shape_cast %swap3A_129 : vector<16xf32> to vector<16xf32>
    %swap3A_131 = vector.shape_cast %broadcast_in_dim3A_127 : vector<16xf32> to vector<16xf32>
    tpu.vector_store %arg9[%swap3A_128], %swap3A_131 {strides = array<i32>} : memref<640xf32, #tpu.memory_space<vmem>>, vector<16xf32>,
    %broadcast_in_dim3A_132 = arith.constant 0.000000e+00 : f32
    %broadcast_in_dim3A_133 = vector.broadcast %broadcast_in_dim3A_132 : f32 to vector<16xf32>
    %swap3A_134 = arith.constant 320 : index
    %swap3A_135 = tpu.vector_load %arg9[%swap3A_134] {strides = array<i32>} : memref<640xf32, #tpu.memory_space<vmem>>, vector<16xf32>,
    %swap3A_136 = vector.shape_cast %swap3A_135 : vector<16xf32> to vector<16xf32>
    %swap3A_137 = vector.shape_cast %broadcast_in_dim3A_133 : vector<16xf32> to vector<16xf32>
    tpu.vector_store %arg9[%swap3A_134], %swap3A_137 {strides = array<i32>} : memref<640xf32, #tpu.memory_space<vmem>>, vector<16xf32>,
    %broadcast_in_dim3A_138 = arith.constant 0.000000e+00 : f32
    %broadcast_in_dim3A_139 = vector.broadcast %broadcast_in_dim3A_138 : f32 to vector<16xf32>
    %swap3A_140 = arith.constant 336 : index
    %swap3A_141 = tpu.vector_load %arg9[%swap3A_140] {strides = array<i32>} : memref<640xf32, #tpu.memory_space<vmem>>, vector<16xf32>,
    %swap3A_142 = vector.shape_cast %swap3A_141 : vector<16xf32> to vector<16xf32>
    %swap3A_143 = vector.shape_cast %broadcast_in_dim3A_139 : vector<16xf32> to vector<16xf32>
    tpu.vector_store %arg9[%swap3A_140], %swap3A_143 {strides = array<i32>} : memref<640xf32, #tpu.memory_space<vmem>>, vector<16xf32>,
    %broadcast_in_dim3A_144 = arith.constant 0.000000e+00 : f32
    %broadcast_in_dim3A_145 = vector.broadcast %broadcast_in_dim3A_144 : f32 to vector<16xf32>
    %swap3A_146 = arith.constant 352 : index
    %swap3A_147 = tpu.vector_load %arg9[%swap3A_146] {strides = array<i32>} : memref<640xf32, #tpu.memory_space<vmem>>, vector<16xf32>,
    %swap3A_148 = vector.shape_cast %swap3A_147 : vector<16xf32> to vector<16xf32>
    %swap3A_149 = vector.shape_cast %broadcast_in_dim3A_145 : vector<16xf32> to vector<16xf32>
    tpu.vector_store %arg9[%swap3A_146], %swap3A_149 {strides = array<i32>} : memref<640xf32, #tpu.memory_space<vmem>>, vector<16xf32>,
    %broadcast_in_dim3A_150 = arith.constant 0.000000e+00 : f32
    %broadcast_in_dim3A_151 = vector.broadcast %broadcast_in_dim3A_150 : f32 to vector<16xf32>
    %swap3A_152 = arith.constant 368 : index
    %swap3A_153 = tpu.vector_load %arg9[%swap3A_152] {strides = array<i32>} : memref<640xf32, #tpu.memory_space<vmem>>, vector<16xf32>,
    %swap3A_154 = vector.shape_cast %swap3A_153 : vector<16xf32> to vector<16xf32>
    %swap3A_155 = vector.shape_cast %broadcast_in_dim3A_151 : vector<16xf32> to vector<16xf32>
    tpu.vector_store %arg9[%swap3A_152], %swap3A_155 {strides = array<i32>} : memref<640xf32, #tpu.memory_space<vmem>>, vector<16xf32>,
    %broadcast_in_dim3A_156 = arith.constant 0.000000e+00 : f32
    %broadcast_in_dim3A_157 = vector.broadcast %broadcast_in_dim3A_156 : f32 to vector<16xf32>
    %swap3A_158 = arith.constant 384 : index
    %swap3A_159 = tpu.vector_load %arg9[%swap3A_158] {strides = array<i32>} : memref<640xf32, #tpu.memory_space<vmem>>, vector<16xf32>,
    %swap3A_160 = vector.shape_cast %swap3A_159 : vector<16xf32> to vector<16xf32>
    %swap3A_161 = vector.shape_cast %broadcast_in_dim3A_157 : vector<16xf32> to vector<16xf32>
    tpu.vector_store %arg9[%swap3A_158], %swap3A_161 {strides = array<i32>} : memref<640xf32, #tpu.memory_space<vmem>>, vector<16xf32>,
    %broadcast_in_dim3A_162 = arith.constant 0.000000e+00 : f32
    %broadcast_in_dim3A_163 = vector.broadcast %broadcast_in_dim3A_162 : f32 to vector<16xf32>
    %swap3A_164 = arith.constant 400 : index
    %swap3A_165 = tpu.vector_load %arg9[%swap3A_164] {strides = array<i32>} : memref<640xf32, #tpu.memory_space<vmem>>, vector<16xf32>,
    %swap3A_166 = vector.shape_cast %swap3A_165 : vector<16xf32> to vector<16xf32>
    %swap3A_167 = vector.shape_cast %broadcast_in_dim3A_163 : vector<16xf32> to vector<16xf32>
    tpu.vector_store %arg9[%swap3A_164], %swap3A_167 {strides = array<i32>} : memref<640xf32, #tpu.memory_space<vmem>>, vector<16xf32>,
    %broadcast_in_dim3A_168 = arith.constant 0.000000e+00 : f32
    %broadcast_in_dim3A_169 = vector.broadcast %broadcast_in_dim3A_168 : f32 to vector<16xf32>
    %swap3A_170 = arith.constant 416 : index
    %swap3A_171 = tpu.vector_load %arg9[%swap3A_170] {strides = array<i32>} : memref<640xf32, #tpu.memory_space<vmem>>, vector<16xf32>,
    %swap3A_172 = vector.shape_cast %swap3A_171 : vector<16xf32> to vector<16xf32>
    %swap3A_173 = vector.shape_cast %broadcast_in_dim3A_169 : vector<16xf32> to vector<16xf32>
    tpu.vector_store %arg9[%swap3A_170], %swap3A_173 {strides = array<i32>} : memref<640xf32, #tpu.memory_space<vmem>>, vector<16xf32>,
    %broadcast_in_dim3A_174 = arith.constant 0.000000e+00 : f32
    %broadcast_in_dim3A_175 = vector.broadcast %broadcast_in_dim3A_174 : f32 to vector<16xf32>
    %swap3A_176 = arith.constant 432 : index
    %swap3A_177 = tpu.vector_load %arg9[%swap3A_176] {strides = array<i32>} : memref<640xf32, #tpu.memory_space<vmem>>, vector<16xf32>,
    %swap3A_178 = vector.shape_cast %swap3A_177 : vector<16xf32> to vector<16xf32>
    %swap3A_179 = vector.shape_cast %broadcast_in_dim3A_175 : vector<16xf32> to vector<16xf32>
    tpu.vector_store %arg9[%swap3A_176], %swap3A_179 {strides = array<i32>} : memref<640xf32, #tpu.memory_space<vmem>>, vector<16xf32>,
    %broadcast_in_dim3A_180 = arith.constant 0.000000e+00 : f32
    %broadcast_in_dim3A_181 = vector.broadcast %broadcast_in_dim3A_180 : f32 to vector<16xf32>
    %swap3A_182 = arith.constant 448 : index
    %swap3A_183 = tpu.vector_load %arg9[%swap3A_182] {strides = array<i32>} : memref<640xf32, #tpu.memory_space<vmem>>, vector<16xf32>,
    %swap3A_184 = vector.shape_cast %swap3A_183 : vector<16xf32> to vector<16xf32>
    %swap3A_185 = vector.shape_cast %broadcast_in_dim3A_181 : vector<16xf32> to vector<16xf32>
    tpu.vector_store %arg9[%swap3A_182], %swap3A_185 {strides = array<i32>} : memref<640xf32, #tpu.memory_space<vmem>>, vector<16xf32>,
    %broadcast_in_dim3A_186 = arith.constant 0.000000e+00 : f32
    %broadcast_in_dim3A_187 = vector.broadcast %broadcast_in_dim3A_186 : f32 to vector<16xf32>
    %swap3A_188 = arith.constant 464 : index
    %swap3A_189 = tpu.vector_load %arg9[%swap3A_188] {strides = array<i32>} : memref<640xf32, #tpu.memory_space<vmem>>, vector<16xf32>,
    %swap3A_190 = vector.shape_cast %swap3A_189 : vector<16xf32> to vector<16xf32>
    %swap3A_191 = vector.shape_cast %broadcast_in_dim3A_187 : vector<16xf32> to vector<16xf32>
    tpu.vector_store %arg9[%swap3A_188], %swap3A_191 {strides = array<i32>} : memref<640xf32, #tpu.memory_space<vmem>>, vector<16xf32>,
    %broadcast_in_dim3A_192 = arith.constant 0.000000e+00 : f32
    %broadcast_in_dim3A_193 = vector.broadcast %broadcast_in_dim3A_192 : f32 to vector<16xf32>
    %swap3A_194 = arith.constant 480 : index
    %swap3A_195 = tpu.vector_load %arg9[%swap3A_194] {strides = array<i32>} : memref<640xf32, #tpu.memory_space<vmem>>, vector<16xf32>,
    %swap3A_196 = vector.shape_cast %swap3A_195 : vector<16xf32> to vector<16xf32>
    %swap3A_197 = vector.shape_cast %broadcast_in_dim3A_193 : vector<16xf32> to vector<16xf32>
    tpu.vector_store %arg9[%swap3A_194], %swap3A_197 {strides = array<i32>} : memref<640xf32, #tpu.memory_space<vmem>>, vector<16xf32>,
    %broadcast_in_dim3A_198 = arith.constant 0.000000e+00 : f32
    %broadcast_in_dim3A_199 = vector.broadcast %broadcast_in_dim3A_198 : f32 to vector<16xf32>
    %swap3A_200 = arith.constant 496 : index
    %swap3A_201 = tpu.vector_load %arg9[%swap3A_200] {strides = array<i32>} : memref<640xf32, #tpu.memory_space<vmem>>, vector<16xf32>,
    %swap3A_202 = vector.shape_cast %swap3A_201 : vector<16xf32> to vector<16xf32>
    %swap3A_203 = vector.shape_cast %broadcast_in_dim3A_199 : vector<16xf32> to vector<16xf32>
    tpu.vector_store %arg9[%swap3A_200], %swap3A_203 {strides = array<i32>} : memref<640xf32, #tpu.memory_space<vmem>>, vector<16xf32>,
    %broadcast_in_dim3A_204 = arith.constant 0.000000e+00 : f32
    %broadcast_in_dim3A_205 = vector.broadcast %broadcast_in_dim3A_204 : f32 to vector<16xf32>
    %swap3A_206 = arith.constant 512 : index
    %swap3A_207 = tpu.vector_load %arg9[%swap3A_206] {strides = array<i32>} : memref<640xf32, #tpu.memory_space<vmem>>, vector<16xf32>,
    %swap3A_208 = vector.shape_cast %swap3A_207 : vector<16xf32> to vector<16xf32>
    %swap3A_209 = vector.shape_cast %broadcast_in_dim3A_205 : vector<16xf32> to vector<16xf32>
    tpu.vector_store %arg9[%swap3A_206], %swap3A_209 {strides = array<i32>} : memref<640xf32, #tpu.memory_space<vmem>>, vector<16xf32>,
    %broadcast_in_dim3A_210 = arith.constant 0.000000e+00 : f32
    %broadcast_in_dim3A_211 = vector.broadcast %broadcast_in_dim3A_210 : f32 to vector<16xf32>
    %swap3A_212 = arith.constant 528 : index
    %swap3A_213 = tpu.vector_load %arg9[%swap3A_212] {strides = array<i32>} : memref<640xf32, #tpu.memory_space<vmem>>, vector<16xf32>,
    %swap3A_214 = vector.shape_cast %swap3A_213 : vector<16xf32> to vector<16xf32>
    %swap3A_215 = vector.shape_cast %broadcast_in_dim3A_211 : vector<16xf32> to vector<16xf32>
    tpu.vector_store %arg9[%swap3A_212], %swap3A_215 {strides = array<i32>} : memref<640xf32, #tpu.memory_space<vmem>>, vector<16xf32>,
    %broadcast_in_dim3A_216 = arith.constant 0.000000e+00 : f32
    %broadcast_in_dim3A_217 = vector.broadcast %broadcast_in_dim3A_216 : f32 to vector<16xf32>
    %swap3A_218 = arith.constant 544 : index
    %swap3A_219 = tpu.vector_load %arg9[%swap3A_218] {strides = array<i32>} : memref<640xf32, #tpu.memory_space<vmem>>, vector<16xf32>,
    %swap3A_220 = vector.shape_cast %swap3A_219 : vector<16xf32> to vector<16xf32>
    %swap3A_221 = vector.shape_cast %broadcast_in_dim3A_217 : vector<16xf32> to vector<16xf32>
    tpu.vector_store %arg9[%swap3A_218], %swap3A_221 {strides = array<i32>} : memref<640xf32, #tpu.memory_space<vmem>>, vector<16xf32>,
    %broadcast_in_dim3A_222 = arith.constant 0.000000e+00 : f32
    %broadcast_in_dim3A_223 = vector.broadcast %broadcast_in_dim3A_222 : f32 to vector<16xf32>
    %swap3A_224 = arith.constant 560 : index
    %swap3A_225 = tpu.vector_load %arg9[%swap3A_224] {strides = array<i32>} : memref<640xf32, #tpu.memory_space<vmem>>, vector<16xf32>,
    %swap3A_226 = vector.shape_cast %swap3A_225 : vector<16xf32> to vector<16xf32>
    %swap3A_227 = vector.shape_cast %broadcast_in_dim3A_223 : vector<16xf32> to vector<16xf32>
    tpu.vector_store %arg9[%swap3A_224], %swap3A_227 {strides = array<i32>} : memref<640xf32, #tpu.memory_space<vmem>>, vector<16xf32>,
    %broadcast_in_dim3A_228 = arith.constant 0.000000e+00 : f32
    %broadcast_in_dim3A_229 = vector.broadcast %broadcast_in_dim3A_228 : f32 to vector<16xf32>
    %swap3A_230 = arith.constant 576 : index
    %swap3A_231 = tpu.vector_load %arg9[%swap3A_230] {strides = array<i32>} : memref<640xf32, #tpu.memory_space<vmem>>, vector<16xf32>,
    %swap3A_232 = vector.shape_cast %swap3A_231 : vector<16xf32> to vector<16xf32>
    %swap3A_233 = vector.shape_cast %broadcast_in_dim3A_229 : vector<16xf32> to vector<16xf32>
    tpu.vector_store %arg9[%swap3A_230], %swap3A_233 {strides = array<i32>} : memref<640xf32, #tpu.memory_space<vmem>>, vector<16xf32>,
    %broadcast_in_dim3A_234 = arith.constant 0.000000e+00 : f32
    %broadcast_in_dim3A_235 = vector.broadcast %broadcast_in_dim3A_234 : f32 to vector<16xf32>
    %swap3A_236 = arith.constant 592 : index
    %swap3A_237 = tpu.vector_load %arg9[%swap3A_236] {strides = array<i32>} : memref<640xf32, #tpu.memory_space<vmem>>, vector<16xf32>,
    %swap3A_238 = vector.shape_cast %swap3A_237 : vector<16xf32> to vector<16xf32>
    %swap3A_239 = vector.shape_cast %broadcast_in_dim3A_235 : vector<16xf32> to vector<16xf32>
    tpu.vector_store %arg9[%swap3A_236], %swap3A_239 {strides = array<i32>} : memref<640xf32, #tpu.memory_space<vmem>>, vector<16xf32>,
    %broadcast_in_dim3A_240 = arith.constant 0.000000e+00 : f32
    %broadcast_in_dim3A_241 = vector.broadcast %broadcast_in_dim3A_240 : f32 to vector<16xf32>
    %swap3A_242 = arith.constant 608 : index
    %swap3A_243 = tpu.vector_load %arg9[%swap3A_242] {strides = array<i32>} : memref<640xf32, #tpu.memory_space<vmem>>, vector<16xf32>,
    %swap3A_244 = vector.shape_cast %swap3A_243 : vector<16xf32> to vector<16xf32>
    %swap3A_245 = vector.shape_cast %broadcast_in_dim3A_241 : vector<16xf32> to vector<16xf32>
    tpu.vector_store %arg9[%swap3A_242], %swap3A_245 {strides = array<i32>} : memref<640xf32, #tpu.memory_space<vmem>>, vector<16xf32>,
    %broadcast_in_dim3A_246 = arith.constant 0.000000e+00 : f32
    %broadcast_in_dim3A_247 = vector.broadcast %broadcast_in_dim3A_246 : f32 to vector<16xf32>
    %swap3A_248 = arith.constant 624 : index
    %swap3A_249 = tpu.vector_load %arg9[%swap3A_248] {strides = array<i32>} : memref<640xf32, #tpu.memory_space<vmem>>, vector<16xf32>,
    %swap3A_250 = vector.shape_cast %swap3A_249 : vector<16xf32> to vector<16xf32>
    %swap3A_251 = vector.shape_cast %broadcast_in_dim3A_247 : vector<16xf32> to vector<16xf32>
    tpu.vector_store %arg9[%swap3A_248], %swap3A_251 {strides = array<i32>} : memref<640xf32, #tpu.memory_space<vmem>>, vector<16xf32>,
    %broadcast_in_dim3A_252 = arith.constant 1.000000e+00 : f32
    %broadcast_in_dim3A_253 = vector.broadcast %broadcast_in_dim3A_252 : f32 to vector<16xf32>
    %swap3A_254 = arith.constant 0 : index
    %swap3A_255 = tpu.vector_load %arg8[%swap3A_254] {strides = array<i32>} : memref<128xf32, #tpu.memory_space<vmem>>, vector<16xf32>,
    %swap3A_256 = vector.shape_cast %swap3A_255 : vector<16xf32> to vector<16xf32>
    %swap3A_257 = vector.shape_cast %broadcast_in_dim3A_253 : vector<16xf32> to vector<16xf32>
    tpu.vector_store %arg8[%swap3A_254], %swap3A_257 {strides = array<i32>} : memref<128xf32, #tpu.memory_space<vmem>>, vector<16xf32>,
    %broadcast_in_dim3A_258 = arith.constant 1.000000e+00 : f32
    %broadcast_in_dim3A_259 = vector.broadcast %broadcast_in_dim3A_258 : f32 to vector<16xf32>
    %swap3A_260 = arith.constant 16 : index
    %swap3A_261 = tpu.vector_load %arg8[%swap3A_260] {strides = array<i32>} : memref<128xf32, #tpu.memory_space<vmem>>, vector<16xf32>,
    %swap3A_262 = vector.shape_cast %swap3A_261 : vector<16xf32> to vector<16xf32>
    %swap3A_263 = vector.shape_cast %broadcast_in_dim3A_259 : vector<16xf32> to vector<16xf32>
    tpu.vector_store %arg8[%swap3A_260], %swap3A_263 {strides = array<i32>} : memref<128xf32, #tpu.memory_space<vmem>>, vector<16xf32>,
    %broadcast_in_dim3A_264 = arith.constant 1.000000e+00 : f32
    %broadcast_in_dim3A_265 = vector.broadcast %broadcast_in_dim3A_264 : f32 to vector<16xf32>
    %swap3A_266 = arith.constant 32 : index
    %swap3A_267 = tpu.vector_load %arg8[%swap3A_266] {strides = array<i32>} : memref<128xf32, #tpu.memory_space<vmem>>, vector<16xf32>,
    %swap3A_268 = vector.shape_cast %swap3A_267 : vector<16xf32> to vector<16xf32>
    %swap3A_269 = vector.shape_cast %broadcast_in_dim3A_265 : vector<16xf32> to vector<16xf32>
    tpu.vector_store %arg8[%swap3A_266], %swap3A_269 {strides = array<i32>} : memref<128xf32, #tpu.memory_space<vmem>>, vector<16xf32>,
    %broadcast_in_dim3A_270 = arith.constant 1.000000e+00 : f32
    %broadcast_in_dim3A_271 = vector.broadcast %broadcast_in_dim3A_270 : f32 to vector<16xf32>
    %swap3A_272 = arith.constant 48 : index
    %swap3A_273 = tpu.vector_load %arg8[%swap3A_272] {strides = array<i32>} : memref<128xf32, #tpu.memory_space<vmem>>, vector<16xf32>,
    %swap3A_274 = vector.shape_cast %swap3A_273 : vector<16xf32> to vector<16xf32>
    %swap3A_275 = vector.shape_cast %broadcast_in_dim3A_271 : vector<16xf32> to vector<16xf32>
    tpu.vector_store %arg8[%swap3A_272], %swap3A_275 {strides = array<i32>} : memref<128xf32, #tpu.memory_space<vmem>>, vector<16xf32>,
    %broadcast_in_dim3A_276 = arith.constant 1.000000e+00 : f32
    %broadcast_in_dim3A_277 = vector.broadcast %broadcast_in_dim3A_276 : f32 to vector<16xf32>
    %swap3A_278 = arith.constant 64 : index
    %swap3A_279 = tpu.vector_load %arg8[%swap3A_278] {strides = array<i32>} : memref<128xf32, #tpu.memory_space<vmem>>, vector<16xf32>,
    %swap3A_280 = vector.shape_cast %swap3A_279 : vector<16xf32> to vector<16xf32>
    %swap3A_281 = vector.shape_cast %broadcast_in_dim3A_277 : vector<16xf32> to vector<16xf32>
    tpu.vector_store %arg8[%swap3A_278], %swap3A_281 {strides = array<i32>} : memref<128xf32, #tpu.memory_space<vmem>>, vector<16xf32>,
    %broadcast_in_dim3A_282 = arith.constant 1.000000e+00 : f32
    %broadcast_in_dim3A_283 = vector.broadcast %broadcast_in_dim3A_282 : f32 to vector<16xf32>
    %swap3A_284 = arith.constant 80 : index
    %swap3A_285 = tpu.vector_load %arg8[%swap3A_284] {strides = array<i32>} : memref<128xf32, #tpu.memory_space<vmem>>, vector<16xf32>,
    %swap3A_286 = vector.shape_cast %swap3A_285 : vector<16xf32> to vector<16xf32>
    %swap3A_287 = vector.shape_cast %broadcast_in_dim3A_283 : vector<16xf32> to vector<16xf32>
    tpu.vector_store %arg8[%swap3A_284], %swap3A_287 {strides = array<i32>} : memref<128xf32, #tpu.memory_space<vmem>>, vector<16xf32>,
    %broadcast_in_dim3A_288 = arith.constant 1.000000e+00 : f32
    %broadcast_in_dim3A_289 = vector.broadcast %broadcast_in_dim3A_288 : f32 to vector<16xf32>
    %swap3A_290 = arith.constant 96 : index
    %swap3A_291 = tpu.vector_load %arg8[%swap3A_290] {strides = array<i32>} : memref<128xf32, #tpu.memory_space<vmem>>, vector<16xf32>,
    %swap3A_292 = vector.shape_cast %swap3A_291 : vector<16xf32> to vector<16xf32>
    %swap3A_293 = vector.shape_cast %broadcast_in_dim3A_289 : vector<16xf32> to vector<16xf32>
    tpu.vector_store %arg8[%swap3A_290], %swap3A_293 {strides = array<i32>} : memref<128xf32, #tpu.memory_space<vmem>>, vector<16xf32>,
    %broadcast_in_dim3A_294 = arith.constant 1.000000e+00 : f32
    %broadcast_in_dim3A_295 = vector.broadcast %broadcast_in_dim3A_294 : f32 to vector<16xf32>
    %swap3A_296 = arith.constant 112 : index
    %swap3A_297 = tpu.vector_load %arg8[%swap3A_296] {strides = array<i32>} : memref<128xf32, #tpu.memory_space<vmem>>, vector<16xf32>,
    %swap3A_298 = vector.shape_cast %swap3A_297 : vector<16xf32> to vector<16xf32>
    %swap3A_299 = vector.shape_cast %broadcast_in_dim3A_295 : vector<16xf32> to vector<16xf32>
    tpu.vector_store %arg8[%swap3A_296], %swap3A_299 {strides = array<i32>} : memref<128xf32, #tpu.memory_space<vmem>>, vector<16xf32>,
    %mul3A_300 = arith.constant 640 : i32
    %mul3A_301 = arith.muli %mul3A_300, %arg1 : i32
    "tpu.region"() ({
      %run_scoped3A_317 = tpu.sem_alloc : memref<!tpu.dma_semaphore, #tpu.memory_space<semaphore_mem>>
      %dma_start3A = tpu.memref_slice %arg5[%mul3A_301] : memref<10240xf32, #tpu.memory_space<vmem_shared>> -> memref<640xf32, #tpu.memory_space<vmem_shared>>
      %dma_start3A_318 = tpu.memref_slice %arg5[%mul3A_301] : memref<10240xf32, #tpu.memory_space<vmem_shared>> -> memref<640xf32, #tpu.memory_space<vmem_shared>>
      tpu.enqueue_dma source(%arg9 : memref<640xf32, #tpu.memory_space<vmem>>) target(%dma_start3A_318 : memref<640xf32, #tpu.memory_space<vmem_shared>>) target_semaphore(%run_scoped3A_317 : memref<!tpu.dma_semaphore, #tpu.memory_space<semaphore_mem>>)
      %dma_wait3A = tpu.memref_slice %arg5[%mul3A_301] : memref<10240xf32, #tpu.memory_space<vmem_shared>> -> memref<640xf32, #tpu.memory_space<vmem_shared>>
      %dma_wait3A_319 = tpu.memref_slice %arg5[%mul3A_301] : memref<10240xf32, #tpu.memory_space<vmem_shared>> -> memref<640xf32, #tpu.memory_space<vmem_shared>>
      tpu.wait_dma2 semaphore(%run_scoped3A_317 : memref<!tpu.dma_semaphore, #tpu.memory_space<semaphore_mem>>) src(%arg9 : memref<640xf32, #tpu.memory_space<vmem>>) dst(%dma_wait3A_319 : memref<640xf32, #tpu.memory_space<vmem_shared>>)
      tpu.yield
    }) : () -> ()
    %barrier3A = arith.constant 0 : index
    tpu.barrier barrier_id(%barrier3A)
    %scan3A_302 = arith.constant 0 : i32
    %scan3A_303 = arith.constant 78 : i32
    %scan3A_304 = arith.addi %scan3A_302, %scan3A_303 : i32
    %scan3A_305 = arith.constant 1 : i32
    scf.for %scan3A_317 = %scan3A_302 to %scan3A_304 step %scan3A_305  : i32 {
      %mul3A_318 = arith.constant 1 : i32
      %mul3A_319 = arith.muli %scan3A_317, %mul3A_318 : i32
      %add3A_320 = arith.constant 0 : i32
      %add3A_321 = arith.addi %add3A_320, %mul3A_319 : i32
      "tpu.region"() ({
        %run_scoped3A_322 = tpu.sem_alloc : memref<!tpu.dma_semaphore, #tpu.memory_space<semaphore_mem>>
        %dma_start3A = arith.constant 0 : i32
        %dma_start3A_323 = tpu.memref_slice %arg7[%add3A_321, %dma_start3A] : memref<80x128xi32, #tpu.memory_space<vmem>> -> memref<1x128xi32, #tpu.memory_space<vmem>>
        %dma_start3A_324 = tpu.memref_squeeze %dma_start3A_323 : memref<1x128xi32, #tpu.memory_space<vmem>> -> memref<128xi32, #tpu.memory_space<vmem>>
        %dma_start3A_325 = arith.constant 0 : i32
        %dma_start3A_326 = tpu.memref_slice %arg5[%dma_start3A_325] : memref<10240xf32, #tpu.memory_space<vmem_shared>> -> memref<10240xf32, #tpu.memory_space<vmem_shared>>
        tpu.enqueue_indirect_dma source(%arg8 : memref<128xf32, #tpu.memory_space<vmem>>) target(%dma_start3A_326 : memref<10240xf32, #tpu.memory_space<vmem_shared>>) offsets(%dma_start3A_324 : memref<128xi32, #tpu.memory_space<vmem>>) semaphore(%run_scoped3A_322 : memref<!tpu.dma_semaphore, #tpu.memory_space<semaphore_mem>>) {add = true}
        %dma_wait3A = arith.constant 0 : i32
        %dma_wait3A_327 = tpu.memref_slice %arg7[%add3A_321, %dma_wait3A] : memref<80x128xi32, #tpu.memory_space<vmem>> -> memref<1x128xi32, #tpu.memory_space<vmem>>
        %dma_wait3A_328 = tpu.memref_squeeze %dma_wait3A_327 : memref<1x128xi32, #tpu.memory_space<vmem>> -> memref<128xi32, #tpu.memory_space<vmem>>
        %dma_wait3A_329 = arith.constant 0 : i32
        %dma_wait3A_330 = tpu.memref_slice %arg5[%dma_wait3A_329] : memref<10240xf32, #tpu.memory_space<vmem_shared>> -> memref<10240xf32, #tpu.memory_space<vmem_shared>>
        tpu.wait_indirect_dma semaphore(%run_scoped3A_322 : memref<!tpu.dma_semaphore, #tpu.memory_space<semaphore_mem>>) src(%arg8 : memref<128xf32, #tpu.memory_space<vmem>>) dst(%dma_wait3A_330 : memref<10240xf32, #tpu.memory_space<vmem_shared>>)
        tpu.yield
      }) : () -> ()
    }
    %scan3A_306 = arith.constant 78 : i32
    %lt3A_307 = arith.constant 4 : i32
    %lt3A_308 = arith.cmpi slt, %add3A, %lt3A_307 : i32
    %convert_element_type3A_309 = arith.extui %lt3A_308 : i1 to i32
    %cond3A_310 = arith.constant 0 : i32
    %cond3A_311 = arith.cmpi ne, %convert_element_type3A_309, %cond3A_310 : i32
    scf.if %cond3A_311 {
      %run_scoped3A_317 = arith.constant 78 : i32
      "tpu.region"() ({
        %run_scoped3A_318 = tpu.sem_alloc : memref<!tpu.dma_semaphore, #tpu.memory_space<semaphore_mem>>
        %dma_start3A = arith.constant 0 : i32
        %dma_start3A_319 = tpu.memref_slice %arg7[%run_scoped3A_317, %dma_start3A] : memref<80x128xi32, #tpu.memory_space<vmem>> -> memref<1x128xi32, #tpu.memory_space<vmem>>
        %dma_start3A_320 = tpu.memref_squeeze %dma_start3A_319 : memref<1x128xi32, #tpu.memory_space<vmem>> -> memref<128xi32, #tpu.memory_space<vmem>>
        %dma_start3A_321 = arith.constant 0 : i32
        %dma_start3A_322 = tpu.memref_slice %arg5[%dma_start3A_321] : memref<10240xf32, #tpu.memory_space<vmem_shared>> -> memref<10240xf32, #tpu.memory_space<vmem_shared>>
        tpu.enqueue_indirect_dma source(%arg8 : memref<128xf32, #tpu.memory_space<vmem>>) target(%dma_start3A_322 : memref<10240xf32, #tpu.memory_space<vmem_shared>>) offsets(%dma_start3A_320 : memref<128xi32, #tpu.memory_space<vmem>>) semaphore(%run_scoped3A_318 : memref<!tpu.dma_semaphore, #tpu.memory_space<semaphore_mem>>) {add = true}
        %dma_wait3A = arith.constant 0 : i32
        %dma_wait3A_323 = tpu.memref_slice %arg7[%run_scoped3A_317, %dma_wait3A] : memref<80x128xi32, #tpu.memory_space<vmem>> -> memref<1x128xi32, #tpu.memory_space<vmem>>
        %dma_wait3A_324 = tpu.memref_squeeze %dma_wait3A_323 : memref<1x128xi32, #tpu.memory_space<vmem>> -> memref<128xi32, #tpu.memory_space<vmem>>
        %dma_wait3A_325 = arith.constant 0 : i32
        %dma_wait3A_326 = tpu.memref_slice %arg5[%dma_wait3A_325] : memref<10240xf32, #tpu.memory_space<vmem_shared>> -> memref<10240xf32, #tpu.memory_space<vmem_shared>>
        tpu.wait_indirect_dma semaphore(%run_scoped3A_318 : memref<!tpu.dma_semaphore, #tpu.memory_space<semaphore_mem>>) src(%arg8 : memref<128xf32, #tpu.memory_space<vmem>>) dst(%dma_wait3A_326 : memref<10240xf32, #tpu.memory_space<vmem_shared>>)
        tpu.yield
      }) : () -> ()
    } else {
    }
    %barrier3A_312 = arith.constant 0 : index
    tpu.barrier barrier_id(%barrier3A_312)
    %mul3A_313 = arith.constant 640 : i32
    %mul3A_314 = arith.muli %mul3A_313, %arg1 : i32
    "tpu.region"() ({
      %run_scoped3A_317 = tpu.sem_alloc : memref<!tpu.dma_semaphore, #tpu.memory_space<semaphore_mem>>
      %dma_start3A = tpu.memref_slice %arg5[%mul3A_314] : memref<10240xf32, #tpu.memory_space<vmem_shared>> -> memref<640xf32, #tpu.memory_space<vmem_shared>>
      %dma_start3A_318 = tpu.memref_slice %arg5[%mul3A_314] : memref<10240xf32, #tpu.memory_space<vmem_shared>> -> memref<640xf32, #tpu.memory_space<vmem_shared>>
      tpu.enqueue_dma source(%dma_start3A_318 : memref<640xf32, #tpu.memory_space<vmem_shared>>) target(%arg9 : memref<640xf32, #tpu.memory_space<vmem>>) target_semaphore(%run_scoped3A_317 : memref<!tpu.dma_semaphore, #tpu.memory_space<semaphore_mem>>)
      %dma_wait3A = tpu.memref_slice %arg5[%mul3A_314] : memref<10240xf32, #tpu.memory_space<vmem_shared>> -> memref<640xf32, #tpu.memory_space<vmem_shared>>
      %dma_wait3A_319 = tpu.memref_slice %arg5[%mul3A_314] : memref<10240xf32, #tpu.memory_space<vmem_shared>> -> memref<640xf32, #tpu.memory_space<vmem_shared>>
      tpu.wait_dma2 semaphore(%run_scoped3A_317 : memref<!tpu.dma_semaphore, #tpu.memory_space<semaphore_mem>>) src(%dma_wait3A_319 : memref<640xf32, #tpu.memory_space<vmem_shared>>) dst(%arg9 : memref<640xf32, #tpu.memory_space<vmem>>)
      tpu.yield
    }) : () -> ()
    %mul3A_315 = arith.constant 640 : i32
    %mul3A_316 = arith.muli %mul3A_315, %arg1 : i32
    "tpu.region"() ({
      %run_scoped3A_317 = tpu.sem_alloc : memref<!tpu.dma_semaphore, #tpu.memory_space<semaphore_mem>>
      %dma_start3A = tpu.memref_slice %arg3[%arg0, %mul3A_316] : memref<2x10240xf32, #tpu.memory_space<hbm>> -> memref<1x640xf32, #tpu.memory_space<hbm>>
      %dma_start3A_318 = tpu.memref_squeeze %dma_start3A : memref<1x640xf32, #tpu.memory_space<hbm>> -> memref<640xf32, #tpu.memory_space<hbm>>
      %dma_start3A_319 = tpu.memref_slice %arg3[%arg0, %mul3A_316] : memref<2x10240xf32, #tpu.memory_space<hbm>> -> memref<1x640xf32, #tpu.memory_space<hbm>>
      %dma_start3A_320 = tpu.memref_squeeze %dma_start3A_319 : memref<1x640xf32, #tpu.memory_space<hbm>> -> memref<640xf32, #tpu.memory_space<hbm>>
      tpu.enqueue_dma source(%arg9 : memref<640xf32, #tpu.memory_space<vmem>>) target(%dma_start3A_320 : memref<640xf32, #tpu.memory_space<hbm>>) target_semaphore(%run_scoped3A_317 : memref<!tpu.dma_semaphore, #tpu.memory_space<semaphore_mem>>)
      %dma_wait3A = tpu.memref_slice %arg3[%arg0, %mul3A_316] : memref<2x10240xf32, #tpu.memory_space<hbm>> -> memref<1x640xf32, #tpu.memory_space<hbm>>
      %dma_wait3A_321 = tpu.memref_squeeze %dma_wait3A : memref<1x640xf32, #tpu.memory_space<hbm>> -> memref<640xf32, #tpu.memory_space<hbm>>
      %dma_wait3A_322 = tpu.memref_slice %arg3[%arg0, %mul3A_316] : memref<2x10240xf32, #tpu.memory_space<hbm>> -> memref<1x640xf32, #tpu.memory_space<hbm>>
      %dma_wait3A_323 = tpu.memref_squeeze %dma_wait3A_322 : memref<1x640xf32, #tpu.memory_space<hbm>> -> memref<640xf32, #tpu.memory_space<hbm>>
      tpu.wait_dma2 semaphore(%run_scoped3A_317 : memref<!tpu.dma_semaphore, #tpu.memory_space<semaphore_mem>>) src(%arg9 : memref<640xf32, #tpu.memory_space<vmem>>) dst(%dma_wait3A_323 : memref<640xf32, #tpu.memory_space<hbm>>)
      tpu.yield
    }) : () -> ()
    "tpu.region"() ({
      %run_scoped3A_317 = tpu.sem_alloc : memref<!tpu.dma_semaphore, #tpu.memory_space<semaphore_mem>>
      %dma_start3A = arith.constant 0 : i32
      %dma_start3A_318 = arith.constant 0 : i32
      %dma_start3A_319 = tpu.memref_slice %arg4[%add3A, %dma_start3A, %dma_start3A_318] : memref<32x80x128xi32, #tpu.memory_space<hbm>> -> memref<1x80x128xi32, #tpu.memory_space<hbm>>
      %dma_start3A_320 = tpu.memref_squeeze %dma_start3A_319 : memref<1x80x128xi32, #tpu.memory_space<hbm>> -> memref<80x128xi32, #tpu.memory_space<hbm>>
      %dma_start3A_321 = arith.constant 0 : i32
      %dma_start3A_322 = arith.constant 0 : i32
      %dma_start3A_323 = tpu.memref_slice %arg4[%add3A, %dma_start3A_321, %dma_start3A_322] : memref<32x80x128xi32, #tpu.memory_space<hbm>> -> memref<1x80x128xi32, #tpu.memory_space<hbm>>
      %dma_start3A_324 = tpu.memref_squeeze %dma_start3A_323 : memref<1x80x128xi32, #tpu.memory_space<hbm>> -> memref<80x128xi32, #tpu.memory_space<hbm>>
      tpu.enqueue_dma source(%arg7 : memref<80x128xi32, #tpu.memory_space<vmem>>) target(%dma_start3A_324 : memref<80x128xi32, #tpu.memory_space<hbm>>) target_semaphore(%run_scoped3A_317 : memref<!tpu.dma_semaphore, #tpu.memory_space<semaphore_mem>>)
      %dma_wait3A = arith.constant 0 : i32
      %dma_wait3A_325 = arith.constant 0 : i32
      %dma_wait3A_326 = tpu.memref_slice %arg4[%add3A, %dma_wait3A, %dma_wait3A_325] : memref<32x80x128xi32, #tpu.memory_space<hbm>> -> memref<1x80x128xi32, #tpu.memory_space<hbm>>
      %dma_wait3A_327 = tpu.memref_squeeze %dma_wait3A_326 : memref<1x80x128xi32, #tpu.memory_space<hbm>> -> memref<80x128xi32, #tpu.memory_space<hbm>>
      %dma_wait3A_328 = arith.constant 0 : i32
      %dma_wait3A_329 = arith.constant 0 : i32
      %dma_wait3A_330 = tpu.memref_slice %arg4[%add3A, %dma_wait3A_328, %dma_wait3A_329] : memref<32x80x128xi32, #tpu.memory_space<hbm>> -> memref<1x80x128xi32, #tpu.memory_space<hbm>>
      %dma_wait3A_331 = tpu.memref_squeeze %dma_wait3A_330 : memref<1x80x128xi32, #tpu.memory_space<hbm>> -> memref<80x128xi32, #tpu.memory_space<hbm>>
      tpu.wait_dma2 semaphore(%run_scoped3A_317 : memref<!tpu.dma_semaphore, #tpu.memory_space<semaphore_mem>>) src(%arg7 : memref<80x128xi32, #tpu.memory_space<vmem>>) dst(%dma_wait3A_331 : memref<80x128xi32, #tpu.memory_space<hbm>>)
      tpu.yield
    }) : () -> ()
    return
  }
}

module attributes {stable_mosaic.version = 14 : i64} {
  func.func @_tc0_body(%arg0: i32, %arg1: memref<1000x128xf32, #tpu.memory_space<vmem>>, %arg2: memref<128x128xf32, #tpu.memory_space<vmem>>, %arg3: memref<1000x128xf32, #tpu.memory_space<vmem>>) attributes {dimension_semantics = [#tpu.dimension_semantics<arbitrary>], iteration_bounds = array<i64: 10>, scalar_prefetch = 0 : i64, scratch_operands = 0 : i64, tpu.core_type = #tpu.core_type<tc>, window_params = [{transform_indices = @transform_0, window_bounds = array<i64: 1000, 128>}, {pipeline_mode = #tpu.pipeline_mode<synchronous>, transform_indices = @transform_1, window_bounds = array<i64: 128, 128>}, {transform_indices = @transform_2, window_bounds = array<i64: 1000, 128>}]} {
    %get3A = arith.constant 0 : index
    %get3A_0 = arith.constant 0 : index
    %get3A_1 = vector.load %arg1[%get3A, %get3A_0] : memref<1000x128xf32, #tpu.memory_space<vmem>>, vector<1000x128xf32>
    %get3A_2 = arith.constant 0 : index
    %get3A_3 = arith.constant 0 : index
    %get3A_4 = vector.load %arg2[%get3A_2, %get3A_3] : memref<128x128xf32, #tpu.memory_space<vmem>>, vector<128x128xf32>
    %dot_general3A = arith.constant dense<0.000000e+00> : vector<1000x128xf32>
    %dot_general3A_5 = tpu.matmul %get3A_1, %get3A_4, %dot_general3A {dimension_numbers = #tpu.dot_dimension_numbers<[1], [0], [0], [1], [0, 0, 1, 1], [], []>, transpose_lhs_hint = false} : vector<1000x128xf32>, vector<128x128xf32>, vector<1000x128xf32> -> vector<1000x128xf32>
    %swap3A = arith.constant 0 : index
    %swap3A_6 = arith.constant 0 : index
    %swap3A_7 = vector.load %arg3[%swap3A, %swap3A_6] : memref<1000x128xf32, #tpu.memory_space<vmem>>, vector<1000x128xf32>
    tpu.vector_store %arg3[%swap3A, %swap3A_6], %dot_general3A_5 {strides = array<i32>} : memref<1000x128xf32, #tpu.memory_space<vmem>>, vector<1000x128xf32>,
    return
  }
  func.func @transform_0(%arg0: i32) -> (i32, i32) {
    %c0_i32 = arith.constant 0 : i32
    %c0_i32_0 = arith.constant 0 : i32
    return %arg0, %c0_i32 : i32, i32
  }
  func.func @transform_1(%arg0: i32) -> (i32, i32) {
    %c0_i32 = arith.constant 0 : i32
    %c0_i32_0 = arith.constant 0 : i32
    %c0_i32_1 = arith.constant 0 : i32
    return %c0_i32, %c0_i32_0 : i32, i32
  }
  func.func @transform_2(%arg0: i32) -> (i32, i32) {
    %c0_i32 = arith.constant 0 : i32
    %c0_i32_0 = arith.constant 0 : i32
    return %arg0, %c0_i32 : i32, i32
  }
}

module attributes {stable_mosaic.version = 14 : i64} {
  func.func @_tc1_body(%arg0: i32, %arg1: memref<1000x1xf32, #tpu.memory_space<vmem>>, %arg2: memref<1000x1xf32, #tpu.memory_space<vmem>>, %arg3: memref<1000x128xf32, #tpu.memory_space<vmem>>, %arg4: memref<1000x128xf32, #tpu.memory_space<vmem>>, %arg5: memref<1000x1xf32, #tpu.memory_space<vmem>>) attributes {dimension_semantics = [#tpu.dimension_semantics<arbitrary>], iteration_bounds = array<i64: 10>, scalar_prefetch = 0 : i64, scratch_operands = 0 : i64, tpu.core_type = #tpu.core_type<tc>, window_params = [{transform_indices = @transform_0, window_bounds = array<i64: 1000, 1>}, {transform_indices = @transform_1, window_bounds = array<i64: 1000, 1>}, {transform_indices = @transform_2, window_bounds = array<i64: 1000, 128>}, {transform_indices = @transform_3, window_bounds = array<i64: 1000, 128>}, {transform_indices = @transform_4, window_bounds = array<i64: 1000, 1>}]} {
    %get3A = arith.constant 0 : index
    %get3A_0 = arith.constant 0 : index
    %get3A_1 = vector.load %arg1[%get3A, %get3A_0] : memref<1000x1xf32, #tpu.memory_space<vmem>>, vector<1000x1xf32>
    %get3A_2 = arith.constant 0 : index
    %get3A_3 = arith.constant 0 : index
    %get3A_4 = vector.load %arg2[%get3A_2, %get3A_3] : memref<1000x1xf32, #tpu.memory_space<vmem>>, vector<1000x1xf32>
    %add3A = arith.addf %get3A_1, %get3A_4 : vector<1000x1xf32>
    %add3A_5 = arith.constant 1.000000e+00 : f32
    %add3A_6 = vector.broadcast %add3A_5 : f32 to vector<1000x1xf32>
    %add3A_7 = arith.addf %add3A, %add3A_6 : vector<1000x1xf32>
    %rsqrt3A = math.rsqrt %add3A_7 : vector<1000x1xf32>
    %get3A_8 = arith.constant 0 : index
    %get3A_9 = arith.constant 0 : index
    %get3A_10 = vector.load %arg3[%get3A_8, %get3A_9] : memref<1000x128xf32, #tpu.memory_space<vmem>>, vector<1000x128xf32>
    %mul3A = vector.broadcast %rsqrt3A : vector<1000x1xf32> to vector<1000x128xf32>
    %mul3A_11 = arith.mulf %get3A_10, %mul3A : vector<1000x128xf32>
    %swap3A = arith.constant 0 : index
    %swap3A_12 = arith.constant 0 : index
    %swap3A_13 = vector.load %arg4[%swap3A, %swap3A_12] : memref<1000x128xf32, #tpu.memory_space<vmem>>, vector<1000x128xf32>
    tpu.vector_store %arg4[%swap3A, %swap3A_12], %mul3A_11 {strides = array<i32>} : memref<1000x128xf32, #tpu.memory_space<vmem>>, vector<1000x128xf32>,
    %swap3A_14 = arith.constant 0 : index
    %swap3A_15 = arith.constant 0 : index
    %swap3A_16 = vector.load %arg5[%swap3A_14, %swap3A_15] : memref<1000x1xf32, #tpu.memory_space<vmem>>, vector<1000x1xf32>
    tpu.vector_store %arg5[%swap3A_14, %swap3A_15], %rsqrt3A {strides = array<i32>} : memref<1000x1xf32, #tpu.memory_space<vmem>>, vector<1000x1xf32>,
    return
  }
  func.func @transform_0(%arg0: i32) -> (i32, i32) {
    %c0_i32 = arith.constant 0 : i32
    %c0_i32_0 = arith.constant 0 : i32
    return %arg0, %c0_i32 : i32, i32
  }
  func.func @transform_1(%arg0: i32) -> (i32, i32) {
    %c0_i32 = arith.constant 0 : i32
    %c0_i32_0 = arith.constant 0 : i32
    return %arg0, %c0_i32 : i32, i32
  }
  func.func @transform_2(%arg0: i32) -> (i32, i32) {
    %c0_i32 = arith.constant 0 : i32
    %c0_i32_0 = arith.constant 0 : i32
    return %arg0, %c0_i32 : i32, i32
  }
  func.func @transform_3(%arg0: i32) -> (i32, i32) {
    %c0_i32 = arith.constant 0 : i32
    %c0_i32_0 = arith.constant 0 : i32
    return %arg0, %c0_i32 : i32, i32
  }
  func.func @transform_4(%arg0: i32) -> (i32, i32) {
    %c0_i32 = arith.constant 0 : i32
    %c0_i32_0 = arith.constant 0 : i32
    return %arg0, %c0_i32 : i32, i32
  }
}

module attributes {stable_mosaic.version = 14 : i64} {
  func.func @_tc2_body(%arg0: i32, %arg1: memref<2x1000x128xf32, #tpu.memory_space<vmem>>, %arg2: memref<1000x128xf32, #tpu.memory_space<vmem>>, %arg3: memref<1000x1xf32, #tpu.memory_space<vmem>>, %arg4: memref<1x128xf32, #tpu.memory_space<vmem>>, %arg5: memref<128x128xf32, #tpu.memory_space<vmem>>, %arg6: memref<1000x128xf32, #tpu.memory_space<vmem>>) attributes {dimension_semantics = [#tpu.dimension_semantics<arbitrary>], iteration_bounds = array<i64: 10>, scalar_prefetch = 0 : i64, scratch_operands = 0 : i64, tpu.core_type = #tpu.core_type<tc>, window_params = [{transform_indices = @transform_0, window_bounds = array<i64: 2, 1000, 128>}, {transform_indices = @transform_1, window_bounds = array<i64: 1000, 128>}, {transform_indices = @transform_2, window_bounds = array<i64: 1000, 1>}, {pipeline_mode = #tpu.pipeline_mode<synchronous>, transform_indices = @transform_3, window_bounds = array<i64: 1, 128>}, {pipeline_mode = #tpu.pipeline_mode<synchronous>, transform_indices = @transform_4, window_bounds = array<i64: 128, 128>}, {transform_indices = @transform_5, window_bounds = array<i64: 1000, 128>}]} {
    %get3A = arith.constant 0 : index
    %get3A_0 = arith.constant 0 : index
    %get3A_1 = arith.constant 0 : index
    %get3A_2 = vector.load %arg1[%get3A, %get3A_0, %get3A_1] : memref<2x1000x128xf32, #tpu.memory_space<vmem>>, vector<2x1000x128xf32>
    %slice3A = vector.extract_strided_slice %get3A_2 {offsets = [0, 0, 0], sizes = [1, 1000, 128], strides = [1, 1, 1]} : vector<2x1000x128xf32> to vector<1x1000x128xf32>
    %squeeze3A = vector.shape_cast %slice3A : vector<1x1000x128xf32> to vector<1000x128xf32>
    %slice3A_3 = vector.extract_strided_slice %get3A_2 {offsets = [1, 0, 0], sizes = [1, 1000, 128], strides = [1, 1, 1]} : vector<2x1000x128xf32> to vector<1x1000x128xf32>
    %squeeze3A_4 = vector.shape_cast %slice3A_3 : vector<1x1000x128xf32> to vector<1000x128xf32>
    %add3A = arith.addf %squeeze3A, %squeeze3A_4 : vector<1000x128xf32>
    %get3A_5 = arith.constant 0 : index
    %get3A_6 = arith.constant 0 : index
    %get3A_7 = vector.load %arg2[%get3A_5, %get3A_6] : memref<1000x128xf32, #tpu.memory_space<vmem>>, vector<1000x128xf32>
    %add3A_8 = arith.addf %add3A, %get3A_7 : vector<1000x128xf32>
    %get3A_9 = arith.constant 0 : index
    %get3A_10 = arith.constant 0 : index
    %get3A_11 = vector.load %arg3[%get3A_9, %get3A_10] : memref<1000x1xf32, #tpu.memory_space<vmem>>, vector<1000x1xf32>
    %mul3A = vector.broadcast %get3A_11 : vector<1000x1xf32> to vector<1000x128xf32>
    %mul3A_12 = arith.mulf %add3A_8, %mul3A : vector<1000x128xf32>
    %get3A_13 = arith.constant 0 : index
    %get3A_14 = arith.constant 0 : index
    %get3A_15 = vector.load %arg4[%get3A_13, %get3A_14] : memref<1x128xf32, #tpu.memory_space<vmem>>, vector<1x128xf32>
    %add3A_16 = vector.broadcast %get3A_15 : vector<1x128xf32> to vector<1000x128xf32>
    %add3A_17 = arith.addf %mul3A_12, %add3A_16 : vector<1000x128xf32>
    %max3A = arith.constant 0.000000e+00 : f32
    %max3A_18 = vector.broadcast %max3A : f32 to vector<1000x128xf32>
    %max3A_19 = arith.maximumf %add3A_17, %max3A_18 : vector<1000x128xf32>
    %get3A_20 = arith.constant 0 : index
    %get3A_21 = arith.constant 0 : index
    %get3A_22 = vector.load %arg5[%get3A_20, %get3A_21] : memref<128x128xf32, #tpu.memory_space<vmem>>, vector<128x128xf32>
    %dot_general3A = arith.constant dense<0.000000e+00> : vector<1000x128xf32>
    %dot_general3A_23 = tpu.matmul %max3A_19, %get3A_22, %dot_general3A {dimension_numbers = #tpu.dot_dimension_numbers<[1], [0], [0], [1], [0, 0, 1, 1], [], []>, transpose_lhs_hint = false} : vector<1000x128xf32>, vector<128x128xf32>, vector<1000x128xf32> -> vector<1000x128xf32>
    %get3A_24 = arith.constant 0 : index
    %get3A_25 = arith.constant 0 : index
    %get3A_26 = vector.load %arg3[%get3A_24, %get3A_25] : memref<1000x1xf32, #tpu.memory_space<vmem>>, vector<1000x1xf32>
    %mul3A_27 = vector.broadcast %get3A_26 : vector<1000x1xf32> to vector<1000x128xf32>
    %mul3A_28 = arith.mulf %dot_general3A_23, %mul3A_27 : vector<1000x128xf32>
    %swap3A = arith.constant 0 : index
    %swap3A_29 = arith.constant 0 : index
    %swap3A_30 = vector.load %arg6[%swap3A, %swap3A_29] : memref<1000x128xf32, #tpu.memory_space<vmem>>, vector<1000x128xf32>
    tpu.vector_store %arg6[%swap3A, %swap3A_29], %mul3A_28 {strides = array<i32>} : memref<1000x128xf32, #tpu.memory_space<vmem>>, vector<1000x128xf32>,
    return
  }
  func.func @transform_0(%arg0: i32) -> (i32, i32, i32) {
    %c0_i32 = arith.constant 0 : i32
    %c0_i32_0 = arith.constant 0 : i32
    %c0_i32_1 = arith.constant 0 : i32
    return %c0_i32, %arg0, %c0_i32_0 : i32, i32, i32
  }
  func.func @transform_1(%arg0: i32) -> (i32, i32) {
    %c0_i32 = arith.constant 0 : i32
    %c0_i32_0 = arith.constant 0 : i32
    return %arg0, %c0_i32 : i32, i32
  }
  func.func @transform_2(%arg0: i32) -> (i32, i32) {
    %c0_i32 = arith.constant 0 : i32
    %c0_i32_0 = arith.constant 0 : i32
    return %arg0, %c0_i32 : i32, i32
  }
  func.func @transform_3(%arg0: i32) -> (i32, i32) {
    %c0_i32 = arith.constant 0 : i32
    %c0_i32_0 = arith.constant 0 : i32
    %c0_i32_1 = arith.constant 0 : i32
    return %c0_i32, %c0_i32_0 : i32, i32
  }
  func.func @transform_4(%arg0: i32) -> (i32, i32) {
    %c0_i32 = arith.constant 0 : i32
    %c0_i32_0 = arith.constant 0 : i32
    %c0_i32_1 = arith.constant 0 : i32
    return %c0_i32, %c0_i32_0 : i32, i32
  }
  func.func @transform_5(%arg0: i32) -> (i32, i32) {
    %c0_i32 = arith.constant 0 : i32
    %c0_i32_0 = arith.constant 0 : i32
    return %arg0, %c0_i32 : i32, i32
  }
}

module attributes {stable_mosaic.version = 14 : i64} {
  func.func @_tc3_body(%arg0: i32, %arg1: memref<2x1000x128xf32, #tpu.memory_space<vmem>>, %arg2: memref<1000x128xf32, #tpu.memory_space<vmem>>, %arg3: memref<1000x1xf32, #tpu.memory_space<vmem>>, %arg4: memref<1x128xf32, #tpu.memory_space<vmem>>, %arg5: memref<128x10xf32, #tpu.memory_space<vmem>>, %arg6: memref<1x10xf32, #tpu.memory_space<vmem>>, %arg7: memref<1000x10xf32, #tpu.memory_space<vmem>>) attributes {dimension_semantics = [#tpu.dimension_semantics<arbitrary>], iteration_bounds = array<i64: 10>, scalar_prefetch = 0 : i64, scratch_operands = 0 : i64, tpu.core_type = #tpu.core_type<tc>, window_params = [{transform_indices = @transform_0, window_bounds = array<i64: 2, 1000, 128>}, {transform_indices = @transform_1, window_bounds = array<i64: 1000, 128>}, {transform_indices = @transform_2, window_bounds = array<i64: 1000, 1>}, {pipeline_mode = #tpu.pipeline_mode<synchronous>, transform_indices = @transform_3, window_bounds = array<i64: 1, 128>}, {pipeline_mode = #tpu.pipeline_mode<synchronous>, transform_indices = @transform_4, window_bounds = array<i64: 128, 10>}, {pipeline_mode = #tpu.pipeline_mode<synchronous>, transform_indices = @transform_5, window_bounds = array<i64: 1, 10>}, {transform_indices = @transform_6, window_bounds = array<i64: 1000, 10>}]} {
    %get3A = arith.constant 0 : index
    %get3A_0 = arith.constant 0 : index
    %get3A_1 = arith.constant 0 : index
    %get3A_2 = vector.load %arg1[%get3A, %get3A_0, %get3A_1] : memref<2x1000x128xf32, #tpu.memory_space<vmem>>, vector<2x1000x128xf32>
    %slice3A = vector.extract_strided_slice %get3A_2 {offsets = [0, 0, 0], sizes = [1, 1000, 128], strides = [1, 1, 1]} : vector<2x1000x128xf32> to vector<1x1000x128xf32>
    %squeeze3A = vector.shape_cast %slice3A : vector<1x1000x128xf32> to vector<1000x128xf32>
    %slice3A_3 = vector.extract_strided_slice %get3A_2 {offsets = [1, 0, 0], sizes = [1, 1000, 128], strides = [1, 1, 1]} : vector<2x1000x128xf32> to vector<1x1000x128xf32>
    %squeeze3A_4 = vector.shape_cast %slice3A_3 : vector<1x1000x128xf32> to vector<1000x128xf32>
    %add3A = arith.addf %squeeze3A, %squeeze3A_4 : vector<1000x128xf32>
    %get3A_5 = arith.constant 0 : index
    %get3A_6 = arith.constant 0 : index
    %get3A_7 = vector.load %arg2[%get3A_5, %get3A_6] : memref<1000x128xf32, #tpu.memory_space<vmem>>, vector<1000x128xf32>
    %add3A_8 = arith.addf %add3A, %get3A_7 : vector<1000x128xf32>
    %get3A_9 = arith.constant 0 : index
    %get3A_10 = arith.constant 0 : index
    %get3A_11 = vector.load %arg3[%get3A_9, %get3A_10] : memref<1000x1xf32, #tpu.memory_space<vmem>>, vector<1000x1xf32>
    %mul3A = vector.broadcast %get3A_11 : vector<1000x1xf32> to vector<1000x128xf32>
    %mul3A_12 = arith.mulf %add3A_8, %mul3A : vector<1000x128xf32>
    %get3A_13 = arith.constant 0 : index
    %get3A_14 = arith.constant 0 : index
    %get3A_15 = vector.load %arg4[%get3A_13, %get3A_14] : memref<1x128xf32, #tpu.memory_space<vmem>>, vector<1x128xf32>
    %add3A_16 = vector.broadcast %get3A_15 : vector<1x128xf32> to vector<1000x128xf32>
    %add3A_17 = arith.addf %mul3A_12, %add3A_16 : vector<1000x128xf32>
    %max3A = arith.constant 0.000000e+00 : f32
    %max3A_18 = vector.broadcast %max3A : f32 to vector<1000x128xf32>
    %max3A_19 = arith.maximumf %add3A_17, %max3A_18 : vector<1000x128xf32>
    %get3A_20 = arith.constant 0 : index
    %get3A_21 = arith.constant 0 : index
    %get3A_22 = vector.load %arg5[%get3A_20, %get3A_21] : memref<128x10xf32, #tpu.memory_space<vmem>>, vector<128x10xf32>
    %dot_general3A = arith.constant dense<0.000000e+00> : vector<1000x10xf32>
    %dot_general3A_23 = tpu.matmul %max3A_19, %get3A_22, %dot_general3A {dimension_numbers = #tpu.dot_dimension_numbers<[1], [0], [0], [1], [0, 0, 1, 1], [], []>, transpose_lhs_hint = false} : vector<1000x128xf32>, vector<128x10xf32>, vector<1000x10xf32> -> vector<1000x10xf32>
    %get3A_24 = arith.constant 0 : index
    %get3A_25 = arith.constant 0 : index
    %get3A_26 = vector.load %arg6[%get3A_24, %get3A_25] : memref<1x10xf32, #tpu.memory_space<vmem>>, vector<1x10xf32>
    %add3A_27 = vector.broadcast %get3A_26 : vector<1x10xf32> to vector<1000x10xf32>
    %add3A_28 = arith.addf %dot_general3A_23, %add3A_27 : vector<1000x10xf32>
    %swap3A = arith.constant 0 : index
    %swap3A_29 = arith.constant 0 : index
    %swap3A_30 = vector.load %arg7[%swap3A, %swap3A_29] : memref<1000x10xf32, #tpu.memory_space<vmem>>, vector<1000x10xf32>
    tpu.vector_store %arg7[%swap3A, %swap3A_29], %add3A_28 {strides = array<i32>} : memref<1000x10xf32, #tpu.memory_space<vmem>>, vector<1000x10xf32>,
    return
  }
  func.func @transform_0(%arg0: i32) -> (i32, i32, i32) {
    %c0_i32 = arith.constant 0 : i32
    %c0_i32_0 = arith.constant 0 : i32
    %c0_i32_1 = arith.constant 0 : i32
    return %c0_i32, %arg0, %c0_i32_0 : i32, i32, i32
  }
  func.func @transform_1(%arg0: i32) -> (i32, i32) {
    %c0_i32 = arith.constant 0 : i32
    %c0_i32_0 = arith.constant 0 : i32
    return %arg0, %c0_i32 : i32, i32
  }
  func.func @transform_2(%arg0: i32) -> (i32, i32) {
    %c0_i32 = arith.constant 0 : i32
    %c0_i32_0 = arith.constant 0 : i32
    return %arg0, %c0_i32 : i32, i32
  }
  func.func @transform_3(%arg0: i32) -> (i32, i32) {
    %c0_i32 = arith.constant 0 : i32
    %c0_i32_0 = arith.constant 0 : i32
    %c0_i32_1 = arith.constant 0 : i32
    return %c0_i32, %c0_i32_0 : i32, i32
  }
  func.func @transform_4(%arg0: i32) -> (i32, i32) {
    %c0_i32 = arith.constant 0 : i32
    %c0_i32_0 = arith.constant 0 : i32
    %c0_i32_1 = arith.constant 0 : i32
    return %c0_i32, %c0_i32_0 : i32, i32
  }
  func.func @transform_5(%arg0: i32) -> (i32, i32) {
    %c0_i32 = arith.constant 0 : i32
    %c0_i32_0 = arith.constant 0 : i32
    %c0_i32_1 = arith.constant 0 : i32
    return %c0_i32, %c0_i32_0 : i32, i32
  }
  func.func @transform_6(%arg0: i32) -> (i32, i32) {
    %c0_i32 = arith.constant 0 : i32
    %c0_i32_0 = arith.constant 0 : i32
    return %arg0, %c0_i32 : i32, i32
  }
}

</mosaic_0001>

<sc_bundles>
// kernel: kernel.12.cloned.1.call-start
scs
__scs_entry_jumppad:
0x0: {  	(pc) =	sbr.rel $0x88, $3  }
0x1: {  	(tag) =	ssettag $0x0;
	lr =	simm.s32 $0x1  }
0x2: {  	[smem:$0x3F99] =	sst lr;
	_ =	strace $0xD0000000  }
0x3: {  	_ = 	snop  }
0x4: {  	_ = 	snop  }
0x5: {  	_ = 	snop  }
0x6: {  	_ = 	snop  }
0x7: {  	_ = 	snop  }
__scs_overlays_trampoline_lowered:
0x8: {  	[smem:$0x3FA8] =	sst s0  }
0x9: {  	[smem:$0x3FA9] =	sst s1  }
0xa: {  	[smem:$0x3FAA] =	sst s2  }
0xb: {  	[smem:$0x3FAB] =	sst s3  }
0xc: {  	[smem:$0x3FAC] =	sst s4  }
0xd: {  	[smem:$0x3FAD] =	sst s5  }
0xe: {  	[smem:$0x3FAE] =	sst s6  }
0xf: {  	[smem:$0x3FAF] =	sst s7  }
0x10: {  	[smem:$0x3FB0] =	sst s8  }
0x11: {  	[smem:$0x3FB1] =	sst s9;
	s0 =	simm.s32 @!p0 $0x0  }
0x12: {  	s1 =	sld [smem:$0x3F97];
	s0 =	simm.s32 @p0 $0x1  }
0x13: {  	[smem:$0x3FB2] =	sst s0;
	s0 =	simm.s32 @!p1 $0x0  }
0x14: {  	s2 =	sld [smem:$0x3F96];
	s0 =	simm.s32 @p1 $0x1  }
0x15: {  	[smem:$0x3FB3] =	sst s0;
	s0 =	simm.s32 @!p2 $0x0  }
0x16: {  	s3 =	sld [smem:$0x3FDB];
	s0 =	simm.s32 @p2 $0x1  }
0x17: {  	s4 =	simm.s32 $0x1BF5;
	[smem:$0x3FB5] =	sst s0  }
0x18: {  	s0 =	sld [smem:$0x3F98];
	_ =	swait.ge [sflag:s4], $0x0  }
0x19: {  	s7 =	sld [smem:$0x3F99]  }
0x1a: {  	s8 =	sadd.s32 $0xFFFFE003, lr  }
0x1b: {  	s9 =	sadd.s32 $0xFFFFFEF7, lr;
	s5 =	simm.s32 $0xFFFFFFFF;
	p2 =	slt.u32 s8, $0xFFFFF086  }
0x1c: {  	p1 =	slt.u32 s9, $0xF7A;
	s5 =	simm.s32 @!p2 $0x0  }
0x1d: {  	s5 =	simm.s32 @p1 $0x1;
	p0 =	seq.s32 s7, s2  }
0x1e: {  	s7 =	smul.u32 @!p0 $0xF7A, s2;
	p2 =	seq.s32 @!p0 s5, $0x0  }
0x1f: {  	s9 =	smul.u32 $0xF7A, s1;
	s8 =	simm.s32 @!p0 $0x1BF5;
	p2 =	por !p2, p0  }
0x20: {  	[sflag:s8] =	ssyncset.s32 @!p0 $0xFFFFF086;
	s6 =	sadd.s32 @!p0 s3, s7;
	s7 =	simm.s32 @!p0 $0x108  }
0x21: {  	s3 =	sadd.s32 s3, s9;
	s6 =	sadd.s32 @!p0 $0x88, s6;
	s7 =	simm.s32 @p2 $0x1082  }
0x22: {  	[simem:s7], [sflag:s8] =	dma.local @!p0 [hbm:s6], $0xF7A  }
0x23: {  	s9 =	sor.u32 $0xD0000000, s2;
	s6 =	simm.s32 $0x108;
	_ =	swait.ge @!p0 [sflag:s8], $0x0  }
0x24: {  	s3 =	sadd.s32 $0x88, s3;
	s6 =	simm.s32 @!p1 $0x1082;
	[sflag:s4] =	ssyncset.s32 $0xFFFFF086  }
0x25: {  	[simem:s6], [sflag:s4] =	dma.local [hbm:s3], $0xF7A  }
0x26: {  	[smem:$0x3F99] =	sst s1;
	(tag) =	ssettag s2;
	_ =	strace s9  }
0x27: {  	s1 =	sld [smem:$0x3FA9]  }
0x28: {  	s2 =	sld [smem:$0x3FAA]  }
0x29: {  	s4 =	sld [smem:$0x3FAC]  }
0x2a: {  	p0 =	seq.s32 s5, $0x0;
	s5 =	sld [smem:$0x3FAD]  }
0x2b: {  	s6 =	sld [smem:$0x3FAE]  }
0x2c: {  	s7 =	sld [smem:$0x3FAF]  }
0x2d: {  	s3 =	simm.s32 $0x108;
	s8 =	sld [smem:$0x3FB0]  }
0x2e: {  	s3 =	simm.s32 @!p0 $0x1082;
	s9 =	sld [smem:$0x3FB1]  }
0x2f: {  	lr =	sadd.s32 s0, s3;
	s0 =	sld [smem:$0x3FA8]  }
0x30: {  	s3 =	sld [smem:$0x3FAB]  }
0x31: {  	[smem:$0x3FB4] =	sst s10  }
0x32: {  	s10 =	sld [smem:$0x3FB2];
	_ =	sdelay $0x3  }
0x33: {  	p0 =	seq.s32 s10, $0x1;
	s10 =	sld [smem:$0x3FB4];
	_ =	sdelay $0x3  }
0x34: {  	[smem:$0x3FB4] =	sst s10  }
0x35: {  	s10 =	sld [smem:$0x3FB3];
	_ =	sdelay $0x3  }
0x36: {  	p1 =	seq.s32 s10, $0x1;
	s10 =	sld [smem:$0x3FB4];
	_ =	sdelay $0x3  }
0x37: {  	[smem:$0x3FB4] =	sst s10  }
0x38: {  	s10 =	sld [smem:$0x3FB5]  }
0x39: {  	_ = 	snop;
	(pc) =	sbr.ind lr, $3  }
0x3a: {  	_ = 	snop  }
0x3b: {  	_ = 	snop  }
0x3c: {  	p2 =	seq.s32 s10, $0x1;
	s10 =	sld [smem:$0x3FB4]  }
0x3d: {  	_ =	shalt  }
0x3e: {  	_ =	shalt  }
0x3f: {  	_ =	shalt  }
0x40: {  	_ =	shalt  }
0x41: {  	_ =	shalt  }
0x42: {  	_ =	shalt  }
0x43: {  	_ =	shalt  }
0x44: {  	_ =	shalt  }
0x45: {  	_ =	shalt  }
0x46: {  	_ =	shalt  }
0x47: {  	_ =	shalt  }
0x48: {  	_ =	shalt  }
0x49: {  	_ =	shalt  }
0x4a: {  	_ =	shalt  }
0x4b: {  	_ =	shalt  }
0x4c: {  	_ =	shalt  }
0x4d: {  	_ =	shalt  }
0x4e: {  	_ =	shalt  }
0x4f: {  	_ =	shalt  }
0x50: {  	_ =	shalt  }
0x51: {  	_ =	shalt  }
0x52: {  	_ =	shalt  }
0x53: {  	_ =	shalt  }
0x54: {  	_ =	shalt  }
0x55: {  	_ =	shalt  }
0x56: {  	_ =	shalt  }
0x57: {  	_ =	shalt  }
0x58: {  	_ =	shalt  }
0x59: {  	_ =	shalt  }
0x5a: {  	_ =	shalt  }
0x5b: {  	_ =	shalt  }
0x5c: {  	_ =	shalt  }
0x5d: {  	_ =	shalt  }
0x5e: {  	_ =	shalt  }
0x5f: {  	_ =	shalt  }
0x60: {  	_ =	shalt  }
0x61: {  	_ =	shalt  }
0x62: {  	_ =	shalt  }
0x63: {  	_ =	shalt  }
0x64: {  	_ =	shalt  }
0x65: {  	_ =	shalt  }
0x66: {  	_ =	shalt  }
0x67: {  	_ =	shalt  }
0x68: {  	_ =	shalt  }
0x69: {  	_ =	shalt  }
0x6a: {  	_ =	shalt  }
0x6b: {  	_ =	shalt  }
0x6c: {  	_ =	shalt  }
0x6d: {  	_ =	shalt  }
0x6e: {  	_ =	shalt  }
0x6f: {  	_ =	shalt  }
0x70: {  	_ =	shalt  }
0x71: {  	_ =	shalt  }
0x72: {  	_ =	shalt  }
0x73: {  	_ =	shalt  }
0x74: {  	_ =	shalt  }
0x75: {  	_ =	shalt  }
0x76: {  	_ =	shalt  }
0x77: {  	_ =	shalt  }
0x78: {  	_ =	shalt  }
0x79: {  	_ =	shalt  }
0x7a: {  	_ =	shalt  }
0x7b: {  	_ =	shalt  }
0x7c: {  	_ =	shalt  }
0x7d: {  	_ =	shalt  }
0x7e: {  	_ =	shalt  }
0x7f: {  	_ =	shalt  }
0x80: {  	_ =	shalt  }
0x81: {  	_ =	shalt  }
0x82: {  	_ =	shalt  }
0x83: {  	_ =	shalt  }
0x84: {  	_ =	shalt  }
0x85: {  	_ =	shalt  }
0x86: {  	_ =	shalt  }
0x87: {  	_ =	shalt  }
.Lfunc_end0:
.L_simem_size_0:
called_computation.1_lowered:
.L_overlay_start_0:
0x88: {  	s2 =	sld [smem:$0x3FD9]  }
0x89: {  	s3 =	sld [smem:$0x3FFE];
	_ =	sdelay $0x1  }
0x8a: {  	s1 =	srdreg.scid  }
0x8b: {  	s0 =	sand.u32 $0x1, s1  }
0x8c: {  	s17 =	sshll.u32 s0, $0xA;
	s2 =	sadd.s32 s3, s2  }
0x8d: {  	s2 =	sadd.s32 s2, s17  }
0x8e: {  	[smem:$0x3FC0] =	sst s2  }
0x8f: {  	_ = 	snop  }
0x90: {  	s2 =	sld [smem:$0x3FC8];
	(tm) =	ssettm $0x1  }
0x91: {  	s18 =	sld [smem:$0x3FFB];
	_ =	sdelay $0x3  }
0x92: {  	_ =	strace s18  }
0x93: {  	s3 =	sld [smem:$0x3FFC];
	_ =	sdelay $0x3  }
0x94: {  	_ =	strace s3  }
0x95: {  	s3 =	sld [smem:$0x3FFD];
	_ =	sdelay $0x3  }
0x96: {  	_ =	strace s3  }
0x97: {  	_ =	strace $0x8FFFFFFF  }
0x98: {  	s19 =	sld [smem:$0x3FDB];
	_ =	sdelay $0x1  }
0x99: {  	s4 =	simm.s32 $_scs_section_size  }
0x9a: {  	s5 =	simm.s32 $_size__tile_overlayer_lowered;
	s6 =	simm.s32 $_tile_overlayer_lowered  }
0x9b: {  	s22 =	simm.s32 $0x1BFF;
	s21 =	sshll.u32 s6, $0x1;
	s3 =	sadd.s32 s4, s19  }
0x9c: {  	s7 =	simm.s32 $0x0;
	s20 =	sshll.u32 s5, $0x1;
	s5 =	sadd.s32 s21, s3  }
0x9d: {  	[timem:s7], [sflag:s22] =	dma.local [hbm:s5], s20  }
0x9e: {  	_ =	swait.ge [sflag:s22], s20  }
0x9f: {  	s4 =	ssub.s32 $0x0, s20;
	[sflag:s22] =	ssyncset.done $0x0  }
0xa0: {  	[sflag:s22] =	ssyncadd.s32 s4;
	_ =	sdelay $0x1  }
0xa1: {  	s23 =	simm.s32 $0x1B8B  }
0xa2: {  	_ =	swait.ge [sflag:s23], $0x1  }
0xa3: {  	[sflag:s23] =	ssyncset.done $0x0  }
0xa4: {  	s25 =	simm.s32 $0x1B8E;
	s24 =	sld [smem:$0x3FFE];
	[sflag:s23] =	ssyncadd.s32 $0xFFFFFFFF  }
0xa5: {  	s26 =	simm.s32 $execute0_lowered;
	[smem:$0x3FD2] =	sst s25  }
0xa6: {  	s5 =	sshll.u32 s26, $0x1;
	_ =	strace $0x80000049;
	[dreg:$0x1] =	wrdreg $0xFFFFFFFF  }
0xa7: {  	s28 =	simm.s32 $_size_execute0_lowered;
	s3 =	sadd.s32 s3, s5;
	[dreg:$0x0] =	wrdreg $0x0  }
0xa8: {  	s5 =	sshll.u32 s28, $0x1;
	[dreg:$0x2] =	wrdreg s3  }
0xa9: {  	[dreg:$0x3] =	wrdreg s5  }
0xaa: {  	[dreg:$0x4] =	wrdreg $0xC0  }
0xab: {  	_ =	task [dreg:s7], $0x5FFFF  }
0xac: {  	[dreg:$0x1] =	wrdreg $0xFFFFFFFF  }
0xad: {  	[dreg:$0x0] =	wrdreg $0x60  }
0xae: {  	[dreg:$0x2] =	wrdreg s24  }
0xaf: {  	[dreg:$0x3] =	wrdreg s2  }
0xb0: {  	[dreg:$0x4] =	wrdreg $0x0  }
0xb1: {  	[dreg:$0x5] =	wrdreg $0x9  }
0xb2: {  	_ =	task.clear_ibuf [dreg:s7], $0x6FFFF;
	_ =	strace $0x90000049  }
0xb3: {  	s29 =	simm.s32 $0x9;
	_ =	strace $0x8000004B  }
0xb4: {  	_ =	swait.ge [sflag:s29], $0x1  }
0xb5: {  	[sflag:s29] =	ssyncadd.s32 $0xFFFFFFFF  }
0xb6: {  	_ =	strace $0x9000004B  }
0xb7: {  	_ =	sfence  }
0xb8: {  	s30 =	sld [smem:$0x0];
	_ =	sdelay $0x2  }
0xb9: {  	s31 =	sshll.u32 s1, $0xD;
	s1 =	sshrl.u32 s1, $0x2  }
0xba: {  	s3 =	sand.u32 $0x4000, s31;
	s1 =	sadd.s32 s1, s30  }
0xbb: {  	s0 =	sor.u32 s3, s0;
	s1 =	sshll.u32 s1, $0x11  }
0xbc: {  	s0 =	sor.u32 s1, s0  }
0xbd: {  	s0 =	sadd.s32 $0x8F2B, s0  }
0xbe: {  	[sflag:s0] =	ssyncadd.remote.s32 $0x1  }
0xbf: {  	_ =	sfence.sel $0xFFFF  }
0xc0: {  	[dreg:$0x0] =	wrdreg $0xFFFFFFFF;
	(pc) =	sbr.abs _section_cstart, $3  }
0xc1: {  	[dreg:$0x1] =	wrdreg $0xFFFFFFFF  }
0xc2: {  	_ =	task.clear_ibuf [dreg:s7], $0x2FFFF;
	_ =	strace $0x9FFFFFFF  }
0xc3: {  	(tm) =	ssettm $0x7FFFFFFF  }
tec
execute0_lowered:
.L_overlay_start_1:
0x0: {  	(tag) =	ssettag $0x1  }
0x1: {  	s1 =	rddreg [dreg:$0x0]  }
0x2: {  	s0 =	srdreg.scid;
	s14 =	rddreg [dreg:$0x1]  }
0x3: {  	s21 =	stileid.u32;
	s2 =	rddreg [dreg:$0x2];
	s22 =	simm.s32 $0x3  }
0x4: {  	s24 =	simm.s32 $0x80;
	s25 =	simm.s32 $0x100;
	s28 =	simm.s32 $0x14080  }
0x5: {  	s29 =	simm.s32 $0x1B500;
	s30 =	simm.s32 $0x1;
	s31 =	simm.s32 $0x2  }
0x6: {  	s0 =	sand.u32 $0x1, s0;
	s6 =	smul.u32 $0x50000, s21;
	s4 =	sadd.s32 $0xD000, s1  }
0x7: {  	s15 =	smul.u32 $0x14000, s21;
	s3 =	sshll.u32 s0, $0x4;
	s26 =	ssub.s32 $0x2, s0  }
0x8: {  	s0 =	smul.u32 $0x140000, s0;
	s23 =	sor.u32 s21, s3;
	s3 =	simm.s32 $0x0  }
0x9: {  	s7 =	sshrl.u32 s26, $0x1;
	s6 =	sshrl.u32 s6, $0x2;
	s16 =	sadd.s32 $0x4000, s15  }
0xa: {  	s17 =	sadd.s32 $0x8000, s15;
	s18 =	sadd.s32 $0xC000, s15;
	s19 =	sadd.s32 $0x10000, s15  }
0xb: {  	s21 =	sshll.u32 s21, $0x5;
	s5 =	smul.u32 $0x500, s23;
	[smem:$0x7FF] =	sst s3  }
0xc: {  	s20 =	ssub.s32 s26, s7;
	s11 =	smul.u32 $0x4E00, s23;
	s7 =	sadd.s32 s17, s2  }
0xd: {  	s8 =	sadd.s32 s18, s2;
	s9 =	sadd.s32 s19, s2;
	s12 =	smul.u32 $0x9C0, s23  }
0xe: {  	s15 =	sadd.s32 s15, s0;
	s17 =	sadd.s32 s0, s17;
	s18 =	sadd.s32 s0, s18  }
0xf: {  	p0 =	sgt.u32 s23, $0x3;
	s26 =	simm.s32 $0x14000;
	_ =	strace $0x8000004A  }
0x10: {  	s15 =	sshrl.u32 s15, $0x3;
	s17 =	sshrl.u32 s17, $0x3;
	s18 =	sshrl.u32 s18, $0x3  }
0x11: {  	s20 =	smax.u32 s20, $0x1;
	s10 =	sadd.s32 s5, s1;
	s1 =	sadd.s32 $0x5B400, s1  }
0x12: {  	s5 =	sadd.s32 s6, s2;
	s6 =	sadd.s32 s16, s2;
	s11 =	sshrl.u32 s11, $0x3  }
0x13: {  	s16 =	sadd.s32 s0, s16;
	s0 =	sadd.s32 s0, s19;
	s10 =	sadd.s32 $0x3000, s10  }
0x14: {  	s13 =	sadd.s32 s14, s11;
	s11 =	sadd.s32 s14, s12;
	s14 =	sadd.s32 s21, s14  }
0x15: {  	s16 =	sshrl.u32 s16, $0x3;
	s15 =	sadd.s32 s1, s15;
	s0 =	sshrl.u32 s0, $0x3  }
0x16: {  	s17 =	sadd.s32 s1, s17;
	s18 =	sadd.s32 s1, s18;
	s21 =	simm.s32 $0x17500  }
0x17: {  	[dreg:$0x4] =	wrdreg s10;
	s12 =	sadd.s32 $0x340, s13;
	s13 =	sadd.s32 $0x680, s13  }
0x18: {  	v0 =	vimm.f32 $0.0e+00;
	s14 =	sadd.s32 $0x13800, s14;
	s16 =	sadd.s32 s1, s16;
	s19 =	sadd.s32 s1, s0  }
.LBB2_1:
0x19: {  	s1 =	simm.s32 $0x0;
	s23 =	simm.s32 $0x200  }
.LBB2_2:
0x1a: {  	p1 =	sne.s32 s23, $0xFE00;
	[tilespmem:s1+$0x17570] =	vst v0  }
0x1b: {  	[tilespmem:s1+$0x17500] =	vst v0  }
0x1c: {  	[tilespmem:s1+$0x17510] =	vst v0  }
.Ltmp0:
0x1d: {  	[tilespmem:s1+$0x17520] =	vst v0;
	(pc) =	sbr.rel @p1 .LBB2_2-.Ltmp0, $4  }
0x1e: {  	[tilespmem:s1+$0x17530] =	vst v0  }
0x1f: {  	[tilespmem:s1+$0x17540] =	vst v0  }
0x20: {  	[tilespmem:s1+$0x17550] =	vst v0  }
0x21: {  	[tilespmem:s1+$0x17560] =	vst v0;
	s1 =	sshra.s32 s23, $0x2;
	s23 =	sadd.s32 $0x200, s23  }
0x22: {  	[tilespmem:s1+$0x17570] =	vst v0  }
0x23: {  	[tilespmem:s1+$0x17500] =	vst v0  }
0x24: {  	[tilespmem:s1+$0x17510] =	vst v0  }
0x25: {  	[tilespmem:s1+$0x17520] =	vst v0  }
0x26: {  	[tilespmem:s1+$0x17530] =	vst v0  }
0x27: {  	[tilespmem:s1+$0x17540] =	vst v0  }
0x28: {  	[tilespmem:s1+$0x17550] =	vst v0  }
0x29: {  	[tilespmem:s1+$0x17560] =	vst v0  }
0x2a: {  	[spmem:s5] =	stream.linear.scatter [tilespmem:s21], [sflag:$0x3], $0x4000, $0x38;
	[tilespmem:$0x1F500] =	vst v63  }
0x2b: {  	_ =	swait.ge [sflag:s22], $0x4000  }
0x2c: {  	[sflag:s22] =	ssyncset.done $0x0  }
0x2d: {  	[sflag:s22] =	ssyncadd.s32 $0xFFFFC000  }
0x2e: {  	[spmem:s6] =	stream.linear.scatter [tilespmem:s21], [sflag:$0x3], $0x4000, $0x38;
	[tilespmem:$0x1F500] =	vst v63  }
0x2f: {  	_ =	swait.ge [sflag:s22], $0x4000  }
0x30: {  	[sflag:s22] =	ssyncset.done $0x0  }
0x31: {  	[sflag:s22] =	ssyncadd.s32 $0xFFFFC000  }
0x32: {  	[spmem:s7] =	stream.linear.scatter [tilespmem:s21], [sflag:$0x3], $0x4000, $0x38;
	[tilespmem:$0x1F500] =	vst v63  }
0x33: {  	_ =	swait.ge [sflag:s22], $0x4000  }
0x34: {  	[sflag:s22] =	ssyncset.done $0x0  }
0x35: {  	[sflag:s22] =	ssyncadd.s32 $0xFFFFC000  }
0x36: {  	[spmem:s8] =	stream.linear.scatter [tilespmem:s21], [sflag:$0x3], $0x4000, $0x38;
	[tilespmem:$0x1F500] =	vst v63  }
0x37: {  	_ =	swait.ge [sflag:s22], $0x4000  }
0x38: {  	[sflag:s22] =	ssyncset.done $0x0  }
0x39: {  	[sflag:s22] =	ssyncadd.s32 $0xFFFFC000  }
0x3a: {  	[spmem:s9] =	stream.linear.scatter [tilespmem:s21], [sflag:$0x3], $0x4000, $0x38;
	[tilespmem:$0x1F500] =	vst v63  }
0x3b: {  	_ =	swait.ge [sflag:s22], $0x4000  }
0x3c: {  	s23 =	simm.s32 $0x0;
	[sflag:s22] =	ssyncset.done $0x0  }
0x3d: {  	s10 =	simm.s32 $0x14D00;
	s0 =	rddreg [dreg:$0x4];
	[sflag:s22] =	ssyncadd.s32 $0xFFFFC000  }
0x3e: {  	[tilespmem:s10], [sflag:$0x3] =	stream.linear.gather [hbm4b:s0+s23], $0x2800, $0x38;
	[tilespmem:$0x1F500] =	vst v63  }
0x3f: {  	_ =	swait.ge [sflag:s22], $0x2800  }
0x40: {  	[sflag:s22] =	ssyncset.done $0x0  }
0x41: {  	[sflag:s22] =	ssyncadd.s32 $0xFFFFD800  }
0x42: {  	[bflag:$0x0] =	sbarrier.arrive $0xFFFF  }
0x43: {  	[tilespmem:s26], [sflag:$0x3] =	stream.strided.gather [hbm4b:s11+s24], $0xD00, s25, s24, $0x38;
	[tilespmem:$0x1F500] =	vst v63  }
0x44: {  	_ =	swait.ge [sflag:s22], $0xD00  }
0x45: {  	[sflag:s22] =	ssyncset.done $0x0  }
0x46: {  	[sflag:s22] =	ssyncadd.s32 $0xFFFFF300  }
0x47: {  	[tilespmem:s21], [sflag:$0x1] =	stream.indirect.gather [hbm4b:s4+s24], $0x80, s26, s24, $0xb8;
	[tilespmem:$0x1F500] =	vst v63  }
0x48: {  	_ = 	snop  }
0x49: {  	[tilespmem:s29], [sflag:$0x2] =	stream.indirect.gather [hbm4b:s4+s24], $0x80, s28, s24, $0xb8;
	[tilespmem:$0x1F500] =	vst v63  }
0x4a: {  	_ =	swait.ge [sflag:s30], $0x4000  }
0x4b: {  	[sflag:s30] =	ssyncset.done $0x0  }
0x4c: {  	s0 =	simm.s32 $0x14D00;
	[sflag:s30] =	ssyncadd.s32 $0xFFFFC000  }
0x4d: {  	[spmem:s2] =	stream.indirect.scatter.add.f32 [tilespmem:s21], [sflag:$0x3], $0x80, s0, s24, $0xb8;
	[tilespmem:$0x1F500] =	vst v63  }
0x4e: {  	_ =	swait.ge [sflag:s22], $0x4000  }
0x4f: {  	[sflag:s22] =	ssyncset.done $0x0  }
0x50: {  	s10 =	simm.s32 $0x14100;
	[sflag:s22] =	ssyncadd.s32 $0xFFFFC000  }
0x51: {  	[tilespmem:s21], [sflag:$0x1] =	stream.indirect.gather [hbm4b:s4+s24], $0x80, s10, s24, $0xb8;
	[tilespmem:$0x1F500] =	vst v63  }
0x52: {  	_ =	swait.ge [sflag:s31], $0x4000  }
0x53: {  	[sflag:s31] =	ssyncset.done $0x0  }
0x54: {  	s23 =	simm.s32 $0x14D80;
	[sflag:s31] =	ssyncadd.s32 $0xFFFFC000  }
0x55: {  	[spmem:s2] =	stream.indirect.scatter.add.f32 [tilespmem:s29], [sflag:$0x3], $0x80, s23, s24, $0xb8;
	[tilespmem:$0x1F500] =	vst v63  }
0x56: {  	_ =	swait.ge [sflag:s22], $0x4000  }
0x57: {  	[sflag:s22] =	ssyncset.done $0x0  }
0x58: {  	s1 =	simm.s32 $0x400;
	s23 =	simm.s32 $0x14180;
	[sflag:s22] =	ssyncadd.s32 $0xFFFFC000  }
.LBB2_4:
0x59: {  	[tilespmem:s29], [sflag:$0x2] =	stream.indirect.gather [hbm4b:s4+s24], $0x80, s23, s24, $0xb8;
	[tilespmem:$0x1F500] =	vst v63  }
0x5a: {  	s23 =	smov.u32 s1  }
0x5b: {  	p1 =	sne.s32 s1, $0x2C00;
	s1 =	sadd.s32 $0x400, s1;
	_ =	swait.ge [sflag:s30], $0x4000  }
0x5c: {  	s23 =	sshra.s32 s23, $0x2;
	[sflag:s30] =	ssyncset.done $0x0  }
0x5d: {  	s0 =	sadd.s32 $0x14D00, s23;
	[sflag:s30] =	ssyncadd.s32 $0xFFFFC000  }
0x5e: {  	[spmem:s2] =	stream.indirect.scatter.add.f32 [tilespmem:s21], [sflag:$0x3], $0x80, s0, s24, $0xb8;
	[tilespmem:$0x1F500] =	vst v63  }
0x5f: {  	_ =	swait.ge [sflag:s22], $0x4000  }
0x60: {  	[sflag:s22] =	ssyncset.done $0x0  }
0x61: {  	s0 =	sadd.s32 $0x14100, s23;
	[sflag:s22] =	ssyncadd.s32 $0xFFFFC000  }
0x62: {  	[tilespmem:s21], [sflag:$0x1] =	stream.indirect.gather [hbm4b:s4+s24], $0x80, s0, s24, $0xb8;
	[tilespmem:$0x1F500] =	vst v63  }
0x63: {  	_ =	swait.ge [sflag:s31], $0x4000  }
0x64: {  	[sflag:s31] =	ssyncset.done $0x0  }
.Ltmp1:
0x65: {  	s0 =	sadd.s32 $0x14D80, s23;
	[sflag:s31] =	ssyncadd.s32 $0xFFFFC000;
	(pc) =	sbr.rel @p1 .LBB2_4-.Ltmp1, $4  }
0x66: {  	[spmem:s2] =	stream.indirect.scatter.add.f32 [tilespmem:s29], [sflag:$0x3], $0x80, s0, s24, $0xb8;
	[tilespmem:$0x1F500] =	vst v63  }
0x67: {  	_ =	swait.ge [sflag:s22], $0x4000  }
0x68: {  	[sflag:s22] =	ssyncset.done $0x0  }
0x69: {  	s23 =	sadd.s32 $0x14180, s23;
	[sflag:s22] =	ssyncadd.s32 $0xFFFFC000  }
0x6a: {  	[tilespmem:s29], [sflag:$0x2] =	stream.indirect.gather [hbm4b:s4+s24], $0x80, s23, s24, $0xb8;
	[tilespmem:$0x1F500] =	vst v63  }
0x6b: {  	_ =	swait.ge [sflag:s30], $0x4000  }
0x6c: {  	[sflag:s30] =	ssyncset.done $0x0  }
0x6d: {  	s0 =	simm.s32 $0x15900;
	[sflag:s30] =	ssyncadd.s32 $0xFFFFC000  }
0x6e: {  	[spmem:s2] =	stream.indirect.scatter.add.f32 [tilespmem:s21], [sflag:$0x3], $0x80, s0, s24, $0xb8;
	[tilespmem:$0x1F500] =	vst v63  }
0x6f: {  	_ =	swait.ge [sflag:s22], $0x4000  }
0x70: {  	[sflag:s22] =	ssyncset.done $0x0  }
0x71: {  	[sflag:s22] =	ssyncadd.s32 $0xFFFFC000  }
0x72: {  	_ =	swait.ge [sflag:s31], $0x4000  }
0x73: {  	[sflag:s31] =	ssyncset.done $0x0  }
0x74: {  	s23 =	simm.s32 $0x15980;
	[sflag:s31] =	ssyncadd.s32 $0xFFFFC000  }
0x75: {  	[spmem:s2] =	stream.indirect.scatter.add.f32 [tilespmem:s29], [sflag:$0x3], $0x80, s23, s24, $0xb8;
	[tilespmem:$0x1F500] =	vst v63  }
0x76: {  	_ =	swait.ge [sflag:s22], $0x4000  }
0x77: {  	[sflag:s22] =	ssyncset.done $0x0  }
0x78: {  	[sflag:s22] =	ssyncadd.s32 $0xFFFFC000  }
0x79: {  	[tilespmem:s26], [sflag:$0x3] =	stream.strided.gather [hbm4b:s12+s24], $0xD00, s25, s24, $0x38;
	[tilespmem:$0x1F500] =	vst v63  }
0x7a: {  	_ =	swait.ge [sflag:s22], $0xD00  }
0x7b: {  	[sflag:s22] =	ssyncset.done $0x0  }
0x7c: {  	[sflag:s22] =	ssyncadd.s32 $0xFFFFF300  }
0x7d: {  	[tilespmem:s21], [sflag:$0x1] =	stream.indirect.gather [hbm4b:s4+s24], $0x80, s26, s24, $0xb8;
	[tilespmem:$0x1F500] =	vst v63  }
0x7e: {  	_ = 	snop  }
0x7f: {  	[tilespmem:s29], [sflag:$0x2] =	stream.indirect.gather [hbm4b:s4+s24], $0x80, s28, s24, $0xb8;
	[tilespmem:$0x1F500] =	vst v63  }
0x80: {  	_ =	swait.ge [sflag:s30], $0x4000  }
0x81: {  	[sflag:s30] =	ssyncset.done $0x0  }
0x82: {  	s1 =	simm.s32 $0x15A00;
	[sflag:s30] =	ssyncadd.s32 $0xFFFFC000  }
0x83: {  	[spmem:s2] =	stream.indirect.scatter.add.f32 [tilespmem:s21], [sflag:$0x3], $0x80, s1, s24, $0xb8;
	[tilespmem:$0x1F500] =	vst v63  }
0x84: {  	_ =	swait.ge [sflag:s22], $0x4000  }
0x85: {  	[sflag:s22] =	ssyncset.done $0x0  }
0x86: {  	s10 =	simm.s32 $0x14100;
	[sflag:s22] =	ssyncadd.s32 $0xFFFFC000  }
0x87: {  	[tilespmem:s21], [sflag:$0x1] =	stream.indirect.gather [hbm4b:s4+s24], $0x80, s10, s24, $0xb8;
	[tilespmem:$0x1F500] =	vst v63  }
0x88: {  	_ =	swait.ge [sflag:s31], $0x4000  }
0x89: {  	[sflag:s31] =	ssyncset.done $0x0  }
0x8a: {  	s23 =	simm.s32 $0x15A80;
	[sflag:s31] =	ssyncadd.s32 $0xFFFFC000  }
0x8b: {  	[spmem:s2] =	stream.indirect.scatter.add.f32 [tilespmem:s29], [sflag:$0x3], $0x80, s23, s24, $0xb8;
	[tilespmem:$0x1F500] =	vst v63  }
0x8c: {  	_ =	swait.ge [sflag:s22], $0x4000  }
0x8d: {  	[sflag:s22] =	ssyncset.done $0x0  }
0x8e: {  	s1 =	simm.s32 $0xFFFFD400;
	s23 =	simm.s32 $0x14180;
	[sflag:s22] =	ssyncadd.s32 $0xFFFFC000  }
.LBB2_6:
0x8f: {  	[tilespmem:s29], [sflag:$0x2] =	stream.indirect.gather [hbm4b:s4+s24], $0x80, s23, s24, $0xb8;
	[tilespmem:$0x1F500] =	vst v63  }
0x90: {  	s0 =	smov.u32 s1  }
0x91: {  	p1 =	sne.s32 s1, $0xFFFFFC00;
	s1 =	sadd.s32 $0x400, s1;
	_ =	swait.ge [sflag:s30], $0x4000  }
0x92: {  	s0 =	sshra.s32 s0, $0x2;
	[sflag:s30] =	ssyncset.done $0x0  }
0x93: {  	s23 =	sadd.s32 $0x16600, s0;
	[sflag:s30] =	ssyncadd.s32 $0xFFFFC000  }
0x94: {  	[spmem:s2] =	stream.indirect.scatter.add.f32 [tilespmem:s21], [sflag:$0x3], $0x80, s23, s24, $0xb8;
	[tilespmem:$0x1F500] =	vst v63  }
0x95: {  	_ =	swait.ge [sflag:s22], $0x4000  }
0x96: {  	[sflag:s22] =	ssyncset.done $0x0  }
0x97: {  	s23 =	sadd.s32 $0x14D00, s0;
	[sflag:s22] =	ssyncadd.s32 $0xFFFFC000  }
0x98: {  	[tilespmem:s21], [sflag:$0x1] =	stream.indirect.gather [hbm4b:s4+s24], $0x80, s23, s24, $0xb8;
	[tilespmem:$0x1F500] =	vst v63  }
0x99: {  	_ =	swait.ge [sflag:s31], $0x4000  }
0x9a: {  	[sflag:s31] =	ssyncset.done $0x0  }
.Ltmp2:
0x9b: {  	s23 =	sadd.s32 $0x16680, s0;
	[sflag:s31] =	ssyncadd.s32 $0xFFFFC000;
	(pc) =	sbr.rel @p1 .LBB2_6-.Ltmp2, $4  }
0x9c: {  	[spmem:s2] =	stream.indirect.scatter.add.f32 [tilespmem:s29], [sflag:$0x3], $0x80, s23, s24, $0xb8;
	[tilespmem:$0x1F500] =	vst v63  }
0x9d: {  	_ =	swait.ge [sflag:s22], $0x4000  }
0x9e: {  	[sflag:s22] =	ssyncset.done $0x0  }
0x9f: {  	s23 =	sadd.s32 $0x14D80, s0;
	[sflag:s22] =	ssyncadd.s32 $0xFFFFC000  }
0xa0: {  	[tilespmem:s29], [sflag:$0x2] =	stream.indirect.gather [hbm4b:s4+s24], $0x80, s23, s24, $0xb8;
	[tilespmem:$0x1F500] =	vst v63  }
0xa1: {  	_ =	swait.ge [sflag:s30], $0x4000  }
0xa2: {  	[sflag:s30] =	ssyncset.done $0x0  }
0xa3: {  	s0 =	simm.s32 $0x16600;
	[sflag:s30] =	ssyncadd.s32 $0xFFFFC000  }
0xa4: {  	[spmem:s2] =	stream.indirect.scatter.add.f32 [tilespmem:s21], [sflag:$0x3], $0x80, s0, s24, $0xb8;
	[tilespmem:$0x1F500] =	vst v63  }
0xa5: {  	_ =	swait.ge [sflag:s22], $0x4000  }
0xa6: {  	[sflag:s22] =	ssyncset.done $0x0  }
0xa7: {  	[sflag:s22] =	ssyncadd.s32 $0xFFFFC000  }
0xa8: {  	_ =	swait.ge [sflag:s31], $0x4000  }
0xa9: {  	[sflag:s31] =	ssyncset.done $0x0  }
0xaa: {  	s23 =	simm.s32 $0x16680;
	[sflag:s31] =	ssyncadd.s32 $0xFFFFC000  }
0xab: {  	[spmem:s2] =	stream.indirect.scatter.add.f32 [tilespmem:s29], [sflag:$0x3], $0x80, s23, s24, $0xb8;
	[tilespmem:$0x1F500] =	vst v63  }
0xac: {  	_ =	swait.ge [sflag:s22], $0x4000  }
0xad: {  	[sflag:s22] =	ssyncset.done $0x0  }
0xae: {  	[sflag:s22] =	ssyncadd.s32 $0xFFFFC000  }
0xaf: {  	[tilespmem:s26], [sflag:$0x3] =	stream.strided.gather [hbm4b:s13+s24], $0xD00, s25, s24, $0x38;
	[tilespmem:$0x1F500] =	vst v63  }
0xb0: {  	_ =	swait.ge [sflag:s22], $0xD00  }
0xb1: {  	[sflag:s22] =	ssyncset.done $0x0  }
0xb2: {  	[sflag:s22] =	ssyncadd.s32 $0xFFFFF300  }
0xb3: {  	[tilespmem:s21], [sflag:$0x1] =	stream.indirect.gather [hbm4b:s4+s24], $0x80, s26, s24, $0xb8;
	[tilespmem:$0x1F500] =	vst v63  }
0xb4: {  	_ = 	snop  }
0xb5: {  	[tilespmem:s29], [sflag:$0x2] =	stream.indirect.gather [hbm4b:s4+s24], $0x80, s28, s24, $0xb8;
	[tilespmem:$0x1F500] =	vst v63  }
0xb6: {  	_ =	swait.ge [sflag:s30], $0x4000  }
0xb7: {  	[sflag:s30] =	ssyncset.done $0x0  }
0xb8: {  	s1 =	simm.s32 $0x16700;
	[sflag:s30] =	ssyncadd.s32 $0xFFFFC000  }
0xb9: {  	[spmem:s2] =	stream.indirect.scatter.add.f32 [tilespmem:s21], [sflag:$0x3], $0x80, s1, s24, $0xb8;
	[tilespmem:$0x1F500] =	vst v63  }
0xba: {  	_ =	swait.ge [sflag:s22], $0x4000  }
0xbb: {  	[sflag:s22] =	ssyncset.done $0x0  }
0xbc: {  	s10 =	simm.s32 $0x14100;
	[sflag:s22] =	ssyncadd.s32 $0xFFFFC000  }
0xbd: {  	[tilespmem:s21], [sflag:$0x1] =	stream.indirect.gather [hbm4b:s4+s24], $0x80, s10, s24, $0xb8;
	[tilespmem:$0x1F500] =	vst v63  }
0xbe: {  	_ =	swait.ge [sflag:s31], $0x4000  }
0xbf: {  	[sflag:s31] =	ssyncset.done $0x0  }
0xc0: {  	s23 =	simm.s32 $0x16780;
	[sflag:s31] =	ssyncadd.s32 $0xFFFFC000  }
0xc1: {  	[spmem:s2] =	stream.indirect.scatter.add.f32 [tilespmem:s29], [sflag:$0x3], $0x80, s23, s24, $0xb8;
	[tilespmem:$0x1F500] =	vst v63  }
0xc2: {  	_ =	swait.ge [sflag:s22], $0x4000  }
0xc3: {  	[sflag:s22] =	ssyncset.done $0x0  }
0xc4: {  	s1 =	simm.s32 $0xFFFFD400;
	s23 =	simm.s32 $0x14180;
	[sflag:s22] =	ssyncadd.s32 $0xFFFFC000  }
.LBB2_8:
0xc5: {  	[tilespmem:s29], [sflag:$0x2] =	stream.indirect.gather [hbm4b:s4+s24], $0x80, s23, s24, $0xb8;
	[tilespmem:$0x1F500] =	vst v63  }
0xc6: {  	s0 =	smov.u32 s1  }
0xc7: {  	p1 =	sne.s32 s1, $0xFFFFFC00;
	s1 =	sadd.s32 $0x400, s1;
	_ =	swait.ge [sflag:s30], $0x4000  }
0xc8: {  	s0 =	sshra.s32 s0, $0x2;
	[sflag:s30] =	ssyncset.done $0x0  }
0xc9: {  	s23 =	sadd.s32 $0x17300, s0;
	[sflag:s30] =	ssyncadd.s32 $0xFFFFC000  }
0xca: {  	[spmem:s2] =	stream.indirect.scatter.add.f32 [tilespmem:s21], [sflag:$0x3], $0x80, s23, s24, $0xb8;
	[tilespmem:$0x1F500] =	vst v63  }
0xcb: {  	_ =	swait.ge [sflag:s22], $0x4000  }
0xcc: {  	[sflag:s22] =	ssyncset.done $0x0  }
0xcd: {  	s23 =	sadd.s32 $0x14D00, s0;
	[sflag:s22] =	ssyncadd.s32 $0xFFFFC000  }
0xce: {  	[tilespmem:s21], [sflag:$0x1] =	stream.indirect.gather [hbm4b:s4+s24], $0x80, s23, s24, $0xb8;
	[tilespmem:$0x1F500] =	vst v63  }
0xcf: {  	_ =	swait.ge [sflag:s31], $0x4000  }
0xd0: {  	[sflag:s31] =	ssyncset.done $0x0  }
.Ltmp3:
0xd1: {  	s23 =	sadd.s32 $0x17380, s0;
	[sflag:s31] =	ssyncadd.s32 $0xFFFFC000;
	(pc) =	sbr.rel @p1 .LBB2_8-.Ltmp3, $4  }
0xd2: {  	[spmem:s2] =	stream.indirect.scatter.add.f32 [tilespmem:s29], [sflag:$0x3], $0x80, s23, s24, $0xb8;
	[tilespmem:$0x1F500] =	vst v63  }
0xd3: {  	_ =	swait.ge [sflag:s22], $0x4000  }
0xd4: {  	[sflag:s22] =	ssyncset.done $0x0  }
0xd5: {  	s23 =	sadd.s32 $0x14D80, s0;
	[sflag:s22] =	ssyncadd.s32 $0xFFFFC000  }
0xd6: {  	[tilespmem:s29], [sflag:$0x2] =	stream.indirect.gather [hbm4b:s4+s24], $0x80, s23, s24, $0xb8;
	[tilespmem:$0x1F500] =	vst v63  }
0xd7: {  	_ =	swait.ge [sflag:s30], $0x4000  }
0xd8: {  	[sflag:s30] =	ssyncset.done $0x0  }
0xd9: {  	s0 =	simm.s32 $0x17300;
	[sflag:s30] =	ssyncadd.s32 $0xFFFFC000  }
0xda: {  	[spmem:s2] =	stream.indirect.scatter.add.f32 [tilespmem:s21], [sflag:$0x3], $0x80, s0, s24, $0xb8;
	[tilespmem:$0x1F500] =	vst v63  }
0xdb: {  	_ =	swait.ge [sflag:s22], $0x4000  }
0xdc: {  	[sflag:s22] =	ssyncset.done $0x0  }
0xdd: {  	[sflag:s22] =	ssyncadd.s32 $0xFFFFC000  }
0xde: {  	_ =	swait.ge [sflag:s31], $0x4000  }
0xdf: {  	[sflag:s31] =	ssyncset.done $0x0  }
0xe0: {  	s1 =	simm.s32 $0x17380;
	[sflag:s31] =	ssyncadd.s32 $0xFFFFC000  }
0xe1: {  	[spmem:s2] =	stream.indirect.scatter.add.f32 [tilespmem:s29], [sflag:$0x3], $0x80, s1, s24, $0xb8;
	[tilespmem:$0x1F500] =	vst v63  }
0xe2: {  	_ =	swait.ge [sflag:s22], $0x4000  }
0xe3: {  	[sflag:s22] =	ssyncset.done $0x0  }
0xe4: {  	s0 =	simm.s32 @!p0 $0x0;
	s1 =	simm.s32 @!p0 $0x14000;
	[sflag:s22] =	ssyncadd.s32 $0xFFFFC000  }
0xe5: {  	[tilespmem:s1], [sflag:$0x3] =	stream.linear.gather @!p0 [hbm4b:s14+s0], $0x80, $0x38;
	[tilespmem:$0x1F500] =	vst v63  }
0xe6: {  	s0 =	simm.s32 @!p0 $0x3  }
0xe7: {  	_ =	swait.ge @!p0 [sflag:s0], $0x80  }
0xe8: {  	[sflag:s0] =	ssyncset.done @!p0 $0x0  }
0xe9: {  	s23 =	simm.s32 @!p0 $0x80;
	s10 =	simm.s32 @!p0 $0x17500;
	[sflag:s0] =	ssyncadd.s32 @!p0 $0xFFFFFF80  }
0xea: {  	[tilespmem:s10], [sflag:$0x1] =	stream.indirect.gather @!p0 [hbm4b:s4+s23], $0x80, s1, s23, $0xb8;
	[tilespmem:$0x1F500] =	vst v63  }
0xeb: {  	s1 =	simm.s32 @!p0 $0x1  }
0xec: {  	_ =	swait.ge @!p0 [sflag:s1], $0x4000  }
0xed: {  	[sflag:s1] =	ssyncset.done @!p0 $0x0  }
0xee: {  	[sflag:s1] =	ssyncadd.s32 @!p0 $0xFFFFC000;
	s1 =	simm.s32 @!p0 $0x17400  }
0xef: {  	[spmem:s2] =	stream.indirect.scatter.add.f32 @!p0 [tilespmem:s10], [sflag:$0x3], $0x80, s1, s23, $0xb8;
	[tilespmem:$0x1F500] =	vst v63  }
0xf0: {  	_ =	swait.ge @!p0 [sflag:s0], $0x4000  }
0xf1: {  	s10 =	stileid.u32;
	[sflag:s0] =	ssyncset.done @!p0 $0x0  }
0xf2: {  	[sflag:s0] =	ssyncadd.s32 @!p0 $0xFFFFC000;
	s0 =	sshll.u32 s10, $0x6  }
0xf3: {  	s23 =	sshrl.u32 s5, $0x3;
	[bflag:$0x0] =	sbarrier.arrive $0xFFFF;
	s0 =	sor.u32 $0x1C01, s0  }
0xf4: {  	[hbm:s15], [sflag:s0] =	dma.local [spmem:s23], $0x800  }
0xf5: {  	s10 =	sshrl.u32 s6, $0x3;
	s23 =	sshrl.u32 s7, $0x3  }
0xf6: {  	[hbm:s16], [sflag:s0] =	dma.local [spmem:s10], $0x800  }
0xf7: {  	[hbm:s17], [sflag:s0] =	dma.local [spmem:s23], $0x800  }
0xf8: {  	s10 =	sshrl.u32 s8, $0x3;
	s23 =	sshrl.u32 s9, $0x3  }
0xf9: {  	[hbm:s18], [sflag:s0] =	dma.local [spmem:s10], $0x800  }
0xfa: {  	[hbm:s19], [sflag:s0] =	dma.local [spmem:s23], $0x800  }
0xfb: {  	_ =	swait.ge [sflag:s30], $0x800  }
0xfc: {  	[sflag:s30] =	ssyncset.done $0x0  }
0xfd: {  	[sflag:s30] =	ssyncadd.s32 $0xFFFFF800  }
0xfe: {  	_ =	swait.ge [sflag:s30], $0x800  }
0xff: {  	[sflag:s30] =	ssyncset.done $0x0  }
0x100: {  	[sflag:s30] =	ssyncadd.s32 $0xFFFFF800  }
0x101: {  	_ =	swait.ge [sflag:s30], $0x800  }
0x102: {  	[sflag:s30] =	ssyncset.done $0x0  }
0x103: {  	s3 =	sadd.s32 $0x1, s3;
	[sflag:s30] =	ssyncadd.s32 $0xFFFFF800  }
0x104: {  	p1 =	sne.s32 s3, s20;
	_ =	swait.ge [sflag:s30], $0x800  }
.Ltmp4:
0x105: {  	[sflag:s30] =	ssyncset.done $0x0;
	(pc) =	sbr.rel @p1 .LBB2_1-.Ltmp4, $4  }
0x106: {  	[sflag:s30] =	ssyncadd.s32 $0xFFFFF800  }
0x107: {  	_ =	swait.ge [sflag:s30], $0x800  }
0x108: {  	[sflag:s30] =	ssyncset.done $0x0  }
0x109: {  	[sflag:s30] =	ssyncadd.s32 $0xFFFFF800  }
0x10a: {  	_ =	sfence.sel $0x180000  }
0x10b: {  	[bflag:$0x0] =	sbarrier.arrive $0xFFFF  }
0x10c: {  	_ =	strace $0x9000004A  }
0x10d: {  	s0 =	stileid.u32;
	[bflag:$0x2] =	sbarrier.arrive $0xFFFF  }
0x10e: {  	p0 =	sne.s32 s0, $0x0;
	s0 =	rddreg [dreg:$0x3]  }
0x10f: {  	s0 =	sadd.s32 @!p0 $0x100000, s0  }
0x110: {  	[sflag:s0] =	ssyncadd.tile.s32 @!p0 $0x1;
	_ =	shalt  }
.Lfunc_end2:
_tile_overlayer_lowered:
.L_overlay_start_2:
0x111: {  	(tag) =	ssettag $0x2  }
0x112: {  	s0 =	rddreg [dreg:$0x0];
	s2 =	stileid.u32  }
0x113: {  	s1 =	rddreg [dreg:$0x1];
	p0 =	sne.s32 s2, $0x0  }
0x114: {  	s3 =	rddreg [dreg:$0x2];
	[bflag:$0x3] =	sbarrier.arrive $0xFFFF;
	s2 =	simm.s32 @!p0 $0x1C03  }
0x115: {  	[timem:s3], [sflag:s2] =	dma.local @!p0 [hbm:s0], s1  }
0x116: {  	s0 =	simm.s32 @!p0 $0x3  }
0x117: {  	_ =	swait.ge @!p0 [sflag:s0], s1  }
0x118: {  	s1 =	ssub.s32 @!p0 $0x0, s1;
	[sflag:s0] =	ssyncset.done @!p0 $0x0  }
0x119: {  	[sflag:s0] =	ssyncadd.s32 @!p0 s1  }
0x11a: {  	[bflag:$0x3] =	sbarrier.arrive $0xFFFF  }
0x11b: {  	_ =	shalt  }

// kernel: kernel.15.cloned.1.call-start
scs
__scs_entry_jumppad:
0x0: {  	(pc) =	sbr.rel $0x88, $3  }
0x1: {  	(tag) =	ssettag $0x0;
	lr =	simm.s32 $0x1  }
0x2: {  	[smem:$0x3F99] =	sst lr;
	_ =	strace $0xD0000000  }
0x3: {  	_ = 	snop  }
0x4: {  	_ = 	snop  }
0x5: {  	_ = 	snop  }
0x6: {  	_ = 	snop  }
0x7: {  	_ = 	snop  }
__scs_overlays_trampoline_lowered:
0x8: {  	[smem:$0x3FA8] =	sst s0  }
0x9: {  	[smem:$0x3FA9] =	sst s1  }
0xa: {  	[smem:$0x3FAA] =	sst s2  }
0xb: {  	[smem:$0x3FAB] =	sst s3  }
0xc: {  	[smem:$0x3FAC] =	sst s4  }
0xd: {  	[smem:$0x3FAD] =	sst s5  }
0xe: {  	[smem:$0x3FAE] =	sst s6  }
0xf: {  	[smem:$0x3FAF] =	sst s7  }
0x10: {  	[smem:$0x3FB0] =	sst s8  }
0x11: {  	[smem:$0x3FB1] =	sst s9;
	s0 =	simm.s32 @!p0 $0x0  }
0x12: {  	s1 =	sld [smem:$0x3F97];
	s0 =	simm.s32 @p0 $0x1  }
0x13: {  	[smem:$0x3FB2] =	sst s0;
	s0 =	simm.s32 @!p1 $0x0  }
0x14: {  	s2 =	sld [smem:$0x3F96];
	s0 =	simm.s32 @p1 $0x1  }
0x15: {  	[smem:$0x3FB3] =	sst s0;
	s0 =	simm.s32 @!p2 $0x0  }
0x16: {  	s3 =	sld [smem:$0x3FDB];
	s0 =	simm.s32 @p2 $0x1  }
0x17: {  	s4 =	simm.s32 $0x1BF5;
	[smem:$0x3FB5] =	sst s0  }
0x18: {  	s0 =	sld [smem:$0x3F98];
	_ =	swait.ge [sflag:s4], $0x0  }
0x19: {  	s7 =	sld [smem:$0x3F99]  }
0x1a: {  	s8 =	sadd.s32 $0xFFFFE003, lr  }
0x1b: {  	s9 =	sadd.s32 $0xFFFFFEF7, lr;
	s5 =	simm.s32 $0xFFFFFFFF;
	p2 =	slt.u32 s8, $0xFFFFF086  }
0x1c: {  	p1 =	slt.u32 s9, $0xF7A;
	s5 =	simm.s32 @!p2 $0x0  }
0x1d: {  	s5 =	simm.s32 @p1 $0x1;
	p0 =	seq.s32 s7, s2  }
0x1e: {  	s7 =	smul.u32 @!p0 $0xF7A, s2;
	p2 =	seq.s32 @!p0 s5, $0x0  }
0x1f: {  	s9 =	smul.u32 $0xF7A, s1;
	s8 =	simm.s32 @!p0 $0x1BF5;
	p2 =	por !p2, p0  }
0x20: {  	[sflag:s8] =	ssyncset.s32 @!p0 $0xFFFFF086;
	s6 =	sadd.s32 @!p0 s3, s7;
	s7 =	simm.s32 @!p0 $0x108  }
0x21: {  	s3 =	sadd.s32 s3, s9;
	s6 =	sadd.s32 @!p0 $0x88, s6;
	s7 =	simm.s32 @p2 $0x1082  }
0x22: {  	[simem:s7], [sflag:s8] =	dma.local @!p0 [hbm:s6], $0xF7A  }
0x23: {  	s9 =	sor.u32 $0xD0000000, s2;
	s6 =	simm.s32 $0x108;
	_ =	swait.ge @!p0 [sflag:s8], $0x0  }
0x24: {  	s3 =	sadd.s32 $0x88, s3;
	s6 =	simm.s32 @!p1 $0x1082;
	[sflag:s4] =	ssyncset.s32 $0xFFFFF086  }
0x25: {  	[simem:s6], [sflag:s4] =	dma.local [hbm:s3], $0xF7A  }
0x26: {  	[smem:$0x3F99] =	sst s1;
	(tag) =	ssettag s2;
	_ =	strace s9  }
0x27: {  	s1 =	sld [smem:$0x3FA9]  }
0x28: {  	s2 =	sld [smem:$0x3FAA]  }
0x29: {  	s4 =	sld [smem:$0x3FAC]  }
0x2a: {  	p0 =	seq.s32 s5, $0x0;
	s5 =	sld [smem:$0x3FAD]  }
0x2b: {  	s6 =	sld [smem:$0x3FAE]  }
0x2c: {  	s7 =	sld [smem:$0x3FAF]  }
0x2d: {  	s3 =	simm.s32 $0x108;
	s8 =	sld [smem:$0x3FB0]  }
0x2e: {  	s3 =	simm.s32 @!p0 $0x1082;
	s9 =	sld [smem:$0x3FB1]  }
0x2f: {  	lr =	sadd.s32 s0, s3;
	s0 =	sld [smem:$0x3FA8]  }
0x30: {  	s3 =	sld [smem:$0x3FAB]  }
0x31: {  	[smem:$0x3FB4] =	sst s10  }
0x32: {  	s10 =	sld [smem:$0x3FB2];
	_ =	sdelay $0x3  }
0x33: {  	p0 =	seq.s32 s10, $0x1;
	s10 =	sld [smem:$0x3FB4];
	_ =	sdelay $0x3  }
0x34: {  	[smem:$0x3FB4] =	sst s10  }
0x35: {  	s10 =	sld [smem:$0x3FB3];
	_ =	sdelay $0x3  }
0x36: {  	p1 =	seq.s32 s10, $0x1;
	s10 =	sld [smem:$0x3FB4];
	_ =	sdelay $0x3  }
0x37: {  	[smem:$0x3FB4] =	sst s10  }
0x38: {  	s10 =	sld [smem:$0x3FB5]  }
0x39: {  	_ = 	snop;
	(pc) =	sbr.ind lr, $3  }
0x3a: {  	_ = 	snop  }
0x3b: {  	_ = 	snop  }
0x3c: {  	p2 =	seq.s32 s10, $0x1;
	s10 =	sld [smem:$0x3FB4]  }
0x3d: {  	_ =	shalt  }
0x3e: {  	_ =	shalt  }
0x3f: {  	_ =	shalt  }
0x40: {  	_ =	shalt  }
0x41: {  	_ =	shalt  }
0x42: {  	_ =	shalt  }
0x43: {  	_ =	shalt  }
0x44: {  	_ =	shalt  }
0x45: {  	_ =	shalt  }
0x46: {  	_ =	shalt  }
0x47: {  	_ =	shalt  }
0x48: {  	_ =	shalt  }
0x49: {  	_ =	shalt  }
0x4a: {  	_ =	shalt  }
0x4b: {  	_ =	shalt  }
0x4c: {  	_ =	shalt  }
0x4d: {  	_ =	shalt  }
0x4e: {  	_ =	shalt  }
0x4f: {  	_ =	shalt  }
0x50: {  	_ =	shalt  }
0x51: {  	_ =	shalt  }
0x52: {  	_ =	shalt  }
0x53: {  	_ =	shalt  }
0x54: {  	_ =	shalt  }
0x55: {  	_ =	shalt  }
0x56: {  	_ =	shalt  }
0x57: {  	_ =	shalt  }
0x58: {  	_ =	shalt  }
0x59: {  	_ =	shalt  }
0x5a: {  	_ =	shalt  }
0x5b: {  	_ =	shalt  }
0x5c: {  	_ =	shalt  }
0x5d: {  	_ =	shalt  }
0x5e: {  	_ =	shalt  }
0x5f: {  	_ =	shalt  }
0x60: {  	_ =	shalt  }
0x61: {  	_ =	shalt  }
0x62: {  	_ =	shalt  }
0x63: {  	_ =	shalt  }
0x64: {  	_ =	shalt  }
0x65: {  	_ =	shalt  }
0x66: {  	_ =	shalt  }
0x67: {  	_ =	shalt  }
0x68: {  	_ =	shalt  }
0x69: {  	_ =	shalt  }
0x6a: {  	_ =	shalt  }
0x6b: {  	_ =	shalt  }
0x6c: {  	_ =	shalt  }
0x6d: {  	_ =	shalt  }
0x6e: {  	_ =	shalt  }
0x6f: {  	_ =	shalt  }
0x70: {  	_ =	shalt  }
0x71: {  	_ =	shalt  }
0x72: {  	_ =	shalt  }
0x73: {  	_ =	shalt  }
0x74: {  	_ =	shalt  }
0x75: {  	_ =	shalt  }
0x76: {  	_ =	shalt  }
0x77: {  	_ =	shalt  }
0x78: {  	_ =	shalt  }
0x79: {  	_ =	shalt  }
0x7a: {  	_ =	shalt  }
0x7b: {  	_ =	shalt  }
0x7c: {  	_ =	shalt  }
0x7d: {  	_ =	shalt  }
0x7e: {  	_ =	shalt  }
0x7f: {  	_ =	shalt  }
0x80: {  	_ =	shalt  }
0x81: {  	_ =	shalt  }
0x82: {  	_ =	shalt  }
0x83: {  	_ =	shalt  }
0x84: {  	_ =	shalt  }
0x85: {  	_ =	shalt  }
0x86: {  	_ =	shalt  }
0x87: {  	_ =	shalt  }
.Lfunc_end0:
.L_simem_size_0:
called_computation.2_lowered:
.L_overlay_start_0:
0x88: {  	s2 =	sld [smem:$0x3FD9]  }
0x89: {  	s3 =	sld [smem:$0x3FFE];
	_ =	sdelay $0x1  }
0x8a: {  	s1 =	srdreg.scid  }
0x8b: {  	s0 =	sand.u32 $0x1, s1  }
0x8c: {  	s17 =	sshll.u32 s0, $0xA;
	s2 =	sadd.s32 s3, s2  }
0x8d: {  	s2 =	sadd.s32 s2, s17  }
0x8e: {  	[smem:$0x3FC0] =	sst s2  }
0x8f: {  	_ = 	snop  }
0x90: {  	s2 =	sld [smem:$0x3FC8];
	(tm) =	ssettm $0x1  }
0x91: {  	s18 =	sld [smem:$0x3FFB];
	_ =	sdelay $0x3  }
0x92: {  	_ =	strace s18  }
0x93: {  	s3 =	sld [smem:$0x3FFC];
	_ =	sdelay $0x3  }
0x94: {  	_ =	strace s3  }
0x95: {  	s3 =	sld [smem:$0x3FFD];
	_ =	sdelay $0x3  }
0x96: {  	_ =	strace s3  }
0x97: {  	_ =	strace $0x8FFFFFFF  }
0x98: {  	s19 =	sld [smem:$0x3FDB];
	_ =	sdelay $0x1  }
0x99: {  	s4 =	simm.s32 $_scs_section_size  }
0x9a: {  	s5 =	simm.s32 $_size__tile_overlayer_lowered;
	s6 =	simm.s32 $_tile_overlayer_lowered  }
0x9b: {  	s22 =	simm.s32 $0x1BFF;
	s21 =	sshll.u32 s6, $0x1;
	s3 =	sadd.s32 s4, s19  }
0x9c: {  	s7 =	simm.s32 $0x0;
	s20 =	sshll.u32 s5, $0x1;
	s5 =	sadd.s32 s21, s3  }
0x9d: {  	[timem:s7], [sflag:s22] =	dma.local [hbm:s5], s20  }
0x9e: {  	_ =	swait.ge [sflag:s22], s20  }
0x9f: {  	s4 =	ssub.s32 $0x0, s20;
	[sflag:s22] =	ssyncset.done $0x0  }
0xa0: {  	[sflag:s22] =	ssyncadd.s32 s4;
	_ =	sdelay $0x1  }
0xa1: {  	s23 =	simm.s32 $0x1B8B  }
0xa2: {  	_ =	swait.ge [sflag:s23], $0x1  }
0xa3: {  	[sflag:s23] =	ssyncset.done $0x0  }
0xa4: {  	s25 =	simm.s32 $0x1B8E;
	s24 =	sld [smem:$0x3FFE];
	[sflag:s23] =	ssyncadd.s32 $0xFFFFFFFF  }
0xa5: {  	s26 =	simm.s32 $execute0_lowered;
	[smem:$0x3FD2] =	sst s25  }
0xa6: {  	s5 =	sshll.u32 s26, $0x1;
	_ =	strace $0x8000004C;
	[dreg:$0x1] =	wrdreg $0xFFFFFFFF  }
0xa7: {  	s28 =	simm.s32 $_size_execute0_lowered;
	s3 =	sadd.s32 s3, s5;
	[dreg:$0x0] =	wrdreg $0x0  }
0xa8: {  	s5 =	sshll.u32 s28, $0x1;
	[dreg:$0x2] =	wrdreg s3  }
0xa9: {  	[dreg:$0x3] =	wrdreg s5  }
0xaa: {  	[dreg:$0x4] =	wrdreg $0xC0  }
0xab: {  	_ =	task [dreg:s7], $0x5FFFF  }
0xac: {  	[dreg:$0x1] =	wrdreg $0xFFFFFFFF  }
0xad: {  	[dreg:$0x0] =	wrdreg $0x60  }
0xae: {  	[dreg:$0x2] =	wrdreg s24  }
0xaf: {  	[dreg:$0x3] =	wrdreg s2  }
0xb0: {  	[dreg:$0x4] =	wrdreg $0x0  }
0xb1: {  	[dreg:$0x5] =	wrdreg $0x9  }
0xb2: {  	_ =	task.clear_ibuf [dreg:s7], $0x6FFFF;
	_ =	strace $0x9000004C  }
0xb3: {  	s29 =	simm.s32 $0x9;
	_ =	strace $0x8000004E  }
0xb4: {  	_ =	swait.ge [sflag:s29], $0x1  }
0xb5: {  	[sflag:s29] =	ssyncadd.s32 $0xFFFFFFFF  }
0xb6: {  	_ =	strace $0x9000004E  }
0xb7: {  	_ =	sfence  }
0xb8: {  	s30 =	sld [smem:$0x0];
	_ =	sdelay $0x2  }
0xb9: {  	s31 =	sshll.u32 s1, $0xD;
	s1 =	sshrl.u32 s1, $0x2  }
0xba: {  	s3 =	sand.u32 $0x4000, s31;
	s1 =	sadd.s32 s1, s30  }
0xbb: {  	s0 =	sor.u32 s3, s0;
	s1 =	sshll.u32 s1, $0x11  }
0xbc: {  	s0 =	sor.u32 s1, s0  }
0xbd: {  	s0 =	sadd.s32 $0x8F2B, s0  }
0xbe: {  	[sflag:s0] =	ssyncadd.remote.s32 $0x1  }
0xbf: {  	_ =	sfence.sel $0xFFFF  }
0xc0: {  	[dreg:$0x0] =	wrdreg $0xFFFFFFFF;
	(pc) =	sbr.abs _section_cstart, $3  }
0xc1: {  	[dreg:$0x1] =	wrdreg $0xFFFFFFFF  }
0xc2: {  	_ =	task.clear_ibuf [dreg:s7], $0x2FFFF;
	_ =	strace $0x9FFFFFFF  }
0xc3: {  	(tm) =	ssettm $0x7FFFFFFF  }
tec
execute0_lowered:
.L_overlay_start_1:
0x0: {  	(tag) =	ssettag $0x1  }
0x1: {  	s1 =	rddreg [dreg:$0x0]  }
0x2: {  	s0 =	srdreg.scid;
	s14 =	rddreg [dreg:$0x1]  }
0x3: {  	s21 =	stileid.u32;
	s2 =	rddreg [dreg:$0x2];
	s22 =	simm.s32 $0x3  }
0x4: {  	s24 =	simm.s32 $0x80;
	s25 =	simm.s32 $0x100;
	s28 =	simm.s32 $0x14080  }
0x5: {  	s29 =	simm.s32 $0x1B500;
	s30 =	simm.s32 $0x1;
	s31 =	simm.s32 $0x2  }
0x6: {  	s0 =	sand.u32 $0x1, s0;
	s6 =	smul.u32 $0x50000, s21;
	s4 =	sadd.s32 $0xD000, s1  }
0x7: {  	s15 =	smul.u32 $0x14000, s21;
	s3 =	sshll.u32 s0, $0x4;
	s26 =	ssub.s32 $0x2, s0  }
0x8: {  	s0 =	smul.u32 $0x140000, s0;
	s23 =	sor.u32 s21, s3;
	s3 =	simm.s32 $0x0  }
0x9: {  	s7 =	sshrl.u32 s26, $0x1;
	s6 =	sshrl.u32 s6, $0x2;
	s16 =	sadd.s32 $0x4000, s15  }
0xa: {  	s17 =	sadd.s32 $0x8000, s15;
	s18 =	sadd.s32 $0xC000, s15;
	s19 =	sadd.s32 $0x10000, s15  }
0xb: {  	s21 =	sshll.u32 s21, $0x5;
	s5 =	smul.u32 $0x500, s23;
	[smem:$0x7FF] =	sst s3  }
0xc: {  	s20 =	ssub.s32 s26, s7;
	s11 =	smul.u32 $0x4E00, s23;
	s7 =	sadd.s32 s17, s2  }
0xd: {  	s8 =	sadd.s32 s18, s2;
	s9 =	sadd.s32 s19, s2;
	s12 =	smul.u32 $0x9C0, s23  }
0xe: {  	s15 =	sadd.s32 s15, s0;
	s17 =	sadd.s32 s0, s17;
	s18 =	sadd.s32 s0, s18  }
0xf: {  	p0 =	sgt.u32 s23, $0x3;
	s26 =	simm.s32 $0x14000;
	_ =	strace $0x8000004D  }
0x10: {  	s15 =	sshrl.u32 s15, $0x3;
	s17 =	sshrl.u32 s17, $0x3;
	s18 =	sshrl.u32 s18, $0x3  }
0x11: {  	s20 =	smax.u32 s20, $0x1;
	s10 =	sadd.s32 s5, s1;
	s1 =	sadd.s32 $0x5B400, s1  }
0x12: {  	s5 =	sadd.s32 s6, s2;
	s6 =	sadd.s32 s16, s2;
	s11 =	sshrl.u32 s11, $0x3  }
0x13: {  	s16 =	sadd.s32 s0, s16;
	s0 =	sadd.s32 s0, s19;
	s10 =	sadd.s32 $0x3000, s10  }
0x14: {  	s13 =	sadd.s32 s14, s11;
	s11 =	sadd.s32 s14, s12;
	s14 =	sadd.s32 s21, s14  }
0x15: {  	s16 =	sshrl.u32 s16, $0x3;
	s15 =	sadd.s32 s1, s15;
	s0 =	sshrl.u32 s0, $0x3  }
0x16: {  	s17 =	sadd.s32 s1, s17;
	s18 =	sadd.s32 s1, s18;
	s21 =	simm.s32 $0x17500  }
0x17: {  	[dreg:$0x4] =	wrdreg s10;
	s12 =	sadd.s32 $0x340, s13;
	s13 =	sadd.s32 $0x680, s13  }
0x18: {  	v0 =	vimm.f32 $0.0e+00;
	s14 =	sadd.s32 $0x13800, s14;
	s16 =	sadd.s32 s1, s16;
	s19 =	sadd.s32 s1, s0  }
.LBB2_1:
0x19: {  	s1 =	simm.s32 $0x0;
	s23 =	simm.s32 $0x200  }
.LBB2_2:
0x1a: {  	p1 =	sne.s32 s23, $0xFE00;
	[tilespmem:s1+$0x17570] =	vst v0  }
0x1b: {  	[tilespmem:s1+$0x17500] =	vst v0  }
0x1c: {  	[tilespmem:s1+$0x17510] =	vst v0  }
.Ltmp0:
0x1d: {  	[tilespmem:s1+$0x17520] =	vst v0;
	(pc) =	sbr.rel @p1 .LBB2_2-.Ltmp0, $4  }
0x1e: {  	[tilespmem:s1+$0x17530] =	vst v0  }
0x1f: {  	[tilespmem:s1+$0x17540] =	vst v0  }
0x20: {  	[tilespmem:s1+$0x17550] =	vst v0  }
0x21: {  	[tilespmem:s1+$0x17560] =	vst v0;
	s1 =	sshra.s32 s23, $0x2;
	s23 =	sadd.s32 $0x200, s23  }
0x22: {  	[tilespmem:s1+$0x17570] =	vst v0  }
0x23: {  	[tilespmem:s1+$0x17500] =	vst v0  }
0x24: {  	[tilespmem:s1+$0x17510] =	vst v0  }
0x25: {  	[tilespmem:s1+$0x17520] =	vst v0  }
0x26: {  	[tilespmem:s1+$0x17530] =	vst v0  }
0x27: {  	[tilespmem:s1+$0x17540] =	vst v0  }
0x28: {  	[tilespmem:s1+$0x17550] =	vst v0  }
0x29: {  	[tilespmem:s1+$0x17560] =	vst v0  }
0x2a: {  	[spmem:s5] =	stream.linear.scatter [tilespmem:s21], [sflag:$0x3], $0x4000, $0x38;
	[tilespmem:$0x1F500] =	vst v63  }
0x2b: {  	_ =	swait.ge [sflag:s22], $0x4000  }
0x2c: {  	[sflag:s22] =	ssyncset.done $0x0  }
0x2d: {  	[sflag:s22] =	ssyncadd.s32 $0xFFFFC000  }
0x2e: {  	[spmem:s6] =	stream.linear.scatter [tilespmem:s21], [sflag:$0x3], $0x4000, $0x38;
	[tilespmem:$0x1F500] =	vst v63  }
0x2f: {  	_ =	swait.ge [sflag:s22], $0x4000  }
0x30: {  	[sflag:s22] =	ssyncset.done $0x0  }
0x31: {  	[sflag:s22] =	ssyncadd.s32 $0xFFFFC000  }
0x32: {  	[spmem:s7] =	stream.linear.scatter [tilespmem:s21], [sflag:$0x3], $0x4000, $0x38;
	[tilespmem:$0x1F500] =	vst v63  }
0x33: {  	_ =	swait.ge [sflag:s22], $0x4000  }
0x34: {  	[sflag:s22] =	ssyncset.done $0x0  }
0x35: {  	[sflag:s22] =	ssyncadd.s32 $0xFFFFC000  }
0x36: {  	[spmem:s8] =	stream.linear.scatter [tilespmem:s21], [sflag:$0x3], $0x4000, $0x38;
	[tilespmem:$0x1F500] =	vst v63  }
0x37: {  	_ =	swait.ge [sflag:s22], $0x4000  }
0x38: {  	[sflag:s22] =	ssyncset.done $0x0  }
0x39: {  	[sflag:s22] =	ssyncadd.s32 $0xFFFFC000  }
0x3a: {  	[spmem:s9] =	stream.linear.scatter [tilespmem:s21], [sflag:$0x3], $0x4000, $0x38;
	[tilespmem:$0x1F500] =	vst v63  }
0x3b: {  	_ =	swait.ge [sflag:s22], $0x4000  }
0x3c: {  	s23 =	simm.s32 $0x0;
	[sflag:s22] =	ssyncset.done $0x0  }
0x3d: {  	s10 =	simm.s32 $0x14D00;
	s0 =	rddreg [dreg:$0x4];
	[sflag:s22] =	ssyncadd.s32 $0xFFFFC000  }
0x3e: {  	[tilespmem:s10], [sflag:$0x3] =	stream.linear.gather [hbm4b:s0+s23], $0x2800, $0x38;
	[tilespmem:$0x1F500] =	vst v63  }
0x3f: {  	_ =	swait.ge [sflag:s22], $0x2800  }
0x40: {  	[sflag:s22] =	ssyncset.done $0x0  }
0x41: {  	[sflag:s22] =	ssyncadd.s32 $0xFFFFD800  }
0x42: {  	[bflag:$0x0] =	sbarrier.arrive $0xFFFF  }
0x43: {  	[tilespmem:s26], [sflag:$0x3] =	stream.strided.gather [hbm4b:s11+s24], $0xD00, s25, s24, $0x38;
	[tilespmem:$0x1F500] =	vst v63  }
0x44: {  	_ =	swait.ge [sflag:s22], $0xD00  }
0x45: {  	[sflag:s22] =	ssyncset.done $0x0  }
0x46: {  	[sflag:s22] =	ssyncadd.s32 $0xFFFFF300  }
0x47: {  	[tilespmem:s21], [sflag:$0x1] =	stream.indirect.gather [hbm4b:s4+s24], $0x80, s26, s24, $0xb8;
	[tilespmem:$0x1F500] =	vst v63  }
0x48: {  	_ = 	snop  }
0x49: {  	[tilespmem:s29], [sflag:$0x2] =	stream.indirect.gather [hbm4b:s4+s24], $0x80, s28, s24, $0xb8;
	[tilespmem:$0x1F500] =	vst v63  }
0x4a: {  	_ =	swait.ge [sflag:s30], $0x4000  }
0x4b: {  	[sflag:s30] =	ssyncset.done $0x0  }
0x4c: {  	s0 =	simm.s32 $0x14D00;
	[sflag:s30] =	ssyncadd.s32 $0xFFFFC000  }
0x4d: {  	[spmem:s2] =	stream.indirect.scatter.add.f32 [tilespmem:s21], [sflag:$0x3], $0x80, s0, s24, $0xb8;
	[tilespmem:$0x1F500] =	vst v63  }
0x4e: {  	_ =	swait.ge [sflag:s22], $0x4000  }
0x4f: {  	[sflag:s22] =	ssyncset.done $0x0  }
0x50: {  	s10 =	simm.s32 $0x14100;
	[sflag:s22] =	ssyncadd.s32 $0xFFFFC000  }
0x51: {  	[tilespmem:s21], [sflag:$0x1] =	stream.indirect.gather [hbm4b:s4+s24], $0x80, s10, s24, $0xb8;
	[tilespmem:$0x1F500] =	vst v63  }
0x52: {  	_ =	swait.ge [sflag:s31], $0x4000  }
0x53: {  	[sflag:s31] =	ssyncset.done $0x0  }
0x54: {  	s23 =	simm.s32 $0x14D80;
	[sflag:s31] =	ssyncadd.s32 $0xFFFFC000  }
0x55: {  	[spmem:s2] =	stream.indirect.scatter.add.f32 [tilespmem:s29], [sflag:$0x3], $0x80, s23, s24, $0xb8;
	[tilespmem:$0x1F500] =	vst v63  }
0x56: {  	_ =	swait.ge [sflag:s22], $0x4000  }
0x57: {  	[sflag:s22] =	ssyncset.done $0x0  }
0x58: {  	s1 =	simm.s32 $0x400;
	s23 =	simm.s32 $0x14180;
	[sflag:s22] =	ssyncadd.s32 $0xFFFFC000  }
.LBB2_4:
0x59: {  	[tilespmem:s29], [sflag:$0x2] =	stream.indirect.gather [hbm4b:s4+s24], $0x80, s23, s24, $0xb8;
	[tilespmem:$0x1F500] =	vst v63  }
0x5a: {  	s23 =	smov.u32 s1  }
0x5b: {  	p1 =	sne.s32 s1, $0x2C00;
	s1 =	sadd.s32 $0x400, s1;
	_ =	swait.ge [sflag:s30], $0x4000  }
0x5c: {  	s23 =	sshra.s32 s23, $0x2;
	[sflag:s30] =	ssyncset.done $0x0  }
0x5d: {  	s0 =	sadd.s32 $0x14D00, s23;
	[sflag:s30] =	ssyncadd.s32 $0xFFFFC000  }
0x5e: {  	[spmem:s2] =	stream.indirect.scatter.add.f32 [tilespmem:s21], [sflag:$0x3], $0x80, s0, s24, $0xb8;
	[tilespmem:$0x1F500] =	vst v63  }
0x5f: {  	_ =	swait.ge [sflag:s22], $0x4000  }
0x60: {  	[sflag:s22] =	ssyncset.done $0x0  }
0x61: {  	s0 =	sadd.s32 $0x14100, s23;
	[sflag:s22] =	ssyncadd.s32 $0xFFFFC000  }
0x62: {  	[tilespmem:s21], [sflag:$0x1] =	stream.indirect.gather [hbm4b:s4+s24], $0x80, s0, s24, $0xb8;
	[tilespmem:$0x1F500] =	vst v63  }
0x63: {  	_ =	swait.ge [sflag:s31], $0x4000  }
0x64: {  	[sflag:s31] =	ssyncset.done $0x0  }
.Ltmp1:
0x65: {  	s0 =	sadd.s32 $0x14D80, s23;
	[sflag:s31] =	ssyncadd.s32 $0xFFFFC000;
	(pc) =	sbr.rel @p1 .LBB2_4-.Ltmp1, $4  }
0x66: {  	[spmem:s2] =	stream.indirect.scatter.add.f32 [tilespmem:s29], [sflag:$0x3], $0x80, s0, s24, $0xb8;
	[tilespmem:$0x1F500] =	vst v63  }
0x67: {  	_ =	swait.ge [sflag:s22], $0x4000  }
0x68: {  	[sflag:s22] =	ssyncset.done $0x0  }
0x69: {  	s23 =	sadd.s32 $0x14180, s23;
	[sflag:s22] =	ssyncadd.s32 $0xFFFFC000  }
0x6a: {  	[tilespmem:s29], [sflag:$0x2] =	stream.indirect.gather [hbm4b:s4+s24], $0x80, s23, s24, $0xb8;
	[tilespmem:$0x1F500] =	vst v63  }
0x6b: {  	_ =	swait.ge [sflag:s30], $0x4000  }
0x6c: {  	[sflag:s30] =	ssyncset.done $0x0  }
0x6d: {  	s0 =	simm.s32 $0x15900;
	[sflag:s30] =	ssyncadd.s32 $0xFFFFC000  }
0x6e: {  	[spmem:s2] =	stream.indirect.scatter.add.f32 [tilespmem:s21], [sflag:$0x3], $0x80, s0, s24, $0xb8;
	[tilespmem:$0x1F500] =	vst v63  }
0x6f: {  	_ =	swait.ge [sflag:s22], $0x4000  }
0x70: {  	[sflag:s22] =	ssyncset.done $0x0  }
0x71: {  	[sflag:s22] =	ssyncadd.s32 $0xFFFFC000  }
0x72: {  	_ =	swait.ge [sflag:s31], $0x4000  }
0x73: {  	[sflag:s31] =	ssyncset.done $0x0  }
0x74: {  	s23 =	simm.s32 $0x15980;
	[sflag:s31] =	ssyncadd.s32 $0xFFFFC000  }
0x75: {  	[spmem:s2] =	stream.indirect.scatter.add.f32 [tilespmem:s29], [sflag:$0x3], $0x80, s23, s24, $0xb8;
	[tilespmem:$0x1F500] =	vst v63  }
0x76: {  	_ =	swait.ge [sflag:s22], $0x4000  }
0x77: {  	[sflag:s22] =	ssyncset.done $0x0  }
0x78: {  	[sflag:s22] =	ssyncadd.s32 $0xFFFFC000  }
0x79: {  	[tilespmem:s26], [sflag:$0x3] =	stream.strided.gather [hbm4b:s12+s24], $0xD00, s25, s24, $0x38;
	[tilespmem:$0x1F500] =	vst v63  }
0x7a: {  	_ =	swait.ge [sflag:s22], $0xD00  }
0x7b: {  	[sflag:s22] =	ssyncset.done $0x0  }
0x7c: {  	[sflag:s22] =	ssyncadd.s32 $0xFFFFF300  }
0x7d: {  	[tilespmem:s21], [sflag:$0x1] =	stream.indirect.gather [hbm4b:s4+s24], $0x80, s26, s24, $0xb8;
	[tilespmem:$0x1F500] =	vst v63  }
0x7e: {  	_ = 	snop  }
0x7f: {  	[tilespmem:s29], [sflag:$0x2] =	stream.indirect.gather [hbm4b:s4+s24], $0x80, s28, s24, $0xb8;
	[tilespmem:$0x1F500] =	vst v63  }
0x80: {  	_ =	swait.ge [sflag:s30], $0x4000  }
0x81: {  	[sflag:s30] =	ssyncset.done $0x0  }
0x82: {  	s1 =	simm.s32 $0x15A00;
	[sflag:s30] =	ssyncadd.s32 $0xFFFFC000  }
0x83: {  	[spmem:s2] =	stream.indirect.scatter.add.f32 [tilespmem:s21], [sflag:$0x3], $0x80, s1, s24, $0xb8;
	[tilespmem:$0x1F500] =	vst v63  }
0x84: {  	_ =	swait.ge [sflag:s22], $0x4000  }
0x85: {  	[sflag:s22] =	ssyncset.done $0x0  }
0x86: {  	s10 =	simm.s32 $0x14100;
	[sflag:s22] =	ssyncadd.s32 $0xFFFFC000  }
0x87: {  	[tilespmem:s21], [sflag:$0x1] =	stream.indirect.gather [hbm4b:s4+s24], $0x80, s10, s24, $0xb8;
	[tilespmem:$0x1F500] =	vst v63  }
0x88: {  	_ =	swait.ge [sflag:s31], $0x4000  }
0x89: {  	[sflag:s31] =	ssyncset.done $0x0  }
0x8a: {  	s23 =	simm.s32 $0x15A80;
	[sflag:s31] =	ssyncadd.s32 $0xFFFFC000  }
0x8b: {  	[spmem:s2] =	stream.indirect.scatter.add.f32 [tilespmem:s29], [sflag:$0x3], $0x80, s23, s24, $0xb8;
	[tilespmem:$0x1F500] =	vst v63  }
0x8c: {  	_ =	swait.ge [sflag:s22], $0x4000  }
0x8d: {  	[sflag:s22] =	ssyncset.done $0x0  }
0x8e: {  	s1 =	simm.s32 $0xFFFFD400;
	s23 =	simm.s32 $0x14180;
	[sflag:s22] =	ssyncadd.s32 $0xFFFFC000  }
.LBB2_6:
0x8f: {  	[tilespmem:s29], [sflag:$0x2] =	stream.indirect.gather [hbm4b:s4+s24], $0x80, s23, s24, $0xb8;
	[tilespmem:$0x1F500] =	vst v63  }
0x90: {  	s0 =	smov.u32 s1  }
0x91: {  	p1 =	sne.s32 s1, $0xFFFFFC00;
	s1 =	sadd.s32 $0x400, s1;
	_ =	swait.ge [sflag:s30], $0x4000  }
0x92: {  	s0 =	sshra.s32 s0, $0x2;
	[sflag:s30] =	ssyncset.done $0x0  }
0x93: {  	s23 =	sadd.s32 $0x16600, s0;
	[sflag:s30] =	ssyncadd.s32 $0xFFFFC000  }
0x94: {  	[spmem:s2] =	stream.indirect.scatter.add.f32 [tilespmem:s21], [sflag:$0x3], $0x80, s23, s24, $0xb8;
	[tilespmem:$0x1F500] =	vst v63  }
0x95: {  	_ =	swait.ge [sflag:s22], $0x4000  }
0x96: {  	[sflag:s22] =	ssyncset.done $0x0  }
0x97: {  	s23 =	sadd.s32 $0x14D00, s0;
	[sflag:s22] =	ssyncadd.s32 $0xFFFFC000  }
0x98: {  	[tilespmem:s21], [sflag:$0x1] =	stream.indirect.gather [hbm4b:s4+s24], $0x80, s23, s24, $0xb8;
	[tilespmem:$0x1F500] =	vst v63  }
0x99: {  	_ =	swait.ge [sflag:s31], $0x4000  }
0x9a: {  	[sflag:s31] =	ssyncset.done $0x0  }
.Ltmp2:
0x9b: {  	s23 =	sadd.s32 $0x16680, s0;
	[sflag:s31] =	ssyncadd.s32 $0xFFFFC000;
	(pc) =	sbr.rel @p1 .LBB2_6-.Ltmp2, $4  }
0x9c: {  	[spmem:s2] =	stream.indirect.scatter.add.f32 [tilespmem:s29], [sflag:$0x3], $0x80, s23, s24, $0xb8;
	[tilespmem:$0x1F500] =	vst v63  }
0x9d: {  	_ =	swait.ge [sflag:s22], $0x4000  }
0x9e: {  	[sflag:s22] =	ssyncset.done $0x0  }
0x9f: {  	s23 =	sadd.s32 $0x14D80, s0;
	[sflag:s22] =	ssyncadd.s32 $0xFFFFC000  }
0xa0: {  	[tilespmem:s29], [sflag:$0x2] =	stream.indirect.gather [hbm4b:s4+s24], $0x80, s23, s24, $0xb8;
	[tilespmem:$0x1F500] =	vst v63  }
0xa1: {  	_ =	swait.ge [sflag:s30], $0x4000  }
0xa2: {  	[sflag:s30] =	ssyncset.done $0x0  }
0xa3: {  	s0 =	simm.s32 $0x16600;
	[sflag:s30] =	ssyncadd.s32 $0xFFFFC000  }
0xa4: {  	[spmem:s2] =	stream.indirect.scatter.add.f32 [tilespmem:s21], [sflag:$0x3], $0x80, s0, s24, $0xb8;
	[tilespmem:$0x1F500] =	vst v63  }
0xa5: {  	_ =	swait.ge [sflag:s22], $0x4000  }
0xa6: {  	[sflag:s22] =	ssyncset.done $0x0  }
0xa7: {  	[sflag:s22] =	ssyncadd.s32 $0xFFFFC000  }
0xa8: {  	_ =	swait.ge [sflag:s31], $0x4000  }
0xa9: {  	[sflag:s31] =	ssyncset.done $0x0  }
0xaa: {  	s23 =	simm.s32 $0x16680;
	[sflag:s31] =	ssyncadd.s32 $0xFFFFC000  }
0xab: {  	[spmem:s2] =	stream.indirect.scatter.add.f32 [tilespmem:s29], [sflag:$0x3], $0x80, s23, s24, $0xb8;
	[tilespmem:$0x1F500] =	vst v63  }
0xac: {  	_ =	swait.ge [sflag:s22], $0x4000  }
0xad: {  	[sflag:s22] =	ssyncset.done $0x0  }
0xae: {  	[sflag:s22] =	ssyncadd.s32 $0xFFFFC000  }
0xaf: {  	[tilespmem:s26], [sflag:$0x3] =	stream.strided.gather [hbm4b:s13+s24], $0xD00, s25, s24, $0x38;
	[tilespmem:$0x1F500] =	vst v63  }
0xb0: {  	_ =	swait.ge [sflag:s22], $0xD00  }
0xb1: {  	[sflag:s22] =	ssyncset.done $0x0  }
0xb2: {  	[sflag:s22] =	ssyncadd.s32 $0xFFFFF300  }
0xb3: {  	[tilespmem:s21], [sflag:$0x1] =	stream.indirect.gather [hbm4b:s4+s24], $0x80, s26, s24, $0xb8;
	[tilespmem:$0x1F500] =	vst v63  }
0xb4: {  	_ = 	snop  }
0xb5: {  	[tilespmem:s29], [sflag:$0x2] =	stream.indirect.gather [hbm4b:s4+s24], $0x80, s28, s24, $0xb8;
	[tilespmem:$0x1F500] =	vst v63  }
0xb6: {  	_ =	swait.ge [sflag:s30], $0x4000  }
0xb7: {  	[sflag:s30] =	ssyncset.done $0x0  }
0xb8: {  	s1 =	simm.s32 $0x16700;
	[sflag:s30] =	ssyncadd.s32 $0xFFFFC000  }
0xb9: {  	[spmem:s2] =	stream.indirect.scatter.add.f32 [tilespmem:s21], [sflag:$0x3], $0x80, s1, s24, $0xb8;
	[tilespmem:$0x1F500] =	vst v63  }
0xba: {  	_ =	swait.ge [sflag:s22], $0x4000  }
0xbb: {  	[sflag:s22] =	ssyncset.done $0x0  }
0xbc: {  	s10 =	simm.s32 $0x14100;
	[sflag:s22] =	ssyncadd.s32 $0xFFFFC000  }
0xbd: {  	[tilespmem:s21], [sflag:$0x1] =	stream.indirect.gather [hbm4b:s4+s24], $0x80, s10, s24, $0xb8;
	[tilespmem:$0x1F500] =	vst v63  }
0xbe: {  	_ =	swait.ge [sflag:s31], $0x4000  }
0xbf: {  	[sflag:s31] =	ssyncset.done $0x0  }
0xc0: {  	s23 =	simm.s32 $0x16780;
	[sflag:s31] =	ssyncadd.s32 $0xFFFFC000  }
0xc1: {  	[spmem:s2] =	stream.indirect.scatter.add.f32 [tilespmem:s29], [sflag:$0x3], $0x80, s23, s24, $0xb8;
	[tilespmem:$0x1F500] =	vst v63  }
0xc2: {  	_ =	swait.ge [sflag:s22], $0x4000  }
0xc3: {  	[sflag:s22] =	ssyncset.done $0x0  }
0xc4: {  	s1 =	simm.s32 $0xFFFFD400;
	s23 =	simm.s32 $0x14180;
	[sflag:s22] =	ssyncadd.s32 $0xFFFFC000  }
.LBB2_8:
0xc5: {  	[tilespmem:s29], [sflag:$0x2] =	stream.indirect.gather [hbm4b:s4+s24], $0x80, s23, s24, $0xb8;
	[tilespmem:$0x1F500] =	vst v63  }
0xc6: {  	s0 =	smov.u32 s1  }
0xc7: {  	p1 =	sne.s32 s1, $0xFFFFFC00;
	s1 =	sadd.s32 $0x400, s1;
	_ =	swait.ge [sflag:s30], $0x4000  }
0xc8: {  	s0 =	sshra.s32 s0, $0x2;
	[sflag:s30] =	ssyncset.done $0x0  }
0xc9: {  	s23 =	sadd.s32 $0x17300, s0;
	[sflag:s30] =	ssyncadd.s32 $0xFFFFC000  }
0xca: {  	[spmem:s2] =	stream.indirect.scatter.add.f32 [tilespmem:s21], [sflag:$0x3], $0x80, s23, s24, $0xb8;
	[tilespmem:$0x1F500] =	vst v63  }
0xcb: {  	_ =	swait.ge [sflag:s22], $0x4000  }
0xcc: {  	[sflag:s22] =	ssyncset.done $0x0  }
0xcd: {  	s23 =	sadd.s32 $0x14D00, s0;
	[sflag:s22] =	ssyncadd.s32 $0xFFFFC000  }
0xce: {  	[tilespmem:s21], [sflag:$0x1] =	stream.indirect.gather [hbm4b:s4+s24], $0x80, s23, s24, $0xb8;
	[tilespmem:$0x1F500] =	vst v63  }
0xcf: {  	_ =	swait.ge [sflag:s31], $0x4000  }
0xd0: {  	[sflag:s31] =	ssyncset.done $0x0  }
.Ltmp3:
0xd1: {  	s23 =	sadd.s32 $0x17380, s0;
	[sflag:s31] =	ssyncadd.s32 $0xFFFFC000;
	(pc) =	sbr.rel @p1 .LBB2_8-.Ltmp3, $4  }
0xd2: {  	[spmem:s2] =	stream.indirect.scatter.add.f32 [tilespmem:s29], [sflag:$0x3], $0x80, s23, s24, $0xb8;
	[tilespmem:$0x1F500] =	vst v63  }
0xd3: {  	_ =	swait.ge [sflag:s22], $0x4000  }
0xd4: {  	[sflag:s22] =	ssyncset.done $0x0  }
0xd5: {  	s23 =	sadd.s32 $0x14D80, s0;
	[sflag:s22] =	ssyncadd.s32 $0xFFFFC000  }
0xd6: {  	[tilespmem:s29], [sflag:$0x2] =	stream.indirect.gather [hbm4b:s4+s24], $0x80, s23, s24, $0xb8;
	[tilespmem:$0x1F500] =	vst v63  }
0xd7: {  	_ =	swait.ge [sflag:s30], $0x4000  }
0xd8: {  	[sflag:s30] =	ssyncset.done $0x0  }
0xd9: {  	s0 =	simm.s32 $0x17300;
	[sflag:s30] =	ssyncadd.s32 $0xFFFFC000  }
0xda: {  	[spmem:s2] =	stream.indirect.scatter.add.f32 [tilespmem:s21], [sflag:$0x3], $0x80, s0, s24, $0xb8;
	[tilespmem:$0x1F500] =	vst v63  }
0xdb: {  	_ =	swait.ge [sflag:s22], $0x4000  }
0xdc: {  	[sflag:s22] =	ssyncset.done $0x0  }
0xdd: {  	[sflag:s22] =	ssyncadd.s32 $0xFFFFC000  }
0xde: {  	_ =	swait.ge [sflag:s31], $0x4000  }
0xdf: {  	[sflag:s31] =	ssyncset.done $0x0  }
0xe0: {  	s1 =	simm.s32 $0x17380;
	[sflag:s31] =	ssyncadd.s32 $0xFFFFC000  }
0xe1: {  	[spmem:s2] =	stream.indirect.scatter.add.f32 [tilespmem:s29], [sflag:$0x3], $0x80, s1, s24, $0xb8;
	[tilespmem:$0x1F500] =	vst v63  }
0xe2: {  	_ =	swait.ge [sflag:s22], $0x4000  }
0xe3: {  	[sflag:s22] =	ssyncset.done $0x0  }
0xe4: {  	s0 =	simm.s32 @!p0 $0x0;
	s1 =	simm.s32 @!p0 $0x14000;
	[sflag:s22] =	ssyncadd.s32 $0xFFFFC000  }
0xe5: {  	[tilespmem:s1], [sflag:$0x3] =	stream.linear.gather @!p0 [hbm4b:s14+s0], $0x80, $0x38;
	[tilespmem:$0x1F500] =	vst v63  }
0xe6: {  	s0 =	simm.s32 @!p0 $0x3  }
0xe7: {  	_ =	swait.ge @!p0 [sflag:s0], $0x80  }
0xe8: {  	[sflag:s0] =	ssyncset.done @!p0 $0x0  }
0xe9: {  	s23 =	simm.s32 @!p0 $0x80;
	s10 =	simm.s32 @!p0 $0x17500;
	[sflag:s0] =	ssyncadd.s32 @!p0 $0xFFFFFF80  }
0xea: {  	[tilespmem:s10], [sflag:$0x1] =	stream.indirect.gather @!p0 [hbm4b:s4+s23], $0x80, s1, s23, $0xb8;
	[tilespmem:$0x1F500] =	vst v63  }
0xeb: {  	s1 =	simm.s32 @!p0 $0x1  }
0xec: {  	_ =	swait.ge @!p0 [sflag:s1], $0x4000  }
0xed: {  	[sflag:s1] =	ssyncset.done @!p0 $0x0  }
0xee: {  	[sflag:s1] =	ssyncadd.s32 @!p0 $0xFFFFC000;
	s1 =	simm.s32 @!p0 $0x17400  }
0xef: {  	[spmem:s2] =	stream.indirect.scatter.add.f32 @!p0 [tilespmem:s10], [sflag:$0x3], $0x80, s1, s23, $0xb8;
	[tilespmem:$0x1F500] =	vst v63  }
0xf0: {  	_ =	swait.ge @!p0 [sflag:s0], $0x4000  }
0xf1: {  	s10 =	stileid.u32;
	[sflag:s0] =	ssyncset.done @!p0 $0x0  }
0xf2: {  	[sflag:s0] =	ssyncadd.s32 @!p0 $0xFFFFC000;
	s0 =	sshll.u32 s10, $0x6  }
0xf3: {  	s23 =	sshrl.u32 s5, $0x3;
	[bflag:$0x0] =	sbarrier.arrive $0xFFFF;
	s0 =	sor.u32 $0x1C01, s0  }
0xf4: {  	[hbm:s15], [sflag:s0] =	dma.local [spmem:s23], $0x800  }
0xf5: {  	s10 =	sshrl.u32 s6, $0x3;
	s23 =	sshrl.u32 s7, $0x3  }
0xf6: {  	[hbm:s16], [sflag:s0] =	dma.local [spmem:s10], $0x800  }
0xf7: {  	[hbm:s17], [sflag:s0] =	dma.local [spmem:s23], $0x800  }
0xf8: {  	s10 =	sshrl.u32 s8, $0x3;
	s23 =	sshrl.u32 s9, $0x3  }
0xf9: {  	[hbm:s18], [sflag:s0] =	dma.local [spmem:s10], $0x800  }
0xfa: {  	[hbm:s19], [sflag:s0] =	dma.local [spmem:s23], $0x800  }
0xfb: {  	_ =	swait.ge [sflag:s30], $0x800  }
0xfc: {  	[sflag:s30] =	ssyncset.done $0x0  }
0xfd: {  	[sflag:s30] =	ssyncadd.s32 $0xFFFFF800  }
0xfe: {  	_ =	swait.ge [sflag:s30], $0x800  }
0xff: {  	[sflag:s30] =	ssyncset.done $0x0  }
0x100: {  	[sflag:s30] =	ssyncadd.s32 $0xFFFFF800  }
0x101: {  	_ =	swait.ge [sflag:s30], $0x800  }
0x102: {  	[sflag:s30] =	ssyncset.done $0x0  }
0x103: {  	s3 =	sadd.s32 $0x1, s3;
	[sflag:s30] =	ssyncadd.s32 $0xFFFFF800  }
0x104: {  	p1 =	sne.s32 s3, s20;
	_ =	swait.ge [sflag:s30], $0x800  }
.Ltmp4:
0x105: {  	[sflag:s30] =	ssyncset.done $0x0;
	(pc) =	sbr.rel @p1 .LBB2_1-.Ltmp4, $4  }
0x106: {  	[sflag:s30] =	ssyncadd.s32 $0xFFFFF800  }
0x107: {  	_ =	swait.ge [sflag:s30], $0x800  }
0x108: {  	[sflag:s30] =	ssyncset.done $0x0  }
0x109: {  	[sflag:s30] =	ssyncadd.s32 $0xFFFFF800  }
0x10a: {  	_ =	sfence.sel $0x180000  }
0x10b: {  	[bflag:$0x0] =	sbarrier.arrive $0xFFFF  }
0x10c: {  	_ =	strace $0x9000004D  }
0x10d: {  	s0 =	stileid.u32;
	[bflag:$0x2] =	sbarrier.arrive $0xFFFF  }
0x10e: {  	p0 =	sne.s32 s0, $0x0;
	s0 =	rddreg [dreg:$0x3]  }
0x10f: {  	s0 =	sadd.s32 @!p0 $0x100000, s0  }
0x110: {  	[sflag:s0] =	ssyncadd.tile.s32 @!p0 $0x1;
	_ =	shalt  }
.Lfunc_end2:
_tile_overlayer_lowered:
.L_overlay_start_2:
0x111: {  	(tag) =	ssettag $0x2  }
0x112: {  	s0 =	rddreg [dreg:$0x0];
	s2 =	stileid.u32  }
0x113: {  	s1 =	rddreg [dreg:$0x1];
	p0 =	sne.s32 s2, $0x0  }
0x114: {  	s3 =	rddreg [dreg:$0x2];
	[bflag:$0x3] =	sbarrier.arrive $0xFFFF;
	s2 =	simm.s32 @!p0 $0x1C03  }
0x115: {  	[timem:s3], [sflag:s2] =	dma.local @!p0 [hbm:s0], s1  }
0x116: {  	s0 =	simm.s32 @!p0 $0x3  }
0x117: {  	_ =	swait.ge @!p0 [sflag:s0], s1  }
0x118: {  	s1 =	ssub.s32 @!p0 $0x0, s1;
	[sflag:s0] =	ssyncset.done @!p0 $0x0  }
0x119: {  	[sflag:s0] =	ssyncadd.s32 @!p0 s1  }
0x11a: {  	[bflag:$0x3] =	sbarrier.arrive $0xFFFF  }
0x11b: {  	_ =	shalt  }

// kernel: kernel.9.cloned.1.call-start
scs
__scs_entry_jumppad:
0x0: {  	(pc) =	sbr.rel $0x88, $3  }
0x1: {  	(tag) =	ssettag $0x0;
	lr =	simm.s32 $0x1  }
0x2: {  	[smem:$0x3F99] =	sst lr;
	_ =	strace $0xD0000000  }
0x3: {  	_ = 	snop  }
0x4: {  	_ = 	snop  }
0x5: {  	_ = 	snop  }
0x6: {  	_ = 	snop  }
0x7: {  	_ = 	snop  }
__scs_overlays_trampoline_lowered:
0x8: {  	[smem:$0x3FA8] =	sst s0  }
0x9: {  	[smem:$0x3FA9] =	sst s1  }
0xa: {  	[smem:$0x3FAA] =	sst s2  }
0xb: {  	[smem:$0x3FAB] =	sst s3  }
0xc: {  	[smem:$0x3FAC] =	sst s4  }
0xd: {  	[smem:$0x3FAD] =	sst s5  }
0xe: {  	[smem:$0x3FAE] =	sst s6  }
0xf: {  	[smem:$0x3FAF] =	sst s7  }
0x10: {  	[smem:$0x3FB0] =	sst s8  }
0x11: {  	[smem:$0x3FB1] =	sst s9;
	s0 =	simm.s32 @!p0 $0x0  }
0x12: {  	s1 =	sld [smem:$0x3F97];
	s0 =	simm.s32 @p0 $0x1  }
0x13: {  	[smem:$0x3FB2] =	sst s0;
	s0 =	simm.s32 @!p1 $0x0  }
0x14: {  	s2 =	sld [smem:$0x3F96];
	s0 =	simm.s32 @p1 $0x1  }
0x15: {  	[smem:$0x3FB3] =	sst s0;
	s0 =	simm.s32 @!p2 $0x0  }
0x16: {  	s3 =	sld [smem:$0x3FDB];
	s0 =	simm.s32 @p2 $0x1  }
0x17: {  	s4 =	simm.s32 $0x1BF5;
	[smem:$0x3FB5] =	sst s0  }
0x18: {  	s0 =	sld [smem:$0x3F98];
	_ =	swait.ge [sflag:s4], $0x0  }
0x19: {  	s7 =	sld [smem:$0x3F99]  }
0x1a: {  	s8 =	sadd.s32 $0xFFFFE003, lr  }
0x1b: {  	s9 =	sadd.s32 $0xFFFFFEF7, lr;
	s5 =	simm.s32 $0xFFFFFFFF;
	p2 =	slt.u32 s8, $0xFFFFF086  }
0x1c: {  	p1 =	slt.u32 s9, $0xF7A;
	s5 =	simm.s32 @!p2 $0x0  }
0x1d: {  	s5 =	simm.s32 @p1 $0x1;
	p0 =	seq.s32 s7, s2  }
0x1e: {  	s7 =	smul.u32 @!p0 $0xF7A, s2;
	p2 =	seq.s32 @!p0 s5, $0x0  }
0x1f: {  	s9 =	smul.u32 $0xF7A, s1;
	s8 =	simm.s32 @!p0 $0x1BF5;
	p2 =	por !p2, p0  }
0x20: {  	[sflag:s8] =	ssyncset.s32 @!p0 $0xFFFFF086;
	s6 =	sadd.s32 @!p0 s3, s7;
	s7 =	simm.s32 @!p0 $0x108  }
0x21: {  	s3 =	sadd.s32 s3, s9;
	s6 =	sadd.s32 @!p0 $0x88, s6;
	s7 =	simm.s32 @p2 $0x1082  }
0x22: {  	[simem:s7], [sflag:s8] =	dma.local @!p0 [hbm:s6], $0xF7A  }
0x23: {  	s9 =	sor.u32 $0xD0000000, s2;
	s6 =	simm.s32 $0x108;
	_ =	swait.ge @!p0 [sflag:s8], $0x0  }
0x24: {  	s3 =	sadd.s32 $0x88, s3;
	s6 =	simm.s32 @!p1 $0x1082;
	[sflag:s4] =	ssyncset.s32 $0xFFFFF086  }
0x25: {  	[simem:s6], [sflag:s4] =	dma.local [hbm:s3], $0xF7A  }
0x26: {  	[smem:$0x3F99] =	sst s1;
	(tag) =	ssettag s2;
	_ =	strace s9  }
0x27: {  	s1 =	sld [smem:$0x3FA9]  }
0x28: {  	s2 =	sld [smem:$0x3FAA]  }
0x29: {  	s4 =	sld [smem:$0x3FAC]  }
0x2a: {  	p0 =	seq.s32 s5, $0x0;
	s5 =	sld [smem:$0x3FAD]  }
0x2b: {  	s6 =	sld [smem:$0x3FAE]  }
0x2c: {  	s7 =	sld [smem:$0x3FAF]  }
0x2d: {  	s3 =	simm.s32 $0x108;
	s8 =	sld [smem:$0x3FB0]  }
0x2e: {  	s3 =	simm.s32 @!p0 $0x1082;
	s9 =	sld [smem:$0x3FB1]  }
0x2f: {  	lr =	sadd.s32 s0, s3;
	s0 =	sld [smem:$0x3FA8]  }
0x30: {  	s3 =	sld [smem:$0x3FAB]  }
0x31: {  	[smem:$0x3FB4] =	sst s10  }
0x32: {  	s10 =	sld [smem:$0x3FB2];
	_ =	sdelay $0x3  }
0x33: {  	p0 =	seq.s32 s10, $0x1;
	s10 =	sld [smem:$0x3FB4];
	_ =	sdelay $0x3  }
0x34: {  	[smem:$0x3FB4] =	sst s10  }
0x35: {  	s10 =	sld [smem:$0x3FB3];
	_ =	sdelay $0x3  }
0x36: {  	p1 =	seq.s32 s10, $0x1;
	s10 =	sld [smem:$0x3FB4];
	_ =	sdelay $0x3  }
0x37: {  	[smem:$0x3FB4] =	sst s10  }
0x38: {  	s10 =	sld [smem:$0x3FB5]  }
0x39: {  	_ = 	snop;
	(pc) =	sbr.ind lr, $3  }
0x3a: {  	_ = 	snop  }
0x3b: {  	_ = 	snop  }
0x3c: {  	p2 =	seq.s32 s10, $0x1;
	s10 =	sld [smem:$0x3FB4]  }
0x3d: {  	_ =	shalt  }
0x3e: {  	_ =	shalt  }
0x3f: {  	_ =	shalt  }
0x40: {  	_ =	shalt  }
0x41: {  	_ =	shalt  }
0x42: {  	_ =	shalt  }
0x43: {  	_ =	shalt  }
0x44: {  	_ =	shalt  }
0x45: {  	_ =	shalt  }
0x46: {  	_ =	shalt  }
0x47: {  	_ =	shalt  }
0x48: {  	_ =	shalt  }
0x49: {  	_ =	shalt  }
0x4a: {  	_ =	shalt  }
0x4b: {  	_ =	shalt  }
0x4c: {  	_ =	shalt  }
0x4d: {  	_ =	shalt  }
0x4e: {  	_ =	shalt  }
0x4f: {  	_ =	shalt  }
0x50: {  	_ =	shalt  }
0x51: {  	_ =	shalt  }
0x52: {  	_ =	shalt  }
0x53: {  	_ =	shalt  }
0x54: {  	_ =	shalt  }
0x55: {  	_ =	shalt  }
0x56: {  	_ =	shalt  }
0x57: {  	_ =	shalt  }
0x58: {  	_ =	shalt  }
0x59: {  	_ =	shalt  }
0x5a: {  	_ =	shalt  }
0x5b: {  	_ =	shalt  }
0x5c: {  	_ =	shalt  }
0x5d: {  	_ =	shalt  }
0x5e: {  	_ =	shalt  }
0x5f: {  	_ =	shalt  }
0x60: {  	_ =	shalt  }
0x61: {  	_ =	shalt  }
0x62: {  	_ =	shalt  }
0x63: {  	_ =	shalt  }
0x64: {  	_ =	shalt  }
0x65: {  	_ =	shalt  }
0x66: {  	_ =	shalt  }
0x67: {  	_ =	shalt  }
0x68: {  	_ =	shalt  }
0x69: {  	_ =	shalt  }
0x6a: {  	_ =	shalt  }
0x6b: {  	_ =	shalt  }
0x6c: {  	_ =	shalt  }
0x6d: {  	_ =	shalt  }
0x6e: {  	_ =	shalt  }
0x6f: {  	_ =	shalt  }
0x70: {  	_ =	shalt  }
0x71: {  	_ =	shalt  }
0x72: {  	_ =	shalt  }
0x73: {  	_ =	shalt  }
0x74: {  	_ =	shalt  }
0x75: {  	_ =	shalt  }
0x76: {  	_ =	shalt  }
0x77: {  	_ =	shalt  }
0x78: {  	_ =	shalt  }
0x79: {  	_ =	shalt  }
0x7a: {  	_ =	shalt  }
0x7b: {  	_ =	shalt  }
0x7c: {  	_ =	shalt  }
0x7d: {  	_ =	shalt  }
0x7e: {  	_ =	shalt  }
0x7f: {  	_ =	shalt  }
0x80: {  	_ =	shalt  }
0x81: {  	_ =	shalt  }
0x82: {  	_ =	shalt  }
0x83: {  	_ =	shalt  }
0x84: {  	_ =	shalt  }
0x85: {  	_ =	shalt  }
0x86: {  	_ =	shalt  }
0x87: {  	_ =	shalt  }
.Lfunc_end0:
.L_simem_size_0:
called_computation_lowered:
.L_overlay_start_0:
0x88: {  	s2 =	sld [smem:$0x3FD9]  }
0x89: {  	s3 =	sld [smem:$0x3FFE];
	_ =	sdelay $0x1  }
0x8a: {  	s1 =	srdreg.scid  }
0x8b: {  	s0 =	sand.u32 $0x1, s1  }
0x8c: {  	s17 =	sshll.u32 s0, $0xA;
	s2 =	sadd.s32 s3, s2  }
0x8d: {  	s2 =	sadd.s32 s2, s17  }
0x8e: {  	[smem:$0x3FC0] =	sst s2  }
0x8f: {  	_ = 	snop  }
0x90: {  	s2 =	sld [smem:$0x3FC8]  }
0x91: {  	s18 =	sld [smem:$0x3FD0];
	(tm) =	ssettm $0x1  }
0x92: {  	s4 =	sld [smem:$0x3FFB];
	_ =	sdelay $0x3  }
0x93: {  	_ =	strace s4  }
0x94: {  	s4 =	sld [smem:$0x3FFC];
	_ =	sdelay $0x3  }
0x95: {  	_ =	strace s4  }
0x96: {  	s4 =	sld [smem:$0x3FFD];
	_ =	sdelay $0x3  }
0x97: {  	_ =	strace s4  }
0x98: {  	_ =	strace $0x8FFFFFFF  }
0x99: {  	s19 =	sld [smem:$0x3FDB];
	_ =	sdelay $0x1  }
0x9a: {  	s5 =	simm.s32 $_scs_section_size  }
0x9b: {  	s6 =	simm.s32 $_size__tile_overlayer_lowered;
	s7 =	simm.s32 $_tile_overlayer_lowered  }
0x9c: {  	s22 =	simm.s32 $0x1BFF;
	s21 =	sshll.u32 s7, $0x1;
	s4 =	sadd.s32 s5, s19  }
0x9d: {  	s8 =	simm.s32 $0x0;
	s20 =	sshll.u32 s6, $0x1;
	s6 =	sadd.s32 s21, s4  }
0x9e: {  	[timem:s8], [sflag:s22] =	dma.local [hbm:s6], s20  }
0x9f: {  	_ =	swait.ge [sflag:s22], s20  }
0xa0: {  	s5 =	ssub.s32 $0x0, s20;
	[sflag:s22] =	ssyncset.done $0x0  }
0xa1: {  	[sflag:s22] =	ssyncadd.s32 s5;
	_ =	sdelay $0x1  }
0xa2: {  	s23 =	simm.s32 $0x1B8B  }
0xa3: {  	_ =	swait.ge [sflag:s23], $0x1  }
0xa4: {  	[sflag:s23] =	ssyncset.done $0x0  }
0xa5: {  	s25 =	simm.s32 $0x1B8E;
	s24 =	sld [smem:$0x3FFE];
	[sflag:s23] =	ssyncadd.s32 $0xFFFFFFFF  }
0xa6: {  	s26 =	simm.s32 $execute0_lowered;
	[smem:$0x3FD2] =	sst s25  }
0xa7: {  	s6 =	sshll.u32 s26, $0x1;
	_ =	strace $0x80000046;
	[dreg:$0x1] =	wrdreg $0xFFFFFFFF  }
0xa8: {  	s28 =	simm.s32 $_size_execute0_lowered;
	s4 =	sadd.s32 s4, s6;
	[dreg:$0x0] =	wrdreg $0x0  }
0xa9: {  	s6 =	sshll.u32 s28, $0x1;
	[dreg:$0x2] =	wrdreg s4  }
0xaa: {  	[dreg:$0x3] =	wrdreg s6  }
0xab: {  	[dreg:$0x4] =	wrdreg $0xC0  }
0xac: {  	_ =	task [dreg:s8], $0x5FFFF  }
0xad: {  	[dreg:$0x1] =	wrdreg $0xFFFFFFFF  }
0xae: {  	[dreg:$0x0] =	wrdreg $0x60  }
0xaf: {  	[dreg:$0x2] =	wrdreg s2  }
0xb0: {  	[dreg:$0x3] =	wrdreg s18  }
0xb1: {  	[dreg:$0x4] =	wrdreg s24  }
0xb2: {  	[dreg:$0x5] =	wrdreg $0x0  }
0xb3: {  	[dreg:$0x6] =	wrdreg $0x9  }
0xb4: {  	_ =	task.clear_ibuf [dreg:s8], $0x7FFFF;
	_ =	strace $0x90000046  }
0xb5: {  	s29 =	simm.s32 $0x9;
	_ =	strace $0x80000048  }
0xb6: {  	_ =	swait.ge [sflag:s29], $0x1  }
0xb7: {  	[sflag:s29] =	ssyncadd.s32 $0xFFFFFFFF  }
0xb8: {  	_ =	strace $0x90000048  }
0xb9: {  	_ =	sfence  }
0xba: {  	s30 =	sld [smem:$0x0];
	_ =	sdelay $0x2  }
0xbb: {  	s31 =	sshll.u32 s1, $0xD;
	s1 =	sshrl.u32 s1, $0x2  }
0xbc: {  	s3 =	sand.u32 $0x4000, s31;
	s1 =	sadd.s32 s1, s30  }
0xbd: {  	s0 =	sor.u32 s3, s0;
	s1 =	sshll.u32 s1, $0x11  }
0xbe: {  	s0 =	sor.u32 s1, s0  }
0xbf: {  	s0 =	sadd.s32 $0x8F2B, s0  }
0xc0: {  	[sflag:s0] =	ssyncadd.remote.s32 $0x1  }
0xc1: {  	_ =	sfence.sel $0xFFFF  }
0xc2: {  	[dreg:$0x0] =	wrdreg $0xFFFFFFFF;
	(pc) =	sbr.abs _section_cstart, $3  }
0xc3: {  	[dreg:$0x1] =	wrdreg $0xFFFFFFFF  }
0xc4: {  	_ =	task.clear_ibuf [dreg:s8], $0x2FFFF;
	_ =	strace $0x9FFFFFFF  }
0xc5: {  	(tm) =	ssettm $0x7FFFFFFF  }
tec
execute0_lowered:
.L_overlay_start_1:
0x0: {  	(tag) =	ssettag $0x1  }
0x1: {  	s5 =	rddreg [dreg:$0x0]  }
0x2: {  	s7 =	rddreg [dreg:$0x1]  }
0x3: {  	s0 =	srdreg.scid;
	s4 =	rddreg [dreg:$0x2]  }
0x4: {  	s2 =	rddreg [dreg:$0x3];
	s1 =	stileid.u32;
	s3 =	simm.s32 $0x0  }
0x5: {  	s14 =	simm.s32 $0x5280;
	s15 =	simm.s32 $0x5200;
	s16 =	simm.s32 $0x2A00  }
0x6: {  	s6 =	sand.u32 $0x1, s0;
	s0 =	rddreg [dreg:$0x4];
	s12 =	smul.u32 $0xA00, s1  }
0x7: {  	s17 =	simm.s32 $0x0;
	[smem:$0x7FF] =	sst s3;
	s31 =	smul.u32 $0x500, s1  }
0x8: {  	s13 =	sshll.u32 s1, $0x5;
	s8 =	sshll.u32 s6, $0x4;
	_ =	strace $0x80000047  }
0x9: {  	s9 =	ssub.s32 $0x2, s6;
	s6 =	sshll.u32 s6, $0x7;
	s10 =	sor.u32 s1, s8  }
0xa: {  	s29 =	sshrl.u32 s9, $0x1;
	s12 =	sshrl.u32 s12, $0x2;
	s8 =	smul.u32 $0x500, s10  }
0xb: {  	s11 =	smul.u32 $0x9C0, s10;
	s9 =	ssub.s32 s9, s29;
	p0 =	sgt.u32 s10, $0x3  }
0xc: {  	s10 =	simm.s32 $0x80;
	s9 =	smax.u32 s9, $0x1;
	s8 =	sadd.s32 s8, s4  }
0xd: {  	s30 =	sadd.s32 s11, s5;
	s5 =	sadd.s32 s13, s5;
	s11 =	sor.u32 s6, s31  }
0xe: {  	s6 =	sadd.s32 s12, s2;
	s12 =	simm.s32 $0x280;
	s13 =	simm.s32 $0x1  }
0xf: {  	s4 =	sadd.s32 $0x10, s30;
	s5 =	sadd.s32 $0x13810, s5;
	s11 =	sshrl.u32 s11, $0x3  }
0x10: {  	v0 =	vimm.f32 $0.0e+00;
	v1 =	vimm.f32 $1.000000000e+00;
	s8 =	sadd.s32 $0x3000, s8;
	s7 =	sadd.s32 s7, s11;
	s11 =	simm.s32 $0x100  }
.LBB2_1:
0x11: {  	[tilespmem:s12], [sflag:$0x1] =	stream.strided.gather [hbm4b:s4+s10], $0x2700, s11, s10, $0x38;
	[tilespmem:$0x5500] =	vst v63  }
0x12: {  	_ =	swait.ge [sflag:s13], $0x2700  }
0x13: {  	[sflag:s13] =	ssyncset.done $0x0  }
0x14: {  	s18 =	simm.s32 @!p0 $0x0;
	s19 =	simm.s32 @!p0 $0x2980;
	[sflag:s13] =	ssyncadd.s32 $0xFFFFD900  }
0x15: {  	[tilespmem:s19], [sflag:$0x1] =	stream.linear.gather @!p0 [hbm4b:s5+s18], $0x80, $0x38;
	[tilespmem:$0x5500] =	vst v63  }
0x16: {  	s18 =	simm.s32 @!p0 $0x1  }
0x17: {  	_ =	swait.ge @!p0 [sflag:s18], $0x80  }
0x18: {  	[sflag:s18] =	ssyncset.done @!p0 $0x0  }
0x19: {  	[sflag:s18] =	ssyncadd.s32 @!p0 $0xFFFFFF80;
	s18 =	simm.s32 $0x0  }
0x1a: {  	v5 =	vld [tilespmem:s18+$0x2F0]  }
0x1b: {  	v6 =	vld [tilespmem:s18+$0x280]  }
0x1c: {  	v7 =	vld [tilespmem:s18+$0x290]  }
0x1d: {  	v4 =	vld [tilespmem:s18+$0x2A0]  }
0x1e: {  	v2 =	vld [tilespmem:s18+$0x2B0]  }
0x1f: {  	v3 =	vld [tilespmem:s18+$0x2C0];
	[tilespmem:s18+$0x2A70] =	vst v5  }
0x20: {  	[tilespmem:s18+$0x2A00] =	vst v6;
	v5 =	vld [tilespmem:s18+$0x2D0]  }
0x21: {  	s20 =	simm.s32 $0x400;
	s19 =	simm.s32 $0x80;
	[tilespmem:s18+$0x2A10] =	vst v7;
	v6 =	vld [tilespmem:s18+$0x2E0]  }
.LBB2_2:
0x22: {  	p1 =	sne.s32 s20, $0x9A00;
	v7 =	vld [tilespmem:s19+$0x2F0];
	[tilespmem:s18+$0x2A20] =	vst v4  }
0x23: {  	v8 =	vld [tilespmem:s19+$0x280];
	[tilespmem:s18+$0x2A30] =	vst v2  }
0x24: {  	v9 =	vld [tilespmem:s19+$0x290];
	[tilespmem:s18+$0x2A40] =	vst v3  }
.Ltmp0:
0x25: {  	v4 =	vld [tilespmem:s19+$0x2A0];
	[tilespmem:s18+$0x2A50] =	vst v5;
	(pc) =	sbr.rel @p1 .LBB2_2-.Ltmp0, $4  }
0x26: {  	v2 =	vld [tilespmem:s19+$0x2B0];
	[tilespmem:s18+$0x2A60] =	vst v6;
	s18 =	smov.u32 s19  }
0x27: {  	v3 =	vld [tilespmem:s18+$0x2C0];
	[tilespmem:s18+$0x2A70] =	vst v7  }
0x28: {  	[tilespmem:s18+$0x2A00] =	vst v8;
	v5 =	vld [tilespmem:s18+$0x2D0]  }
0x29: {  	s19 =	sshra.s32 s20, $0x2;
	s20 =	sadd.s32 $0x200, s20;
	[tilespmem:s18+$0x2A10] =	vst v9;
	v6 =	vld [tilespmem:s18+$0x2E0]  }
0x2a: {  	v7 =	vld [tilespmem:s19+$0x2F0];
	[tilespmem:s18+$0x2A20] =	vst v4  }
0x2b: {  	v4 =	vld [tilespmem:s19+$0x280];
	[tilespmem:s18+$0x2A30] =	vst v2  }
0x2c: {  	v2 =	vld [tilespmem:s19+$0x290];
	[tilespmem:s18+$0x2A40] =	vst v3  }
0x2d: {  	v3 =	vld [tilespmem:s19+$0x2A0];
	[tilespmem:s18+$0x2A50] =	vst v5  }
0x2e: {  	v5 =	vld [tilespmem:s19+$0x2B0];
	[tilespmem:s18+$0x2A60] =	vst v6  }
0x2f: {  	v6 =	vld [tilespmem:s19+$0x2C0];
	[tilespmem:s19+$0x2A70] =	vst v7  }
0x30: {  	v63 =	vld [tilespmem:s19+$0x2D0];
	[tilespmem:s19+$0x2A00] =	vst v4  }
0x31: {  	[tilespmem:s19+$0x2A10] =	vst v2;
	v2 =	vld [tilespmem:s19+$0x2E0]  }
0x32: {  	[tilespmem:s19+$0x2A20] =	vst v3  }
0x33: {  	[tilespmem:s19+$0x2A30] =	vst v5  }
0x34: {  	[tilespmem:s19+$0x2A40] =	vst v6  }
0x35: {  	[tilespmem:s19+$0x2A50] =	vst v63  }
0x36: {  	[tilespmem:s19+$0x2A60] =	vst v2  }
0x37: {  	[tilespmem:$0x5280] =	vst v0  }
0x38: {  	[tilespmem:$0x5290] =	vst v0  }
0x39: {  	[tilespmem:$0x52A0] =	vst v0  }
0x3a: {  	[tilespmem:$0x52B0] =	vst v0  }
0x3b: {  	[tilespmem:$0x52C0] =	vst v0  }
0x3c: {  	[tilespmem:$0x52D0] =	vst v0  }
0x3d: {  	[tilespmem:$0x52E0] =	vst v0  }
0x3e: {  	[tilespmem:$0x52F0] =	vst v0  }
0x3f: {  	[tilespmem:$0x5300] =	vst v0  }
0x40: {  	[tilespmem:$0x5310] =	vst v0  }
0x41: {  	[tilespmem:$0x5320] =	vst v0  }
0x42: {  	[tilespmem:$0x5330] =	vst v0  }
0x43: {  	[tilespmem:$0x5340] =	vst v0  }
0x44: {  	[tilespmem:$0x5350] =	vst v0  }
0x45: {  	[tilespmem:$0x5360] =	vst v0  }
0x46: {  	[tilespmem:$0x5370] =	vst v0  }
0x47: {  	[tilespmem:$0x5380] =	vst v0  }
0x48: {  	[tilespmem:$0x5390] =	vst v0  }
0x49: {  	[tilespmem:$0x53A0] =	vst v0  }
0x4a: {  	[tilespmem:$0x53B0] =	vst v0  }
0x4b: {  	[tilespmem:$0x53C0] =	vst v0  }
0x4c: {  	[tilespmem:$0x53D0] =	vst v0  }
0x4d: {  	[tilespmem:$0x53E0] =	vst v0  }
0x4e: {  	[tilespmem:$0x53F0] =	vst v0  }
0x4f: {  	[tilespmem:$0x5400] =	vst v0  }
0x50: {  	[tilespmem:$0x5410] =	vst v0  }
0x51: {  	[tilespmem:$0x5420] =	vst v0  }
0x52: {  	[tilespmem:$0x5430] =	vst v0  }
0x53: {  	[tilespmem:$0x5440] =	vst v0  }
0x54: {  	[tilespmem:$0x5450] =	vst v0  }
0x55: {  	[tilespmem:$0x5460] =	vst v0  }
0x56: {  	[tilespmem:$0x5470] =	vst v0  }
0x57: {  	[tilespmem:$0x5480] =	vst v0  }
0x58: {  	[tilespmem:$0x5490] =	vst v0  }
0x59: {  	[tilespmem:$0x54A0] =	vst v0  }
0x5a: {  	[tilespmem:$0x54B0] =	vst v0  }
0x5b: {  	[tilespmem:$0x54C0] =	vst v0  }
0x5c: {  	[tilespmem:$0x54D0] =	vst v0  }
0x5d: {  	[tilespmem:$0x54E0] =	vst v0  }
0x5e: {  	[tilespmem:$0x54F0] =	vst v0  }
0x5f: {  	[tilespmem:$0x5200] =	vst v1  }
0x60: {  	[tilespmem:$0x5210] =	vst v1  }
0x61: {  	[tilespmem:$0x5220] =	vst v1  }
0x62: {  	v2 =	vld @!p0 [tilespmem:$0x2980];
	[tilespmem:$0x5230] =	vst v1  }
0x63: {  	v3 =	vld @!p0 [tilespmem:$0x2990];
	[tilespmem:$0x5240] =	vst v1  }
0x64: {  	v4 =	vld @!p0 [tilespmem:$0x29A0];
	[tilespmem:$0x5250] =	vst v1  }
0x65: {  	v5 =	vld @!p0 [tilespmem:$0x29B0];
	[tilespmem:$0x5260] =	vst v1  }
0x66: {  	v6 =	vld @!p0 [tilespmem:$0x29C0];
	[tilespmem:$0x5270] =	vst v1  }
0x67: {  	[tilespmem:$0x5100] =	vst @!p0 v2;
	v2 =	vld @!p0 [tilespmem:$0x29D0]  }
0x68: {  	[tilespmem:$0x5110] =	vst @!p0 v3;
	v3 =	vld @!p0 [tilespmem:$0x29E0]  }
0x69: {  	[tilespmem:$0x5120] =	vst @!p0 v4;
	v4 =	vld @!p0 [tilespmem:$0x29F0]  }
0x6a: {  	[tilespmem:$0x5130] =	vst @!p0 v5  }
0x6b: {  	[tilespmem:$0x5140] =	vst @!p0 v6  }
0x6c: {  	[tilespmem:$0x5150] =	vst @!p0 v2  }
0x6d: {  	[tilespmem:$0x5160] =	vst @!p0 v3  }
0x6e: {  	[tilespmem:$0x5170] =	vst @!p0 v4  }
0x6f: {  	[spmem:s6] =	stream.linear.scatter [tilespmem:s14], [sflag:$0x1], $0x280, $0x38;
	[tilespmem:$0x5500] =	vst v63  }
0x70: {  	_ =	swait.ge [sflag:s13], $0x280  }
0x71: {  	[sflag:s13] =	ssyncset.done $0x0  }
0x72: {  	[sflag:s13] =	ssyncadd.s32 $0xFFFFFD80  }
0x73: {  	s31 =	simm.s32 $0x2A00;
	[bflag:$0x0] =	sbarrier.arrive $0xFFFF  }
0x74: {  	[spmem:s2] =	stream.indirect.scatter.add.f32 [tilespmem:s15], [sflag:$0x1], $0x1, s31, s10, $0xb8;
	[tilespmem:$0x5500] =	vst v63  }
0x75: {  	s18 =	simm.s32 $0x200;
	_ =	swait.ge [sflag:s13], $0x80  }
.LBB2_4:
0x76: {  	s19 =	sshra.s32 s18, $0x2;
	[sflag:s13] =	ssyncset.done $0x0;
	p1 =	sne.s32 s18, $0x9A00  }
.Ltmp1:
0x77: {  	s19 =	sadd.s32 $0x2A00, s19;
	[sflag:s13] =	ssyncadd.s32 $0xFFFFFF80;
	(pc) =	sbr.rel @p1 .LBB2_4-.Ltmp1, $3  }
0x78: {  	[spmem:s2] =	stream.indirect.scatter.add.f32 [tilespmem:s15], [sflag:$0x1], $0x1, s19, s10, $0xb8;
	[tilespmem:$0x5500] =	vst v63  }
0x79: {  	s18 =	sadd.s32 $0x200, s18;
	_ =	sdelay $0x1  }
0x7a: {  	_ =	swait.ge [sflag:s13], $0x80  }
0x7b: {  	[sflag:s13] =	ssyncset.done $0x0;
	s18 =	simm.s32 @!p0 $0x80  }
0x7c: {  	s19 =	simm.s32 @!p0 $0x5100;
	s20 =	simm.s32 @!p0 $0x5200;
	[sflag:s13] =	ssyncadd.s32 $0xFFFFFF80  }
0x7d: {  	[spmem:s2] =	stream.indirect.scatter.add.f32 @!p0 [tilespmem:s20], [sflag:$0x1], $0x1, s19, s18, $0xb8;
	[tilespmem:$0x5500] =	vst v63  }
0x7e: {  	s18 =	simm.s32 @!p0 $0x1  }
0x7f: {  	_ =	swait.ge @!p0 [sflag:s18], $0x80  }
0x80: {  	[sflag:s18] =	ssyncset.done @!p0 $0x0  }
0x81: {  	[sflag:s18] =	ssyncadd.s32 @!p0 $0xFFFFFF80  }
0x82: {  	[bflag:$0x0] =	sbarrier.arrive $0xFFFF  }
0x83: {  	[tilespmem:s14], [sflag:$0x1] =	stream.linear.gather [spmem:s6], $0x280, $0x38;
	[tilespmem:$0x5500] =	vst v63  }
0x84: {  	_ =	swait.ge [sflag:s13], $0x280  }
0x85: {  	[sflag:s13] =	ssyncset.done $0x0  }
0x86: {  	[sflag:s13] =	ssyncadd.s32 $0xFFFFFD80  }
0x87: {  	[hbm4b:s7+s10] =	stream.strided.scatter [tilespmem:s14], [sflag:$0x1], $0x280, s11, s10, $0x38;
	[tilespmem:$0x5500] =	vst v63  }
0x88: {  	s17 =	sadd.s32 $0x1, s17;
	_ =	swait.ge [sflag:s13], $0x280  }
0x89: {  	p1 =	sne.s32 s17, s9;
	[sflag:s13] =	ssyncset.done $0x0  }
.Ltmp2:
0x8a: {  	[sflag:s13] =	ssyncadd.s32 $0xFFFFFD80;
	(pc) =	sbr.rel @p1 .LBB2_1-.Ltmp2, $4  }
0x8b: {  	[hbm4b:s8+s3] =	stream.linear.scatter [tilespmem:s16], [sflag:$0x1], $0x2800, $0x38;
	[tilespmem:$0x5500] =	vst v63  }
0x8c: {  	_ =	swait.ge [sflag:s13], $0x2800  }
0x8d: {  	[sflag:s13] =	ssyncset.done $0x0  }
0x8e: {  	[sflag:s13] =	ssyncadd.s32 $0xFFFFD800  }
0x8f: {  	_ =	sfence.sel $0x180000  }
0x90: {  	[bflag:$0x0] =	sbarrier.arrive $0xFFFF  }
0x91: {  	p0 =	sne.s32 s1, $0x0;
	_ =	strace $0x90000047  }
0x92: {  	s0 =	sadd.s32 @!p0 $0x100000, s0;
	[bflag:$0x2] =	sbarrier.arrive $0xFFFF  }
0x93: {  	[sflag:s0] =	ssyncadd.tile.s32 @!p0 $0x1;
	_ =	shalt  }
.Lfunc_end2:
_tile_overlayer_lowered:
.L_overlay_start_2:
0x94: {  	(tag) =	ssettag $0x2  }
0x95: {  	s0 =	rddreg [dreg:$0x0];
	s2 =	stileid.u32  }
0x96: {  	s1 =	rddreg [dreg:$0x1];
	p0 =	sne.s32 s2, $0x0  }
0x97: {  	s3 =	rddreg [dreg:$0x2];
	[bflag:$0x3] =	sbarrier.arrive $0xFFFF;
	s2 =	simm.s32 @!p0 $0x1C01  }
0x98: {  	[timem:s3], [sflag:s2] =	dma.local @!p0 [hbm:s0], s1  }
0x99: {  	s0 =	simm.s32 @!p0 $0x1  }
0x9a: {  	_ =	swait.ge @!p0 [sflag:s0], s1  }
0x9b: {  	s1 =	ssub.s32 @!p0 $0x0, s1;
	[sflag:s0] =	ssyncset.done @!p0 $0x0  }
0x9c: {  	[sflag:s0] =	ssyncadd.s32 @!p0 s1  }
0x9d: {  	[bflag:$0x3] =	sbarrier.arrive $0xFFFF  }
0x9e: {  	_ =	shalt  }

</sc_bundles>
